<compile_context>
chip_gen: v7x
topology: tpu7x:2x2x1
jax: 0.10.2.dev20260603
libtpu: 0.0.44.dev20260713+nightly
codegen_flags: <defaults>
</compile_context>

<pallas_src>
import functools

import jax
import jax.numpy as jnp
from jax import lax
from jax.experimental import pallas as pl
from jax.experimental.pallas import tpu as pltpu
from jax.experimental.pallas import tpu_sc as plsc

_NC = 1
_NS = 16
_NW = _NC * _NS
_CHUNK = 128


def _sc_aggregate(x, src3, dst3, *, n_pad, d, k_chunks):
  _PH = 16
  assert k_chunks % _PH == 0

  def body(x_hbm, src_hbm, dst_hbm, acc_out, deg_out, idx_src, idx_dst, rows0,
           rows1, hist, acc_sh, sem0, sem1):
    cid = lax.axis_index("c")
    sid = lax.axis_index("s")
    wid = sid * _NC + cid
    ones16 = jnp.ones((16,), jnp.float32)
    zeros16 = jnp.zeros((16,), jnp.float32)
    bufs = ((rows0, sem0), (rows1, sem1))

    def zbody(i, c):
      for j in range(d // 16):
        rows0[i, pl.ds(j * 16, 16)] = zeros16
      return c

    lax.fori_loop(0, _CHUNK, zbody, 0)

    def hzero(i, c):
      hist[pl.ds(i * 16, 16)] = zeros16
      return c

    lax.fori_loop(0, n_pad // 16, hzero, 0)

    zpt = n_pad // _NS
    base = sid * zpt
    for t in range(zpt // _CHUNK):
      pltpu.sync_copy(rows0, acc_sh.at[pl.ds(base + t * _CHUNK, _CHUNK)])
    rem = zpt % _CHUNK
    if rem:
      pltpu.sync_copy(rows0.at[pl.ds(0, rem)],
                      acc_sh.at[pl.ds(base + zpt - rem, rem)])
    plsc.subcore_barrier()

    def dsts(t):
      def _hist(c):
        for q in range(_CHUNK // 16):
          v = idx_dst[t, pl.ds(q * 16, 16)]
          plsc.addupdate_scatter(hist, [v], ones16)
        return c
      return _hist

    for h in range(k_chunks // _PH):
      pltpu.sync_copy(src_hbm.at[wid, pl.ds(h * _PH, _PH)], idx_src)
      pltpu.sync_copy(dst_hbm.at[wid, pl.ds(h * _PH, _PH)], idx_dst)

      for b, (buf, sem) in enumerate(bufs):
        pltpu.async_copy(x_hbm.at[idx_src.at[b]], buf, sem)

      def pbody(g, c):
        for b, (buf, sem) in enumerate(bufs):
          t = g * 2 + b
          pltpu.make_async_copy(x_hbm.at[idx_src.at[t]], buf, sem).wait()
          pltpu.sync_copy(buf, acc_sh.at[idx_dst.at[t]], add=True)
          pltpu.async_copy(x_hbm.at[idx_src.at[t + 2]], buf, sem)
          c = dsts(t)(c)
        return c

      lax.fori_loop(0, (_PH - 2) // 2, pbody, 0)
      for b, (buf, sem) in enumerate(bufs):
        t = _PH - 2 + b
        pltpu.make_async_copy(x_hbm.at[idx_src.at[t]], buf, sem).wait()
        pltpu.sync_copy(buf, acc_sh.at[idx_dst.at[t]], add=True)
        dsts(t)(0)

    plsc.subcore_barrier()

    cpt = n_pad // _NS
    pltpu.sync_copy(acc_sh.at[pl.ds(sid * cpt, cpt)],
                    acc_out.at[cid, pl.ds(sid * cpt, cpt)])
    pltpu.sync_copy(hist, deg_out.at[wid])

  mesh = plsc.VectorSubcoreMesh(core_axis_name="c", subcore_axis_name="s",
                                num_cores=_NC)
  return pl.kernel(
      body,
      out_type=(
          jax.ShapeDtypeStruct((_NC, n_pad, d), jnp.float32),
          jax.ShapeDtypeStruct((_NW, n_pad), jnp.float32),
      ),
      mesh=mesh,
      compiler_params=pltpu.CompilerParams(needs_layout_passes=False),
      scratch_types=[
          pltpu.VMEM((_PH, _CHUNK), jnp.int32),
          pltpu.VMEM((_PH, _CHUNK), jnp.int32),
          pltpu.VMEM((_CHUNK, d), jnp.float32),
          pltpu.VMEM((_CHUNK, d), jnp.float32),
          pltpu.VMEM((n_pad,), jnp.float32),
          pltpu.VMEM_SHARED((n_pad, d), jnp.float32),
          pltpu.SemaphoreType.DMA,
          pltpu.SemaphoreType.DMA,
      ],
  )(x, src3, dst3)


def _tc_body(a0_ref, a1_ref, degs_ref, x_ref, wl_ref, wr_ref, b_ref, o_ref):
  s = a0_ref[...] + a1_ref[...]
  deg = lax.dot_general(
      degs_ref[...], jnp.ones((_NW, 1), jnp.float32),
      (((0,), (0,)), ((), ())), preferred_element_type=jnp.float32)
  mean = s / jnp.maximum(deg, 1.0)
  acc = jnp.dot(mean, wl_ref[...], preferred_element_type=jnp.float32)
  acc = acc + jnp.dot(x_ref[...], wr_ref[...],
                      preferred_element_type=jnp.float32)
  o_ref[...] = jnp.maximum(acc + b_ref[...], 0.0)


def _tc_dense(a0, a1, degs, x, wlT, wrT, b, *, block_n):
  n, d = x.shape
  d_out = wlT.shape[1]
  grid = (-(-n // block_n),)
  return pl.pallas_call(
      _tc_body,
      grid=grid,
      in_specs=[
          pl.BlockSpec((block_n, d), lambda i: (i, 0)),
          pl.BlockSpec((block_n, d), lambda i: (i, 0)),
          pl.BlockSpec((_NW, block_n), lambda i: (0, i)),
          pl.BlockSpec((block_n, d), lambda i: (i, 0)),
          pl.BlockSpec((d, d_out), lambda i: (0, 0)),
          pl.BlockSpec((d, d_out), lambda i: (0, 0)),
          pl.BlockSpec((1, d_out), lambda i: (0, 0)),
      ],
      out_specs=pl.BlockSpec((block_n, d_out), lambda i: (i, 0)),
      out_shape=jax.ShapeDtypeStruct((n, d_out), jnp.float32),
  )(a0, a1, degs, x, wlT, wrT, b)


def kernel(x, edge_index, W_l, b_l, W_r):
  n, d = x.shape
  e = edge_index.shape[1]
  k_chunks = -(-e // (_NW * _CHUNK * 16)) * 16
  e_pad = _NW * k_chunks * _CHUNK
  n_pad = -(-(n + 1) // (_NS * 8)) * (_NS * 8)

  src = edge_index[0]
  dst = edge_index[1]
  pad = e_pad - e
  src3 = jnp.concatenate([src, jnp.zeros((pad,), jnp.int32)]).reshape(
      _NW, k_chunks, _CHUNK)
  dst3 = jnp.concatenate([dst, jnp.full((pad,), n, jnp.int32)]).reshape(
      _NW, k_chunks, _CHUNK)

  acc, degs = _sc_aggregate(x, src3, dst3, n_pad=n_pad, d=d,
                            k_chunks=k_chunks)
  a1 = acc[1] if _NC > 1 else jnp.zeros_like(acc[0])
  return _tc_dense(acc[0], a1, degs, x, W_l.T, W_r.T, b_l.reshape(1, -1),
                   block_n=1024)

# --- scband reference (transcript-rebuilt; emitter-appended) ---
"""Pipeline reference for scband-sagelayer1-41240275976352 (READ-ONLY COPY).

The authoritative reference and input builder live on the scoring server;
editing this copy changes nothing except your own understanding.
"""

import jax, jax.numpy as jnp
import numpy as np

N = 10000
E = 320000
D_IN = 128
D_OUT = 128

def setup_inputs(seed: int = 0) -> dict:
    key = jax.random.key(seed)
    k1, k2, k3, k4, k5 = jax.random.split(key, 5)
    x = jax.random.normal(k1, (N, D_IN), dtype=jnp.float32)
    edge_index = jax.random.randint(k2, (2, E), 0, N, dtype=jnp.int32)
    W_l = jax.random.normal(k3, (D_OUT, D_IN), dtype=jnp.float32) * 0.05
    b_l = jax.random.normal(k4, (D_OUT,), dtype=jnp.float32) * 0.05
    W_r = jax.random.normal(k5, (D_OUT, D_IN), dtype=jnp.float32) * 0.05
    return {"x": x, "edge_index": edge_index, "W_l": W_l, "b_l": b_l, "W_r": W_r}

def reference(x, edge_index, W_l, b_l, W_r):
    # PyG SAGEConv (aggr='mean'): out = lin_l(mean_{j in N(i)} x_j) + lin_r(x_i)
    # edge flow source_to_target: messages from edge_index[0] aggregated at edge_index[1]
    src = edge_index[0]
    dst = edge_index[1]
    msgs = jnp.take(x, src, axis=0)
    summed = jax.ops.segment_sum(msgs, dst, num_segments=N)
    deg = jax.ops.segment_sum(jnp.ones((E,), dtype=x.dtype), dst, num_segments=N)
    mean = summed / jnp.clip(deg, 1.0)[:, None]
    out = mean @ W_l.T + b_l + x @ W_r.T
    out = jax.nn.relu(out)
    # dropout p=0.5 is identity in eval mode
    return out

if __name__ == "__main__":
    import jax
    _d = setup_inputs()
    print(jax.jit(kernel)(*tuple(_d.values())))

</pallas_src>

<mosaic_0001>
#map = affine_map<(d0, d1) -> (0, 0)>
#map1 = affine_map<(d0, d1) -> (0, 0, 0)>
module attributes {stable_mosaic.version = 14 : i64} {
  func.func @body(%arg0: i32, %arg1: i32, %arg2: memref<10000x128xf32, #tpu.memory_space<hbm>>, %arg3: memref<16x160x128xi32, #tpu.memory_space<hbm>>, %arg4: memref<16x160x128xi32, #tpu.memory_space<hbm>>, %arg5: memref<1x10112x128xf32, #tpu.memory_space<hbm>>, %arg6: memref<16x10112xf32, #tpu.memory_space<hbm>>, %arg7: memref<16x128xi32, #tpu.memory_space<vmem>>, %arg8: memref<16x128xi32, #tpu.memory_space<vmem>>, %arg9: memref<128x128xf32, #tpu.memory_space<vmem>>, %arg10: memref<128x128xf32, #tpu.memory_space<vmem>>, %arg11: memref<10112xf32, #tpu.memory_space<vmem>>, %arg12: memref<10112x128xf32, #tpu.memory_space<vmem_shared>>, %arg13: memref<!tpu.dma_semaphore, #tpu.memory_space<semaphore_mem>>, %arg14: memref<!tpu.dma_semaphore, #tpu.memory_space<semaphore_mem>>) attributes {dimension_semantics = [#tpu.dimension_semantics<core_parallel>, #tpu.dimension_semantics<subcore_parallel>], iteration_bounds = array<i64: 1, 16>, scalar_prefetch = 0 : i64, scratch_operands = 8 : i64, tpu.core_type = #tpu.core_type<sc_vector_subcore>, window_params = [{transform_indices = #map}, {transform_indices = #map1}, {transform_indices = #map1}, {transform_indices = #map1}, {transform_indices = #map}]} {
    %mul3A = arith.constant 1 : i32
    %mul3A_0 = arith.muli %arg1, %mul3A : i32
    %add3A = arith.addi %mul3A_0, %arg0 : i32
    %broadcast_in_dim3A = arith.constant 1.000000e+00 : f32
    %broadcast_in_dim3A_1 = vector.broadcast %broadcast_in_dim3A : f32 to vector<16xf32>
    %broadcast_in_dim3A_2 = arith.constant 0.000000e+00 : f32
    %broadcast_in_dim3A_3 = vector.broadcast %broadcast_in_dim3A_2 : f32 to vector<16xf32>
    %scan3A = arith.constant 0 : i32
    %scan3A_4 = arith.constant 0 : i32
    %scan3A_5 = arith.constant 128 : i32
    %scan3A_6 = arith.addi %scan3A_4, %scan3A_5 : i32
    %scan3A_7 = arith.constant 1 : i32
    scf.for %scan3A_1029 = %scan3A_4 to %scan3A_6 step %scan3A_7  : i32 {
      %swap3A = arith.index_cast %scan3A_1029 : i32 to index
      %swap3A_1030 = arith.constant 0 : index
      %swap3A_1031 = tpu.vector_load %arg9[%swap3A, %swap3A_1030] {strides = array<i32>} : memref<128x128xf32, #tpu.memory_space<vmem>>, vector<16xf32>,
      tpu.vector_store %arg9[%swap3A, %swap3A_1030], %broadcast_in_dim3A_3 {strides = array<i32>} : memref<128x128xf32, #tpu.memory_space<vmem>>, vector<16xf32>,
      %swap3A_1032 = arith.index_cast %scan3A_1029 : i32 to index
      %swap3A_1033 = arith.constant 16 : index
      %swap3A_1034 = tpu.vector_load %arg9[%swap3A_1032, %swap3A_1033] {strides = array<i32>} : memref<128x128xf32, #tpu.memory_space<vmem>>, vector<16xf32>,
      tpu.vector_store %arg9[%swap3A_1032, %swap3A_1033], %broadcast_in_dim3A_3 {strides = array<i32>} : memref<128x128xf32, #tpu.memory_space<vmem>>, vector<16xf32>,
      %swap3A_1035 = arith.index_cast %scan3A_1029 : i32 to index
      %swap3A_1036 = arith.constant 32 : index
      %swap3A_1037 = tpu.vector_load %arg9[%swap3A_1035, %swap3A_1036] {strides = array<i32>} : memref<128x128xf32, #tpu.memory_space<vmem>>, vector<16xf32>,
      tpu.vector_store %arg9[%swap3A_1035, %swap3A_1036], %broadcast_in_dim3A_3 {strides = array<i32>} : memref<128x128xf32, #tpu.memory_space<vmem>>, vector<16xf32>,
      %swap3A_1038 = arith.index_cast %scan3A_1029 : i32 to index
      %swap3A_1039 = arith.constant 48 : index
      %swap3A_1040 = tpu.vector_load %arg9[%swap3A_1038, %swap3A_1039] {strides = array<i32>} : memref<128x128xf32, #tpu.memory_space<vmem>>, vector<16xf32>,
      tpu.vector_store %arg9[%swap3A_1038, %swap3A_1039], %broadcast_in_dim3A_3 {strides = array<i32>} : memref<128x128xf32, #tpu.memory_space<vmem>>, vector<16xf32>,
      %swap3A_1041 = arith.index_cast %scan3A_1029 : i32 to index
      %swap3A_1042 = arith.constant 64 : index
      %swap3A_1043 = tpu.vector_load %arg9[%swap3A_1041, %swap3A_1042] {strides = array<i32>} : memref<128x128xf32, #tpu.memory_space<vmem>>, vector<16xf32>,
      tpu.vector_store %arg9[%swap3A_1041, %swap3A_1042], %broadcast_in_dim3A_3 {strides = array<i32>} : memref<128x128xf32, #tpu.memory_space<vmem>>, vector<16xf32>,
      %swap3A_1044 = arith.index_cast %scan3A_1029 : i32 to index
      %swap3A_1045 = arith.constant 80 : index
      %swap3A_1046 = tpu.vector_load %arg9[%swap3A_1044, %swap3A_1045] {strides = array<i32>} : memref<128x128xf32, #tpu.memory_space<vmem>>, vector<16xf32>,
      tpu.vector_store %arg9[%swap3A_1044, %swap3A_1045], %broadcast_in_dim3A_3 {strides = array<i32>} : memref<128x128xf32, #tpu.memory_space<vmem>>, vector<16xf32>,
      %swap3A_1047 = arith.index_cast %scan3A_1029 : i32 to index
      %swap3A_1048 = arith.constant 96 : index
      %swap3A_1049 = tpu.vector_load %arg9[%swap3A_1047, %swap3A_1048] {strides = array<i32>} : memref<128x128xf32, #tpu.memory_space<vmem>>, vector<16xf32>,
      tpu.vector_store %arg9[%swap3A_1047, %swap3A_1048], %broadcast_in_dim3A_3 {strides = array<i32>} : memref<128x128xf32, #tpu.memory_space<vmem>>, vector<16xf32>,
      %swap3A_1050 = arith.index_cast %scan3A_1029 : i32 to index
      %swap3A_1051 = arith.constant 112 : index
      %swap3A_1052 = tpu.vector_load %arg9[%swap3A_1050, %swap3A_1051] {strides = array<i32>} : memref<128x128xf32, #tpu.memory_space<vmem>>, vector<16xf32>,
      tpu.vector_store %arg9[%swap3A_1050, %swap3A_1051], %broadcast_in_dim3A_3 {strides = array<i32>} : memref<128x128xf32, #tpu.memory_space<vmem>>, vector<16xf32>,
    }
    %scan3A_8 = arith.constant 128 : i32
    %scan3A_9 = arith.constant 0 : i32
    %scan3A_10 = arith.constant 0 : i32
    %scan3A_11 = arith.constant 632 : i32
    %scan3A_12 = arith.addi %scan3A_10, %scan3A_11 : i32
    %scan3A_13 = arith.constant 1 : i32
    scf.for %scan3A_1029 = %scan3A_10 to %scan3A_12 step %scan3A_13  : i32 {
      %mul3A_1030 = arith.constant 16 : i32
      %mul3A_1031 = arith.muli %scan3A_1029, %mul3A_1030 : i32
      %swap3A = arith.index_cast %mul3A_1031 : i32 to index
      %swap3A_1032 = tpu.vector_load %arg11[%swap3A] {strides = array<i32>} : memref<10112xf32, #tpu.memory_space<vmem>>, vector<16xf32>,
      tpu.vector_store %arg11[%swap3A], %broadcast_in_dim3A_3 {strides = array<i32>} : memref<10112xf32, #tpu.memory_space<vmem>>, vector<16xf32>,
    }
    %scan3A_14 = arith.constant 632 : i32
    %mul3A_15 = arith.constant 632 : i32
    %mul3A_16 = arith.muli %arg1, %mul3A_15 : i32
    %add3A_17 = arith.constant 0 : i32
    %add3A_18 = arith.addi %mul3A_16, %add3A_17 : i32
    "tpu.region"() ({
      %run_scoped3A_1029 = tpu.sem_alloc : memref<!tpu.dma_semaphore, #tpu.memory_space<semaphore_mem>>
      %dma_start3A_1030 = arith.constant 0 : i32
      %dma_start3A_1031 = tpu.memref_slice %arg12[%add3A_18, %dma_start3A_1030] : memref<10112x128xf32, #tpu.memory_space<vmem_shared>> -> memref<128x128xf32, #tpu.memory_space<vmem_shared>>
      %dma_start3A_1032 = arith.constant 0 : i32
      %dma_start3A_1033 = tpu.memref_slice %arg12[%add3A_18, %dma_start3A_1032] : memref<10112x128xf32, #tpu.memory_space<vmem_shared>> -> memref<128x128xf32, #tpu.memory_space<vmem_shared>>
      tpu.enqueue_dma source(%arg9 : memref<128x128xf32, #tpu.memory_space<vmem>>) target(%dma_start3A_1033 : memref<128x128xf32, #tpu.memory_space<vmem_shared>>) target_semaphore(%run_scoped3A_1029 : memref<!tpu.dma_semaphore, #tpu.memory_space<semaphore_mem>>)
      %dma_wait3A_1034 = arith.constant 0 : i32
      %dma_wait3A_1035 = tpu.memref_slice %arg12[%add3A_18, %dma_wait3A_1034] : memref<10112x128xf32, #tpu.memory_space<vmem_shared>> -> memref<128x128xf32, #tpu.memory_space<vmem_shared>>
      %dma_wait3A_1036 = arith.constant 0 : i32
      %dma_wait3A_1037 = tpu.memref_slice %arg12[%add3A_18, %dma_wait3A_1036] : memref<10112x128xf32, #tpu.memory_space<vmem_shared>> -> memref<128x128xf32, #tpu.memory_space<vmem_shared>>
      tpu.wait_dma2 semaphore(%run_scoped3A_1029 : memref<!tpu.dma_semaphore, #tpu.memory_space<semaphore_mem>>) src(%arg9 : memref<128x128xf32, #tpu.memory_space<vmem>>) dst(%dma_wait3A_1037 : memref<128x128xf32, #tpu.memory_space<vmem_shared>>)
      tpu.yield
    }) : () -> ()
    %add3A_19 = arith.constant 128 : i32
    %add3A_20 = arith.addi %mul3A_16, %add3A_19 : i32
    "tpu.region"() ({
      %run_scoped3A_1029 = tpu.sem_alloc : memref<!tpu.dma_semaphore, #tpu.memory_space<semaphore_mem>>
      %dma_start3A_1030 = arith.constant 0 : i32
      %dma_start3A_1031 = tpu.memref_slice %arg12[%add3A_20, %dma_start3A_1030] : memref<10112x128xf32, #tpu.memory_space<vmem_shared>> -> memref<128x128xf32, #tpu.memory_space<vmem_shared>>
      %dma_start3A_1032 = arith.constant 0 : i32
      %dma_start3A_1033 = tpu.memref_slice %arg12[%add3A_20, %dma_start3A_1032] : memref<10112x128xf32, #tpu.memory_space<vmem_shared>> -> memref<128x128xf32, #tpu.memory_space<vmem_shared>>
      tpu.enqueue_dma source(%arg9 : memref<128x128xf32, #tpu.memory_space<vmem>>) target(%dma_start3A_1033 : memref<128x128xf32, #tpu.memory_space<vmem_shared>>) target_semaphore(%run_scoped3A_1029 : memref<!tpu.dma_semaphore, #tpu.memory_space<semaphore_mem>>)
      %dma_wait3A_1034 = arith.constant 0 : i32
      %dma_wait3A_1035 = tpu.memref_slice %arg12[%add3A_20, %dma_wait3A_1034] : memref<10112x128xf32, #tpu.memory_space<vmem_shared>> -> memref<128x128xf32, #tpu.memory_space<vmem_shared>>
      %dma_wait3A_1036 = arith.constant 0 : i32
      %dma_wait3A_1037 = tpu.memref_slice %arg12[%add3A_20, %dma_wait3A_1036] : memref<10112x128xf32, #tpu.memory_space<vmem_shared>> -> memref<128x128xf32, #tpu.memory_space<vmem_shared>>
      tpu.wait_dma2 semaphore(%run_scoped3A_1029 : memref<!tpu.dma_semaphore, #tpu.memory_space<semaphore_mem>>) src(%arg9 : memref<128x128xf32, #tpu.memory_space<vmem>>) dst(%dma_wait3A_1037 : memref<128x128xf32, #tpu.memory_space<vmem_shared>>)
      tpu.yield
    }) : () -> ()
    %add3A_21 = arith.constant 256 : i32
    %add3A_22 = arith.addi %mul3A_16, %add3A_21 : i32
    "tpu.region"() ({
      %run_scoped3A_1029 = tpu.sem_alloc : memref<!tpu.dma_semaphore, #tpu.memory_space<semaphore_mem>>
      %dma_start3A_1030 = arith.constant 0 : i32
      %dma_start3A_1031 = tpu.memref_slice %arg12[%add3A_22, %dma_start3A_1030] : memref<10112x128xf32, #tpu.memory_space<vmem_shared>> -> memref<128x128xf32, #tpu.memory_space<vmem_shared>>
      %dma_start3A_1032 = arith.constant 0 : i32
      %dma_start3A_1033 = tpu.memref_slice %arg12[%add3A_22, %dma_start3A_1032] : memref<10112x128xf32, #tpu.memory_space<vmem_shared>> -> memref<128x128xf32, #tpu.memory_space<vmem_shared>>
      tpu.enqueue_dma source(%arg9 : memref<128x128xf32, #tpu.memory_space<vmem>>) target(%dma_start3A_1033 : memref<128x128xf32, #tpu.memory_space<vmem_shared>>) target_semaphore(%run_scoped3A_1029 : memref<!tpu.dma_semaphore, #tpu.memory_space<semaphore_mem>>)
      %dma_wait3A_1034 = arith.constant 0 : i32
      %dma_wait3A_1035 = tpu.memref_slice %arg12[%add3A_22, %dma_wait3A_1034] : memref<10112x128xf32, #tpu.memory_space<vmem_shared>> -> memref<128x128xf32, #tpu.memory_space<vmem_shared>>
      %dma_wait3A_1036 = arith.constant 0 : i32
      %dma_wait3A_1037 = tpu.memref_slice %arg12[%add3A_22, %dma_wait3A_1036] : memref<10112x128xf32, #tpu.memory_space<vmem_shared>> -> memref<128x128xf32, #tpu.memory_space<vmem_shared>>
      tpu.wait_dma2 semaphore(%run_scoped3A_1029 : memref<!tpu.dma_semaphore, #tpu.memory_space<semaphore_mem>>) src(%arg9 : memref<128x128xf32, #tpu.memory_space<vmem>>) dst(%dma_wait3A_1037 : memref<128x128xf32, #tpu.memory_space<vmem_shared>>)
      tpu.yield
    }) : () -> ()
    %add3A_23 = arith.constant 384 : i32
    %add3A_24 = arith.addi %mul3A_16, %add3A_23 : i32
    "tpu.region"() ({
      %run_scoped3A_1029 = tpu.sem_alloc : memref<!tpu.dma_semaphore, #tpu.memory_space<semaphore_mem>>
      %dma_start3A_1030 = arith.constant 0 : i32
      %dma_start3A_1031 = tpu.memref_slice %arg12[%add3A_24, %dma_start3A_1030] : memref<10112x128xf32, #tpu.memory_space<vmem_shared>> -> memref<128x128xf32, #tpu.memory_space<vmem_shared>>
      %dma_start3A_1032 = arith.constant 0 : i32
      %dma_start3A_1033 = tpu.memref_slice %arg12[%add3A_24, %dma_start3A_1032] : memref<10112x128xf32, #tpu.memory_space<vmem_shared>> -> memref<128x128xf32, #tpu.memory_space<vmem_shared>>
      tpu.enqueue_dma source(%arg9 : memref<128x128xf32, #tpu.memory_space<vmem>>) target(%dma_start3A_1033 : memref<128x128xf32, #tpu.memory_space<vmem_shared>>) target_semaphore(%run_scoped3A_1029 : memref<!tpu.dma_semaphore, #tpu.memory_space<semaphore_mem>>)
      %dma_wait3A_1034 = arith.constant 0 : i32
      %dma_wait3A_1035 = tpu.memref_slice %arg12[%add3A_24, %dma_wait3A_1034] : memref<10112x128xf32, #tpu.memory_space<vmem_shared>> -> memref<128x128xf32, #tpu.memory_space<vmem_shared>>
      %dma_wait3A_1036 = arith.constant 0 : i32
      %dma_wait3A_1037 = tpu.memref_slice %arg12[%add3A_24, %dma_wait3A_1036] : memref<10112x128xf32, #tpu.memory_space<vmem_shared>> -> memref<128x128xf32, #tpu.memory_space<vmem_shared>>
      tpu.wait_dma2 semaphore(%run_scoped3A_1029 : memref<!tpu.dma_semaphore, #tpu.memory_space<semaphore_mem>>) src(%arg9 : memref<128x128xf32, #tpu.memory_space<vmem>>) dst(%dma_wait3A_1037 : memref<128x128xf32, #tpu.memory_space<vmem_shared>>)
      tpu.yield
    }) : () -> ()
    %add3A_25 = arith.constant 632 : i32
    %add3A_26 = arith.addi %mul3A_16, %add3A_25 : i32
    %sub3A = arith.constant 120 : i32
    %sub3A_27 = arith.subi %add3A_26, %sub3A : i32
    "tpu.region"() ({
      %run_scoped3A_1029 = tpu.sem_alloc : memref<!tpu.dma_semaphore, #tpu.memory_space<semaphore_mem>>
      %dma_start3A_1030 = arith.constant 0 : i32
      %dma_start3A_1031 = arith.constant 0 : i32
      %dma_start3A_1032 = tpu.memref_slice %arg9[%dma_start3A_1030, %dma_start3A_1031] : memref<128x128xf32, #tpu.memory_space<vmem>> -> memref<120x128xf32, #tpu.memory_space<vmem>>
      %dma_start3A_1033 = arith.constant 0 : i32
      %dma_start3A_1034 = tpu.memref_slice %arg12[%sub3A_27, %dma_start3A_1033] : memref<10112x128xf32, #tpu.memory_space<vmem_shared>> -> memref<120x128xf32, #tpu.memory_space<vmem_shared>>
      %dma_start3A_1035 = arith.constant 0 : i32
      %dma_start3A_1036 = tpu.memref_slice %arg12[%sub3A_27, %dma_start3A_1035] : memref<10112x128xf32, #tpu.memory_space<vmem_shared>> -> memref<120x128xf32, #tpu.memory_space<vmem_shared>>
      %dma_start3A_1037 = arith.constant 0 : i32
      %dma_start3A_1038 = arith.constant 0 : i32
      %dma_start3A_1039 = tpu.memref_slice %arg9[%dma_start3A_1037, %dma_start3A_1038] : memref<128x128xf32, #tpu.memory_space<vmem>> -> memref<120x128xf32, #tpu.memory_space<vmem>>
      tpu.enqueue_dma source(%dma_start3A_1039 : memref<120x128xf32, #tpu.memory_space<vmem>>) target(%dma_start3A_1036 : memref<120x128xf32, #tpu.memory_space<vmem_shared>>) target_semaphore(%run_scoped3A_1029 : memref<!tpu.dma_semaphore, #tpu.memory_space<semaphore_mem>>)
      %dma_wait3A_1040 = arith.constant 0 : i32
      %dma_wait3A_1041 = arith.constant 0 : i32
      %dma_wait3A_1042 = tpu.memref_slice %arg9[%dma_wait3A_1040, %dma_wait3A_1041] : memref<128x128xf32, #tpu.memory_space<vmem>> -> memref<120x128xf32, #tpu.memory_space<vmem>>
      %dma_wait3A_1043 = arith.constant 0 : i32
      %dma_wait3A_1044 = tpu.memref_slice %arg12[%sub3A_27, %dma_wait3A_1043] : memref<10112x128xf32, #tpu.memory_space<vmem_shared>> -> memref<120x128xf32, #tpu.memory_space<vmem_shared>>
      %dma_wait3A_1045 = arith.constant 0 : i32
      %dma_wait3A_1046 = tpu.memref_slice %arg12[%sub3A_27, %dma_wait3A_1045] : memref<10112x128xf32, #tpu.memory_space<vmem_shared>> -> memref<120x128xf32, #tpu.memory_space<vmem_shared>>
      %dma_wait3A_1047 = arith.constant 0 : i32
      %dma_wait3A_1048 = arith.constant 0 : i32
      %dma_wait3A_1049 = tpu.memref_slice %arg9[%dma_wait3A_1047, %dma_wait3A_1048] : memref<128x128xf32, #tpu.memory_space<vmem>> -> memref<120x128xf32, #tpu.memory_space<vmem>>
      tpu.wait_dma2 semaphore(%run_scoped3A_1029 : memref<!tpu.dma_semaphore, #tpu.memory_space<semaphore_mem>>) src(%dma_wait3A_1049 : memref<120x128xf32, #tpu.memory_space<vmem>>) dst(%dma_wait3A_1046 : memref<120x128xf32, #tpu.memory_space<vmem_shared>>)
      tpu.yield
    }) : () -> ()
    %barrier3A = arith.constant 0 : index
    tpu.barrier barrier_id(%barrier3A)
    "tpu.region"() ({
      %run_scoped3A_1029 = tpu.sem_alloc : memref<!tpu.dma_semaphore, #tpu.memory_space<semaphore_mem>>
      %dma_start3A_1030 = arith.constant 0 : i32
      %dma_start3A_1031 = arith.constant 0 : i32
      %dma_start3A_1032 = tpu.memref_slice %arg3[%add3A, %dma_start3A_1030, %dma_start3A_1031] : memref<16x160x128xi32, #tpu.memory_space<hbm>> -> memref<1x16x128xi32, #tpu.memory_space<hbm>>
      %dma_start3A_1033 = tpu.memref_squeeze %dma_start3A_1032 : memref<1x16x128xi32, #tpu.memory_space<hbm>> -> memref<16x128xi32, #tpu.memory_space<hbm>>
      %dma_start3A_1034 = arith.constant 0 : i32
      %dma_start3A_1035 = arith.constant 0 : i32
      %dma_start3A_1036 = tpu.memref_slice %arg3[%add3A, %dma_start3A_1034, %dma_start3A_1035] : memref<16x160x128xi32, #tpu.memory_space<hbm>> -> memref<1x16x128xi32, #tpu.memory_space<hbm>>
      %dma_start3A_1037 = tpu.memref_squeeze %dma_start3A_1036 : memref<1x16x128xi32, #tpu.memory_space<hbm>> -> memref<16x128xi32, #tpu.memory_space<hbm>>
      tpu.enqueue_dma source(%dma_start3A_1037 : memref<16x128xi32, #tpu.memory_space<hbm>>) target(%arg7 : memref<16x128xi32, #tpu.memory_space<vmem>>) target_semaphore(%run_scoped3A_1029 : memref<!tpu.dma_semaphore, #tpu.memory_space<semaphore_mem>>)
      %dma_wait3A_1038 = arith.constant 0 : i32
      %dma_wait3A_1039 = arith.constant 0 : i32
      %dma_wait3A_1040 = tpu.memref_slice %arg3[%add3A, %dma_wait3A_1038, %dma_wait3A_1039] : memref<16x160x128xi32, #tpu.memory_space<hbm>> -> memref<1x16x128xi32, #tpu.memory_space<hbm>>
      %dma_wait3A_1041 = tpu.memref_squeeze %dma_wait3A_1040 : memref<1x16x128xi32, #tpu.memory_space<hbm>> -> memref<16x128xi32, #tpu.memory_space<hbm>>
      %dma_wait3A_1042 = arith.constant 0 : i32
      %dma_wait3A_1043 = arith.constant 0 : i32
      %dma_wait3A_1044 = tpu.memref_slice %arg3[%add3A, %dma_wait3A_1042, %dma_wait3A_1043] : memref<16x160x128xi32, #tpu.memory_space<hbm>> -> memref<1x16x128xi32, #tpu.memory_space<hbm>>
      %dma_wait3A_1045 = tpu.memref_squeeze %dma_wait3A_1044 : memref<1x16x128xi32, #tpu.memory_space<hbm>> -> memref<16x128xi32, #tpu.memory_space<hbm>>
      tpu.wait_dma2 semaphore(%run_scoped3A_1029 : memref<!tpu.dma_semaphore, #tpu.memory_space<semaphore_mem>>) src(%dma_wait3A_1045 : memref<16x128xi32, #tpu.memory_space<hbm>>) dst(%arg7 : memref<16x128xi32, #tpu.memory_space<vmem>>)
      tpu.yield
    }) : () -> ()
    "tpu.region"() ({
      %run_scoped3A_1029 = tpu.sem_alloc : memref<!tpu.dma_semaphore, #tpu.memory_space<semaphore_mem>>
      %dma_start3A_1030 = arith.constant 0 : i32
      %dma_start3A_1031 = arith.constant 0 : i32
      %dma_start3A_1032 = tpu.memref_slice %arg4[%add3A, %dma_start3A_1030, %dma_start3A_1031] : memref<16x160x128xi32, #tpu.memory_space<hbm>> -> memref<1x16x128xi32, #tpu.memory_space<hbm>>
      %dma_start3A_1033 = tpu.memref_squeeze %dma_start3A_1032 : memref<1x16x128xi32, #tpu.memory_space<hbm>> -> memref<16x128xi32, #tpu.memory_space<hbm>>
      %dma_start3A_1034 = arith.constant 0 : i32
      %dma_start3A_1035 = arith.constant 0 : i32
      %dma_start3A_1036 = tpu.memref_slice %arg4[%add3A, %dma_start3A_1034, %dma_start3A_1035] : memref<16x160x128xi32, #tpu.memory_space<hbm>> -> memref<1x16x128xi32, #tpu.memory_space<hbm>>
      %dma_start3A_1037 = tpu.memref_squeeze %dma_start3A_1036 : memref<1x16x128xi32, #tpu.memory_space<hbm>> -> memref<16x128xi32, #tpu.memory_space<hbm>>
      tpu.enqueue_dma source(%dma_start3A_1037 : memref<16x128xi32, #tpu.memory_space<hbm>>) target(%arg8 : memref<16x128xi32, #tpu.memory_space<vmem>>) target_semaphore(%run_scoped3A_1029 : memref<!tpu.dma_semaphore, #tpu.memory_space<semaphore_mem>>)
      %dma_wait3A_1038 = arith.constant 0 : i32
      %dma_wait3A_1039 = arith.constant 0 : i32
      %dma_wait3A_1040 = tpu.memref_slice %arg4[%add3A, %dma_wait3A_1038, %dma_wait3A_1039] : memref<16x160x128xi32, #tpu.memory_space<hbm>> -> memref<1x16x128xi32, #tpu.memory_space<hbm>>
      %dma_wait3A_1041 = tpu.memref_squeeze %dma_wait3A_1040 : memref<1x16x128xi32, #tpu.memory_space<hbm>> -> memref<16x128xi32, #tpu.memory_space<hbm>>
      %dma_wait3A_1042 = arith.constant 0 : i32
      %dma_wait3A_1043 = arith.constant 0 : i32
      %dma_wait3A_1044 = tpu.memref_slice %arg4[%add3A, %dma_wait3A_1042, %dma_wait3A_1043] : memref<16x160x128xi32, #tpu.memory_space<hbm>> -> memref<1x16x128xi32, #tpu.memory_space<hbm>>
      %dma_wait3A_1045 = tpu.memref_squeeze %dma_wait3A_1044 : memref<1x16x128xi32, #tpu.memory_space<hbm>> -> memref<16x128xi32, #tpu.memory_space<hbm>>
      tpu.wait_dma2 semaphore(%run_scoped3A_1029 : memref<!tpu.dma_semaphore, #tpu.memory_space<semaphore_mem>>) src(%dma_wait3A_1045 : memref<16x128xi32, #tpu.memory_space<hbm>>) dst(%arg8 : memref<16x128xi32, #tpu.memory_space<vmem>>)
      tpu.yield
    }) : () -> ()
    %dma_start3A = arith.constant 0 : i32
    %dma_start3A_28 = arith.constant 0 : i32
    %dma_start3A_29 = tpu.memref_slice %arg7[%dma_start3A, %dma_start3A_28] : memref<16x128xi32, #tpu.memory_space<vmem>> -> memref<1x128xi32, #tpu.memory_space<vmem>>
    %dma_start3A_30 = tpu.memref_squeeze %dma_start3A_29 : memref<1x128xi32, #tpu.memory_space<vmem>> -> memref<128xi32, #tpu.memory_space<vmem>>
    %dma_start3A_31 = arith.constant 0 : i32
    %dma_start3A_32 = arith.constant 0 : i32
    %dma_start3A_33 = tpu.memref_slice %arg2[%dma_start3A_31, %dma_start3A_32] : memref<10000x128xf32, #tpu.memory_space<hbm>> -> memref<10000x128xf32, #tpu.memory_space<hbm>>
    tpu.enqueue_indirect_dma source(%dma_start3A_33 : memref<10000x128xf32, #tpu.memory_space<hbm>>) target(%arg9 : memref<128x128xf32, #tpu.memory_space<vmem>>) offsets(%dma_start3A_30 : memref<128xi32, #tpu.memory_space<vmem>>) semaphore(%arg13 : memref<!tpu.dma_semaphore, #tpu.memory_space<semaphore_mem>>)
    %dma_start3A_34 = arith.constant 1 : i32
    %dma_start3A_35 = arith.constant 0 : i32
    %dma_start3A_36 = tpu.memref_slice %arg7[%dma_start3A_34, %dma_start3A_35] : memref<16x128xi32, #tpu.memory_space<vmem>> -> memref<1x128xi32, #tpu.memory_space<vmem>>
    %dma_start3A_37 = tpu.memref_squeeze %dma_start3A_36 : memref<1x128xi32, #tpu.memory_space<vmem>> -> memref<128xi32, #tpu.memory_space<vmem>>
    %dma_start3A_38 = arith.constant 0 : i32
    %dma_start3A_39 = arith.constant 0 : i32
    %dma_start3A_40 = tpu.memref_slice %arg2[%dma_start3A_38, %dma_start3A_39] : memref<10000x128xf32, #tpu.memory_space<hbm>> -> memref<10000x128xf32, #tpu.memory_space<hbm>>
    tpu.enqueue_indirect_dma source(%dma_start3A_40 : memref<10000x128xf32, #tpu.memory_space<hbm>>) target(%arg10 : memref<128x128xf32, #tpu.memory_space<vmem>>) offsets(%dma_start3A_37 : memref<128xi32, #tpu.memory_space<vmem>>) semaphore(%arg14 : memref<!tpu.dma_semaphore, #tpu.memory_space<semaphore_mem>>)
    %scan3A_41 = arith.constant 0 : i32
    %scan3A_42 = arith.constant 0 : i32
    %scan3A_43 = arith.constant 7 : i32
    %scan3A_44 = arith.addi %scan3A_42, %scan3A_43 : i32
    %scan3A_45 = arith.constant 1 : i32
    scf.for %scan3A_1029 = %scan3A_42 to %scan3A_44 step %scan3A_45  : i32 {
      %mul3A_1030 = arith.constant 2 : i32
      %mul3A_1031 = arith.muli %scan3A_1029, %mul3A_1030 : i32
      %add3A_1032 = arith.constant 0 : i32
      %add3A_1033 = arith.addi %mul3A_1031, %add3A_1032 : i32
      %dma_wait3A_1034 = arith.constant 0 : i32
      %dma_wait3A_1035 = tpu.memref_slice %arg7[%add3A_1033, %dma_wait3A_1034] : memref<16x128xi32, #tpu.memory_space<vmem>> -> memref<1x128xi32, #tpu.memory_space<vmem>>
      %dma_wait3A_1036 = tpu.memref_squeeze %dma_wait3A_1035 : memref<1x128xi32, #tpu.memory_space<vmem>> -> memref<128xi32, #tpu.memory_space<vmem>>
      %dma_wait3A_1037 = arith.constant 0 : i32
      %dma_wait3A_1038 = arith.constant 0 : i32
      %dma_wait3A_1039 = tpu.memref_slice %arg2[%dma_wait3A_1037, %dma_wait3A_1038] : memref<10000x128xf32, #tpu.memory_space<hbm>> -> memref<10000x128xf32, #tpu.memory_space<hbm>>
      tpu.wait_indirect_dma semaphore(%arg13 : memref<!tpu.dma_semaphore, #tpu.memory_space<semaphore_mem>>) src(%dma_wait3A_1039 : memref<10000x128xf32, #tpu.memory_space<hbm>>) dst(%arg9 : memref<128x128xf32, #tpu.memory_space<vmem>>)
      "tpu.region"() ({
        %run_scoped3A_1114 = tpu.sem_alloc : memref<!tpu.dma_semaphore, #tpu.memory_space<semaphore_mem>>
        %dma_start3A_1115 = arith.constant 0 : i32
        %dma_start3A_1116 = tpu.memref_slice %arg8[%add3A_1033, %dma_start3A_1115] : memref<16x128xi32, #tpu.memory_space<vmem>> -> memref<1x128xi32, #tpu.memory_space<vmem>>
        %dma_start3A_1117 = tpu.memref_squeeze %dma_start3A_1116 : memref<1x128xi32, #tpu.memory_space<vmem>> -> memref<128xi32, #tpu.memory_space<vmem>>
        %dma_start3A_1118 = arith.constant 0 : i32
        %dma_start3A_1119 = arith.constant 0 : i32
        %dma_start3A_1120 = tpu.memref_slice %arg12[%dma_start3A_1118, %dma_start3A_1119] : memref<10112x128xf32, #tpu.memory_space<vmem_shared>> -> memref<10112x128xf32, #tpu.memory_space<vmem_shared>>
        tpu.enqueue_indirect_dma source(%arg9 : memref<128x128xf32, #tpu.memory_space<vmem>>) target(%dma_start3A_1120 : memref<10112x128xf32, #tpu.memory_space<vmem_shared>>) offsets(%dma_start3A_1117 : memref<128xi32, #tpu.memory_space<vmem>>) semaphore(%run_scoped3A_1114 : memref<!tpu.dma_semaphore, #tpu.memory_space<semaphore_mem>>) {add = true}
        %dma_wait3A_1121 = arith.constant 0 : i32
        %dma_wait3A_1122 = tpu.memref_slice %arg8[%add3A_1033, %dma_wait3A_1121] : memref<16x128xi32, #tpu.memory_space<vmem>> -> memref<1x128xi32, #tpu.memory_space<vmem>>
        %dma_wait3A_1123 = tpu.memref_squeeze %dma_wait3A_1122 : memref<1x128xi32, #tpu.memory_space<vmem>> -> memref<128xi32, #tpu.memory_space<vmem>>
        %dma_wait3A_1124 = arith.constant 0 : i32
        %dma_wait3A_1125 = arith.constant 0 : i32
        %dma_wait3A_1126 = tpu.memref_slice %arg12[%dma_wait3A_1124, %dma_wait3A_1125] : memref<10112x128xf32, #tpu.memory_space<vmem_shared>> -> memref<10112x128xf32, #tpu.memory_space<vmem_shared>>
        tpu.wait_indirect_dma semaphore(%run_scoped3A_1114 : memref<!tpu.dma_semaphore, #tpu.memory_space<semaphore_mem>>) src(%arg9 : memref<128x128xf32, #tpu.memory_space<vmem>>) dst(%dma_wait3A_1126 : memref<10112x128xf32, #tpu.memory_space<vmem_shared>>)
        tpu.yield
      }) : () -> ()
      %add3A_1040 = arith.constant 2 : i32
      %add3A_1041 = arith.addi %add3A_1033, %add3A_1040 : i32
      %dma_start3A_1042 = arith.constant 0 : i32
      %dma_start3A_1043 = tpu.memref_slice %arg7[%add3A_1041, %dma_start3A_1042] : memref<16x128xi32, #tpu.memory_space<vmem>> -> memref<1x128xi32, #tpu.memory_space<vmem>>
      %dma_start3A_1044 = tpu.memref_squeeze %dma_start3A_1043 : memref<1x128xi32, #tpu.memory_space<vmem>> -> memref<128xi32, #tpu.memory_space<vmem>>
      %dma_start3A_1045 = arith.constant 0 : i32
      %dma_start3A_1046 = arith.constant 0 : i32
      %dma_start3A_1047 = tpu.memref_slice %arg2[%dma_start3A_1045, %dma_start3A_1046] : memref<10000x128xf32, #tpu.memory_space<hbm>> -> memref<10000x128xf32, #tpu.memory_space<hbm>>
      tpu.enqueue_indirect_dma source(%dma_start3A_1047 : memref<10000x128xf32, #tpu.memory_space<hbm>>) target(%arg9 : memref<128x128xf32, #tpu.memory_space<vmem>>) offsets(%dma_start3A_1044 : memref<128xi32, #tpu.memory_space<vmem>>) semaphore(%arg13 : memref<!tpu.dma_semaphore, #tpu.memory_space<semaphore_mem>>)
      %get3A_1048 = arith.index_cast %add3A_1033 : i32 to index
      %get3A_1049 = arith.constant 0 : index
      %get3A_1050 = tpu.vector_load %arg8[%get3A_1048, %get3A_1049] {strides = array<i32>} : memref<16x128xi32, #tpu.memory_space<vmem>>, vector<16xi32>,
      tpu.vector_store_idx %arg11[%get3A_1050], %broadcast_in_dim3A_1 {add = true} : memref<10112xf32, #tpu.memory_space<vmem>>[vector<16xi32>], vector<16xf32>,
      %get3A_1051 = arith.index_cast %add3A_1033 : i32 to index
      %get3A_1052 = arith.constant 16 : index
      %get3A_1053 = tpu.vector_load %arg8[%get3A_1051, %get3A_1052] {strides = array<i32>} : memref<16x128xi32, #tpu.memory_space<vmem>>, vector<16xi32>,
      tpu.vector_store_idx %arg11[%get3A_1053], %broadcast_in_dim3A_1 {add = true} : memref<10112xf32, #tpu.memory_space<vmem>>[vector<16xi32>], vector<16xf32>,
      %get3A_1054 = arith.index_cast %add3A_1033 : i32 to index
      %get3A_1055 = arith.constant 32 : index
      %get3A_1056 = tpu.vector_load %arg8[%get3A_1054, %get3A_1055] {strides = array<i32>} : memref<16x128xi32, #tpu.memory_space<vmem>>, vector<16xi32>,
      tpu.vector_store_idx %arg11[%get3A_1056], %broadcast_in_dim3A_1 {add = true} : memref<10112xf32, #tpu.memory_space<vmem>>[vector<16xi32>], vector<16xf32>,
      %get3A_1057 = arith.index_cast %add3A_1033 : i32 to index
      %get3A_1058 = arith.constant 48 : index
      %get3A_1059 = tpu.vector_load %arg8[%get3A_1057, %get3A_1058] {strides = array<i32>} : memref<16x128xi32, #tpu.memory_space<vmem>>, vector<16xi32>,
      tpu.vector_store_idx %arg11[%get3A_1059], %broadcast_in_dim3A_1 {add = true} : memref<10112xf32, #tpu.memory_space<vmem>>[vector<16xi32>], vector<16xf32>,
      %get3A_1060 = arith.index_cast %add3A_1033 : i32 to index
      %get3A_1061 = arith.constant 64 : index
      %get3A_1062 = tpu.vector_load %arg8[%get3A_1060, %get3A_1061] {strides = array<i32>} : memref<16x128xi32, #tpu.memory_space<vmem>>, vector<16xi32>,
      tpu.vector_store_idx %arg11[%get3A_1062], %broadcast_in_dim3A_1 {add = true} : memref<10112xf32, #tpu.memory_space<vmem>>[vector<16xi32>], vector<16xf32>,
      %get3A_1063 = arith.index_cast %add3A_1033 : i32 to index
      %get3A_1064 = arith.constant 80 : index
      %get3A_1065 = tpu.vector_load %arg8[%get3A_1063, %get3A_1064] {strides = array<i32>} : memref<16x128xi32, #tpu.memory_space<vmem>>, vector<16xi32>,
      tpu.vector_store_idx %arg11[%get3A_1065], %broadcast_in_dim3A_1 {add = true} : memref<10112xf32, #tpu.memory_space<vmem>>[vector<16xi32>], vector<16xf32>,
      %get3A_1066 = arith.index_cast %add3A_1033 : i32 to index
      %get3A_1067 = arith.constant 96 : index
      %get3A_1068 = tpu.vector_load %arg8[%get3A_1066, %get3A_1067] {strides = array<i32>} : memref<16x128xi32, #tpu.memory_space<vmem>>, vector<16xi32>,
      tpu.vector_store_idx %arg11[%get3A_1068], %broadcast_in_dim3A_1 {add = true} : memref<10112xf32, #tpu.memory_space<vmem>>[vector<16xi32>], vector<16xf32>,
      %get3A_1069 = arith.index_cast %add3A_1033 : i32 to index
      %get3A_1070 = arith.constant 112 : index
      %get3A_1071 = tpu.vector_load %arg8[%get3A_1069, %get3A_1070] {strides = array<i32>} : memref<16x128xi32, #tpu.memory_space<vmem>>, vector<16xi32>,
      tpu.vector_store_idx %arg11[%get3A_1071], %broadcast_in_dim3A_1 {add = true} : memref<10112xf32, #tpu.memory_space<vmem>>[vector<16xi32>], vector<16xf32>,
      %mul3A_1072 = arith.constant 2 : i32
      %mul3A_1073 = arith.muli %scan3A_1029, %mul3A_1072 : i32
      %add3A_1074 = arith.constant 1 : i32
      %add3A_1075 = arith.addi %mul3A_1073, %add3A_1074 : i32
      %dma_wait3A_1076 = arith.constant 0 : i32
      %dma_wait3A_1077 = tpu.memref_slice %arg7[%add3A_1075, %dma_wait3A_1076] : memref<16x128xi32, #tpu.memory_space<vmem>> -> memref<1x128xi32, #tpu.memory_space<vmem>>
      %dma_wait3A_1078 = tpu.memref_squeeze %dma_wait3A_1077 : memref<1x128xi32, #tpu.memory_space<vmem>> -> memref<128xi32, #tpu.memory_space<vmem>>
      %dma_wait3A_1079 = arith.constant 0 : i32
      %dma_wait3A_1080 = arith.constant 0 : i32
      %dma_wait3A_1081 = tpu.memref_slice %arg2[%dma_wait3A_1079, %dma_wait3A_1080] : memref<10000x128xf32, #tpu.memory_space<hbm>> -> memref<10000x128xf32, #tpu.memory_space<hbm>>
      tpu.wait_indirect_dma semaphore(%arg14 : memref<!tpu.dma_semaphore, #tpu.memory_space<semaphore_mem>>) src(%dma_wait3A_1081 : memref<10000x128xf32, #tpu.memory_space<hbm>>) dst(%arg10 : memref<128x128xf32, #tpu.memory_space<vmem>>)
      "tpu.region"() ({
        %run_scoped3A_1114 = tpu.sem_alloc : memref<!tpu.dma_semaphore, #tpu.memory_space<semaphore_mem>>
        %dma_start3A_1115 = arith.constant 0 : i32
        %dma_start3A_1116 = tpu.memref_slice %arg8[%add3A_1075, %dma_start3A_1115] : memref<16x128xi32, #tpu.memory_space<vmem>> -> memref<1x128xi32, #tpu.memory_space<vmem>>
        %dma_start3A_1117 = tpu.memref_squeeze %dma_start3A_1116 : memref<1x128xi32, #tpu.memory_space<vmem>> -> memref<128xi32, #tpu.memory_space<vmem>>
        %dma_start3A_1118 = arith.constant 0 : i32
        %dma_start3A_1119 = arith.constant 0 : i32
        %dma_start3A_1120 = tpu.memref_slice %arg12[%dma_start3A_1118, %dma_start3A_1119] : memref<10112x128xf32, #tpu.memory_space<vmem_shared>> -> memref<10112x128xf32, #tpu.memory_space<vmem_shared>>
        tpu.enqueue_indirect_dma source(%arg10 : memref<128x128xf32, #tpu.memory_space<vmem>>) target(%dma_start3A_1120 : memref<10112x128xf32, #tpu.memory_space<vmem_shared>>) offsets(%dma_start3A_1117 : memref<128xi32, #tpu.memory_space<vmem>>) semaphore(%run_scoped3A_1114 : memref<!tpu.dma_semaphore, #tpu.memory_space<semaphore_mem>>) {add = true}
        %dma_wait3A_1121 = arith.constant 0 : i32
        %dma_wait3A_1122 = tpu.memref_slice %arg8[%add3A_1075, %dma_wait3A_1121] : memref<16x128xi32, #tpu.memory_space<vmem>> -> memref<1x128xi32, #tpu.memory_space<vmem>>
        %dma_wait3A_1123 = tpu.memref_squeeze %dma_wait3A_1122 : memref<1x128xi32, #tpu.memory_space<vmem>> -> memref<128xi32, #tpu.memory_space<vmem>>
        %dma_wait3A_1124 = arith.constant 0 : i32
        %dma_wait3A_1125 = arith.constant 0 : i32
        %dma_wait3A_1126 = tpu.memref_slice %arg12[%dma_wait3A_1124, %dma_wait3A_1125] : memref<10112x128xf32, #tpu.memory_space<vmem_shared>> -> memref<10112x128xf32, #tpu.memory_space<vmem_shared>>
        tpu.wait_indirect_dma semaphore(%run_scoped3A_1114 : memref<!tpu.dma_semaphore, #tpu.memory_space<semaphore_mem>>) src(%arg10 : memref<128x128xf32, #tpu.memory_space<vmem>>) dst(%dma_wait3A_1126 : memref<10112x128xf32, #tpu.memory_space<vmem_shared>>)
        tpu.yield
      }) : () -> ()
      %add3A_1082 = arith.constant 2 : i32
      %add3A_1083 = arith.addi %add3A_1075, %add3A_1082 : i32
      %dma_start3A_1084 = arith.constant 0 : i32
      %dma_start3A_1085 = tpu.memref_slice %arg7[%add3A_1083, %dma_start3A_1084] : memref<16x128xi32, #tpu.memory_space<vmem>> -> memref<1x128xi32, #tpu.memory_space<vmem>>
      %dma_start3A_1086 = tpu.memref_squeeze %dma_start3A_1085 : memref<1x128xi32, #tpu.memory_space<vmem>> -> memref<128xi32, #tpu.memory_space<vmem>>
      %dma_start3A_1087 = arith.constant 0 : i32
      %dma_start3A_1088 = arith.constant 0 : i32
      %dma_start3A_1089 = tpu.memref_slice %arg2[%dma_start3A_1087, %dma_start3A_1088] : memref<10000x128xf32, #tpu.memory_space<hbm>> -> memref<10000x128xf32, #tpu.memory_space<hbm>>
      tpu.enqueue_indirect_dma source(%dma_start3A_1089 : memref<10000x128xf32, #tpu.memory_space<hbm>>) target(%arg10 : memref<128x128xf32, #tpu.memory_space<vmem>>) offsets(%dma_start3A_1086 : memref<128xi32, #tpu.memory_space<vmem>>) semaphore(%arg14 : memref<!tpu.dma_semaphore, #tpu.memory_space<semaphore_mem>>)
      %get3A_1090 = arith.index_cast %add3A_1075 : i32 to index
      %get3A_1091 = arith.constant 0 : index
      %get3A_1092 = tpu.vector_load %arg8[%get3A_1090, %get3A_1091] {strides = array<i32>} : memref<16x128xi32, #tpu.memory_space<vmem>>, vector<16xi32>,
      tpu.vector_store_idx %arg11[%get3A_1092], %broadcast_in_dim3A_1 {add = true} : memref<10112xf32, #tpu.memory_space<vmem>>[vector<16xi32>], vector<16xf32>,
      %get3A_1093 = arith.index_cast %add3A_1075 : i32 to index
      %get3A_1094 = arith.constant 16 : index
      %get3A_1095 = tpu.vector_load %arg8[%get3A_1093, %get3A_1094] {strides = array<i32>} : memref<16x128xi32, #tpu.memory_space<vmem>>, vector<16xi32>,
      tpu.vector_store_idx %arg11[%get3A_1095], %broadcast_in_dim3A_1 {add = true} : memref<10112xf32, #tpu.memory_space<vmem>>[vector<16xi32>], vector<16xf32>,
      %get3A_1096 = arith.index_cast %add3A_1075 : i32 to index
      %get3A_1097 = arith.constant 32 : index
      %get3A_1098 = tpu.vector_load %arg8[%get3A_1096, %get3A_1097] {strides = array<i32>} : memref<16x128xi32, #tpu.memory_space<vmem>>, vector<16xi32>,
      tpu.vector_store_idx %arg11[%get3A_1098], %broadcast_in_dim3A_1 {add = true} : memref<10112xf32, #tpu.memory_space<vmem>>[vector<16xi32>], vector<16xf32>,
      %get3A_1099 = arith.index_cast %add3A_1075 : i32 to index
      %get3A_1100 = arith.constant 48 : index
      %get3A_1101 = tpu.vector_load %arg8[%get3A_1099, %get3A_1100] {strides = array<i32>} : memref<16x128xi32, #tpu.memory_space<vmem>>, vector<16xi32>,
      tpu.vector_store_idx %arg11[%get3A_1101], %broadcast_in_dim3A_1 {add = true} : memref<10112xf32, #tpu.memory_space<vmem>>[vector<16xi32>], vector<16xf32>,
      %get3A_1102 = arith.index_cast %add3A_1075 : i32 to index
      %get3A_1103 = arith.constant 64 : index
      %get3A_1104 = tpu.vector_load %arg8[%get3A_1102, %get3A_1103] {strides = array<i32>} : memref<16x128xi32, #tpu.memory_space<vmem>>, vector<16xi32>,
      tpu.vector_store_idx %arg11[%get3A_1104], %broadcast_in_dim3A_1 {add = true} : memref<10112xf32, #tpu.memory_space<vmem>>[vector<16xi32>], vector<16xf32>,
      %get3A_1105 = arith.index_cast %add3A_1075 : i32 to index
      %get3A_1106 = arith.constant 80 : index
      %get3A_1107 = tpu.vector_load %arg8[%get3A_1105, %get3A_1106] {strides = array<i32>} : memref<16x128xi32, #tpu.memory_space<vmem>>, vector<16xi32>,
      tpu.vector_store_idx %arg11[%get3A_1107], %broadcast_in_dim3A_1 {add = true} : memref<10112xf32, #tpu.memory_space<vmem>>[vector<16xi32>], vector<16xf32>,
      %get3A_1108 = arith.index_cast %add3A_1075 : i32 to index
      %get3A_1109 = arith.constant 96 : index
      %get3A_1110 = tpu.vector_load %arg8[%get3A_1108, %get3A_1109] {strides = array<i32>} : memref<16x128xi32, #tpu.memory_space<vmem>>, vector<16xi32>,
      tpu.vector_store_idx %arg11[%get3A_1110], %broadcast_in_dim3A_1 {add = true} : memref<10112xf32, #tpu.memory_space<vmem>>[vector<16xi32>], vector<16xf32>,
      %get3A_1111 = arith.index_cast %add3A_1075 : i32 to index
      %get3A_1112 = arith.constant 112 : index
      %get3A_1113 = tpu.vector_load %arg8[%get3A_1111, %get3A_1112] {strides = array<i32>} : memref<16x128xi32, #tpu.memory_space<vmem>>, vector<16xi32>,
      tpu.vector_store_idx %arg11[%get3A_1113], %broadcast_in_dim3A_1 {add = true} : memref<10112xf32, #tpu.memory_space<vmem>>[vector<16xi32>], vector<16xf32>,
    }
    %scan3A_46 = arith.constant 7 : i32
    %dma_wait3A = arith.constant 14 : i32
    %dma_wait3A_47 = arith.constant 0 : i32
    %dma_wait3A_48 = tpu.memref_slice %arg7[%dma_wait3A, %dma_wait3A_47] : memref<16x128xi32, #tpu.memory_space<vmem>> -> memref<1x128xi32, #tpu.memory_space<vmem>>
    %dma_wait3A_49 = tpu.memref_squeeze %dma_wait3A_48 : memref<1x128xi32, #tpu.memory_space<vmem>> -> memref<128xi32, #tpu.memory_space<vmem>>
    %dma_wait3A_50 = arith.constant 0 : i32
    %dma_wait3A_51 = arith.constant 0 : i32
    %dma_wait3A_52 = tpu.memref_slice %arg2[%dma_wait3A_50, %dma_wait3A_51] : memref<10000x128xf32, #tpu.memory_space<hbm>> -> memref<10000x128xf32, #tpu.memory_space<hbm>>
    tpu.wait_indirect_dma semaphore(%arg13 : memref<!tpu.dma_semaphore, #tpu.memory_space<semaphore_mem>>) src(%dma_wait3A_52 : memref<10000x128xf32, #tpu.memory_space<hbm>>) dst(%arg9 : memref<128x128xf32, #tpu.memory_space<vmem>>)
    %run_scoped3A = arith.constant 14 : i32
    "tpu.region"() ({
      %run_scoped3A_1029 = tpu.sem_alloc : memref<!tpu.dma_semaphore, #tpu.memory_space<semaphore_mem>>
      %dma_start3A_1030 = arith.constant 0 : i32
      %dma_start3A_1031 = tpu.memref_slice %arg8[%run_scoped3A, %dma_start3A_1030] : memref<16x128xi32, #tpu.memory_space<vmem>> -> memref<1x128xi32, #tpu.memory_space<vmem>>
      %dma_start3A_1032 = tpu.memref_squeeze %dma_start3A_1031 : memref<1x128xi32, #tpu.memory_space<vmem>> -> memref<128xi32, #tpu.memory_space<vmem>>
      %dma_start3A_1033 = arith.constant 0 : i32
      %dma_start3A_1034 = arith.constant 0 : i32
      %dma_start3A_1035 = tpu.memref_slice %arg12[%dma_start3A_1033, %dma_start3A_1034] : memref<10112x128xf32, #tpu.memory_space<vmem_shared>> -> memref<10112x128xf32, #tpu.memory_space<vmem_shared>>
      tpu.enqueue_indirect_dma source(%arg9 : memref<128x128xf32, #tpu.memory_space<vmem>>) target(%dma_start3A_1035 : memref<10112x128xf32, #tpu.memory_space<vmem_shared>>) offsets(%dma_start3A_1032 : memref<128xi32, #tpu.memory_space<vmem>>) semaphore(%run_scoped3A_1029 : memref<!tpu.dma_semaphore, #tpu.memory_space<semaphore_mem>>) {add = true}
      %dma_wait3A_1036 = arith.constant 0 : i32
      %dma_wait3A_1037 = tpu.memref_slice %arg8[%run_scoped3A, %dma_wait3A_1036] : memref<16x128xi32, #tpu.memory_space<vmem>> -> memref<1x128xi32, #tpu.memory_space<vmem>>
      %dma_wait3A_1038 = tpu.memref_squeeze %dma_wait3A_1037 : memref<1x128xi32, #tpu.memory_space<vmem>> -> memref<128xi32, #tpu.memory_space<vmem>>
      %dma_wait3A_1039 = arith.constant 0 : i32
      %dma_wait3A_1040 = arith.constant 0 : i32
      %dma_wait3A_1041 = tpu.memref_slice %arg12[%dma_wait3A_1039, %dma_wait3A_1040] : memref<10112x128xf32, #tpu.memory_space<vmem_shared>> -> memref<10112x128xf32, #tpu.memory_space<vmem_shared>>
      tpu.wait_indirect_dma semaphore(%run_scoped3A_1029 : memref<!tpu.dma_semaphore, #tpu.memory_space<semaphore_mem>>) src(%arg9 : memref<128x128xf32, #tpu.memory_space<vmem>>) dst(%dma_wait3A_1041 : memref<10112x128xf32, #tpu.memory_space<vmem_shared>>)
      tpu.yield
    }) : () -> ()
    %get3A = arith.constant 14 : i32
    %get3A_53 = arith.index_cast %get3A : i32 to index
    %get3A_54 = arith.constant 0 : index
    %get3A_55 = tpu.vector_load %arg8[%get3A_53, %get3A_54] {strides = array<i32>} : memref<16x128xi32, #tpu.memory_space<vmem>>, vector<16xi32>,
    tpu.vector_store_idx %arg11[%get3A_55], %broadcast_in_dim3A_1 {add = true} : memref<10112xf32, #tpu.memory_space<vmem>>[vector<16xi32>], vector<16xf32>,
    %get3A_56 = arith.constant 14 : i32
    %get3A_57 = arith.index_cast %get3A_56 : i32 to index
    %get3A_58 = arith.constant 16 : index
    %get3A_59 = tpu.vector_load %arg8[%get3A_57, %get3A_58] {strides = array<i32>} : memref<16x128xi32, #tpu.memory_space<vmem>>, vector<16xi32>,
    tpu.vector_store_idx %arg11[%get3A_59], %broadcast_in_dim3A_1 {add = true} : memref<10112xf32, #tpu.memory_space<vmem>>[vector<16xi32>], vector<16xf32>,
    %get3A_60 = arith.constant 14 : i32
    %get3A_61 = arith.index_cast %get3A_60 : i32 to index
    %get3A_62 = arith.constant 32 : index
    %get3A_63 = tpu.vector_load %arg8[%get3A_61, %get3A_62] {strides = array<i32>} : memref<16x128xi32, #tpu.memory_space<vmem>>, vector<16xi32>,
    tpu.vector_store_idx %arg11[%get3A_63], %broadcast_in_dim3A_1 {add = true} : memref<10112xf32, #tpu.memory_space<vmem>>[vector<16xi32>], vector<16xf32>,
    %get3A_64 = arith.constant 14 : i32
    %get3A_65 = arith.index_cast %get3A_64 : i32 to index
    %get3A_66 = arith.constant 48 : index
    %get3A_67 = tpu.vector_load %arg8[%get3A_65, %get3A_66] {strides = array<i32>} : memref<16x128xi32, #tpu.memory_space<vmem>>, vector<16xi32>,
    tpu.vector_store_idx %arg11[%get3A_67], %broadcast_in_dim3A_1 {add = true} : memref<10112xf32, #tpu.memory_space<vmem>>[vector<16xi32>], vector<16xf32>,
    %get3A_68 = arith.constant 14 : i32
    %get3A_69 = arith.index_cast %get3A_68 : i32 to index
    %get3A_70 = arith.constant 64 : index
    %get3A_71 = tpu.vector_load %arg8[%get3A_69, %get3A_70] {strides = array<i32>} : memref<16x128xi32, #tpu.memory_space<vmem>>, vector<16xi32>,
    tpu.vector_store_idx %arg11[%get3A_71], %broadcast_in_dim3A_1 {add = true} : memref<10112xf32, #tpu.memory_space<vmem>>[vector<16xi32>], vector<16xf32>,
    %get3A_72 = arith.constant 14 : i32
    %get3A_73 = arith.index_cast %get3A_72 : i32 to index
    %get3A_74 = arith.constant 80 : index
    %get3A_75 = tpu.vector_load %arg8[%get3A_73, %get3A_74] {strides = array<i32>} : memref<16x128xi32, #tpu.memory_space<vmem>>, vector<16xi32>,
    tpu.vector_store_idx %arg11[%get3A_75], %broadcast_in_dim3A_1 {add = true} : memref<10112xf32, #tpu.memory_space<vmem>>[vector<16xi32>], vector<16xf32>,
    %get3A_76 = arith.constant 14 : i32
    %get3A_77 = arith.index_cast %get3A_76 : i32 to index
    %get3A_78 = arith.constant 96 : index
    %get3A_79 = tpu.vector_load %arg8[%get3A_77, %get3A_78] {strides = array<i32>} : memref<16x128xi32, #tpu.memory_space<vmem>>, vector<16xi32>,
    tpu.vector_store_idx %arg11[%get3A_79], %broadcast_in_dim3A_1 {add = true} : memref<10112xf32, #tpu.memory_space<vmem>>[vector<16xi32>], vector<16xf32>,
    %get3A_80 = arith.constant 14 : i32
    %get3A_81 = arith.index_cast %get3A_80 : i32 to index
    %get3A_82 = arith.constant 112 : index
    %get3A_83 = tpu.vector_load %arg8[%get3A_81, %get3A_82] {strides = array<i32>} : memref<16x128xi32, #tpu.memory_space<vmem>>, vector<16xi32>,
    tpu.vector_store_idx %arg11[%get3A_83], %broadcast_in_dim3A_1 {add = true} : memref<10112xf32, #tpu.memory_space<vmem>>[vector<16xi32>], vector<16xf32>,
    %dma_wait3A_84 = arith.constant 15 : i32
    %dma_wait3A_85 = arith.constant 0 : i32
    %dma_wait3A_86 = tpu.memref_slice %arg7[%dma_wait3A_84, %dma_wait3A_85] : memref<16x128xi32, #tpu.memory_space<vmem>> -> memref<1x128xi32, #tpu.memory_space<vmem>>
    %dma_wait3A_87 = tpu.memref_squeeze %dma_wait3A_86 : memref<1x128xi32, #tpu.memory_space<vmem>> -> memref<128xi32, #tpu.memory_space<vmem>>
    %dma_wait3A_88 = arith.constant 0 : i32
    %dma_wait3A_89 = arith.constant 0 : i32
    %dma_wait3A_90 = tpu.memref_slice %arg2[%dma_wait3A_88, %dma_wait3A_89] : memref<10000x128xf32, #tpu.memory_space<hbm>> -> memref<10000x128xf32, #tpu.memory_space<hbm>>
    tpu.wait_indirect_dma semaphore(%arg14 : memref<!tpu.dma_semaphore, #tpu.memory_space<semaphore_mem>>) src(%dma_wait3A_90 : memref<10000x128xf32, #tpu.memory_space<hbm>>) dst(%arg10 : memref<128x128xf32, #tpu.memory_space<vmem>>)
    %run_scoped3A_91 = arith.constant 15 : i32
    "tpu.region"() ({
      %run_scoped3A_1029 = tpu.sem_alloc : memref<!tpu.dma_semaphore, #tpu.memory_space<semaphore_mem>>
      %dma_start3A_1030 = arith.constant 0 : i32
      %dma_start3A_1031 = tpu.memref_slice %arg8[%run_scoped3A_91, %dma_start3A_1030] : memref<16x128xi32, #tpu.memory_space<vmem>> -> memref<1x128xi32, #tpu.memory_space<vmem>>
      %dma_start3A_1032 = tpu.memref_squeeze %dma_start3A_1031 : memref<1x128xi32, #tpu.memory_space<vmem>> -> memref<128xi32, #tpu.memory_space<vmem>>
      %dma_start3A_1033 = arith.constant 0 : i32
      %dma_start3A_1034 = arith.constant 0 : i32
      %dma_start3A_1035 = tpu.memref_slice %arg12[%dma_start3A_1033, %dma_start3A_1034] : memref<10112x128xf32, #tpu.memory_space<vmem_shared>> -> memref<10112x128xf32, #tpu.memory_space<vmem_shared>>
      tpu.enqueue_indirect_dma source(%arg10 : memref<128x128xf32, #tpu.memory_space<vmem>>) target(%dma_start3A_1035 : memref<10112x128xf32, #tpu.memory_space<vmem_shared>>) offsets(%dma_start3A_1032 : memref<128xi32, #tpu.memory_space<vmem>>) semaphore(%run_scoped3A_1029 : memref<!tpu.dma_semaphore, #tpu.memory_space<semaphore_mem>>) {add = true}
      %dma_wait3A_1036 = arith.constant 0 : i32
      %dma_wait3A_1037 = tpu.memref_slice %arg8[%run_scoped3A_91, %dma_wait3A_1036] : memref<16x128xi32, #tpu.memory_space<vmem>> -> memref<1x128xi32, #tpu.memory_space<vmem>>
      %dma_wait3A_1038 = tpu.memref_squeeze %dma_wait3A_1037 : memref<1x128xi32, #tpu.memory_space<vmem>> -> memref<128xi32, #tpu.memory_space<vmem>>
      %dma_wait3A_1039 = arith.constant 0 : i32
      %dma_wait3A_1040 = arith.constant 0 : i32
      %dma_wait3A_1041 = tpu.memref_slice %arg12[%dma_wait3A_1039, %dma_wait3A_1040] : memref<10112x128xf32, #tpu.memory_space<vmem_shared>> -> memref<10112x128xf32, #tpu.memory_space<vmem_shared>>
      tpu.wait_indirect_dma semaphore(%run_scoped3A_1029 : memref<!tpu.dma_semaphore, #tpu.memory_space<semaphore_mem>>) src(%arg10 : memref<128x128xf32, #tpu.memory_space<vmem>>) dst(%dma_wait3A_1041 : memref<10112x128xf32, #tpu.memory_space<vmem_shared>>)
      tpu.yield
    }) : () -> ()
    %get3A_92 = arith.constant 15 : i32
    %get3A_93 = arith.index_cast %get3A_92 : i32 to index
    %get3A_94 = arith.constant 0 : index
    %get3A_95 = tpu.vector_load %arg8[%get3A_93, %get3A_94] {strides = array<i32>} : memref<16x128xi32, #tpu.memory_space<vmem>>, vector<16xi32>,
    tpu.vector_store_idx %arg11[%get3A_95], %broadcast_in_dim3A_1 {add = true} : memref<10112xf32, #tpu.memory_space<vmem>>[vector<16xi32>], vector<16xf32>,
    %get3A_96 = arith.constant 15 : i32
    %get3A_97 = arith.index_cast %get3A_96 : i32 to index
    %get3A_98 = arith.constant 16 : index
    %get3A_99 = tpu.vector_load %arg8[%get3A_97, %get3A_98] {strides = array<i32>} : memref<16x128xi32, #tpu.memory_space<vmem>>, vector<16xi32>,
    tpu.vector_store_idx %arg11[%get3A_99], %broadcast_in_dim3A_1 {add = true} : memref<10112xf32, #tpu.memory_space<vmem>>[vector<16xi32>], vector<16xf32>,
    %get3A_100 = arith.constant 15 : i32
    %get3A_101 = arith.index_cast %get3A_100 : i32 to index
    %get3A_102 = arith.constant 32 : index
    %get3A_103 = tpu.vector_load %arg8[%get3A_101, %get3A_102] {strides = array<i32>} : memref<16x128xi32, #tpu.memory_space<vmem>>, vector<16xi32>,
    tpu.vector_store_idx %arg11[%get3A_103], %broadcast_in_dim3A_1 {add = true} : memref<10112xf32, #tpu.memory_space<vmem>>[vector<16xi32>], vector<16xf32>,
    %get3A_104 = arith.constant 15 : i32
    %get3A_105 = arith.index_cast %get3A_104 : i32 to index
    %get3A_106 = arith.constant 48 : index
    %get3A_107 = tpu.vector_load %arg8[%get3A_105, %get3A_106] {strides = array<i32>} : memref<16x128xi32, #tpu.memory_space<vmem>>, vector<16xi32>,
    tpu.vector_store_idx %arg11[%get3A_107], %broadcast_in_dim3A_1 {add = true} : memref<10112xf32, #tpu.memory_space<vmem>>[vector<16xi32>], vector<16xf32>,
    %get3A_108 = arith.constant 15 : i32
    %get3A_109 = arith.index_cast %get3A_108 : i32 to index
    %get3A_110 = arith.constant 64 : index
    %get3A_111 = tpu.vector_load %arg8[%get3A_109, %get3A_110] {strides = array<i32>} : memref<16x128xi32, #tpu.memory_space<vmem>>, vector<16xi32>,
    tpu.vector_store_idx %arg11[%get3A_111], %broadcast_in_dim3A_1 {add = true} : memref<10112xf32, #tpu.memory_space<vmem>>[vector<16xi32>], vector<16xf32>,
    %get3A_112 = arith.constant 15 : i32
    %get3A_113 = arith.index_cast %get3A_112 : i32 to index
    %get3A_114 = arith.constant 80 : index
    %get3A_115 = tpu.vector_load %arg8[%get3A_113, %get3A_114] {strides = array<i32>} : memref<16x128xi32, #tpu.memory_space<vmem>>, vector<16xi32>,
    tpu.vector_store_idx %arg11[%get3A_115], %broadcast_in_dim3A_1 {add = true} : memref<10112xf32, #tpu.memory_space<vmem>>[vector<16xi32>], vector<16xf32>,
    %get3A_116 = arith.constant 15 : i32
    %get3A_117 = arith.index_cast %get3A_116 : i32 to index
    %get3A_118 = arith.constant 96 : index
    %get3A_119 = tpu.vector_load %arg8[%get3A_117, %get3A_118] {strides = array<i32>} : memref<16x128xi32, #tpu.memory_space<vmem>>, vector<16xi32>,
    tpu.vector_store_idx %arg11[%get3A_119], %broadcast_in_dim3A_1 {add = true} : memref<10112xf32, #tpu.memory_space<vmem>>[vector<16xi32>], vector<16xf32>,
    %get3A_120 = arith.constant 15 : i32
    %get3A_121 = arith.index_cast %get3A_120 : i32 to index
    %get3A_122 = arith.constant 112 : index
    %get3A_123 = tpu.vector_load %arg8[%get3A_121, %get3A_122] {strides = array<i32>} : memref<16x128xi32, #tpu.memory_space<vmem>>, vector<16xi32>,
    tpu.vector_store_idx %arg11[%get3A_123], %broadcast_in_dim3A_1 {add = true} : memref<10112xf32, #tpu.memory_space<vmem>>[vector<16xi32>], vector<16xf32>,
    "tpu.region"() ({
      %run_scoped3A_1029 = tpu.sem_alloc : memref<!tpu.dma_semaphore, #tpu.memory_space<semaphore_mem>>
      %dma_start3A_1030 = arith.constant 16 : i32
      %dma_start3A_1031 = arith.constant 0 : i32
      %dma_start3A_1032 = tpu.memref_slice %arg3[%add3A, %dma_start3A_1030, %dma_start3A_1031] : memref<16x160x128xi32, #tpu.memory_space<hbm>> -> memref<1x16x128xi32, #tpu.memory_space<hbm>>
      %dma_start3A_1033 = tpu.memref_squeeze %dma_start3A_1032 : memref<1x16x128xi32, #tpu.memory_space<hbm>> -> memref<16x128xi32, #tpu.memory_space<hbm>>
      %dma_start3A_1034 = arith.constant 16 : i32
      %dma_start3A_1035 = arith.constant 0 : i32
      %dma_start3A_1036 = tpu.memref_slice %arg3[%add3A, %dma_start3A_1034, %dma_start3A_1035] : memref<16x160x128xi32, #tpu.memory_space<hbm>> -> memref<1x16x128xi32, #tpu.memory_space<hbm>>
      %dma_start3A_1037 = tpu.memref_squeeze %dma_start3A_1036 : memref<1x16x128xi32, #tpu.memory_space<hbm>> -> memref<16x128xi32, #tpu.memory_space<hbm>>
      tpu.enqueue_dma source(%dma_start3A_1037 : memref<16x128xi32, #tpu.memory_space<hbm>>) target(%arg7 : memref<16x128xi32, #tpu.memory_space<vmem>>) target_semaphore(%run_scoped3A_1029 : memref<!tpu.dma_semaphore, #tpu.memory_space<semaphore_mem>>)
      %dma_wait3A_1038 = arith.constant 16 : i32
      %dma_wait3A_1039 = arith.constant 0 : i32
      %dma_wait3A_1040 = tpu.memref_slice %arg3[%add3A, %dma_wait3A_1038, %dma_wait3A_1039] : memref<16x160x128xi32, #tpu.memory_space<hbm>> -> memref<1x16x128xi32, #tpu.memory_space<hbm>>
      %dma_wait3A_1041 = tpu.memref_squeeze %dma_wait3A_1040 : memref<1x16x128xi32, #tpu.memory_space<hbm>> -> memref<16x128xi32, #tpu.memory_space<hbm>>
      %dma_wait3A_1042 = arith.constant 16 : i32
      %dma_wait3A_1043 = arith.constant 0 : i32
      %dma_wait3A_1044 = tpu.memref_slice %arg3[%add3A, %dma_wait3A_1042, %dma_wait3A_1043] : memref<16x160x128xi32, #tpu.memory_space<hbm>> -> memref<1x16x128xi32, #tpu.memory_space<hbm>>
      %dma_wait3A_1045 = tpu.memref_squeeze %dma_wait3A_1044 : memref<1x16x128xi32, #tpu.memory_space<hbm>> -> memref<16x128xi32, #tpu.memory_space<hbm>>
      tpu.wait_dma2 semaphore(%run_scoped3A_1029 : memref<!tpu.dma_semaphore, #tpu.memory_space<semaphore_mem>>) src(%dma_wait3A_1045 : memref<16x128xi32, #tpu.memory_space<hbm>>) dst(%arg7 : memref<16x128xi32, #tpu.memory_space<vmem>>)
      tpu.yield
    }) : () -> ()
    "tpu.region"() ({
      %run_scoped3A_1029 = tpu.sem_alloc : memref<!tpu.dma_semaphore, #tpu.memory_space<semaphore_mem>>
      %dma_start3A_1030 = arith.constant 16 : i32
      %dma_start3A_1031 = arith.constant 0 : i32
      %dma_start3A_1032 = tpu.memref_slice %arg4[%add3A, %dma_start3A_1030, %dma_start3A_1031] : memref<16x160x128xi32, #tpu.memory_space<hbm>> -> memref<1x16x128xi32, #tpu.memory_space<hbm>>
      %dma_start3A_1033 = tpu.memref_squeeze %dma_start3A_1032 : memref<1x16x128xi32, #tpu.memory_space<hbm>> -> memref<16x128xi32, #tpu.memory_space<hbm>>
      %dma_start3A_1034 = arith.constant 16 : i32
      %dma_start3A_1035 = arith.constant 0 : i32
      %dma_start3A_1036 = tpu.memref_slice %arg4[%add3A, %dma_start3A_1034, %dma_start3A_1035] : memref<16x160x128xi32, #tpu.memory_space<hbm>> -> memref<1x16x128xi32, #tpu.memory_space<hbm>>
      %dma_start3A_1037 = tpu.memref_squeeze %dma_start3A_1036 : memref<1x16x128xi32, #tpu.memory_space<hbm>> -> memref<16x128xi32, #tpu.memory_space<hbm>>
      tpu.enqueue_dma source(%dma_start3A_1037 : memref<16x128xi32, #tpu.memory_space<hbm>>) target(%arg8 : memref<16x128xi32, #tpu.memory_space<vmem>>) target_semaphore(%run_scoped3A_1029 : memref<!tpu.dma_semaphore, #tpu.memory_space<semaphore_mem>>)
      %dma_wait3A_1038 = arith.constant 16 : i32
      %dma_wait3A_1039 = arith.constant 0 : i32
      %dma_wait3A_1040 = tpu.memref_slice %arg4[%add3A, %dma_wait3A_1038, %dma_wait3A_1039] : memref<16x160x128xi32, #tpu.memory_space<hbm>> -> memref<1x16x128xi32, #tpu.memory_space<hbm>>
      %dma_wait3A_1041 = tpu.memref_squeeze %dma_wait3A_1040 : memref<1x16x128xi32, #tpu.memory_space<hbm>> -> memref<16x128xi32, #tpu.memory_space<hbm>>
      %dma_wait3A_1042 = arith.constant 16 : i32
      %dma_wait3A_1043 = arith.constant 0 : i32
      %dma_wait3A_1044 = tpu.memref_slice %arg4[%add3A, %dma_wait3A_1042, %dma_wait3A_1043] : memref<16x160x128xi32, #tpu.memory_space<hbm>> -> memref<1x16x128xi32, #tpu.memory_space<hbm>>
      %dma_wait3A_1045 = tpu.memref_squeeze %dma_wait3A_1044 : memref<1x16x128xi32, #tpu.memory_space<hbm>> -> memref<16x128xi32, #tpu.memory_space<hbm>>
      tpu.wait_dma2 semaphore(%run_scoped3A_1029 : memref<!tpu.dma_semaphore, #tpu.memory_space<semaphore_mem>>) src(%dma_wait3A_1045 : memref<16x128xi32, #tpu.memory_space<hbm>>) dst(%arg8 : memref<16x128xi32, #tpu.memory_space<vmem>>)
      tpu.yield
    }) : () -> ()
    %dma_start3A_124 = arith.constant 0 : i32
    %dma_start3A_125 = arith.constant 0 : i32
    %dma_start3A_126 = tpu.memref_slice %arg7[%dma_start3A_124, %dma_start3A_125] : memref<16x128xi32, #tpu.memory_space<vmem>> -> memref<1x128xi32, #tpu.memory_space<vmem>>
    %dma_start3A_127 = tpu.memref_squeeze %dma_start3A_126 : memref<1x128xi32, #tpu.memory_space<vmem>> -> memref<128xi32, #tpu.memory_space<vmem>>
    %dma_start3A_128 = arith.constant 0 : i32
    %dma_start3A_129 = arith.constant 0 : i32
    %dma_start3A_130 = tpu.memref_slice %arg2[%dma_start3A_128, %dma_start3A_129] : memref<10000x128xf32, #tpu.memory_space<hbm>> -> memref<10000x128xf32, #tpu.memory_space<hbm>>
    tpu.enqueue_indirect_dma source(%dma_start3A_130 : memref<10000x128xf32, #tpu.memory_space<hbm>>) target(%arg9 : memref<128x128xf32, #tpu.memory_space<vmem>>) offsets(%dma_start3A_127 : memref<128xi32, #tpu.memory_space<vmem>>) semaphore(%arg13 : memref<!tpu.dma_semaphore, #tpu.memory_space<semaphore_mem>>)
    %dma_start3A_131 = arith.constant 1 : i32
    %dma_start3A_132 = arith.constant 0 : i32
    %dma_start3A_133 = tpu.memref_slice %arg7[%dma_start3A_131, %dma_start3A_132] : memref<16x128xi32, #tpu.memory_space<vmem>> -> memref<1x128xi32, #tpu.memory_space<vmem>>
    %dma_start3A_134 = tpu.memref_squeeze %dma_start3A_133 : memref<1x128xi32, #tpu.memory_space<vmem>> -> memref<128xi32, #tpu.memory_space<vmem>>
    %dma_start3A_135 = arith.constant 0 : i32
    %dma_start3A_136 = arith.constant 0 : i32
    %dma_start3A_137 = tpu.memref_slice %arg2[%dma_start3A_135, %dma_start3A_136] : memref<10000x128xf32, #tpu.memory_space<hbm>> -> memref<10000x128xf32, #tpu.memory_space<hbm>>
    tpu.enqueue_indirect_dma source(%dma_start3A_137 : memref<10000x128xf32, #tpu.memory_space<hbm>>) target(%arg10 : memref<128x128xf32, #tpu.memory_space<vmem>>) offsets(%dma_start3A_134 : memref<128xi32, #tpu.memory_space<vmem>>) semaphore(%arg14 : memref<!tpu.dma_semaphore, #tpu.memory_space<semaphore_mem>>)
    %scan3A_138 = arith.constant 0 : i32
    %scan3A_139 = arith.constant 0 : i32
    %scan3A_140 = arith.constant 7 : i32
    %scan3A_141 = arith.addi %scan3A_139, %scan3A_140 : i32
    %scan3A_142 = arith.constant 1 : i32
    scf.for %scan3A_1029 = %scan3A_139 to %scan3A_141 step %scan3A_142  : i32 {
      %mul3A_1030 = arith.constant 2 : i32
      %mul3A_1031 = arith.muli %scan3A_1029, %mul3A_1030 : i32
      %add3A_1032 = arith.constant 0 : i32
      %add3A_1033 = arith.addi %mul3A_1031, %add3A_1032 : i32
      %dma_wait3A_1034 = arith.constant 0 : i32
      %dma_wait3A_1035 = tpu.memref_slice %arg7[%add3A_1033, %dma_wait3A_1034] : memref<16x128xi32, #tpu.memory_space<vmem>> -> memref<1x128xi32, #tpu.memory_space<vmem>>
      %dma_wait3A_1036 = tpu.memref_squeeze %dma_wait3A_1035 : memref<1x128xi32, #tpu.memory_space<vmem>> -> memref<128xi32, #tpu.memory_space<vmem>>
      %dma_wait3A_1037 = arith.constant 0 : i32
      %dma_wait3A_1038 = arith.constant 0 : i32
      %dma_wait3A_1039 = tpu.memref_slice %arg2[%dma_wait3A_1037, %dma_wait3A_1038] : memref<10000x128xf32, #tpu.memory_space<hbm>> -> memref<10000x128xf32, #tpu.memory_space<hbm>>
      tpu.wait_indirect_dma semaphore(%arg13 : memref<!tpu.dma_semaphore, #tpu.memory_space<semaphore_mem>>) src(%dma_wait3A_1039 : memref<10000x128xf32, #tpu.memory_space<hbm>>) dst(%arg9 : memref<128x128xf32, #tpu.memory_space<vmem>>)
      "tpu.region"() ({
        %run_scoped3A_1114 = tpu.sem_alloc : memref<!tpu.dma_semaphore, #tpu.memory_space<semaphore_mem>>
        %dma_start3A_1115 = arith.constant 0 : i32
        %dma_start3A_1116 = tpu.memref_slice %arg8[%add3A_1033, %dma_start3A_1115] : memref<16x128xi32, #tpu.memory_space<vmem>> -> memref<1x128xi32, #tpu.memory_space<vmem>>
        %dma_start3A_1117 = tpu.memref_squeeze %dma_start3A_1116 : memref<1x128xi32, #tpu.memory_space<vmem>> -> memref<128xi32, #tpu.memory_space<vmem>>
        %dma_start3A_1118 = arith.constant 0 : i32
        %dma_start3A_1119 = arith.constant 0 : i32
        %dma_start3A_1120 = tpu.memref_slice %arg12[%dma_start3A_1118, %dma_start3A_1119] : memref<10112x128xf32, #tpu.memory_space<vmem_shared>> -> memref<10112x128xf32, #tpu.memory_space<vmem_shared>>
        tpu.enqueue_indirect_dma source(%arg9 : memref<128x128xf32, #tpu.memory_space<vmem>>) target(%dma_start3A_1120 : memref<10112x128xf32, #tpu.memory_space<vmem_shared>>) offsets(%dma_start3A_1117 : memref<128xi32, #tpu.memory_space<vmem>>) semaphore(%run_scoped3A_1114 : memref<!tpu.dma_semaphore, #tpu.memory_space<semaphore_mem>>) {add = true}
        %dma_wait3A_1121 = arith.constant 0 : i32
        %dma_wait3A_1122 = tpu.memref_slice %arg8[%add3A_1033, %dma_wait3A_1121] : memref<16x128xi32, #tpu.memory_space<vmem>> -> memref<1x128xi32, #tpu.memory_space<vmem>>
        %dma_wait3A_1123 = tpu.memref_squeeze %dma_wait3A_1122 : memref<1x128xi32, #tpu.memory_space<vmem>> -> memref<128xi32, #tpu.memory_space<vmem>>
        %dma_wait3A_1124 = arith.constant 0 : i32
        %dma_wait3A_1125 = arith.constant 0 : i32
        %dma_wait3A_1126 = tpu.memref_slice %arg12[%dma_wait3A_1124, %dma_wait3A_1125] : memref<10112x128xf32, #tpu.memory_space<vmem_shared>> -> memref<10112x128xf32, #tpu.memory_space<vmem_shared>>
        tpu.wait_indirect_dma semaphore(%run_scoped3A_1114 : memref<!tpu.dma_semaphore, #tpu.memory_space<semaphore_mem>>) src(%arg9 : memref<128x128xf32, #tpu.memory_space<vmem>>) dst(%dma_wait3A_1126 : memref<10112x128xf32, #tpu.memory_space<vmem_shared>>)
        tpu.yield
      }) : () -> ()
      %add3A_1040 = arith.constant 2 : i32
      %add3A_1041 = arith.addi %add3A_1033, %add3A_1040 : i32
      %dma_start3A_1042 = arith.constant 0 : i32
      %dma_start3A_1043 = tpu.memref_slice %arg7[%add3A_1041, %dma_start3A_1042] : memref<16x128xi32, #tpu.memory_space<vmem>> -> memref<1x128xi32, #tpu.memory_space<vmem>>
      %dma_start3A_1044 = tpu.memref_squeeze %dma_start3A_1043 : memref<1x128xi32, #tpu.memory_space<vmem>> -> memref<128xi32, #tpu.memory_space<vmem>>
      %dma_start3A_1045 = arith.constant 0 : i32
      %dma_start3A_1046 = arith.constant 0 : i32
      %dma_start3A_1047 = tpu.memref_slice %arg2[%dma_start3A_1045, %dma_start3A_1046] : memref<10000x128xf32, #tpu.memory_space<hbm>> -> memref<10000x128xf32, #tpu.memory_space<hbm>>
      tpu.enqueue_indirect_dma source(%dma_start3A_1047 : memref<10000x128xf32, #tpu.memory_space<hbm>>) target(%arg9 : memref<128x128xf32, #tpu.memory_space<vmem>>) offsets(%dma_start3A_1044 : memref<128xi32, #tpu.memory_space<vmem>>) semaphore(%arg13 : memref<!tpu.dma_semaphore, #tpu.memory_space<semaphore_mem>>)
      %get3A_1048 = arith.index_cast %add3A_1033 : i32 to index
      %get3A_1049 = arith.constant 0 : index
      %get3A_1050 = tpu.vector_load %arg8[%get3A_1048, %get3A_1049] {strides = array<i32>} : memref<16x128xi32, #tpu.memory_space<vmem>>, vector<16xi32>,
      tpu.vector_store_idx %arg11[%get3A_1050], %broadcast_in_dim3A_1 {add = true} : memref<10112xf32, #tpu.memory_space<vmem>>[vector<16xi32>], vector<16xf32>,
      %get3A_1051 = arith.index_cast %add3A_1033 : i32 to index
      %get3A_1052 = arith.constant 16 : index
      %get3A_1053 = tpu.vector_load %arg8[%get3A_1051, %get3A_1052] {strides = array<i32>} : memref<16x128xi32, #tpu.memory_space<vmem>>, vector<16xi32>,
      tpu.vector_store_idx %arg11[%get3A_1053], %broadcast_in_dim3A_1 {add = true} : memref<10112xf32, #tpu.memory_space<vmem>>[vector<16xi32>], vector<16xf32>,
      %get3A_1054 = arith.index_cast %add3A_1033 : i32 to index
      %get3A_1055 = arith.constant 32 : index
      %get3A_1056 = tpu.vector_load %arg8[%get3A_1054, %get3A_1055] {strides = array<i32>} : memref<16x128xi32, #tpu.memory_space<vmem>>, vector<16xi32>,
      tpu.vector_store_idx %arg11[%get3A_1056], %broadcast_in_dim3A_1 {add = true} : memref<10112xf32, #tpu.memory_space<vmem>>[vector<16xi32>], vector<16xf32>,
      %get3A_1057 = arith.index_cast %add3A_1033 : i32 to index
      %get3A_1058 = arith.constant 48 : index
      %get3A_1059 = tpu.vector_load %arg8[%get3A_1057, %get3A_1058] {strides = array<i32>} : memref<16x128xi32, #tpu.memory_space<vmem>>, vector<16xi32>,
      tpu.vector_store_idx %arg11[%get3A_1059], %broadcast_in_dim3A_1 {add = true} : memref<10112xf32, #tpu.memory_space<vmem>>[vector<16xi32>], vector<16xf32>,
      %get3A_1060 = arith.index_cast %add3A_1033 : i32 to index
      %get3A_1061 = arith.constant 64 : index
      %get3A_1062 = tpu.vector_load %arg8[%get3A_1060, %get3A_1061] {strides = array<i32>} : memref<16x128xi32, #tpu.memory_space<vmem>>, vector<16xi32>,
      tpu.vector_store_idx %arg11[%get3A_1062], %broadcast_in_dim3A_1 {add = true} : memref<10112xf32, #tpu.memory_space<vmem>>[vector<16xi32>], vector<16xf32>,
      %get3A_1063 = arith.index_cast %add3A_1033 : i32 to index
      %get3A_1064 = arith.constant 80 : index
      %get3A_1065 = tpu.vector_load %arg8[%get3A_1063, %get3A_1064] {strides = array<i32>} : memref<16x128xi32, #tpu.memory_space<vmem>>, vector<16xi32>,
      tpu.vector_store_idx %arg11[%get3A_1065], %broadcast_in_dim3A_1 {add = true} : memref<10112xf32, #tpu.memory_space<vmem>>[vector<16xi32>], vector<16xf32>,
      %get3A_1066 = arith.index_cast %add3A_1033 : i32 to index
      %get3A_1067 = arith.constant 96 : index
      %get3A_1068 = tpu.vector_load %arg8[%get3A_1066, %get3A_1067] {strides = array<i32>} : memref<16x128xi32, #tpu.memory_space<vmem>>, vector<16xi32>,
      tpu.vector_store_idx %arg11[%get3A_1068], %broadcast_in_dim3A_1 {add = true} : memref<10112xf32, #tpu.memory_space<vmem>>[vector<16xi32>], vector<16xf32>,
      %get3A_1069 = arith.index_cast %add3A_1033 : i32 to index
      %get3A_1070 = arith.constant 112 : index
      %get3A_1071 = tpu.vector_load %arg8[%get3A_1069, %get3A_1070] {strides = array<i32>} : memref<16x128xi32, #tpu.memory_space<vmem>>, vector<16xi32>,
      tpu.vector_store_idx %arg11[%get3A_1071], %broadcast_in_dim3A_1 {add = true} : memref<10112xf32, #tpu.memory_space<vmem>>[vector<16xi32>], vector<16xf32>,
      %mul3A_1072 = arith.constant 2 : i32
      %mul3A_1073 = arith.muli %scan3A_1029, %mul3A_1072 : i32
      %add3A_1074 = arith.constant 1 : i32
      %add3A_1075 = arith.addi %mul3A_1073, %add3A_1074 : i32
      %dma_wait3A_1076 = arith.constant 0 : i32
      %dma_wait3A_1077 = tpu.memref_slice %arg7[%add3A_1075, %dma_wait3A_1076] : memref<16x128xi32, #tpu.memory_space<vmem>> -> memref<1x128xi32, #tpu.memory_space<vmem>>
      %dma_wait3A_1078 = tpu.memref_squeeze %dma_wait3A_1077 : memref<1x128xi32, #tpu.memory_space<vmem>> -> memref<128xi32, #tpu.memory_space<vmem>>
      %dma_wait3A_1079 = arith.constant 0 : i32
      %dma_wait3A_1080 = arith.constant 0 : i32
      %dma_wait3A_1081 = tpu.memref_slice %arg2[%dma_wait3A_1079, %dma_wait3A_1080] : memref<10000x128xf32, #tpu.memory_space<hbm>> -> memref<10000x128xf32, #tpu.memory_space<hbm>>
      tpu.wait_indirect_dma semaphore(%arg14 : memref<!tpu.dma_semaphore, #tpu.memory_space<semaphore_mem>>) src(%dma_wait3A_1081 : memref<10000x128xf32, #tpu.memory_space<hbm>>) dst(%arg10 : memref<128x128xf32, #tpu.memory_space<vmem>>)
      "tpu.region"() ({
        %run_scoped3A_1114 = tpu.sem_alloc : memref<!tpu.dma_semaphore, #tpu.memory_space<semaphore_mem>>
        %dma_start3A_1115 = arith.constant 0 : i32
        %dma_start3A_1116 = tpu.memref_slice %arg8[%add3A_1075, %dma_start3A_1115] : memref<16x128xi32, #tpu.memory_space<vmem>> -> memref<1x128xi32, #tpu.memory_space<vmem>>
        %dma_start3A_1117 = tpu.memref_squeeze %dma_start3A_1116 : memref<1x128xi32, #tpu.memory_space<vmem>> -> memref<128xi32, #tpu.memory_space<vmem>>
        %dma_start3A_1118 = arith.constant 0 : i32
        %dma_start3A_1119 = arith.constant 0 : i32
        %dma_start3A_1120 = tpu.memref_slice %arg12[%dma_start3A_1118, %dma_start3A_1119] : memref<10112x128xf32, #tpu.memory_space<vmem_shared>> -> memref<10112x128xf32, #tpu.memory_space<vmem_shared>>
        tpu.enqueue_indirect_dma source(%arg10 : memref<128x128xf32, #tpu.memory_space<vmem>>) target(%dma_start3A_1120 : memref<10112x128xf32, #tpu.memory_space<vmem_shared>>) offsets(%dma_start3A_1117 : memref<128xi32, #tpu.memory_space<vmem>>) semaphore(%run_scoped3A_1114 : memref<!tpu.dma_semaphore, #tpu.memory_space<semaphore_mem>>) {add = true}
        %dma_wait3A_1121 = arith.constant 0 : i32
        %dma_wait3A_1122 = tpu.memref_slice %arg8[%add3A_1075, %dma_wait3A_1121] : memref<16x128xi32, #tpu.memory_space<vmem>> -> memref<1x128xi32, #tpu.memory_space<vmem>>
        %dma_wait3A_1123 = tpu.memref_squeeze %dma_wait3A_1122 : memref<1x128xi32, #tpu.memory_space<vmem>> -> memref<128xi32, #tpu.memory_space<vmem>>
        %dma_wait3A_1124 = arith.constant 0 : i32
        %dma_wait3A_1125 = arith.constant 0 : i32
        %dma_wait3A_1126 = tpu.memref_slice %arg12[%dma_wait3A_1124, %dma_wait3A_1125] : memref<10112x128xf32, #tpu.memory_space<vmem_shared>> -> memref<10112x128xf32, #tpu.memory_space<vmem_shared>>
        tpu.wait_indirect_dma semaphore(%run_scoped3A_1114 : memref<!tpu.dma_semaphore, #tpu.memory_space<semaphore_mem>>) src(%arg10 : memref<128x128xf32, #tpu.memory_space<vmem>>) dst(%dma_wait3A_1126 : memref<10112x128xf32, #tpu.memory_space<vmem_shared>>)
        tpu.yield
      }) : () -> ()
      %add3A_1082 = arith.constant 2 : i32
      %add3A_1083 = arith.addi %add3A_1075, %add3A_1082 : i32
      %dma_start3A_1084 = arith.constant 0 : i32
      %dma_start3A_1085 = tpu.memref_slice %arg7[%add3A_1083, %dma_start3A_1084] : memref<16x128xi32, #tpu.memory_space<vmem>> -> memref<1x128xi32, #tpu.memory_space<vmem>>
      %dma_start3A_1086 = tpu.memref_squeeze %dma_start3A_1085 : memref<1x128xi32, #tpu.memory_space<vmem>> -> memref<128xi32, #tpu.memory_space<vmem>>
      %dma_start3A_1087 = arith.constant 0 : i32
      %dma_start3A_1088 = arith.constant 0 : i32
      %dma_start3A_1089 = tpu.memref_slice %arg2[%dma_start3A_1087, %dma_start3A_1088] : memref<10000x128xf32, #tpu.memory_space<hbm>> -> memref<10000x128xf32, #tpu.memory_space<hbm>>
      tpu.enqueue_indirect_dma source(%dma_start3A_1089 : memref<10000x128xf32, #tpu.memory_space<hbm>>) target(%arg10 : memref<128x128xf32, #tpu.memory_space<vmem>>) offsets(%dma_start3A_1086 : memref<128xi32, #tpu.memory_space<vmem>>) semaphore(%arg14 : memref<!tpu.dma_semaphore, #tpu.memory_space<semaphore_mem>>)
      %get3A_1090 = arith.index_cast %add3A_1075 : i32 to index
      %get3A_1091 = arith.constant 0 : index
      %get3A_1092 = tpu.vector_load %arg8[%get3A_1090, %get3A_1091] {strides = array<i32>} : memref<16x128xi32, #tpu.memory_space<vmem>>, vector<16xi32>,
      tpu.vector_store_idx %arg11[%get3A_1092], %broadcast_in_dim3A_1 {add = true} : memref<10112xf32, #tpu.memory_space<vmem>>[vector<16xi32>], vector<16xf32>,
      %get3A_1093 = arith.index_cast %add3A_1075 : i32 to index
      %get3A_1094 = arith.constant 16 : index
      %get3A_1095 = tpu.vector_load %arg8[%get3A_1093, %get3A_1094] {strides = array<i32>} : memref<16x128xi32, #tpu.memory_space<vmem>>, vector<16xi32>,
      tpu.vector_store_idx %arg11[%get3A_1095], %broadcast_in_dim3A_1 {add = true} : memref<10112xf32, #tpu.memory_space<vmem>>[vector<16xi32>], vector<16xf32>,
      %get3A_1096 = arith.index_cast %add3A_1075 : i32 to index
      %get3A_1097 = arith.constant 32 : index
      %get3A_1098 = tpu.vector_load %arg8[%get3A_1096, %get3A_1097] {strides = array<i32>} : memref<16x128xi32, #tpu.memory_space<vmem>>, vector<16xi32>,
      tpu.vector_store_idx %arg11[%get3A_1098], %broadcast_in_dim3A_1 {add = true} : memref<10112xf32, #tpu.memory_space<vmem>>[vector<16xi32>], vector<16xf32>,
      %get3A_1099 = arith.index_cast %add3A_1075 : i32 to index
      %get3A_1100 = arith.constant 48 : index
      %get3A_1101 = tpu.vector_load %arg8[%get3A_1099, %get3A_1100] {strides = array<i32>} : memref<16x128xi32, #tpu.memory_space<vmem>>, vector<16xi32>,
      tpu.vector_store_idx %arg11[%get3A_1101], %broadcast_in_dim3A_1 {add = true} : memref<10112xf32, #tpu.memory_space<vmem>>[vector<16xi32>], vector<16xf32>,
      %get3A_1102 = arith.index_cast %add3A_1075 : i32 to index
      %get3A_1103 = arith.constant 64 : index
      %get3A_1104 = tpu.vector_load %arg8[%get3A_1102, %get3A_1103] {strides = array<i32>} : memref<16x128xi32, #tpu.memory_space<vmem>>, vector<16xi32>,
      tpu.vector_store_idx %arg11[%get3A_1104], %broadcast_in_dim3A_1 {add = true} : memref<10112xf32, #tpu.memory_space<vmem>>[vector<16xi32>], vector<16xf32>,
      %get3A_1105 = arith.index_cast %add3A_1075 : i32 to index
      %get3A_1106 = arith.constant 80 : index
      %get3A_1107 = tpu.vector_load %arg8[%get3A_1105, %get3A_1106] {strides = array<i32>} : memref<16x128xi32, #tpu.memory_space<vmem>>, vector<16xi32>,
      tpu.vector_store_idx %arg11[%get3A_1107], %broadcast_in_dim3A_1 {add = true} : memref<10112xf32, #tpu.memory_space<vmem>>[vector<16xi32>], vector<16xf32>,
      %get3A_1108 = arith.index_cast %add3A_1075 : i32 to index
      %get3A_1109 = arith.constant 96 : index
      %get3A_1110 = tpu.vector_load %arg8[%get3A_1108, %get3A_1109] {strides = array<i32>} : memref<16x128xi32, #tpu.memory_space<vmem>>, vector<16xi32>,
      tpu.vector_store_idx %arg11[%get3A_1110], %broadcast_in_dim3A_1 {add = true} : memref<10112xf32, #tpu.memory_space<vmem>>[vector<16xi32>], vector<16xf32>,
      %get3A_1111 = arith.index_cast %add3A_1075 : i32 to index
      %get3A_1112 = arith.constant 112 : index
      %get3A_1113 = tpu.vector_load %arg8[%get3A_1111, %get3A_1112] {strides = array<i32>} : memref<16x128xi32, #tpu.memory_space<vmem>>, vector<16xi32>,
      tpu.vector_store_idx %arg11[%get3A_1113], %broadcast_in_dim3A_1 {add = true} : memref<10112xf32, #tpu.memory_space<vmem>>[vector<16xi32>], vector<16xf32>,
    }
    %scan3A_143 = arith.constant 7 : i32
    %dma_wait3A_144 = arith.constant 14 : i32
    %dma_wait3A_145 = arith.constant 0 : i32
    %dma_wait3A_146 = tpu.memref_slice %arg7[%dma_wait3A_144, %dma_wait3A_145] : memref<16x128xi32, #tpu.memory_space<vmem>> -> memref<1x128xi32, #tpu.memory_space<vmem>>
    %dma_wait3A_147 = tpu.memref_squeeze %dma_wait3A_146 : memref<1x128xi32, #tpu.memory_space<vmem>> -> memref<128xi32, #tpu.memory_space<vmem>>
    %dma_wait3A_148 = arith.constant 0 : i32
    %dma_wait3A_149 = arith.constant 0 : i32
    %dma_wait3A_150 = tpu.memref_slice %arg2[%dma_wait3A_148, %dma_wait3A_149] : memref<10000x128xf32, #tpu.memory_space<hbm>> -> memref<10000x128xf32, #tpu.memory_space<hbm>>
    tpu.wait_indirect_dma semaphore(%arg13 : memref<!tpu.dma_semaphore, #tpu.memory_space<semaphore_mem>>) src(%dma_wait3A_150 : memref<10000x128xf32, #tpu.memory_space<hbm>>) dst(%arg9 : memref<128x128xf32, #tpu.memory_space<vmem>>)
    %run_scoped3A_151 = arith.constant 14 : i32
    "tpu.region"() ({
      %run_scoped3A_1029 = tpu.sem_alloc : memref<!tpu.dma_semaphore, #tpu.memory_space<semaphore_mem>>
      %dma_start3A_1030 = arith.constant 0 : i32
      %dma_start3A_1031 = tpu.memref_slice %arg8[%run_scoped3A_151, %dma_start3A_1030] : memref<16x128xi32, #tpu.memory_space<vmem>> -> memref<1x128xi32, #tpu.memory_space<vmem>>
      %dma_start3A_1032 = tpu.memref_squeeze %dma_start3A_1031 : memref<1x128xi32, #tpu.memory_space<vmem>> -> memref<128xi32, #tpu.memory_space<vmem>>
      %dma_start3A_1033 = arith.constant 0 : i32
      %dma_start3A_1034 = arith.constant 0 : i32
      %dma_start3A_1035 = tpu.memref_slice %arg12[%dma_start3A_1033, %dma_start3A_1034] : memref<10112x128xf32, #tpu.memory_space<vmem_shared>> -> memref<10112x128xf32, #tpu.memory_space<vmem_shared>>
      tpu.enqueue_indirect_dma source(%arg9 : memref<128x128xf32, #tpu.memory_space<vmem>>) target(%dma_start3A_1035 : memref<10112x128xf32, #tpu.memory_space<vmem_shared>>) offsets(%dma_start3A_1032 : memref<128xi32, #tpu.memory_space<vmem>>) semaphore(%run_scoped3A_1029 : memref<!tpu.dma_semaphore, #tpu.memory_space<semaphore_mem>>) {add = true}
      %dma_wait3A_1036 = arith.constant 0 : i32
      %dma_wait3A_1037 = tpu.memref_slice %arg8[%run_scoped3A_151, %dma_wait3A_1036] : memref<16x128xi32, #tpu.memory_space<vmem>> -> memref<1x128xi32, #tpu.memory_space<vmem>>
      %dma_wait3A_1038 = tpu.memref_squeeze %dma_wait3A_1037 : memref<1x128xi32, #tpu.memory_space<vmem>> -> memref<128xi32, #tpu.memory_space<vmem>>
      %dma_wait3A_1039 = arith.constant 0 : i32
      %dma_wait3A_1040 = arith.constant 0 : i32
      %dma_wait3A_1041 = tpu.memref_slice %arg12[%dma_wait3A_1039, %dma_wait3A_1040] : memref<10112x128xf32, #tpu.memory_space<vmem_shared>> -> memref<10112x128xf32, #tpu.memory_space<vmem_shared>>
      tpu.wait_indirect_dma semaphore(%run_scoped3A_1029 : memref<!tpu.dma_semaphore, #tpu.memory_space<semaphore_mem>>) src(%arg9 : memref<128x128xf32, #tpu.memory_space<vmem>>) dst(%dma_wait3A_1041 : memref<10112x128xf32, #tpu.memory_space<vmem_shared>>)
      tpu.yield
    }) : () -> ()
    %get3A_152 = arith.constant 14 : i32
    %get3A_153 = arith.index_cast %get3A_152 : i32 to index
    %get3A_154 = arith.constant 0 : index
    %get3A_155 = tpu.vector_load %arg8[%get3A_153, %get3A_154] {strides = array<i32>} : memref<16x128xi32, #tpu.memory_space<vmem>>, vector<16xi32>,
    tpu.vector_store_idx %arg11[%get3A_155], %broadcast_in_dim3A_1 {add = true} : memref<10112xf32, #tpu.memory_space<vmem>>[vector<16xi32>], vector<16xf32>,
    %get3A_156 = arith.constant 14 : i32
    %get3A_157 = arith.index_cast %get3A_156 : i32 to index
    %get3A_158 = arith.constant 16 : index
    %get3A_159 = tpu.vector_load %arg8[%get3A_157, %get3A_158] {strides = array<i32>} : memref<16x128xi32, #tpu.memory_space<vmem>>, vector<16xi32>,
    tpu.vector_store_idx %arg11[%get3A_159], %broadcast_in_dim3A_1 {add = true} : memref<10112xf32, #tpu.memory_space<vmem>>[vector<16xi32>], vector<16xf32>,
    %get3A_160 = arith.constant 14 : i32
    %get3A_161 = arith.index_cast %get3A_160 : i32 to index
    %get3A_162 = arith.constant 32 : index
    %get3A_163 = tpu.vector_load %arg8[%get3A_161, %get3A_162] {strides = array<i32>} : memref<16x128xi32, #tpu.memory_space<vmem>>, vector<16xi32>,
    tpu.vector_store_idx %arg11[%get3A_163], %broadcast_in_dim3A_1 {add = true} : memref<10112xf32, #tpu.memory_space<vmem>>[vector<16xi32>], vector<16xf32>,
    %get3A_164 = arith.constant 14 : i32
    %get3A_165 = arith.index_cast %get3A_164 : i32 to index
    %get3A_166 = arith.constant 48 : index
    %get3A_167 = tpu.vector_load %arg8[%get3A_165, %get3A_166] {strides = array<i32>} : memref<16x128xi32, #tpu.memory_space<vmem>>, vector<16xi32>,
    tpu.vector_store_idx %arg11[%get3A_167], %broadcast_in_dim3A_1 {add = true} : memref<10112xf32, #tpu.memory_space<vmem>>[vector<16xi32>], vector<16xf32>,
    %get3A_168 = arith.constant 14 : i32
    %get3A_169 = arith.index_cast %get3A_168 : i32 to index
    %get3A_170 = arith.constant 64 : index
    %get3A_171 = tpu.vector_load %arg8[%get3A_169, %get3A_170] {strides = array<i32>} : memref<16x128xi32, #tpu.memory_space<vmem>>, vector<16xi32>,
    tpu.vector_store_idx %arg11[%get3A_171], %broadcast_in_dim3A_1 {add = true} : memref<10112xf32, #tpu.memory_space<vmem>>[vector<16xi32>], vector<16xf32>,
    %get3A_172 = arith.constant 14 : i32
    %get3A_173 = arith.index_cast %get3A_172 : i32 to index
    %get3A_174 = arith.constant 80 : index
    %get3A_175 = tpu.vector_load %arg8[%get3A_173, %get3A_174] {strides = array<i32>} : memref<16x128xi32, #tpu.memory_space<vmem>>, vector<16xi32>,
    tpu.vector_store_idx %arg11[%get3A_175], %broadcast_in_dim3A_1 {add = true} : memref<10112xf32, #tpu.memory_space<vmem>>[vector<16xi32>], vector<16xf32>,
    %get3A_176 = arith.constant 14 : i32
    %get3A_177 = arith.index_cast %get3A_176 : i32 to index
    %get3A_178 = arith.constant 96 : index
    %get3A_179 = tpu.vector_load %arg8[%get3A_177, %get3A_178] {strides = array<i32>} : memref<16x128xi32, #tpu.memory_space<vmem>>, vector<16xi32>,
    tpu.vector_store_idx %arg11[%get3A_179], %broadcast_in_dim3A_1 {add = true} : memref<10112xf32, #tpu.memory_space<vmem>>[vector<16xi32>], vector<16xf32>,
    %get3A_180 = arith.constant 14 : i32
    %get3A_181 = arith.index_cast %get3A_180 : i32 to index
    %get3A_182 = arith.constant 112 : index
    %get3A_183 = tpu.vector_load %arg8[%get3A_181, %get3A_182] {strides = array<i32>} : memref<16x128xi32, #tpu.memory_space<vmem>>, vector<16xi32>,
    tpu.vector_store_idx %arg11[%get3A_183], %broadcast_in_dim3A_1 {add = true} : memref<10112xf32, #tpu.memory_space<vmem>>[vector<16xi32>], vector<16xf32>,
    %dma_wait3A_184 = arith.constant 15 : i32
    %dma_wait3A_185 = arith.constant 0 : i32
    %dma_wait3A_186 = tpu.memref_slice %arg7[%dma_wait3A_184, %dma_wait3A_185] : memref<16x128xi32, #tpu.memory_space<vmem>> -> memref<1x128xi32, #tpu.memory_space<vmem>>
    %dma_wait3A_187 = tpu.memref_squeeze %dma_wait3A_186 : memref<1x128xi32, #tpu.memory_space<vmem>> -> memref<128xi32, #tpu.memory_space<vmem>>
    %dma_wait3A_188 = arith.constant 0 : i32
    %dma_wait3A_189 = arith.constant 0 : i32
    %dma_wait3A_190 = tpu.memref_slice %arg2[%dma_wait3A_188, %dma_wait3A_189] : memref<10000x128xf32, #tpu.memory_space<hbm>> -> memref<10000x128xf32, #tpu.memory_space<hbm>>
    tpu.wait_indirect_dma semaphore(%arg14 : memref<!tpu.dma_semaphore, #tpu.memory_space<semaphore_mem>>) src(%dma_wait3A_190 : memref<10000x128xf32, #tpu.memory_space<hbm>>) dst(%arg10 : memref<128x128xf32, #tpu.memory_space<vmem>>)
    %run_scoped3A_191 = arith.constant 15 : i32
    "tpu.region"() ({
      %run_scoped3A_1029 = tpu.sem_alloc : memref<!tpu.dma_semaphore, #tpu.memory_space<semaphore_mem>>
      %dma_start3A_1030 = arith.constant 0 : i32
      %dma_start3A_1031 = tpu.memref_slice %arg8[%run_scoped3A_191, %dma_start3A_1030] : memref<16x128xi32, #tpu.memory_space<vmem>> -> memref<1x128xi32, #tpu.memory_space<vmem>>
      %dma_start3A_1032 = tpu.memref_squeeze %dma_start3A_1031 : memref<1x128xi32, #tpu.memory_space<vmem>> -> memref<128xi32, #tpu.memory_space<vmem>>
      %dma_start3A_1033 = arith.constant 0 : i32
      %dma_start3A_1034 = arith.constant 0 : i32
      %dma_start3A_1035 = tpu.memref_slice %arg12[%dma_start3A_1033, %dma_start3A_1034] : memref<10112x128xf32, #tpu.memory_space<vmem_shared>> -> memref<10112x128xf32, #tpu.memory_space<vmem_shared>>
      tpu.enqueue_indirect_dma source(%arg10 : memref<128x128xf32, #tpu.memory_space<vmem>>) target(%dma_start3A_1035 : memref<10112x128xf32, #tpu.memory_space<vmem_shared>>) offsets(%dma_start3A_1032 : memref<128xi32, #tpu.memory_space<vmem>>) semaphore(%run_scoped3A_1029 : memref<!tpu.dma_semaphore, #tpu.memory_space<semaphore_mem>>) {add = true}
      %dma_wait3A_1036 = arith.constant 0 : i32
      %dma_wait3A_1037 = tpu.memref_slice %arg8[%run_scoped3A_191, %dma_wait3A_1036] : memref<16x128xi32, #tpu.memory_space<vmem>> -> memref<1x128xi32, #tpu.memory_space<vmem>>
      %dma_wait3A_1038 = tpu.memref_squeeze %dma_wait3A_1037 : memref<1x128xi32, #tpu.memory_space<vmem>> -> memref<128xi32, #tpu.memory_space<vmem>>
      %dma_wait3A_1039 = arith.constant 0 : i32
      %dma_wait3A_1040 = arith.constant 0 : i32
      %dma_wait3A_1041 = tpu.memref_slice %arg12[%dma_wait3A_1039, %dma_wait3A_1040] : memref<10112x128xf32, #tpu.memory_space<vmem_shared>> -> memref<10112x128xf32, #tpu.memory_space<vmem_shared>>
      tpu.wait_indirect_dma semaphore(%run_scoped3A_1029 : memref<!tpu.dma_semaphore, #tpu.memory_space<semaphore_mem>>) src(%arg10 : memref<128x128xf32, #tpu.memory_space<vmem>>) dst(%dma_wait3A_1041 : memref<10112x128xf32, #tpu.memory_space<vmem_shared>>)
      tpu.yield
    }) : () -> ()
    %get3A_192 = arith.constant 15 : i32
    %get3A_193 = arith.index_cast %get3A_192 : i32 to index
    %get3A_194 = arith.constant 0 : index
    %get3A_195 = tpu.vector_load %arg8[%get3A_193, %get3A_194] {strides = array<i32>} : memref<16x128xi32, #tpu.memory_space<vmem>>, vector<16xi32>,
    tpu.vector_store_idx %arg11[%get3A_195], %broadcast_in_dim3A_1 {add = true} : memref<10112xf32, #tpu.memory_space<vmem>>[vector<16xi32>], vector<16xf32>,
    %get3A_196 = arith.constant 15 : i32
    %get3A_197 = arith.index_cast %get3A_196 : i32 to index
    %get3A_198 = arith.constant 16 : index
    %get3A_199 = tpu.vector_load %arg8[%get3A_197, %get3A_198] {strides = array<i32>} : memref<16x128xi32, #tpu.memory_space<vmem>>, vector<16xi32>,
    tpu.vector_store_idx %arg11[%get3A_199], %broadcast_in_dim3A_1 {add = true} : memref<10112xf32, #tpu.memory_space<vmem>>[vector<16xi32>], vector<16xf32>,
    %get3A_200 = arith.constant 15 : i32
    %get3A_201 = arith.index_cast %get3A_200 : i32 to index
    %get3A_202 = arith.constant 32 : index
    %get3A_203 = tpu.vector_load %arg8[%get3A_201, %get3A_202] {strides = array<i32>} : memref<16x128xi32, #tpu.memory_space<vmem>>, vector<16xi32>,
    tpu.vector_store_idx %arg11[%get3A_203], %broadcast_in_dim3A_1 {add = true} : memref<10112xf32, #tpu.memory_space<vmem>>[vector<16xi32>], vector<16xf32>,
    %get3A_204 = arith.constant 15 : i32
    %get3A_205 = arith.index_cast %get3A_204 : i32 to index
    %get3A_206 = arith.constant 48 : index
    %get3A_207 = tpu.vector_load %arg8[%get3A_205, %get3A_206] {strides = array<i32>} : memref<16x128xi32, #tpu.memory_space<vmem>>, vector<16xi32>,
    tpu.vector_store_idx %arg11[%get3A_207], %broadcast_in_dim3A_1 {add = true} : memref<10112xf32, #tpu.memory_space<vmem>>[vector<16xi32>], vector<16xf32>,
    %get3A_208 = arith.constant 15 : i32
    %get3A_209 = arith.index_cast %get3A_208 : i32 to index
    %get3A_210 = arith.constant 64 : index
    %get3A_211 = tpu.vector_load %arg8[%get3A_209, %get3A_210] {strides = array<i32>} : memref<16x128xi32, #tpu.memory_space<vmem>>, vector<16xi32>,
    tpu.vector_store_idx %arg11[%get3A_211], %broadcast_in_dim3A_1 {add = true} : memref<10112xf32, #tpu.memory_space<vmem>>[vector<16xi32>], vector<16xf32>,
    %get3A_212 = arith.constant 15 : i32
    %get3A_213 = arith.index_cast %get3A_212 : i32 to index
    %get3A_214 = arith.constant 80 : index
    %get3A_215 = tpu.vector_load %arg8[%get3A_213, %get3A_214] {strides = array<i32>} : memref<16x128xi32, #tpu.memory_space<vmem>>, vector<16xi32>,
    tpu.vector_store_idx %arg11[%get3A_215], %broadcast_in_dim3A_1 {add = true} : memref<10112xf32, #tpu.memory_space<vmem>>[vector<16xi32>], vector<16xf32>,
    %get3A_216 = arith.constant 15 : i32
    %get3A_217 = arith.index_cast %get3A_216 : i32 to index
    %get3A_218 = arith.constant 96 : index
    %get3A_219 = tpu.vector_load %arg8[%get3A_217, %get3A_218] {strides = array<i32>} : memref<16x128xi32, #tpu.memory_space<vmem>>, vector<16xi32>,
    tpu.vector_store_idx %arg11[%get3A_219], %broadcast_in_dim3A_1 {add = true} : memref<10112xf32, #tpu.memory_space<vmem>>[vector<16xi32>], vector<16xf32>,
    %get3A_220 = arith.constant 15 : i32
    %get3A_221 = arith.index_cast %get3A_220 : i32 to index
    %get3A_222 = arith.constant 112 : index
    %get3A_223 = tpu.vector_load %arg8[%get3A_221, %get3A_222] {strides = array<i32>} : memref<16x128xi32, #tpu.memory_space<vmem>>, vector<16xi32>,
    tpu.vector_store_idx %arg11[%get3A_223], %broadcast_in_dim3A_1 {add = true} : memref<10112xf32, #tpu.memory_space<vmem>>[vector<16xi32>], vector<16xf32>,
    "tpu.region"() ({
      %run_scoped3A_1029 = tpu.sem_alloc : memref<!tpu.dma_semaphore, #tpu.memory_space<semaphore_mem>>
      %dma_start3A_1030 = arith.constant 32 : i32
      %dma_start3A_1031 = arith.constant 0 : i32
      %dma_start3A_1032 = tpu.memref_slice %arg3[%add3A, %dma_start3A_1030, %dma_start3A_1031] : memref<16x160x128xi32, #tpu.memory_space<hbm>> -> memref<1x16x128xi32, #tpu.memory_space<hbm>>
      %dma_start3A_1033 = tpu.memref_squeeze %dma_start3A_1032 : memref<1x16x128xi32, #tpu.memory_space<hbm>> -> memref<16x128xi32, #tpu.memory_space<hbm>>
      %dma_start3A_1034 = arith.constant 32 : i32
      %dma_start3A_1035 = arith.constant 0 : i32
      %dma_start3A_1036 = tpu.memref_slice %arg3[%add3A, %dma_start3A_1034, %dma_start3A_1035] : memref<16x160x128xi32, #tpu.memory_space<hbm>> -> memref<1x16x128xi32, #tpu.memory_space<hbm>>
      %dma_start3A_1037 = tpu.memref_squeeze %dma_start3A_1036 : memref<1x16x128xi32, #tpu.memory_space<hbm>> -> memref<16x128xi32, #tpu.memory_space<hbm>>
      tpu.enqueue_dma source(%dma_start3A_1037 : memref<16x128xi32, #tpu.memory_space<hbm>>) target(%arg7 : memref<16x128xi32, #tpu.memory_space<vmem>>) target_semaphore(%run_scoped3A_1029 : memref<!tpu.dma_semaphore, #tpu.memory_space<semaphore_mem>>)
      %dma_wait3A_1038 = arith.constant 32 : i32
      %dma_wait3A_1039 = arith.constant 0 : i32
      %dma_wait3A_1040 = tpu.memref_slice %arg3[%add3A, %dma_wait3A_1038, %dma_wait3A_1039] : memref<16x160x128xi32, #tpu.memory_space<hbm>> -> memref<1x16x128xi32, #tpu.memory_space<hbm>>
      %dma_wait3A_1041 = tpu.memref_squeeze %dma_wait3A_1040 : memref<1x16x128xi32, #tpu.memory_space<hbm>> -> memref<16x128xi32, #tpu.memory_space<hbm>>
      %dma_wait3A_1042 = arith.constant 32 : i32
      %dma_wait3A_1043 = arith.constant 0 : i32
      %dma_wait3A_1044 = tpu.memref_slice %arg3[%add3A, %dma_wait3A_1042, %dma_wait3A_1043] : memref<16x160x128xi32, #tpu.memory_space<hbm>> -> memref<1x16x128xi32, #tpu.memory_space<hbm>>
      %dma_wait3A_1045 = tpu.memref_squeeze %dma_wait3A_1044 : memref<1x16x128xi32, #tpu.memory_space<hbm>> -> memref<16x128xi32, #tpu.memory_space<hbm>>
      tpu.wait_dma2 semaphore(%run_scoped3A_1029 : memref<!tpu.dma_semaphore, #tpu.memory_space<semaphore_mem>>) src(%dma_wait3A_1045 : memref<16x128xi32, #tpu.memory_space<hbm>>) dst(%arg7 : memref<16x128xi32, #tpu.memory_space<vmem>>)
      tpu.yield
    }) : () -> ()
    "tpu.region"() ({
      %run_scoped3A_1029 = tpu.sem_alloc : memref<!tpu.dma_semaphore, #tpu.memory_space<semaphore_mem>>
      %dma_start3A_1030 = arith.constant 32 : i32
      %dma_start3A_1031 = arith.constant 0 : i32
      %dma_start3A_1032 = tpu.memref_slice %arg4[%add3A, %dma_start3A_1030, %dma_start3A_1031] : memref<16x160x128xi32, #tpu.memory_space<hbm>> -> memref<1x16x128xi32, #tpu.memory_space<hbm>>
      %dma_start3A_1033 = tpu.memref_squeeze %dma_start3A_1032 : memref<1x16x128xi32, #tpu.memory_space<hbm>> -> memref<16x128xi32, #tpu.memory_space<hbm>>
      %dma_start3A_1034 = arith.constant 32 : i32
      %dma_start3A_1035 = arith.constant 0 : i32
      %dma_start3A_1036 = tpu.memref_slice %arg4[%add3A, %dma_start3A_1034, %dma_start3A_1035] : memref<16x160x128xi32, #tpu.memory_space<hbm>> -> memref<1x16x128xi32, #tpu.memory_space<hbm>>
      %dma_start3A_1037 = tpu.memref_squeeze %dma_start3A_1036 : memref<1x16x128xi32, #tpu.memory_space<hbm>> -> memref<16x128xi32, #tpu.memory_space<hbm>>
      tpu.enqueue_dma source(%dma_start3A_1037 : memref<16x128xi32, #tpu.memory_space<hbm>>) target(%arg8 : memref<16x128xi32, #tpu.memory_space<vmem>>) target_semaphore(%run_scoped3A_1029 : memref<!tpu.dma_semaphore, #tpu.memory_space<semaphore_mem>>)
      %dma_wait3A_1038 = arith.constant 32 : i32
      %dma_wait3A_1039 = arith.constant 0 : i32
      %dma_wait3A_1040 = tpu.memref_slice %arg4[%add3A, %dma_wait3A_1038, %dma_wait3A_1039] : memref<16x160x128xi32, #tpu.memory_space<hbm>> -> memref<1x16x128xi32, #tpu.memory_space<hbm>>
      %dma_wait3A_1041 = tpu.memref_squeeze %dma_wait3A_1040 : memref<1x16x128xi32, #tpu.memory_space<hbm>> -> memref<16x128xi32, #tpu.memory_space<hbm>>
      %dma_wait3A_1042 = arith.constant 32 : i32
      %dma_wait3A_1043 = arith.constant 0 : i32
      %dma_wait3A_1044 = tpu.memref_slice %arg4[%add3A, %dma_wait3A_1042, %dma_wait3A_1043] : memref<16x160x128xi32, #tpu.memory_space<hbm>> -> memref<1x16x128xi32, #tpu.memory_space<hbm>>
      %dma_wait3A_1045 = tpu.memref_squeeze %dma_wait3A_1044 : memref<1x16x128xi32, #tpu.memory_space<hbm>> -> memref<16x128xi32, #tpu.memory_space<hbm>>
      tpu.wait_dma2 semaphore(%run_scoped3A_1029 : memref<!tpu.dma_semaphore, #tpu.memory_space<semaphore_mem>>) src(%dma_wait3A_1045 : memref<16x128xi32, #tpu.memory_space<hbm>>) dst(%arg8 : memref<16x128xi32, #tpu.memory_space<vmem>>)
      tpu.yield
    }) : () -> ()
    %dma_start3A_224 = arith.constant 0 : i32
    %dma_start3A_225 = arith.constant 0 : i32
    %dma_start3A_226 = tpu.memref_slice %arg7[%dma_start3A_224, %dma_start3A_225] : memref<16x128xi32, #tpu.memory_space<vmem>> -> memref<1x128xi32, #tpu.memory_space<vmem>>
    %dma_start3A_227 = tpu.memref_squeeze %dma_start3A_226 : memref<1x128xi32, #tpu.memory_space<vmem>> -> memref<128xi32, #tpu.memory_space<vmem>>
    %dma_start3A_228 = arith.constant 0 : i32
    %dma_start3A_229 = arith.constant 0 : i32
    %dma_start3A_230 = tpu.memref_slice %arg2[%dma_start3A_228, %dma_start3A_229] : memref<10000x128xf32, #tpu.memory_space<hbm>> -> memref<10000x128xf32, #tpu.memory_space<hbm>>
    tpu.enqueue_indirect_dma source(%dma_start3A_230 : memref<10000x128xf32, #tpu.memory_space<hbm>>) target(%arg9 : memref<128x128xf32, #tpu.memory_space<vmem>>) offsets(%dma_start3A_227 : memref<128xi32, #tpu.memory_space<vmem>>) semaphore(%arg13 : memref<!tpu.dma_semaphore, #tpu.memory_space<semaphore_mem>>)
    %dma_start3A_231 = arith.constant 1 : i32
    %dma_start3A_232 = arith.constant 0 : i32
    %dma_start3A_233 = tpu.memref_slice %arg7[%dma_start3A_231, %dma_start3A_232] : memref<16x128xi32, #tpu.memory_space<vmem>> -> memref<1x128xi32, #tpu.memory_space<vmem>>
    %dma_start3A_234 = tpu.memref_squeeze %dma_start3A_233 : memref<1x128xi32, #tpu.memory_space<vmem>> -> memref<128xi32, #tpu.memory_space<vmem>>
    %dma_start3A_235 = arith.constant 0 : i32
    %dma_start3A_236 = arith.constant 0 : i32
    %dma_start3A_237 = tpu.memref_slice %arg2[%dma_start3A_235, %dma_start3A_236] : memref<10000x128xf32, #tpu.memory_space<hbm>> -> memref<10000x128xf32, #tpu.memory_space<hbm>>
    tpu.enqueue_indirect_dma source(%dma_start3A_237 : memref<10000x128xf32, #tpu.memory_space<hbm>>) target(%arg10 : memref<128x128xf32, #tpu.memory_space<vmem>>) offsets(%dma_start3A_234 : memref<128xi32, #tpu.memory_space<vmem>>) semaphore(%arg14 : memref<!tpu.dma_semaphore, #tpu.memory_space<semaphore_mem>>)
    %scan3A_238 = arith.constant 0 : i32
    %scan3A_239 = arith.constant 0 : i32
    %scan3A_240 = arith.constant 7 : i32
    %scan3A_241 = arith.addi %scan3A_239, %scan3A_240 : i32
    %scan3A_242 = arith.constant 1 : i32
    scf.for %scan3A_1029 = %scan3A_239 to %scan3A_241 step %scan3A_242  : i32 {
      %mul3A_1030 = arith.constant 2 : i32
      %mul3A_1031 = arith.muli %scan3A_1029, %mul3A_1030 : i32
      %add3A_1032 = arith.constant 0 : i32
      %add3A_1033 = arith.addi %mul3A_1031, %add3A_1032 : i32
      %dma_wait3A_1034 = arith.constant 0 : i32
      %dma_wait3A_1035 = tpu.memref_slice %arg7[%add3A_1033, %dma_wait3A_1034] : memref<16x128xi32, #tpu.memory_space<vmem>> -> memref<1x128xi32, #tpu.memory_space<vmem>>
      %dma_wait3A_1036 = tpu.memref_squeeze %dma_wait3A_1035 : memref<1x128xi32, #tpu.memory_space<vmem>> -> memref<128xi32, #tpu.memory_space<vmem>>
      %dma_wait3A_1037 = arith.constant 0 : i32
      %dma_wait3A_1038 = arith.constant 0 : i32
      %dma_wait3A_1039 = tpu.memref_slice %arg2[%dma_wait3A_1037, %dma_wait3A_1038] : memref<10000x128xf32, #tpu.memory_space<hbm>> -> memref<10000x128xf32, #tpu.memory_space<hbm>>
      tpu.wait_indirect_dma semaphore(%arg13 : memref<!tpu.dma_semaphore, #tpu.memory_space<semaphore_mem>>) src(%dma_wait3A_1039 : memref<10000x128xf32, #tpu.memory_space<hbm>>) dst(%arg9 : memref<128x128xf32, #tpu.memory_space<vmem>>)
      "tpu.region"() ({
        %run_scoped3A_1114 = tpu.sem_alloc : memref<!tpu.dma_semaphore, #tpu.memory_space<semaphore_mem>>
        %dma_start3A_1115 = arith.constant 0 : i32
        %dma_start3A_1116 = tpu.memref_slice %arg8[%add3A_1033, %dma_start3A_1115] : memref<16x128xi32, #tpu.memory_space<vmem>> -> memref<1x128xi32, #tpu.memory_space<vmem>>
        %dma_start3A_1117 = tpu.memref_squeeze %dma_start3A_1116 : memref<1x128xi32, #tpu.memory_space<vmem>> -> memref<128xi32, #tpu.memory_space<vmem>>
        %dma_start3A_1118 = arith.constant 0 : i32
        %dma_start3A_1119 = arith.constant 0 : i32
        %dma_start3A_1120 = tpu.memref_slice %arg12[%dma_start3A_1118, %dma_start3A_1119] : memref<10112x128xf32, #tpu.memory_space<vmem_shared>> -> memref<10112x128xf32, #tpu.memory_space<vmem_shared>>
        tpu.enqueue_indirect_dma source(%arg9 : memref<128x128xf32, #tpu.memory_space<vmem>>) target(%dma_start3A_1120 : memref<10112x128xf32, #tpu.memory_space<vmem_shared>>) offsets(%dma_start3A_1117 : memref<128xi32, #tpu.memory_space<vmem>>) semaphore(%run_scoped3A_1114 : memref<!tpu.dma_semaphore, #tpu.memory_space<semaphore_mem>>) {add = true}
        %dma_wait3A_1121 = arith.constant 0 : i32
        %dma_wait3A_1122 = tpu.memref_slice %arg8[%add3A_1033, %dma_wait3A_1121] : memref<16x128xi32, #tpu.memory_space<vmem>> -> memref<1x128xi32, #tpu.memory_space<vmem>>
        %dma_wait3A_1123 = tpu.memref_squeeze %dma_wait3A_1122 : memref<1x128xi32, #tpu.memory_space<vmem>> -> memref<128xi32, #tpu.memory_space<vmem>>
        %dma_wait3A_1124 = arith.constant 0 : i32
        %dma_wait3A_1125 = arith.constant 0 : i32
        %dma_wait3A_1126 = tpu.memref_slice %arg12[%dma_wait3A_1124, %dma_wait3A_1125] : memref<10112x128xf32, #tpu.memory_space<vmem_shared>> -> memref<10112x128xf32, #tpu.memory_space<vmem_shared>>
        tpu.wait_indirect_dma semaphore(%run_scoped3A_1114 : memref<!tpu.dma_semaphore, #tpu.memory_space<semaphore_mem>>) src(%arg9 : memref<128x128xf32, #tpu.memory_space<vmem>>) dst(%dma_wait3A_1126 : memref<10112x128xf32, #tpu.memory_space<vmem_shared>>)
        tpu.yield
      }) : () -> ()
      %add3A_1040 = arith.constant 2 : i32
      %add3A_1041 = arith.addi %add3A_1033, %add3A_1040 : i32
      %dma_start3A_1042 = arith.constant 0 : i32
      %dma_start3A_1043 = tpu.memref_slice %arg7[%add3A_1041, %dma_start3A_1042] : memref<16x128xi32, #tpu.memory_space<vmem>> -> memref<1x128xi32, #tpu.memory_space<vmem>>
      %dma_start3A_1044 = tpu.memref_squeeze %dma_start3A_1043 : memref<1x128xi32, #tpu.memory_space<vmem>> -> memref<128xi32, #tpu.memory_space<vmem>>
      %dma_start3A_1045 = arith.constant 0 : i32
      %dma_start3A_1046 = arith.constant 0 : i32
      %dma_start3A_1047 = tpu.memref_slice %arg2[%dma_start3A_1045, %dma_start3A_1046] : memref<10000x128xf32, #tpu.memory_space<hbm>> -> memref<10000x128xf32, #tpu.memory_space<hbm>>
      tpu.enqueue_indirect_dma source(%dma_start3A_1047 : memref<10000x128xf32, #tpu.memory_space<hbm>>) target(%arg9 : memref<128x128xf32, #tpu.memory_space<vmem>>) offsets(%dma_start3A_1044 : memref<128xi32, #tpu.memory_space<vmem>>) semaphore(%arg13 : memref<!tpu.dma_semaphore, #tpu.memory_space<semaphore_mem>>)
      %get3A_1048 = arith.index_cast %add3A_1033 : i32 to index
      %get3A_1049 = arith.constant 0 : index
      %get3A_1050 = tpu.vector_load %arg8[%get3A_1048, %get3A_1049] {strides = array<i32>} : memref<16x128xi32, #tpu.memory_space<vmem>>, vector<16xi32>,
      tpu.vector_store_idx %arg11[%get3A_1050], %broadcast_in_dim3A_1 {add = true} : memref<10112xf32, #tpu.memory_space<vmem>>[vector<16xi32>], vector<16xf32>,
      %get3A_1051 = arith.index_cast %add3A_1033 : i32 to index
      %get3A_1052 = arith.constant 16 : index
      %get3A_1053 = tpu.vector_load %arg8[%get3A_1051, %get3A_1052] {strides = array<i32>} : memref<16x128xi32, #tpu.memory_space<vmem>>, vector<16xi32>,
      tpu.vector_store_idx %arg11[%get3A_1053], %broadcast_in_dim3A_1 {add = true} : memref<10112xf32, #tpu.memory_space<vmem>>[vector<16xi32>], vector<16xf32>,
      %get3A_1054 = arith.index_cast %add3A_1033 : i32 to index
      %get3A_1055 = arith.constant 32 : index
      %get3A_1056 = tpu.vector_load %arg8[%get3A_1054, %get3A_1055] {strides = array<i32>} : memref<16x128xi32, #tpu.memory_space<vmem>>, vector<16xi32>,
      tpu.vector_store_idx %arg11[%get3A_1056], %broadcast_in_dim3A_1 {add = true} : memref<10112xf32, #tpu.memory_space<vmem>>[vector<16xi32>], vector<16xf32>,
      %get3A_1057 = arith.index_cast %add3A_1033 : i32 to index
      %get3A_1058 = arith.constant 48 : index
      %get3A_1059 = tpu.vector_load %arg8[%get3A_1057, %get3A_1058] {strides = array<i32>} : memref<16x128xi32, #tpu.memory_space<vmem>>, vector<16xi32>,
      tpu.vector_store_idx %arg11[%get3A_1059], %broadcast_in_dim3A_1 {add = true} : memref<10112xf32, #tpu.memory_space<vmem>>[vector<16xi32>], vector<16xf32>,
      %get3A_1060 = arith.index_cast %add3A_1033 : i32 to index
      %get3A_1061 = arith.constant 64 : index
      %get3A_1062 = tpu.vector_load %arg8[%get3A_1060, %get3A_1061] {strides = array<i32>} : memref<16x128xi32, #tpu.memory_space<vmem>>, vector<16xi32>,
      tpu.vector_store_idx %arg11[%get3A_1062], %broadcast_in_dim3A_1 {add = true} : memref<10112xf32, #tpu.memory_space<vmem>>[vector<16xi32>], vector<16xf32>,
      %get3A_1063 = arith.index_cast %add3A_1033 : i32 to index
      %get3A_1064 = arith.constant 80 : index
      %get3A_1065 = tpu.vector_load %arg8[%get3A_1063, %get3A_1064] {strides = array<i32>} : memref<16x128xi32, #tpu.memory_space<vmem>>, vector<16xi32>,
      tpu.vector_store_idx %arg11[%get3A_1065], %broadcast_in_dim3A_1 {add = true} : memref<10112xf32, #tpu.memory_space<vmem>>[vector<16xi32>], vector<16xf32>,
      %get3A_1066 = arith.index_cast %add3A_1033 : i32 to index
      %get3A_1067 = arith.constant 96 : index
      %get3A_1068 = tpu.vector_load %arg8[%get3A_1066, %get3A_1067] {strides = array<i32>} : memref<16x128xi32, #tpu.memory_space<vmem>>, vector<16xi32>,
      tpu.vector_store_idx %arg11[%get3A_1068], %broadcast_in_dim3A_1 {add = true} : memref<10112xf32, #tpu.memory_space<vmem>>[vector<16xi32>], vector<16xf32>,
      %get3A_1069 = arith.index_cast %add3A_1033 : i32 to index
      %get3A_1070 = arith.constant 112 : index
      %get3A_1071 = tpu.vector_load %arg8[%get3A_1069, %get3A_1070] {strides = array<i32>} : memref<16x128xi32, #tpu.memory_space<vmem>>, vector<16xi32>,
      tpu.vector_store_idx %arg11[%get3A_1071], %broadcast_in_dim3A_1 {add = true} : memref<10112xf32, #tpu.memory_space<vmem>>[vector<16xi32>], vector<16xf32>,
      %mul3A_1072 = arith.constant 2 : i32
      %mul3A_1073 = arith.muli %scan3A_1029, %mul3A_1072 : i32
      %add3A_1074 = arith.constant 1 : i32
      %add3A_1075 = arith.addi %mul3A_1073, %add3A_1074 : i32
      %dma_wait3A_1076 = arith.constant 0 : i32
      %dma_wait3A_1077 = tpu.memref_slice %arg7[%add3A_1075, %dma_wait3A_1076] : memref<16x128xi32, #tpu.memory_space<vmem>> -> memref<1x128xi32, #tpu.memory_space<vmem>>
      %dma_wait3A_1078 = tpu.memref_squeeze %dma_wait3A_1077 : memref<1x128xi32, #tpu.memory_space<vmem>> -> memref<128xi32, #tpu.memory_space<vmem>>
      %dma_wait3A_1079 = arith.constant 0 : i32
      %dma_wait3A_1080 = arith.constant 0 : i32
      %dma_wait3A_1081 = tpu.memref_slice %arg2[%dma_wait3A_1079, %dma_wait3A_1080] : memref<10000x128xf32, #tpu.memory_space<hbm>> -> memref<10000x128xf32, #tpu.memory_space<hbm>>
      tpu.wait_indirect_dma semaphore(%arg14 : memref<!tpu.dma_semaphore, #tpu.memory_space<semaphore_mem>>) src(%dma_wait3A_1081 : memref<10000x128xf32, #tpu.memory_space<hbm>>) dst(%arg10 : memref<128x128xf32, #tpu.memory_space<vmem>>)
      "tpu.region"() ({
        %run_scoped3A_1114 = tpu.sem_alloc : memref<!tpu.dma_semaphore, #tpu.memory_space<semaphore_mem>>
        %dma_start3A_1115 = arith.constant 0 : i32
        %dma_start3A_1116 = tpu.memref_slice %arg8[%add3A_1075, %dma_start3A_1115] : memref<16x128xi32, #tpu.memory_space<vmem>> -> memref<1x128xi32, #tpu.memory_space<vmem>>
        %dma_start3A_1117 = tpu.memref_squeeze %dma_start3A_1116 : memref<1x128xi32, #tpu.memory_space<vmem>> -> memref<128xi32, #tpu.memory_space<vmem>>
        %dma_start3A_1118 = arith.constant 0 : i32
        %dma_start3A_1119 = arith.constant 0 : i32
        %dma_start3A_1120 = tpu.memref_slice %arg12[%dma_start3A_1118, %dma_start3A_1119] : memref<10112x128xf32, #tpu.memory_space<vmem_shared>> -> memref<10112x128xf32, #tpu.memory_space<vmem_shared>>
        tpu.enqueue_indirect_dma source(%arg10 : memref<128x128xf32, #tpu.memory_space<vmem>>) target(%dma_start3A_1120 : memref<10112x128xf32, #tpu.memory_space<vmem_shared>>) offsets(%dma_start3A_1117 : memref<128xi32, #tpu.memory_space<vmem>>) semaphore(%run_scoped3A_1114 : memref<!tpu.dma_semaphore, #tpu.memory_space<semaphore_mem>>) {add = true}
        %dma_wait3A_1121 = arith.constant 0 : i32
        %dma_wait3A_1122 = tpu.memref_slice %arg8[%add3A_1075, %dma_wait3A_1121] : memref<16x128xi32, #tpu.memory_space<vmem>> -> memref<1x128xi32, #tpu.memory_space<vmem>>
        %dma_wait3A_1123 = tpu.memref_squeeze %dma_wait3A_1122 : memref<1x128xi32, #tpu.memory_space<vmem>> -> memref<128xi32, #tpu.memory_space<vmem>>
        %dma_wait3A_1124 = arith.constant 0 : i32
        %dma_wait3A_1125 = arith.constant 0 : i32
        %dma_wait3A_1126 = tpu.memref_slice %arg12[%dma_wait3A_1124, %dma_wait3A_1125] : memref<10112x128xf32, #tpu.memory_space<vmem_shared>> -> memref<10112x128xf32, #tpu.memory_space<vmem_shared>>
        tpu.wait_indirect_dma semaphore(%run_scoped3A_1114 : memref<!tpu.dma_semaphore, #tpu.memory_space<semaphore_mem>>) src(%arg10 : memref<128x128xf32, #tpu.memory_space<vmem>>) dst(%dma_wait3A_1126 : memref<10112x128xf32, #tpu.memory_space<vmem_shared>>)
        tpu.yield
      }) : () -> ()
      %add3A_1082 = arith.constant 2 : i32
      %add3A_1083 = arith.addi %add3A_1075, %add3A_1082 : i32
      %dma_start3A_1084 = arith.constant 0 : i32
      %dma_start3A_1085 = tpu.memref_slice %arg7[%add3A_1083, %dma_start3A_1084] : memref<16x128xi32, #tpu.memory_space<vmem>> -> memref<1x128xi32, #tpu.memory_space<vmem>>
      %dma_start3A_1086 = tpu.memref_squeeze %dma_start3A_1085 : memref<1x128xi32, #tpu.memory_space<vmem>> -> memref<128xi32, #tpu.memory_space<vmem>>
      %dma_start3A_1087 = arith.constant 0 : i32
      %dma_start3A_1088 = arith.constant 0 : i32
      %dma_start3A_1089 = tpu.memref_slice %arg2[%dma_start3A_1087, %dma_start3A_1088] : memref<10000x128xf32, #tpu.memory_space<hbm>> -> memref<10000x128xf32, #tpu.memory_space<hbm>>
      tpu.enqueue_indirect_dma source(%dma_start3A_1089 : memref<10000x128xf32, #tpu.memory_space<hbm>>) target(%arg10 : memref<128x128xf32, #tpu.memory_space<vmem>>) offsets(%dma_start3A_1086 : memref<128xi32, #tpu.memory_space<vmem>>) semaphore(%arg14 : memref<!tpu.dma_semaphore, #tpu.memory_space<semaphore_mem>>)
      %get3A_1090 = arith.index_cast %add3A_1075 : i32 to index
      %get3A_1091 = arith.constant 0 : index
      %get3A_1092 = tpu.vector_load %arg8[%get3A_1090, %get3A_1091] {strides = array<i32>} : memref<16x128xi32, #tpu.memory_space<vmem>>, vector<16xi32>,
      tpu.vector_store_idx %arg11[%get3A_1092], %broadcast_in_dim3A_1 {add = true} : memref<10112xf32, #tpu.memory_space<vmem>>[vector<16xi32>], vector<16xf32>,
      %get3A_1093 = arith.index_cast %add3A_1075 : i32 to index
      %get3A_1094 = arith.constant 16 : index
      %get3A_1095 = tpu.vector_load %arg8[%get3A_1093, %get3A_1094] {strides = array<i32>} : memref<16x128xi32, #tpu.memory_space<vmem>>, vector<16xi32>,
      tpu.vector_store_idx %arg11[%get3A_1095], %broadcast_in_dim3A_1 {add = true} : memref<10112xf32, #tpu.memory_space<vmem>>[vector<16xi32>], vector<16xf32>,
      %get3A_1096 = arith.index_cast %add3A_1075 : i32 to index
      %get3A_1097 = arith.constant 32 : index
      %get3A_1098 = tpu.vector_load %arg8[%get3A_1096, %get3A_1097] {strides = array<i32>} : memref<16x128xi32, #tpu.memory_space<vmem>>, vector<16xi32>,
      tpu.vector_store_idx %arg11[%get3A_1098], %broadcast_in_dim3A_1 {add = true} : memref<10112xf32, #tpu.memory_space<vmem>>[vector<16xi32>], vector<16xf32>,
      %get3A_1099 = arith.index_cast %add3A_1075 : i32 to index
      %get3A_1100 = arith.constant 48 : index
      %get3A_1101 = tpu.vector_load %arg8[%get3A_1099, %get3A_1100] {strides = array<i32>} : memref<16x128xi32, #tpu.memory_space<vmem>>, vector<16xi32>,
      tpu.vector_store_idx %arg11[%get3A_1101], %broadcast_in_dim3A_1 {add = true} : memref<10112xf32, #tpu.memory_space<vmem>>[vector<16xi32>], vector<16xf32>,
      %get3A_1102 = arith.index_cast %add3A_1075 : i32 to index
      %get3A_1103 = arith.constant 64 : index
      %get3A_1104 = tpu.vector_load %arg8[%get3A_1102, %get3A_1103] {strides = array<i32>} : memref<16x128xi32, #tpu.memory_space<vmem>>, vector<16xi32>,
      tpu.vector_store_idx %arg11[%get3A_1104], %broadcast_in_dim3A_1 {add = true} : memref<10112xf32, #tpu.memory_space<vmem>>[vector<16xi32>], vector<16xf32>,
      %get3A_1105 = arith.index_cast %add3A_1075 : i32 to index
      %get3A_1106 = arith.constant 80 : index
      %get3A_1107 = tpu.vector_load %arg8[%get3A_1105, %get3A_1106] {strides = array<i32>} : memref<16x128xi32, #tpu.memory_space<vmem>>, vector<16xi32>,
      tpu.vector_store_idx %arg11[%get3A_1107], %broadcast_in_dim3A_1 {add = true} : memref<10112xf32, #tpu.memory_space<vmem>>[vector<16xi32>], vector<16xf32>,
      %get3A_1108 = arith.index_cast %add3A_1075 : i32 to index
      %get3A_1109 = arith.constant 96 : index
      %get3A_1110 = tpu.vector_load %arg8[%get3A_1108, %get3A_1109] {strides = array<i32>} : memref<16x128xi32, #tpu.memory_space<vmem>>, vector<16xi32>,
      tpu.vector_store_idx %arg11[%get3A_1110], %broadcast_in_dim3A_1 {add = true} : memref<10112xf32, #tpu.memory_space<vmem>>[vector<16xi32>], vector<16xf32>,
      %get3A_1111 = arith.index_cast %add3A_1075 : i32 to index
      %get3A_1112 = arith.constant 112 : index
      %get3A_1113 = tpu.vector_load %arg8[%get3A_1111, %get3A_1112] {strides = array<i32>} : memref<16x128xi32, #tpu.memory_space<vmem>>, vector<16xi32>,
      tpu.vector_store_idx %arg11[%get3A_1113], %broadcast_in_dim3A_1 {add = true} : memref<10112xf32, #tpu.memory_space<vmem>>[vector<16xi32>], vector<16xf32>,
    }
    %scan3A_243 = arith.constant 7 : i32
    %dma_wait3A_244 = arith.constant 14 : i32
    %dma_wait3A_245 = arith.constant 0 : i32
    %dma_wait3A_246 = tpu.memref_slice %arg7[%dma_wait3A_244, %dma_wait3A_245] : memref<16x128xi32, #tpu.memory_space<vmem>> -> memref<1x128xi32, #tpu.memory_space<vmem>>
    %dma_wait3A_247 = tpu.memref_squeeze %dma_wait3A_246 : memref<1x128xi32, #tpu.memory_space<vmem>> -> memref<128xi32, #tpu.memory_space<vmem>>
    %dma_wait3A_248 = arith.constant 0 : i32
    %dma_wait3A_249 = arith.constant 0 : i32
    %dma_wait3A_250 = tpu.memref_slice %arg2[%dma_wait3A_248, %dma_wait3A_249] : memref<10000x128xf32, #tpu.memory_space<hbm>> -> memref<10000x128xf32, #tpu.memory_space<hbm>>
    tpu.wait_indirect_dma semaphore(%arg13 : memref<!tpu.dma_semaphore, #tpu.memory_space<semaphore_mem>>) src(%dma_wait3A_250 : memref<10000x128xf32, #tpu.memory_space<hbm>>) dst(%arg9 : memref<128x128xf32, #tpu.memory_space<vmem>>)
    %run_scoped3A_251 = arith.constant 14 : i32
    "tpu.region"() ({
      %run_scoped3A_1029 = tpu.sem_alloc : memref<!tpu.dma_semaphore, #tpu.memory_space<semaphore_mem>>
      %dma_start3A_1030 = arith.constant 0 : i32
      %dma_start3A_1031 = tpu.memref_slice %arg8[%run_scoped3A_251, %dma_start3A_1030] : memref<16x128xi32, #tpu.memory_space<vmem>> -> memref<1x128xi32, #tpu.memory_space<vmem>>
      %dma_start3A_1032 = tpu.memref_squeeze %dma_start3A_1031 : memref<1x128xi32, #tpu.memory_space<vmem>> -> memref<128xi32, #tpu.memory_space<vmem>>
      %dma_start3A_1033 = arith.constant 0 : i32
      %dma_start3A_1034 = arith.constant 0 : i32
      %dma_start3A_1035 = tpu.memref_slice %arg12[%dma_start3A_1033, %dma_start3A_1034] : memref<10112x128xf32, #tpu.memory_space<vmem_shared>> -> memref<10112x128xf32, #tpu.memory_space<vmem_shared>>
      tpu.enqueue_indirect_dma source(%arg9 : memref<128x128xf32, #tpu.memory_space<vmem>>) target(%dma_start3A_1035 : memref<10112x128xf32, #tpu.memory_space<vmem_shared>>) offsets(%dma_start3A_1032 : memref<128xi32, #tpu.memory_space<vmem>>) semaphore(%run_scoped3A_1029 : memref<!tpu.dma_semaphore, #tpu.memory_space<semaphore_mem>>) {add = true}
      %dma_wait3A_1036 = arith.constant 0 : i32
      %dma_wait3A_1037 = tpu.memref_slice %arg8[%run_scoped3A_251, %dma_wait3A_1036] : memref<16x128xi32, #tpu.memory_space<vmem>> -> memref<1x128xi32, #tpu.memory_space<vmem>>
      %dma_wait3A_1038 = tpu.memref_squeeze %dma_wait3A_1037 : memref<1x128xi32, #tpu.memory_space<vmem>> -> memref<128xi32, #tpu.memory_space<vmem>>
      %dma_wait3A_1039 = arith.constant 0 : i32
      %dma_wait3A_1040 = arith.constant 0 : i32
      %dma_wait3A_1041 = tpu.memref_slice %arg12[%dma_wait3A_1039, %dma_wait3A_1040] : memref<10112x128xf32, #tpu.memory_space<vmem_shared>> -> memref<10112x128xf32, #tpu.memory_space<vmem_shared>>
      tpu.wait_indirect_dma semaphore(%run_scoped3A_1029 : memref<!tpu.dma_semaphore, #tpu.memory_space<semaphore_mem>>) src(%arg9 : memref<128x128xf32, #tpu.memory_space<vmem>>) dst(%dma_wait3A_1041 : memref<10112x128xf32, #tpu.memory_space<vmem_shared>>)
      tpu.yield
    }) : () -> ()
    %get3A_252 = arith.constant 14 : i32
    %get3A_253 = arith.index_cast %get3A_252 : i32 to index
    %get3A_254 = arith.constant 0 : index
    %get3A_255 = tpu.vector_load %arg8[%get3A_253, %get3A_254] {strides = array<i32>} : memref<16x128xi32, #tpu.memory_space<vmem>>, vector<16xi32>,
    tpu.vector_store_idx %arg11[%get3A_255], %broadcast_in_dim3A_1 {add = true} : memref<10112xf32, #tpu.memory_space<vmem>>[vector<16xi32>], vector<16xf32>,
    %get3A_256 = arith.constant 14 : i32
    %get3A_257 = arith.index_cast %get3A_256 : i32 to index
    %get3A_258 = arith.constant 16 : index
    %get3A_259 = tpu.vector_load %arg8[%get3A_257, %get3A_258] {strides = array<i32>} : memref<16x128xi32, #tpu.memory_space<vmem>>, vector<16xi32>,
    tpu.vector_store_idx %arg11[%get3A_259], %broadcast_in_dim3A_1 {add = true} : memref<10112xf32, #tpu.memory_space<vmem>>[vector<16xi32>], vector<16xf32>,
    %get3A_260 = arith.constant 14 : i32
    %get3A_261 = arith.index_cast %get3A_260 : i32 to index
    %get3A_262 = arith.constant 32 : index
    %get3A_263 = tpu.vector_load %arg8[%get3A_261, %get3A_262] {strides = array<i32>} : memref<16x128xi32, #tpu.memory_space<vmem>>, vector<16xi32>,
    tpu.vector_store_idx %arg11[%get3A_263], %broadcast_in_dim3A_1 {add = true} : memref<10112xf32, #tpu.memory_space<vmem>>[vector<16xi32>], vector<16xf32>,
    %get3A_264 = arith.constant 14 : i32
    %get3A_265 = arith.index_cast %get3A_264 : i32 to index
    %get3A_266 = arith.constant 48 : index
    %get3A_267 = tpu.vector_load %arg8[%get3A_265, %get3A_266] {strides = array<i32>} : memref<16x128xi32, #tpu.memory_space<vmem>>, vector<16xi32>,
    tpu.vector_store_idx %arg11[%get3A_267], %broadcast_in_dim3A_1 {add = true} : memref<10112xf32, #tpu.memory_space<vmem>>[vector<16xi32>], vector<16xf32>,
    %get3A_268 = arith.constant 14 : i32
    %get3A_269 = arith.index_cast %get3A_268 : i32 to index
    %get3A_270 = arith.constant 64 : index
    %get3A_271 = tpu.vector_load %arg8[%get3A_269, %get3A_270] {strides = array<i32>} : memref<16x128xi32, #tpu.memory_space<vmem>>, vector<16xi32>,
    tpu.vector_store_idx %arg11[%get3A_271], %broadcast_in_dim3A_1 {add = true} : memref<10112xf32, #tpu.memory_space<vmem>>[vector<16xi32>], vector<16xf32>,
    %get3A_272 = arith.constant 14 : i32
    %get3A_273 = arith.index_cast %get3A_272 : i32 to index
    %get3A_274 = arith.constant 80 : index
    %get3A_275 = tpu.vector_load %arg8[%get3A_273, %get3A_274] {strides = array<i32>} : memref<16x128xi32, #tpu.memory_space<vmem>>, vector<16xi32>,
    tpu.vector_store_idx %arg11[%get3A_275], %broadcast_in_dim3A_1 {add = true} : memref<10112xf32, #tpu.memory_space<vmem>>[vector<16xi32>], vector<16xf32>,
    %get3A_276 = arith.constant 14 : i32
    %get3A_277 = arith.index_cast %get3A_276 : i32 to index
    %get3A_278 = arith.constant 96 : index
    %get3A_279 = tpu.vector_load %arg8[%get3A_277, %get3A_278] {strides = array<i32>} : memref<16x128xi32, #tpu.memory_space<vmem>>, vector<16xi32>,
    tpu.vector_store_idx %arg11[%get3A_279], %broadcast_in_dim3A_1 {add = true} : memref<10112xf32, #tpu.memory_space<vmem>>[vector<16xi32>], vector<16xf32>,
    %get3A_280 = arith.constant 14 : i32
    %get3A_281 = arith.index_cast %get3A_280 : i32 to index
    %get3A_282 = arith.constant 112 : index
    %get3A_283 = tpu.vector_load %arg8[%get3A_281, %get3A_282] {strides = array<i32>} : memref<16x128xi32, #tpu.memory_space<vmem>>, vector<16xi32>,
    tpu.vector_store_idx %arg11[%get3A_283], %broadcast_in_dim3A_1 {add = true} : memref<10112xf32, #tpu.memory_space<vmem>>[vector<16xi32>], vector<16xf32>,
    %dma_wait3A_284 = arith.constant 15 : i32
    %dma_wait3A_285 = arith.constant 0 : i32
    %dma_wait3A_286 = tpu.memref_slice %arg7[%dma_wait3A_284, %dma_wait3A_285] : memref<16x128xi32, #tpu.memory_space<vmem>> -> memref<1x128xi32, #tpu.memory_space<vmem>>
    %dma_wait3A_287 = tpu.memref_squeeze %dma_wait3A_286 : memref<1x128xi32, #tpu.memory_space<vmem>> -> memref<128xi32, #tpu.memory_space<vmem>>
    %dma_wait3A_288 = arith.constant 0 : i32
    %dma_wait3A_289 = arith.constant 0 : i32
    %dma_wait3A_290 = tpu.memref_slice %arg2[%dma_wait3A_288, %dma_wait3A_289] : memref<10000x128xf32, #tpu.memory_space<hbm>> -> memref<10000x128xf32, #tpu.memory_space<hbm>>
    tpu.wait_indirect_dma semaphore(%arg14 : memref<!tpu.dma_semaphore, #tpu.memory_space<semaphore_mem>>) src(%dma_wait3A_290 : memref<10000x128xf32, #tpu.memory_space<hbm>>) dst(%arg10 : memref<128x128xf32, #tpu.memory_space<vmem>>)
    %run_scoped3A_291 = arith.constant 15 : i32
    "tpu.region"() ({
      %run_scoped3A_1029 = tpu.sem_alloc : memref<!tpu.dma_semaphore, #tpu.memory_space<semaphore_mem>>
      %dma_start3A_1030 = arith.constant 0 : i32
      %dma_start3A_1031 = tpu.memref_slice %arg8[%run_scoped3A_291, %dma_start3A_1030] : memref<16x128xi32, #tpu.memory_space<vmem>> -> memref<1x128xi32, #tpu.memory_space<vmem>>
      %dma_start3A_1032 = tpu.memref_squeeze %dma_start3A_1031 : memref<1x128xi32, #tpu.memory_space<vmem>> -> memref<128xi32, #tpu.memory_space<vmem>>
      %dma_start3A_1033 = arith.constant 0 : i32
      %dma_start3A_1034 = arith.constant 0 : i32
      %dma_start3A_1035 = tpu.memref_slice %arg12[%dma_start3A_1033, %dma_start3A_1034] : memref<10112x128xf32, #tpu.memory_space<vmem_shared>> -> memref<10112x128xf32, #tpu.memory_space<vmem_shared>>
      tpu.enqueue_indirect_dma source(%arg10 : memref<128x128xf32, #tpu.memory_space<vmem>>) target(%dma_start3A_1035 : memref<10112x128xf32, #tpu.memory_space<vmem_shared>>) offsets(%dma_start3A_1032 : memref<128xi32, #tpu.memory_space<vmem>>) semaphore(%run_scoped3A_1029 : memref<!tpu.dma_semaphore, #tpu.memory_space<semaphore_mem>>) {add = true}
      %dma_wait3A_1036 = arith.constant 0 : i32
      %dma_wait3A_1037 = tpu.memref_slice %arg8[%run_scoped3A_291, %dma_wait3A_1036] : memref<16x128xi32, #tpu.memory_space<vmem>> -> memref<1x128xi32, #tpu.memory_space<vmem>>
      %dma_wait3A_1038 = tpu.memref_squeeze %dma_wait3A_1037 : memref<1x128xi32, #tpu.memory_space<vmem>> -> memref<128xi32, #tpu.memory_space<vmem>>
      %dma_wait3A_1039 = arith.constant 0 : i32
      %dma_wait3A_1040 = arith.constant 0 : i32
      %dma_wait3A_1041 = tpu.memref_slice %arg12[%dma_wait3A_1039, %dma_wait3A_1040] : memref<10112x128xf32, #tpu.memory_space<vmem_shared>> -> memref<10112x128xf32, #tpu.memory_space<vmem_shared>>
      tpu.wait_indirect_dma semaphore(%run_scoped3A_1029 : memref<!tpu.dma_semaphore, #tpu.memory_space<semaphore_mem>>) src(%arg10 : memref<128x128xf32, #tpu.memory_space<vmem>>) dst(%dma_wait3A_1041 : memref<10112x128xf32, #tpu.memory_space<vmem_shared>>)
      tpu.yield
    }) : () -> ()
    %get3A_292 = arith.constant 15 : i32
    %get3A_293 = arith.index_cast %get3A_292 : i32 to index
    %get3A_294 = arith.constant 0 : index
    %get3A_295 = tpu.vector_load %arg8[%get3A_293, %get3A_294] {strides = array<i32>} : memref<16x128xi32, #tpu.memory_space<vmem>>, vector<16xi32>,
    tpu.vector_store_idx %arg11[%get3A_295], %broadcast_in_dim3A_1 {add = true} : memref<10112xf32, #tpu.memory_space<vmem>>[vector<16xi32>], vector<16xf32>,
    %get3A_296 = arith.constant 15 : i32
    %get3A_297 = arith.index_cast %get3A_296 : i32 to index
    %get3A_298 = arith.constant 16 : index
    %get3A_299 = tpu.vector_load %arg8[%get3A_297, %get3A_298] {strides = array<i32>} : memref<16x128xi32, #tpu.memory_space<vmem>>, vector<16xi32>,
    tpu.vector_store_idx %arg11[%get3A_299], %broadcast_in_dim3A_1 {add = true} : memref<10112xf32, #tpu.memory_space<vmem>>[vector<16xi32>], vector<16xf32>,
    %get3A_300 = arith.constant 15 : i32
    %get3A_301 = arith.index_cast %get3A_300 : i32 to index
    %get3A_302 = arith.constant 32 : index
    %get3A_303 = tpu.vector_load %arg8[%get3A_301, %get3A_302] {strides = array<i32>} : memref<16x128xi32, #tpu.memory_space<vmem>>, vector<16xi32>,
    tpu.vector_store_idx %arg11[%get3A_303], %broadcast_in_dim3A_1 {add = true} : memref<10112xf32, #tpu.memory_space<vmem>>[vector<16xi32>], vector<16xf32>,
    %get3A_304 = arith.constant 15 : i32
    %get3A_305 = arith.index_cast %get3A_304 : i32 to index
    %get3A_306 = arith.constant 48 : index
    %get3A_307 = tpu.vector_load %arg8[%get3A_305, %get3A_306] {strides = array<i32>} : memref<16x128xi32, #tpu.memory_space<vmem>>, vector<16xi32>,
    tpu.vector_store_idx %arg11[%get3A_307], %broadcast_in_dim3A_1 {add = true} : memref<10112xf32, #tpu.memory_space<vmem>>[vector<16xi32>], vector<16xf32>,
    %get3A_308 = arith.constant 15 : i32
    %get3A_309 = arith.index_cast %get3A_308 : i32 to index
    %get3A_310 = arith.constant 64 : index
    %get3A_311 = tpu.vector_load %arg8[%get3A_309, %get3A_310] {strides = array<i32>} : memref<16x128xi32, #tpu.memory_space<vmem>>, vector<16xi32>,
    tpu.vector_store_idx %arg11[%get3A_311], %broadcast_in_dim3A_1 {add = true} : memref<10112xf32, #tpu.memory_space<vmem>>[vector<16xi32>], vector<16xf32>,
    %get3A_312 = arith.constant 15 : i32
    %get3A_313 = arith.index_cast %get3A_312 : i32 to index
    %get3A_314 = arith.constant 80 : index
    %get3A_315 = tpu.vector_load %arg8[%get3A_313, %get3A_314] {strides = array<i32>} : memref<16x128xi32, #tpu.memory_space<vmem>>, vector<16xi32>,
    tpu.vector_store_idx %arg11[%get3A_315], %broadcast_in_dim3A_1 {add = true} : memref<10112xf32, #tpu.memory_space<vmem>>[vector<16xi32>], vector<16xf32>,
    %get3A_316 = arith.constant 15 : i32
    %get3A_317 = arith.index_cast %get3A_316 : i32 to index
    %get3A_318 = arith.constant 96 : index
    %get3A_319 = tpu.vector_load %arg8[%get3A_317, %get3A_318] {strides = array<i32>} : memref<16x128xi32, #tpu.memory_space<vmem>>, vector<16xi32>,
    tpu.vector_store_idx %arg11[%get3A_319], %broadcast_in_dim3A_1 {add = true} : memref<10112xf32, #tpu.memory_space<vmem>>[vector<16xi32>], vector<16xf32>,
    %get3A_320 = arith.constant 15 : i32
    %get3A_321 = arith.index_cast %get3A_320 : i32 to index
    %get3A_322 = arith.constant 112 : index
    %get3A_323 = tpu.vector_load %arg8[%get3A_321, %get3A_322] {strides = array<i32>} : memref<16x128xi32, #tpu.memory_space<vmem>>, vector<16xi32>,
    tpu.vector_store_idx %arg11[%get3A_323], %broadcast_in_dim3A_1 {add = true} : memref<10112xf32, #tpu.memory_space<vmem>>[vector<16xi32>], vector<16xf32>,
    "tpu.region"() ({
      %run_scoped3A_1029 = tpu.sem_alloc : memref<!tpu.dma_semaphore, #tpu.memory_space<semaphore_mem>>
      %dma_start3A_1030 = arith.constant 48 : i32
      %dma_start3A_1031 = arith.constant 0 : i32
      %dma_start3A_1032 = tpu.memref_slice %arg3[%add3A, %dma_start3A_1030, %dma_start3A_1031] : memref<16x160x128xi32, #tpu.memory_space<hbm>> -> memref<1x16x128xi32, #tpu.memory_space<hbm>>
      %dma_start3A_1033 = tpu.memref_squeeze %dma_start3A_1032 : memref<1x16x128xi32, #tpu.memory_space<hbm>> -> memref<16x128xi32, #tpu.memory_space<hbm>>
      %dma_start3A_1034 = arith.constant 48 : i32
      %dma_start3A_1035 = arith.constant 0 : i32
      %dma_start3A_1036 = tpu.memref_slice %arg3[%add3A, %dma_start3A_1034, %dma_start3A_1035] : memref<16x160x128xi32, #tpu.memory_space<hbm>> -> memref<1x16x128xi32, #tpu.memory_space<hbm>>
      %dma_start3A_1037 = tpu.memref_squeeze %dma_start3A_1036 : memref<1x16x128xi32, #tpu.memory_space<hbm>> -> memref<16x128xi32, #tpu.memory_space<hbm>>
      tpu.enqueue_dma source(%dma_start3A_1037 : memref<16x128xi32, #tpu.memory_space<hbm>>) target(%arg7 : memref<16x128xi32, #tpu.memory_space<vmem>>) target_semaphore(%run_scoped3A_1029 : memref<!tpu.dma_semaphore, #tpu.memory_space<semaphore_mem>>)
      %dma_wait3A_1038 = arith.constant 48 : i32
      %dma_wait3A_1039 = arith.constant 0 : i32
      %dma_wait3A_1040 = tpu.memref_slice %arg3[%add3A, %dma_wait3A_1038, %dma_wait3A_1039] : memref<16x160x128xi32, #tpu.memory_space<hbm>> -> memref<1x16x128xi32, #tpu.memory_space<hbm>>
      %dma_wait3A_1041 = tpu.memref_squeeze %dma_wait3A_1040 : memref<1x16x128xi32, #tpu.memory_space<hbm>> -> memref<16x128xi32, #tpu.memory_space<hbm>>
      %dma_wait3A_1042 = arith.constant 48 : i32
      %dma_wait3A_1043 = arith.constant 0 : i32
      %dma_wait3A_1044 = tpu.memref_slice %arg3[%add3A, %dma_wait3A_1042, %dma_wait3A_1043] : memref<16x160x128xi32, #tpu.memory_space<hbm>> -> memref<1x16x128xi32, #tpu.memory_space<hbm>>
      %dma_wait3A_1045 = tpu.memref_squeeze %dma_wait3A_1044 : memref<1x16x128xi32, #tpu.memory_space<hbm>> -> memref<16x128xi32, #tpu.memory_space<hbm>>
      tpu.wait_dma2 semaphore(%run_scoped3A_1029 : memref<!tpu.dma_semaphore, #tpu.memory_space<semaphore_mem>>) src(%dma_wait3A_1045 : memref<16x128xi32, #tpu.memory_space<hbm>>) dst(%arg7 : memref<16x128xi32, #tpu.memory_space<vmem>>)
      tpu.yield
    }) : () -> ()
    "tpu.region"() ({
      %run_scoped3A_1029 = tpu.sem_alloc : memref<!tpu.dma_semaphore, #tpu.memory_space<semaphore_mem>>
      %dma_start3A_1030 = arith.constant 48 : i32
      %dma_start3A_1031 = arith.constant 0 : i32
      %dma_start3A_1032 = tpu.memref_slice %arg4[%add3A, %dma_start3A_1030, %dma_start3A_1031] : memref<16x160x128xi32, #tpu.memory_space<hbm>> -> memref<1x16x128xi32, #tpu.memory_space<hbm>>
      %dma_start3A_1033 = tpu.memref_squeeze %dma_start3A_1032 : memref<1x16x128xi32, #tpu.memory_space<hbm>> -> memref<16x128xi32, #tpu.memory_space<hbm>>
      %dma_start3A_1034 = arith.constant 48 : i32
      %dma_start3A_1035 = arith.constant 0 : i32
      %dma_start3A_1036 = tpu.memref_slice %arg4[%add3A, %dma_start3A_1034, %dma_start3A_1035] : memref<16x160x128xi32, #tpu.memory_space<hbm>> -> memref<1x16x128xi32, #tpu.memory_space<hbm>>
      %dma_start3A_1037 = tpu.memref_squeeze %dma_start3A_1036 : memref<1x16x128xi32, #tpu.memory_space<hbm>> -> memref<16x128xi32, #tpu.memory_space<hbm>>
      tpu.enqueue_dma source(%dma_start3A_1037 : memref<16x128xi32, #tpu.memory_space<hbm>>) target(%arg8 : memref<16x128xi32, #tpu.memory_space<vmem>>) target_semaphore(%run_scoped3A_1029 : memref<!tpu.dma_semaphore, #tpu.memory_space<semaphore_mem>>)
      %dma_wait3A_1038 = arith.constant 48 : i32
      %dma_wait3A_1039 = arith.constant 0 : i32
      %dma_wait3A_1040 = tpu.memref_slice %arg4[%add3A, %dma_wait3A_1038, %dma_wait3A_1039] : memref<16x160x128xi32, #tpu.memory_space<hbm>> -> memref<1x16x128xi32, #tpu.memory_space<hbm>>
      %dma_wait3A_1041 = tpu.memref_squeeze %dma_wait3A_1040 : memref<1x16x128xi32, #tpu.memory_space<hbm>> -> memref<16x128xi32, #tpu.memory_space<hbm>>
      %dma_wait3A_1042 = arith.constant 48 : i32
      %dma_wait3A_1043 = arith.constant 0 : i32
      %dma_wait3A_1044 = tpu.memref_slice %arg4[%add3A, %dma_wait3A_1042, %dma_wait3A_1043] : memref<16x160x128xi32, #tpu.memory_space<hbm>> -> memref<1x16x128xi32, #tpu.memory_space<hbm>>
      %dma_wait3A_1045 = tpu.memref_squeeze %dma_wait3A_1044 : memref<1x16x128xi32, #tpu.memory_space<hbm>> -> memref<16x128xi32, #tpu.memory_space<hbm>>
      tpu.wait_dma2 semaphore(%run_scoped3A_1029 : memref<!tpu.dma_semaphore, #tpu.memory_space<semaphore_mem>>) src(%dma_wait3A_1045 : memref<16x128xi32, #tpu.memory_space<hbm>>) dst(%arg8 : memref<16x128xi32, #tpu.memory_space<vmem>>)
      tpu.yield
    }) : () -> ()
    %dma_start3A_324 = arith.constant 0 : i32
    %dma_start3A_325 = arith.constant 0 : i32
    %dma_start3A_326 = tpu.memref_slice %arg7[%dma_start3A_324, %dma_start3A_325] : memref<16x128xi32, #tpu.memory_space<vmem>> -> memref<1x128xi32, #tpu.memory_space<vmem>>
    %dma_start3A_327 = tpu.memref_squeeze %dma_start3A_326 : memref<1x128xi32, #tpu.memory_space<vmem>> -> memref<128xi32, #tpu.memory_space<vmem>>
    %dma_start3A_328 = arith.constant 0 : i32
    %dma_start3A_329 = arith.constant 0 : i32
    %dma_start3A_330 = tpu.memref_slice %arg2[%dma_start3A_328, %dma_start3A_329] : memref<10000x128xf32, #tpu.memory_space<hbm>> -> memref<10000x128xf32, #tpu.memory_space<hbm>>
    tpu.enqueue_indirect_dma source(%dma_start3A_330 : memref<10000x128xf32, #tpu.memory_space<hbm>>) target(%arg9 : memref<128x128xf32, #tpu.memory_space<vmem>>) offsets(%dma_start3A_327 : memref<128xi32, #tpu.memory_space<vmem>>) semaphore(%arg13 : memref<!tpu.dma_semaphore, #tpu.memory_space<semaphore_mem>>)
    %dma_start3A_331 = arith.constant 1 : i32
    %dma_start3A_332 = arith.constant 0 : i32
    %dma_start3A_333 = tpu.memref_slice %arg7[%dma_start3A_331, %dma_start3A_332] : memref<16x128xi32, #tpu.memory_space<vmem>> -> memref<1x128xi32, #tpu.memory_space<vmem>>
    %dma_start3A_334 = tpu.memref_squeeze %dma_start3A_333 : memref<1x128xi32, #tpu.memory_space<vmem>> -> memref<128xi32, #tpu.memory_space<vmem>>
    %dma_start3A_335 = arith.constant 0 : i32
    %dma_start3A_336 = arith.constant 0 : i32
    %dma_start3A_337 = tpu.memref_slice %arg2[%dma_start3A_335, %dma_start3A_336] : memref<10000x128xf32, #tpu.memory_space<hbm>> -> memref<10000x128xf32, #tpu.memory_space<hbm>>
    tpu.enqueue_indirect_dma source(%dma_start3A_337 : memref<10000x128xf32, #tpu.memory_space<hbm>>) target(%arg10 : memref<128x128xf32, #tpu.memory_space<vmem>>) offsets(%dma_start3A_334 : memref<128xi32, #tpu.memory_space<vmem>>) semaphore(%arg14 : memref<!tpu.dma_semaphore, #tpu.memory_space<semaphore_mem>>)
    %scan3A_338 = arith.constant 0 : i32
    %scan3A_339 = arith.constant 0 : i32
    %scan3A_340 = arith.constant 7 : i32
    %scan3A_341 = arith.addi %scan3A_339, %scan3A_340 : i32
    %scan3A_342 = arith.constant 1 : i32
    scf.for %scan3A_1029 = %scan3A_339 to %scan3A_341 step %scan3A_342  : i32 {
      %mul3A_1030 = arith.constant 2 : i32
      %mul3A_1031 = arith.muli %scan3A_1029, %mul3A_1030 : i32
      %add3A_1032 = arith.constant 0 : i32
      %add3A_1033 = arith.addi %mul3A_1031, %add3A_1032 : i32
      %dma_wait3A_1034 = arith.constant 0 : i32
      %dma_wait3A_1035 = tpu.memref_slice %arg7[%add3A_1033, %dma_wait3A_1034] : memref<16x128xi32, #tpu.memory_space<vmem>> -> memref<1x128xi32, #tpu.memory_space<vmem>>
      %dma_wait3A_1036 = tpu.memref_squeeze %dma_wait3A_1035 : memref<1x128xi32, #tpu.memory_space<vmem>> -> memref<128xi32, #tpu.memory_space<vmem>>
      %dma_wait3A_1037 = arith.constant 0 : i32
      %dma_wait3A_1038 = arith.constant 0 : i32
      %dma_wait3A_1039 = tpu.memref_slice %arg2[%dma_wait3A_1037, %dma_wait3A_1038] : memref<10000x128xf32, #tpu.memory_space<hbm>> -> memref<10000x128xf32, #tpu.memory_space<hbm>>
      tpu.wait_indirect_dma semaphore(%arg13 : memref<!tpu.dma_semaphore, #tpu.memory_space<semaphore_mem>>) src(%dma_wait3A_1039 : memref<10000x128xf32, #tpu.memory_space<hbm>>) dst(%arg9 : memref<128x128xf32, #tpu.memory_space<vmem>>)
      "tpu.region"() ({
        %run_scoped3A_1114 = tpu.sem_alloc : memref<!tpu.dma_semaphore, #tpu.memory_space<semaphore_mem>>
        %dma_start3A_1115 = arith.constant 0 : i32
        %dma_start3A_1116 = tpu.memref_slice %arg8[%add3A_1033, %dma_start3A_1115] : memref<16x128xi32, #tpu.memory_space<vmem>> -> memref<1x128xi32, #tpu.memory_space<vmem>>
        %dma_start3A_1117 = tpu.memref_squeeze %dma_start3A_1116 : memref<1x128xi32, #tpu.memory_space<vmem>> -> memref<128xi32, #tpu.memory_space<vmem>>
        %dma_start3A_1118 = arith.constant 0 : i32
        %dma_start3A_1119 = arith.constant 0 : i32
        %dma_start3A_1120 = tpu.memref_slice %arg12[%dma_start3A_1118, %dma_start3A_1119] : memref<10112x128xf32, #tpu.memory_space<vmem_shared>> -> memref<10112x128xf32, #tpu.memory_space<vmem_shared>>
        tpu.enqueue_indirect_dma source(%arg9 : memref<128x128xf32, #tpu.memory_space<vmem>>) target(%dma_start3A_1120 : memref<10112x128xf32, #tpu.memory_space<vmem_shared>>) offsets(%dma_start3A_1117 : memref<128xi32, #tpu.memory_space<vmem>>) semaphore(%run_scoped3A_1114 : memref<!tpu.dma_semaphore, #tpu.memory_space<semaphore_mem>>) {add = true}
        %dma_wait3A_1121 = arith.constant 0 : i32
        %dma_wait3A_1122 = tpu.memref_slice %arg8[%add3A_1033, %dma_wait3A_1121] : memref<16x128xi32, #tpu.memory_space<vmem>> -> memref<1x128xi32, #tpu.memory_space<vmem>>
        %dma_wait3A_1123 = tpu.memref_squeeze %dma_wait3A_1122 : memref<1x128xi32, #tpu.memory_space<vmem>> -> memref<128xi32, #tpu.memory_space<vmem>>
        %dma_wait3A_1124 = arith.constant 0 : i32
        %dma_wait3A_1125 = arith.constant 0 : i32
        %dma_wait3A_1126 = tpu.memref_slice %arg12[%dma_wait3A_1124, %dma_wait3A_1125] : memref<10112x128xf32, #tpu.memory_space<vmem_shared>> -> memref<10112x128xf32, #tpu.memory_space<vmem_shared>>
        tpu.wait_indirect_dma semaphore(%run_scoped3A_1114 : memref<!tpu.dma_semaphore, #tpu.memory_space<semaphore_mem>>) src(%arg9 : memref<128x128xf32, #tpu.memory_space<vmem>>) dst(%dma_wait3A_1126 : memref<10112x128xf32, #tpu.memory_space<vmem_shared>>)
        tpu.yield
      }) : () -> ()
      %add3A_1040 = arith.constant 2 : i32
      %add3A_1041 = arith.addi %add3A_1033, %add3A_1040 : i32
      %dma_start3A_1042 = arith.constant 0 : i32
      %dma_start3A_1043 = tpu.memref_slice %arg7[%add3A_1041, %dma_start3A_1042] : memref<16x128xi32, #tpu.memory_space<vmem>> -> memref<1x128xi32, #tpu.memory_space<vmem>>
      %dma_start3A_1044 = tpu.memref_squeeze %dma_start3A_1043 : memref<1x128xi32, #tpu.memory_space<vmem>> -> memref<128xi32, #tpu.memory_space<vmem>>
      %dma_start3A_1045 = arith.constant 0 : i32
      %dma_start3A_1046 = arith.constant 0 : i32
      %dma_start3A_1047 = tpu.memref_slice %arg2[%dma_start3A_1045, %dma_start3A_1046] : memref<10000x128xf32, #tpu.memory_space<hbm>> -> memref<10000x128xf32, #tpu.memory_space<hbm>>
      tpu.enqueue_indirect_dma source(%dma_start3A_1047 : memref<10000x128xf32, #tpu.memory_space<hbm>>) target(%arg9 : memref<128x128xf32, #tpu.memory_space<vmem>>) offsets(%dma_start3A_1044 : memref<128xi32, #tpu.memory_space<vmem>>) semaphore(%arg13 : memref<!tpu.dma_semaphore, #tpu.memory_space<semaphore_mem>>)
      %get3A_1048 = arith.index_cast %add3A_1033 : i32 to index
      %get3A_1049 = arith.constant 0 : index
      %get3A_1050 = tpu.vector_load %arg8[%get3A_1048, %get3A_1049] {strides = array<i32>} : memref<16x128xi32, #tpu.memory_space<vmem>>, vector<16xi32>,
      tpu.vector_store_idx %arg11[%get3A_1050], %broadcast_in_dim3A_1 {add = true} : memref<10112xf32, #tpu.memory_space<vmem>>[vector<16xi32>], vector<16xf32>,
      %get3A_1051 = arith.index_cast %add3A_1033 : i32 to index
      %get3A_1052 = arith.constant 16 : index
      %get3A_1053 = tpu.vector_load %arg8[%get3A_1051, %get3A_1052] {strides = array<i32>} : memref<16x128xi32, #tpu.memory_space<vmem>>, vector<16xi32>,
      tpu.vector_store_idx %arg11[%get3A_1053], %broadcast_in_dim3A_1 {add = true} : memref<10112xf32, #tpu.memory_space<vmem>>[vector<16xi32>], vector<16xf32>,
      %get3A_1054 = arith.index_cast %add3A_1033 : i32 to index
      %get3A_1055 = arith.constant 32 : index
      %get3A_1056 = tpu.vector_load %arg8[%get3A_1054, %get3A_1055] {strides = array<i32>} : memref<16x128xi32, #tpu.memory_space<vmem>>, vector<16xi32>,
      tpu.vector_store_idx %arg11[%get3A_1056], %broadcast_in_dim3A_1 {add = true} : memref<10112xf32, #tpu.memory_space<vmem>>[vector<16xi32>], vector<16xf32>,
      %get3A_1057 = arith.index_cast %add3A_1033 : i32 to index
      %get3A_1058 = arith.constant 48 : index
      %get3A_1059 = tpu.vector_load %arg8[%get3A_1057, %get3A_1058] {strides = array<i32>} : memref<16x128xi32, #tpu.memory_space<vmem>>, vector<16xi32>,
      tpu.vector_store_idx %arg11[%get3A_1059], %broadcast_in_dim3A_1 {add = true} : memref<10112xf32, #tpu.memory_space<vmem>>[vector<16xi32>], vector<16xf32>,
      %get3A_1060 = arith.index_cast %add3A_1033 : i32 to index
      %get3A_1061 = arith.constant 64 : index
      %get3A_1062 = tpu.vector_load %arg8[%get3A_1060, %get3A_1061] {strides = array<i32>} : memref<16x128xi32, #tpu.memory_space<vmem>>, vector<16xi32>,
      tpu.vector_store_idx %arg11[%get3A_1062], %broadcast_in_dim3A_1 {add = true} : memref<10112xf32, #tpu.memory_space<vmem>>[vector<16xi32>], vector<16xf32>,
      %get3A_1063 = arith.index_cast %add3A_1033 : i32 to index
      %get3A_1064 = arith.constant 80 : index
      %get3A_1065 = tpu.vector_load %arg8[%get3A_1063, %get3A_1064] {strides = array<i32>} : memref<16x128xi32, #tpu.memory_space<vmem>>, vector<16xi32>,
      tpu.vector_store_idx %arg11[%get3A_1065], %broadcast_in_dim3A_1 {add = true} : memref<10112xf32, #tpu.memory_space<vmem>>[vector<16xi32>], vector<16xf32>,
      %get3A_1066 = arith.index_cast %add3A_1033 : i32 to index
      %get3A_1067 = arith.constant 96 : index
      %get3A_1068 = tpu.vector_load %arg8[%get3A_1066, %get3A_1067] {strides = array<i32>} : memref<16x128xi32, #tpu.memory_space<vmem>>, vector<16xi32>,
      tpu.vector_store_idx %arg11[%get3A_1068], %broadcast_in_dim3A_1 {add = true} : memref<10112xf32, #tpu.memory_space<vmem>>[vector<16xi32>], vector<16xf32>,
      %get3A_1069 = arith.index_cast %add3A_1033 : i32 to index
      %get3A_1070 = arith.constant 112 : index
      %get3A_1071 = tpu.vector_load %arg8[%get3A_1069, %get3A_1070] {strides = array<i32>} : memref<16x128xi32, #tpu.memory_space<vmem>>, vector<16xi32>,
      tpu.vector_store_idx %arg11[%get3A_1071], %broadcast_in_dim3A_1 {add = true} : memref<10112xf32, #tpu.memory_space<vmem>>[vector<16xi32>], vector<16xf32>,
      %mul3A_1072 = arith.constant 2 : i32
      %mul3A_1073 = arith.muli %scan3A_1029, %mul3A_1072 : i32
      %add3A_1074 = arith.constant 1 : i32
      %add3A_1075 = arith.addi %mul3A_1073, %add3A_1074 : i32
      %dma_wait3A_1076 = arith.constant 0 : i32
      %dma_wait3A_1077 = tpu.memref_slice %arg7[%add3A_1075, %dma_wait3A_1076] : memref<16x128xi32, #tpu.memory_space<vmem>> -> memref<1x128xi32, #tpu.memory_space<vmem>>
      %dma_wait3A_1078 = tpu.memref_squeeze %dma_wait3A_1077 : memref<1x128xi32, #tpu.memory_space<vmem>> -> memref<128xi32, #tpu.memory_space<vmem>>
      %dma_wait3A_1079 = arith.constant 0 : i32
      %dma_wait3A_1080 = arith.constant 0 : i32
      %dma_wait3A_1081 = tpu.memref_slice %arg2[%dma_wait3A_1079, %dma_wait3A_1080] : memref<10000x128xf32, #tpu.memory_space<hbm>> -> memref<10000x128xf32, #tpu.memory_space<hbm>>
      tpu.wait_indirect_dma semaphore(%arg14 : memref<!tpu.dma_semaphore, #tpu.memory_space<semaphore_mem>>) src(%dma_wait3A_1081 : memref<10000x128xf32, #tpu.memory_space<hbm>>) dst(%arg10 : memref<128x128xf32, #tpu.memory_space<vmem>>)
      "tpu.region"() ({
        %run_scoped3A_1114 = tpu.sem_alloc : memref<!tpu.dma_semaphore, #tpu.memory_space<semaphore_mem>>
        %dma_start3A_1115 = arith.constant 0 : i32
        %dma_start3A_1116 = tpu.memref_slice %arg8[%add3A_1075, %dma_start3A_1115] : memref<16x128xi32, #tpu.memory_space<vmem>> -> memref<1x128xi32, #tpu.memory_space<vmem>>
        %dma_start3A_1117 = tpu.memref_squeeze %dma_start3A_1116 : memref<1x128xi32, #tpu.memory_space<vmem>> -> memref<128xi32, #tpu.memory_space<vmem>>
        %dma_start3A_1118 = arith.constant 0 : i32
        %dma_start3A_1119 = arith.constant 0 : i32
        %dma_start3A_1120 = tpu.memref_slice %arg12[%dma_start3A_1118, %dma_start3A_1119] : memref<10112x128xf32, #tpu.memory_space<vmem_shared>> -> memref<10112x128xf32, #tpu.memory_space<vmem_shared>>
        tpu.enqueue_indirect_dma source(%arg10 : memref<128x128xf32, #tpu.memory_space<vmem>>) target(%dma_start3A_1120 : memref<10112x128xf32, #tpu.memory_space<vmem_shared>>) offsets(%dma_start3A_1117 : memref<128xi32, #tpu.memory_space<vmem>>) semaphore(%run_scoped3A_1114 : memref<!tpu.dma_semaphore, #tpu.memory_space<semaphore_mem>>) {add = true}
        %dma_wait3A_1121 = arith.constant 0 : i32
        %dma_wait3A_1122 = tpu.memref_slice %arg8[%add3A_1075, %dma_wait3A_1121] : memref<16x128xi32, #tpu.memory_space<vmem>> -> memref<1x128xi32, #tpu.memory_space<vmem>>
        %dma_wait3A_1123 = tpu.memref_squeeze %dma_wait3A_1122 : memref<1x128xi32, #tpu.memory_space<vmem>> -> memref<128xi32, #tpu.memory_space<vmem>>
        %dma_wait3A_1124 = arith.constant 0 : i32
        %dma_wait3A_1125 = arith.constant 0 : i32
        %dma_wait3A_1126 = tpu.memref_slice %arg12[%dma_wait3A_1124, %dma_wait3A_1125] : memref<10112x128xf32, #tpu.memory_space<vmem_shared>> -> memref<10112x128xf32, #tpu.memory_space<vmem_shared>>
        tpu.wait_indirect_dma semaphore(%run_scoped3A_1114 : memref<!tpu.dma_semaphore, #tpu.memory_space<semaphore_mem>>) src(%arg10 : memref<128x128xf32, #tpu.memory_space<vmem>>) dst(%dma_wait3A_1126 : memref<10112x128xf32, #tpu.memory_space<vmem_shared>>)
        tpu.yield
      }) : () -> ()
      %add3A_1082 = arith.constant 2 : i32
      %add3A_1083 = arith.addi %add3A_1075, %add3A_1082 : i32
      %dma_start3A_1084 = arith.constant 0 : i32
      %dma_start3A_1085 = tpu.memref_slice %arg7[%add3A_1083, %dma_start3A_1084] : memref<16x128xi32, #tpu.memory_space<vmem>> -> memref<1x128xi32, #tpu.memory_space<vmem>>
      %dma_start3A_1086 = tpu.memref_squeeze %dma_start3A_1085 : memref<1x128xi32, #tpu.memory_space<vmem>> -> memref<128xi32, #tpu.memory_space<vmem>>
      %dma_start3A_1087 = arith.constant 0 : i32
      %dma_start3A_1088 = arith.constant 0 : i32
      %dma_start3A_1089 = tpu.memref_slice %arg2[%dma_start3A_1087, %dma_start3A_1088] : memref<10000x128xf32, #tpu.memory_space<hbm>> -> memref<10000x128xf32, #tpu.memory_space<hbm>>
      tpu.enqueue_indirect_dma source(%dma_start3A_1089 : memref<10000x128xf32, #tpu.memory_space<hbm>>) target(%arg10 : memref<128x128xf32, #tpu.memory_space<vmem>>) offsets(%dma_start3A_1086 : memref<128xi32, #tpu.memory_space<vmem>>) semaphore(%arg14 : memref<!tpu.dma_semaphore, #tpu.memory_space<semaphore_mem>>)
      %get3A_1090 = arith.index_cast %add3A_1075 : i32 to index
      %get3A_1091 = arith.constant 0 : index
      %get3A_1092 = tpu.vector_load %arg8[%get3A_1090, %get3A_1091] {strides = array<i32>} : memref<16x128xi32, #tpu.memory_space<vmem>>, vector<16xi32>,
      tpu.vector_store_idx %arg11[%get3A_1092], %broadcast_in_dim3A_1 {add = true} : memref<10112xf32, #tpu.memory_space<vmem>>[vector<16xi32>], vector<16xf32>,
      %get3A_1093 = arith.index_cast %add3A_1075 : i32 to index
      %get3A_1094 = arith.constant 16 : index
      %get3A_1095 = tpu.vector_load %arg8[%get3A_1093, %get3A_1094] {strides = array<i32>} : memref<16x128xi32, #tpu.memory_space<vmem>>, vector<16xi32>,
      tpu.vector_store_idx %arg11[%get3A_1095], %broadcast_in_dim3A_1 {add = true} : memref<10112xf32, #tpu.memory_space<vmem>>[vector<16xi32>], vector<16xf32>,
      %get3A_1096 = arith.index_cast %add3A_1075 : i32 to index
      %get3A_1097 = arith.constant 32 : index
      %get3A_1098 = tpu.vector_load %arg8[%get3A_1096, %get3A_1097] {strides = array<i32>} : memref<16x128xi32, #tpu.memory_space<vmem>>, vector<16xi32>,
      tpu.vector_store_idx %arg11[%get3A_1098], %broadcast_in_dim3A_1 {add = true} : memref<10112xf32, #tpu.memory_space<vmem>>[vector<16xi32>], vector<16xf32>,
      %get3A_1099 = arith.index_cast %add3A_1075 : i32 to index
      %get3A_1100 = arith.constant 48 : index
      %get3A_1101 = tpu.vector_load %arg8[%get3A_1099, %get3A_1100] {strides = array<i32>} : memref<16x128xi32, #tpu.memory_space<vmem>>, vector<16xi32>,
      tpu.vector_store_idx %arg11[%get3A_1101], %broadcast_in_dim3A_1 {add = true} : memref<10112xf32, #tpu.memory_space<vmem>>[vector<16xi32>], vector<16xf32>,
      %get3A_1102 = arith.index_cast %add3A_1075 : i32 to index
      %get3A_1103 = arith.constant 64 : index
      %get3A_1104 = tpu.vector_load %arg8[%get3A_1102, %get3A_1103] {strides = array<i32>} : memref<16x128xi32, #tpu.memory_space<vmem>>, vector<16xi32>,
      tpu.vector_store_idx %arg11[%get3A_1104], %broadcast_in_dim3A_1 {add = true} : memref<10112xf32, #tpu.memory_space<vmem>>[vector<16xi32>], vector<16xf32>,
      %get3A_1105 = arith.index_cast %add3A_1075 : i32 to index
      %get3A_1106 = arith.constant 80 : index
      %get3A_1107 = tpu.vector_load %arg8[%get3A_1105, %get3A_1106] {strides = array<i32>} : memref<16x128xi32, #tpu.memory_space<vmem>>, vector<16xi32>,
      tpu.vector_store_idx %arg11[%get3A_1107], %broadcast_in_dim3A_1 {add = true} : memref<10112xf32, #tpu.memory_space<vmem>>[vector<16xi32>], vector<16xf32>,
      %get3A_1108 = arith.index_cast %add3A_1075 : i32 to index
      %get3A_1109 = arith.constant 96 : index
      %get3A_1110 = tpu.vector_load %arg8[%get3A_1108, %get3A_1109] {strides = array<i32>} : memref<16x128xi32, #tpu.memory_space<vmem>>, vector<16xi32>,
      tpu.vector_store_idx %arg11[%get3A_1110], %broadcast_in_dim3A_1 {add = true} : memref<10112xf32, #tpu.memory_space<vmem>>[vector<16xi32>], vector<16xf32>,
      %get3A_1111 = arith.index_cast %add3A_1075 : i32 to index
      %get3A_1112 = arith.constant 112 : index
      %get3A_1113 = tpu.vector_load %arg8[%get3A_1111, %get3A_1112] {strides = array<i32>} : memref<16x128xi32, #tpu.memory_space<vmem>>, vector<16xi32>,
      tpu.vector_store_idx %arg11[%get3A_1113], %broadcast_in_dim3A_1 {add = true} : memref<10112xf32, #tpu.memory_space<vmem>>[vector<16xi32>], vector<16xf32>,
    }
    %scan3A_343 = arith.constant 7 : i32
    %dma_wait3A_344 = arith.constant 14 : i32
    %dma_wait3A_345 = arith.constant 0 : i32
    %dma_wait3A_346 = tpu.memref_slice %arg7[%dma_wait3A_344, %dma_wait3A_345] : memref<16x128xi32, #tpu.memory_space<vmem>> -> memref<1x128xi32, #tpu.memory_space<vmem>>
    %dma_wait3A_347 = tpu.memref_squeeze %dma_wait3A_346 : memref<1x128xi32, #tpu.memory_space<vmem>> -> memref<128xi32, #tpu.memory_space<vmem>>
    %dma_wait3A_348 = arith.constant 0 : i32
    %dma_wait3A_349 = arith.constant 0 : i32
    %dma_wait3A_350 = tpu.memref_slice %arg2[%dma_wait3A_348, %dma_wait3A_349] : memref<10000x128xf32, #tpu.memory_space<hbm>> -> memref<10000x128xf32, #tpu.memory_space<hbm>>
    tpu.wait_indirect_dma semaphore(%arg13 : memref<!tpu.dma_semaphore, #tpu.memory_space<semaphore_mem>>) src(%dma_wait3A_350 : memref<10000x128xf32, #tpu.memory_space<hbm>>) dst(%arg9 : memref<128x128xf32, #tpu.memory_space<vmem>>)
    %run_scoped3A_351 = arith.constant 14 : i32
    "tpu.region"() ({
      %run_scoped3A_1029 = tpu.sem_alloc : memref<!tpu.dma_semaphore, #tpu.memory_space<semaphore_mem>>
      %dma_start3A_1030 = arith.constant 0 : i32
      %dma_start3A_1031 = tpu.memref_slice %arg8[%run_scoped3A_351, %dma_start3A_1030] : memref<16x128xi32, #tpu.memory_space<vmem>> -> memref<1x128xi32, #tpu.memory_space<vmem>>
      %dma_start3A_1032 = tpu.memref_squeeze %dma_start3A_1031 : memref<1x128xi32, #tpu.memory_space<vmem>> -> memref<128xi32, #tpu.memory_space<vmem>>
      %dma_start3A_1033 = arith.constant 0 : i32
      %dma_start3A_1034 = arith.constant 0 : i32
      %dma_start3A_1035 = tpu.memref_slice %arg12[%dma_start3A_1033, %dma_start3A_1034] : memref<10112x128xf32, #tpu.memory_space<vmem_shared>> -> memref<10112x128xf32, #tpu.memory_space<vmem_shared>>
      tpu.enqueue_indirect_dma source(%arg9 : memref<128x128xf32, #tpu.memory_space<vmem>>) target(%dma_start3A_1035 : memref<10112x128xf32, #tpu.memory_space<vmem_shared>>) offsets(%dma_start3A_1032 : memref<128xi32, #tpu.memory_space<vmem>>) semaphore(%run_scoped3A_1029 : memref<!tpu.dma_semaphore, #tpu.memory_space<semaphore_mem>>) {add = true}
      %dma_wait3A_1036 = arith.constant 0 : i32
      %dma_wait3A_1037 = tpu.memref_slice %arg8[%run_scoped3A_351, %dma_wait3A_1036] : memref<16x128xi32, #tpu.memory_space<vmem>> -> memref<1x128xi32, #tpu.memory_space<vmem>>
      %dma_wait3A_1038 = tpu.memref_squeeze %dma_wait3A_1037 : memref<1x128xi32, #tpu.memory_space<vmem>> -> memref<128xi32, #tpu.memory_space<vmem>>
      %dma_wait3A_1039 = arith.constant 0 : i32
      %dma_wait3A_1040 = arith.constant 0 : i32
      %dma_wait3A_1041 = tpu.memref_slice %arg12[%dma_wait3A_1039, %dma_wait3A_1040] : memref<10112x128xf32, #tpu.memory_space<vmem_shared>> -> memref<10112x128xf32, #tpu.memory_space<vmem_shared>>
      tpu.wait_indirect_dma semaphore(%run_scoped3A_1029 : memref<!tpu.dma_semaphore, #tpu.memory_space<semaphore_mem>>) src(%arg9 : memref<128x128xf32, #tpu.memory_space<vmem>>) dst(%dma_wait3A_1041 : memref<10112x128xf32, #tpu.memory_space<vmem_shared>>)
      tpu.yield
    }) : () -> ()
    %get3A_352 = arith.constant 14 : i32
    %get3A_353 = arith.index_cast %get3A_352 : i32 to index
    %get3A_354 = arith.constant 0 : index
    %get3A_355 = tpu.vector_load %arg8[%get3A_353, %get3A_354] {strides = array<i32>} : memref<16x128xi32, #tpu.memory_space<vmem>>, vector<16xi32>,
    tpu.vector_store_idx %arg11[%get3A_355], %broadcast_in_dim3A_1 {add = true} : memref<10112xf32, #tpu.memory_space<vmem>>[vector<16xi32>], vector<16xf32>,
    %get3A_356 = arith.constant 14 : i32
    %get3A_357 = arith.index_cast %get3A_356 : i32 to index
    %get3A_358 = arith.constant 16 : index
    %get3A_359 = tpu.vector_load %arg8[%get3A_357, %get3A_358] {strides = array<i32>} : memref<16x128xi32, #tpu.memory_space<vmem>>, vector<16xi32>,
    tpu.vector_store_idx %arg11[%get3A_359], %broadcast_in_dim3A_1 {add = true} : memref<10112xf32, #tpu.memory_space<vmem>>[vector<16xi32>], vector<16xf32>,
    %get3A_360 = arith.constant 14 : i32
    %get3A_361 = arith.index_cast %get3A_360 : i32 to index
    %get3A_362 = arith.constant 32 : index
    %get3A_363 = tpu.vector_load %arg8[%get3A_361, %get3A_362] {strides = array<i32>} : memref<16x128xi32, #tpu.memory_space<vmem>>, vector<16xi32>,
    tpu.vector_store_idx %arg11[%get3A_363], %broadcast_in_dim3A_1 {add = true} : memref<10112xf32, #tpu.memory_space<vmem>>[vector<16xi32>], vector<16xf32>,
    %get3A_364 = arith.constant 14 : i32
    %get3A_365 = arith.index_cast %get3A_364 : i32 to index
    %get3A_366 = arith.constant 48 : index
    %get3A_367 = tpu.vector_load %arg8[%get3A_365, %get3A_366] {strides = array<i32>} : memref<16x128xi32, #tpu.memory_space<vmem>>, vector<16xi32>,
    tpu.vector_store_idx %arg11[%get3A_367], %broadcast_in_dim3A_1 {add = true} : memref<10112xf32, #tpu.memory_space<vmem>>[vector<16xi32>], vector<16xf32>,
    %get3A_368 = arith.constant 14 : i32
    %get3A_369 = arith.index_cast %get3A_368 : i32 to index
    %get3A_370 = arith.constant 64 : index
    %get3A_371 = tpu.vector_load %arg8[%get3A_369, %get3A_370] {strides = array<i32>} : memref<16x128xi32, #tpu.memory_space<vmem>>, vector<16xi32>,
    tpu.vector_store_idx %arg11[%get3A_371], %broadcast_in_dim3A_1 {add = true} : memref<10112xf32, #tpu.memory_space<vmem>>[vector<16xi32>], vector<16xf32>,
    %get3A_372 = arith.constant 14 : i32
    %get3A_373 = arith.index_cast %get3A_372 : i32 to index
    %get3A_374 = arith.constant 80 : index
    %get3A_375 = tpu.vector_load %arg8[%get3A_373, %get3A_374] {strides = array<i32>} : memref<16x128xi32, #tpu.memory_space<vmem>>, vector<16xi32>,
    tpu.vector_store_idx %arg11[%get3A_375], %broadcast_in_dim3A_1 {add = true} : memref<10112xf32, #tpu.memory_space<vmem>>[vector<16xi32>], vector<16xf32>,
    %get3A_376 = arith.constant 14 : i32
    %get3A_377 = arith.index_cast %get3A_376 : i32 to index
    %get3A_378 = arith.constant 96 : index
    %get3A_379 = tpu.vector_load %arg8[%get3A_377, %get3A_378] {strides = array<i32>} : memref<16x128xi32, #tpu.memory_space<vmem>>, vector<16xi32>,
    tpu.vector_store_idx %arg11[%get3A_379], %broadcast_in_dim3A_1 {add = true} : memref<10112xf32, #tpu.memory_space<vmem>>[vector<16xi32>], vector<16xf32>,
    %get3A_380 = arith.constant 14 : i32
    %get3A_381 = arith.index_cast %get3A_380 : i32 to index
    %get3A_382 = arith.constant 112 : index
    %get3A_383 = tpu.vector_load %arg8[%get3A_381, %get3A_382] {strides = array<i32>} : memref<16x128xi32, #tpu.memory_space<vmem>>, vector<16xi32>,
    tpu.vector_store_idx %arg11[%get3A_383], %broadcast_in_dim3A_1 {add = true} : memref<10112xf32, #tpu.memory_space<vmem>>[vector<16xi32>], vector<16xf32>,
    %dma_wait3A_384 = arith.constant 15 : i32
    %dma_wait3A_385 = arith.constant 0 : i32
    %dma_wait3A_386 = tpu.memref_slice %arg7[%dma_wait3A_384, %dma_wait3A_385] : memref<16x128xi32, #tpu.memory_space<vmem>> -> memref<1x128xi32, #tpu.memory_space<vmem>>
    %dma_wait3A_387 = tpu.memref_squeeze %dma_wait3A_386 : memref<1x128xi32, #tpu.memory_space<vmem>> -> memref<128xi32, #tpu.memory_space<vmem>>
    %dma_wait3A_388 = arith.constant 0 : i32
    %dma_wait3A_389 = arith.constant 0 : i32
    %dma_wait3A_390 = tpu.memref_slice %arg2[%dma_wait3A_388, %dma_wait3A_389] : memref<10000x128xf32, #tpu.memory_space<hbm>> -> memref<10000x128xf32, #tpu.memory_space<hbm>>
    tpu.wait_indirect_dma semaphore(%arg14 : memref<!tpu.dma_semaphore, #tpu.memory_space<semaphore_mem>>) src(%dma_wait3A_390 : memref<10000x128xf32, #tpu.memory_space<hbm>>) dst(%arg10 : memref<128x128xf32, #tpu.memory_space<vmem>>)
    %run_scoped3A_391 = arith.constant 15 : i32
    "tpu.region"() ({
      %run_scoped3A_1029 = tpu.sem_alloc : memref<!tpu.dma_semaphore, #tpu.memory_space<semaphore_mem>>
      %dma_start3A_1030 = arith.constant 0 : i32
      %dma_start3A_1031 = tpu.memref_slice %arg8[%run_scoped3A_391, %dma_start3A_1030] : memref<16x128xi32, #tpu.memory_space<vmem>> -> memref<1x128xi32, #tpu.memory_space<vmem>>
      %dma_start3A_1032 = tpu.memref_squeeze %dma_start3A_1031 : memref<1x128xi32, #tpu.memory_space<vmem>> -> memref<128xi32, #tpu.memory_space<vmem>>
      %dma_start3A_1033 = arith.constant 0 : i32
      %dma_start3A_1034 = arith.constant 0 : i32
      %dma_start3A_1035 = tpu.memref_slice %arg12[%dma_start3A_1033, %dma_start3A_1034] : memref<10112x128xf32, #tpu.memory_space<vmem_shared>> -> memref<10112x128xf32, #tpu.memory_space<vmem_shared>>
      tpu.enqueue_indirect_dma source(%arg10 : memref<128x128xf32, #tpu.memory_space<vmem>>) target(%dma_start3A_1035 : memref<10112x128xf32, #tpu.memory_space<vmem_shared>>) offsets(%dma_start3A_1032 : memref<128xi32, #tpu.memory_space<vmem>>) semaphore(%run_scoped3A_1029 : memref<!tpu.dma_semaphore, #tpu.memory_space<semaphore_mem>>) {add = true}
      %dma_wait3A_1036 = arith.constant 0 : i32
      %dma_wait3A_1037 = tpu.memref_slice %arg8[%run_scoped3A_391, %dma_wait3A_1036] : memref<16x128xi32, #tpu.memory_space<vmem>> -> memref<1x128xi32, #tpu.memory_space<vmem>>
      %dma_wait3A_1038 = tpu.memref_squeeze %dma_wait3A_1037 : memref<1x128xi32, #tpu.memory_space<vmem>> -> memref<128xi32, #tpu.memory_space<vmem>>
      %dma_wait3A_1039 = arith.constant 0 : i32
      %dma_wait3A_1040 = arith.constant 0 : i32
      %dma_wait3A_1041 = tpu.memref_slice %arg12[%dma_wait3A_1039, %dma_wait3A_1040] : memref<10112x128xf32, #tpu.memory_space<vmem_shared>> -> memref<10112x128xf32, #tpu.memory_space<vmem_shared>>
      tpu.wait_indirect_dma semaphore(%run_scoped3A_1029 : memref<!tpu.dma_semaphore, #tpu.memory_space<semaphore_mem>>) src(%arg10 : memref<128x128xf32, #tpu.memory_space<vmem>>) dst(%dma_wait3A_1041 : memref<10112x128xf32, #tpu.memory_space<vmem_shared>>)
      tpu.yield
    }) : () -> ()
    %get3A_392 = arith.constant 15 : i32
    %get3A_393 = arith.index_cast %get3A_392 : i32 to index
    %get3A_394 = arith.constant 0 : index
    %get3A_395 = tpu.vector_load %arg8[%get3A_393, %get3A_394] {strides = array<i32>} : memref<16x128xi32, #tpu.memory_space<vmem>>, vector<16xi32>,
    tpu.vector_store_idx %arg11[%get3A_395], %broadcast_in_dim3A_1 {add = true} : memref<10112xf32, #tpu.memory_space<vmem>>[vector<16xi32>], vector<16xf32>,
    %get3A_396 = arith.constant 15 : i32
    %get3A_397 = arith.index_cast %get3A_396 : i32 to index
    %get3A_398 = arith.constant 16 : index
    %get3A_399 = tpu.vector_load %arg8[%get3A_397, %get3A_398] {strides = array<i32>} : memref<16x128xi32, #tpu.memory_space<vmem>>, vector<16xi32>,
    tpu.vector_store_idx %arg11[%get3A_399], %broadcast_in_dim3A_1 {add = true} : memref<10112xf32, #tpu.memory_space<vmem>>[vector<16xi32>], vector<16xf32>,
    %get3A_400 = arith.constant 15 : i32
    %get3A_401 = arith.index_cast %get3A_400 : i32 to index
    %get3A_402 = arith.constant 32 : index
    %get3A_403 = tpu.vector_load %arg8[%get3A_401, %get3A_402] {strides = array<i32>} : memref<16x128xi32, #tpu.memory_space<vmem>>, vector<16xi32>,
    tpu.vector_store_idx %arg11[%get3A_403], %broadcast_in_dim3A_1 {add = true} : memref<10112xf32, #tpu.memory_space<vmem>>[vector<16xi32>], vector<16xf32>,
    %get3A_404 = arith.constant 15 : i32
    %get3A_405 = arith.index_cast %get3A_404 : i32 to index
    %get3A_406 = arith.constant 48 : index
    %get3A_407 = tpu.vector_load %arg8[%get3A_405, %get3A_406] {strides = array<i32>} : memref<16x128xi32, #tpu.memory_space<vmem>>, vector<16xi32>,
    tpu.vector_store_idx %arg11[%get3A_407], %broadcast_in_dim3A_1 {add = true} : memref<10112xf32, #tpu.memory_space<vmem>>[vector<16xi32>], vector<16xf32>,
    %get3A_408 = arith.constant 15 : i32
    %get3A_409 = arith.index_cast %get3A_408 : i32 to index
    %get3A_410 = arith.constant 64 : index
    %get3A_411 = tpu.vector_load %arg8[%get3A_409, %get3A_410] {strides = array<i32>} : memref<16x128xi32, #tpu.memory_space<vmem>>, vector<16xi32>,
    tpu.vector_store_idx %arg11[%get3A_411], %broadcast_in_dim3A_1 {add = true} : memref<10112xf32, #tpu.memory_space<vmem>>[vector<16xi32>], vector<16xf32>,
    %get3A_412 = arith.constant 15 : i32
    %get3A_413 = arith.index_cast %get3A_412 : i32 to index
    %get3A_414 = arith.constant 80 : index
    %get3A_415 = tpu.vector_load %arg8[%get3A_413, %get3A_414] {strides = array<i32>} : memref<16x128xi32, #tpu.memory_space<vmem>>, vector<16xi32>,
    tpu.vector_store_idx %arg11[%get3A_415], %broadcast_in_dim3A_1 {add = true} : memref<10112xf32, #tpu.memory_space<vmem>>[vector<16xi32>], vector<16xf32>,
    %get3A_416 = arith.constant 15 : i32
    %get3A_417 = arith.index_cast %get3A_416 : i32 to index
    %get3A_418 = arith.constant 96 : index
    %get3A_419 = tpu.vector_load %arg8[%get3A_417, %get3A_418] {strides = array<i32>} : memref<16x128xi32, #tpu.memory_space<vmem>>, vector<16xi32>,
    tpu.vector_store_idx %arg11[%get3A_419], %broadcast_in_dim3A_1 {add = true} : memref<10112xf32, #tpu.memory_space<vmem>>[vector<16xi32>], vector<16xf32>,
    %get3A_420 = arith.constant 15 : i32
    %get3A_421 = arith.index_cast %get3A_420 : i32 to index
    %get3A_422 = arith.constant 112 : index
    %get3A_423 = tpu.vector_load %arg8[%get3A_421, %get3A_422] {strides = array<i32>} : memref<16x128xi32, #tpu.memory_space<vmem>>, vector<16xi32>,
    tpu.vector_store_idx %arg11[%get3A_423], %broadcast_in_dim3A_1 {add = true} : memref<10112xf32, #tpu.memory_space<vmem>>[vector<16xi32>], vector<16xf32>,
    "tpu.region"() ({
      %run_scoped3A_1029 = tpu.sem_alloc : memref<!tpu.dma_semaphore, #tpu.memory_space<semaphore_mem>>
      %dma_start3A_1030 = arith.constant 64 : i32
      %dma_start3A_1031 = arith.constant 0 : i32
      %dma_start3A_1032 = tpu.memref_slice %arg3[%add3A, %dma_start3A_1030, %dma_start3A_1031] : memref<16x160x128xi32, #tpu.memory_space<hbm>> -> memref<1x16x128xi32, #tpu.memory_space<hbm>>
      %dma_start3A_1033 = tpu.memref_squeeze %dma_start3A_1032 : memref<1x16x128xi32, #tpu.memory_space<hbm>> -> memref<16x128xi32, #tpu.memory_space<hbm>>
      %dma_start3A_1034 = arith.constant 64 : i32
      %dma_start3A_1035 = arith.constant 0 : i32
      %dma_start3A_1036 = tpu.memref_slice %arg3[%add3A, %dma_start3A_1034, %dma_start3A_1035] : memref<16x160x128xi32, #tpu.memory_space<hbm>> -> memref<1x16x128xi32, #tpu.memory_space<hbm>>
      %dma_start3A_1037 = tpu.memref_squeeze %dma_start3A_1036 : memref<1x16x128xi32, #tpu.memory_space<hbm>> -> memref<16x128xi32, #tpu.memory_space<hbm>>
      tpu.enqueue_dma source(%dma_start3A_1037 : memref<16x128xi32, #tpu.memory_space<hbm>>) target(%arg7 : memref<16x128xi32, #tpu.memory_space<vmem>>) target_semaphore(%run_scoped3A_1029 : memref<!tpu.dma_semaphore, #tpu.memory_space<semaphore_mem>>)
      %dma_wait3A_1038 = arith.constant 64 : i32
      %dma_wait3A_1039 = arith.constant 0 : i32
      %dma_wait3A_1040 = tpu.memref_slice %arg3[%add3A, %dma_wait3A_1038, %dma_wait3A_1039] : memref<16x160x128xi32, #tpu.memory_space<hbm>> -> memref<1x16x128xi32, #tpu.memory_space<hbm>>
      %dma_wait3A_1041 = tpu.memref_squeeze %dma_wait3A_1040 : memref<1x16x128xi32, #tpu.memory_space<hbm>> -> memref<16x128xi32, #tpu.memory_space<hbm>>
      %dma_wait3A_1042 = arith.constant 64 : i32
      %dma_wait3A_1043 = arith.constant 0 : i32
      %dma_wait3A_1044 = tpu.memref_slice %arg3[%add3A, %dma_wait3A_1042, %dma_wait3A_1043] : memref<16x160x128xi32, #tpu.memory_space<hbm>> -> memref<1x16x128xi32, #tpu.memory_space<hbm>>
      %dma_wait3A_1045 = tpu.memref_squeeze %dma_wait3A_1044 : memref<1x16x128xi32, #tpu.memory_space<hbm>> -> memref<16x128xi32, #tpu.memory_space<hbm>>
      tpu.wait_dma2 semaphore(%run_scoped3A_1029 : memref<!tpu.dma_semaphore, #tpu.memory_space<semaphore_mem>>) src(%dma_wait3A_1045 : memref<16x128xi32, #tpu.memory_space<hbm>>) dst(%arg7 : memref<16x128xi32, #tpu.memory_space<vmem>>)
      tpu.yield
    }) : () -> ()
    "tpu.region"() ({
      %run_scoped3A_1029 = tpu.sem_alloc : memref<!tpu.dma_semaphore, #tpu.memory_space<semaphore_mem>>
      %dma_start3A_1030 = arith.constant 64 : i32
      %dma_start3A_1031 = arith.constant 0 : i32
      %dma_start3A_1032 = tpu.memref_slice %arg4[%add3A, %dma_start3A_1030, %dma_start3A_1031] : memref<16x160x128xi32, #tpu.memory_space<hbm>> -> memref<1x16x128xi32, #tpu.memory_space<hbm>>
      %dma_start3A_1033 = tpu.memref_squeeze %dma_start3A_1032 : memref<1x16x128xi32, #tpu.memory_space<hbm>> -> memref<16x128xi32, #tpu.memory_space<hbm>>
      %dma_start3A_1034 = arith.constant 64 : i32
      %dma_start3A_1035 = arith.constant 0 : i32
      %dma_start3A_1036 = tpu.memref_slice %arg4[%add3A, %dma_start3A_1034, %dma_start3A_1035] : memref<16x160x128xi32, #tpu.memory_space<hbm>> -> memref<1x16x128xi32, #tpu.memory_space<hbm>>
      %dma_start3A_1037 = tpu.memref_squeeze %dma_start3A_1036 : memref<1x16x128xi32, #tpu.memory_space<hbm>> -> memref<16x128xi32, #tpu.memory_space<hbm>>
      tpu.enqueue_dma source(%dma_start3A_1037 : memref<16x128xi32, #tpu.memory_space<hbm>>) target(%arg8 : memref<16x128xi32, #tpu.memory_space<vmem>>) target_semaphore(%run_scoped3A_1029 : memref<!tpu.dma_semaphore, #tpu.memory_space<semaphore_mem>>)
      %dma_wait3A_1038 = arith.constant 64 : i32
      %dma_wait3A_1039 = arith.constant 0 : i32
      %dma_wait3A_1040 = tpu.memref_slice %arg4[%add3A, %dma_wait3A_1038, %dma_wait3A_1039] : memref<16x160x128xi32, #tpu.memory_space<hbm>> -> memref<1x16x128xi32, #tpu.memory_space<hbm>>
      %dma_wait3A_1041 = tpu.memref_squeeze %dma_wait3A_1040 : memref<1x16x128xi32, #tpu.memory_space<hbm>> -> memref<16x128xi32, #tpu.memory_space<hbm>>
      %dma_wait3A_1042 = arith.constant 64 : i32
      %dma_wait3A_1043 = arith.constant 0 : i32
      %dma_wait3A_1044 = tpu.memref_slice %arg4[%add3A, %dma_wait3A_1042, %dma_wait3A_1043] : memref<16x160x128xi32, #tpu.memory_space<hbm>> -> memref<1x16x128xi32, #tpu.memory_space<hbm>>
      %dma_wait3A_1045 = tpu.memref_squeeze %dma_wait3A_1044 : memref<1x16x128xi32, #tpu.memory_space<hbm>> -> memref<16x128xi32, #tpu.memory_space<hbm>>
      tpu.wait_dma2 semaphore(%run_scoped3A_1029 : memref<!tpu.dma_semaphore, #tpu.memory_space<semaphore_mem>>) src(%dma_wait3A_1045 : memref<16x128xi32, #tpu.memory_space<hbm>>) dst(%arg8 : memref<16x128xi32, #tpu.memory_space<vmem>>)
      tpu.yield
    }) : () -> ()
    %dma_start3A_424 = arith.constant 0 : i32
    %dma_start3A_425 = arith.constant 0 : i32
    %dma_start3A_426 = tpu.memref_slice %arg7[%dma_start3A_424, %dma_start3A_425] : memref<16x128xi32, #tpu.memory_space<vmem>> -> memref<1x128xi32, #tpu.memory_space<vmem>>
    %dma_start3A_427 = tpu.memref_squeeze %dma_start3A_426 : memref<1x128xi32, #tpu.memory_space<vmem>> -> memref<128xi32, #tpu.memory_space<vmem>>
    %dma_start3A_428 = arith.constant 0 : i32
    %dma_start3A_429 = arith.constant 0 : i32
    %dma_start3A_430 = tpu.memref_slice %arg2[%dma_start3A_428, %dma_start3A_429] : memref<10000x128xf32, #tpu.memory_space<hbm>> -> memref<10000x128xf32, #tpu.memory_space<hbm>>
    tpu.enqueue_indirect_dma source(%dma_start3A_430 : memref<10000x128xf32, #tpu.memory_space<hbm>>) target(%arg9 : memref<128x128xf32, #tpu.memory_space<vmem>>) offsets(%dma_start3A_427 : memref<128xi32, #tpu.memory_space<vmem>>) semaphore(%arg13 : memref<!tpu.dma_semaphore, #tpu.memory_space<semaphore_mem>>)
    %dma_start3A_431 = arith.constant 1 : i32
    %dma_start3A_432 = arith.constant 0 : i32
    %dma_start3A_433 = tpu.memref_slice %arg7[%dma_start3A_431, %dma_start3A_432] : memref<16x128xi32, #tpu.memory_space<vmem>> -> memref<1x128xi32, #tpu.memory_space<vmem>>
    %dma_start3A_434 = tpu.memref_squeeze %dma_start3A_433 : memref<1x128xi32, #tpu.memory_space<vmem>> -> memref<128xi32, #tpu.memory_space<vmem>>
    %dma_start3A_435 = arith.constant 0 : i32
    %dma_start3A_436 = arith.constant 0 : i32
    %dma_start3A_437 = tpu.memref_slice %arg2[%dma_start3A_435, %dma_start3A_436] : memref<10000x128xf32, #tpu.memory_space<hbm>> -> memref<10000x128xf32, #tpu.memory_space<hbm>>
    tpu.enqueue_indirect_dma source(%dma_start3A_437 : memref<10000x128xf32, #tpu.memory_space<hbm>>) target(%arg10 : memref<128x128xf32, #tpu.memory_space<vmem>>) offsets(%dma_start3A_434 : memref<128xi32, #tpu.memory_space<vmem>>) semaphore(%arg14 : memref<!tpu.dma_semaphore, #tpu.memory_space<semaphore_mem>>)
    %scan3A_438 = arith.constant 0 : i32
    %scan3A_439 = arith.constant 0 : i32
    %scan3A_440 = arith.constant 7 : i32
    %scan3A_441 = arith.addi %scan3A_439, %scan3A_440 : i32
    %scan3A_442 = arith.constant 1 : i32
    scf.for %scan3A_1029 = %scan3A_439 to %scan3A_441 step %scan3A_442  : i32 {
      %mul3A_1030 = arith.constant 2 : i32
      %mul3A_1031 = arith.muli %scan3A_1029, %mul3A_1030 : i32
      %add3A_1032 = arith.constant 0 : i32
      %add3A_1033 = arith.addi %mul3A_1031, %add3A_1032 : i32
      %dma_wait3A_1034 = arith.constant 0 : i32
      %dma_wait3A_1035 = tpu.memref_slice %arg7[%add3A_1033, %dma_wait3A_1034] : memref<16x128xi32, #tpu.memory_space<vmem>> -> memref<1x128xi32, #tpu.memory_space<vmem>>
      %dma_wait3A_1036 = tpu.memref_squeeze %dma_wait3A_1035 : memref<1x128xi32, #tpu.memory_space<vmem>> -> memref<128xi32, #tpu.memory_space<vmem>>
      %dma_wait3A_1037 = arith.constant 0 : i32
      %dma_wait3A_1038 = arith.constant 0 : i32
      %dma_wait3A_1039 = tpu.memref_slice %arg2[%dma_wait3A_1037, %dma_wait3A_1038] : memref<10000x128xf32, #tpu.memory_space<hbm>> -> memref<10000x128xf32, #tpu.memory_space<hbm>>
      tpu.wait_indirect_dma semaphore(%arg13 : memref<!tpu.dma_semaphore, #tpu.memory_space<semaphore_mem>>) src(%dma_wait3A_1039 : memref<10000x128xf32, #tpu.memory_space<hbm>>) dst(%arg9 : memref<128x128xf32, #tpu.memory_space<vmem>>)
      "tpu.region"() ({
        %run_scoped3A_1114 = tpu.sem_alloc : memref<!tpu.dma_semaphore, #tpu.memory_space<semaphore_mem>>
        %dma_start3A_1115 = arith.constant 0 : i32
        %dma_start3A_1116 = tpu.memref_slice %arg8[%add3A_1033, %dma_start3A_1115] : memref<16x128xi32, #tpu.memory_space<vmem>> -> memref<1x128xi32, #tpu.memory_space<vmem>>
        %dma_start3A_1117 = tpu.memref_squeeze %dma_start3A_1116 : memref<1x128xi32, #tpu.memory_space<vmem>> -> memref<128xi32, #tpu.memory_space<vmem>>
        %dma_start3A_1118 = arith.constant 0 : i32
        %dma_start3A_1119 = arith.constant 0 : i32
        %dma_start3A_1120 = tpu.memref_slice %arg12[%dma_start3A_1118, %dma_start3A_1119] : memref<10112x128xf32, #tpu.memory_space<vmem_shared>> -> memref<10112x128xf32, #tpu.memory_space<vmem_shared>>
        tpu.enqueue_indirect_dma source(%arg9 : memref<128x128xf32, #tpu.memory_space<vmem>>) target(%dma_start3A_1120 : memref<10112x128xf32, #tpu.memory_space<vmem_shared>>) offsets(%dma_start3A_1117 : memref<128xi32, #tpu.memory_space<vmem>>) semaphore(%run_scoped3A_1114 : memref<!tpu.dma_semaphore, #tpu.memory_space<semaphore_mem>>) {add = true}
        %dma_wait3A_1121 = arith.constant 0 : i32
        %dma_wait3A_1122 = tpu.memref_slice %arg8[%add3A_1033, %dma_wait3A_1121] : memref<16x128xi32, #tpu.memory_space<vmem>> -> memref<1x128xi32, #tpu.memory_space<vmem>>
        %dma_wait3A_1123 = tpu.memref_squeeze %dma_wait3A_1122 : memref<1x128xi32, #tpu.memory_space<vmem>> -> memref<128xi32, #tpu.memory_space<vmem>>
        %dma_wait3A_1124 = arith.constant 0 : i32
        %dma_wait3A_1125 = arith.constant 0 : i32
        %dma_wait3A_1126 = tpu.memref_slice %arg12[%dma_wait3A_1124, %dma_wait3A_1125] : memref<10112x128xf32, #tpu.memory_space<vmem_shared>> -> memref<10112x128xf32, #tpu.memory_space<vmem_shared>>
        tpu.wait_indirect_dma semaphore(%run_scoped3A_1114 : memref<!tpu.dma_semaphore, #tpu.memory_space<semaphore_mem>>) src(%arg9 : memref<128x128xf32, #tpu.memory_space<vmem>>) dst(%dma_wait3A_1126 : memref<10112x128xf32, #tpu.memory_space<vmem_shared>>)
        tpu.yield
      }) : () -> ()
      %add3A_1040 = arith.constant 2 : i32
      %add3A_1041 = arith.addi %add3A_1033, %add3A_1040 : i32
      %dma_start3A_1042 = arith.constant 0 : i32
      %dma_start3A_1043 = tpu.memref_slice %arg7[%add3A_1041, %dma_start3A_1042] : memref<16x128xi32, #tpu.memory_space<vmem>> -> memref<1x128xi32, #tpu.memory_space<vmem>>
      %dma_start3A_1044 = tpu.memref_squeeze %dma_start3A_1043 : memref<1x128xi32, #tpu.memory_space<vmem>> -> memref<128xi32, #tpu.memory_space<vmem>>
      %dma_start3A_1045 = arith.constant 0 : i32
      %dma_start3A_1046 = arith.constant 0 : i32
      %dma_start3A_1047 = tpu.memref_slice %arg2[%dma_start3A_1045, %dma_start3A_1046] : memref<10000x128xf32, #tpu.memory_space<hbm>> -> memref<10000x128xf32, #tpu.memory_space<hbm>>
      tpu.enqueue_indirect_dma source(%dma_start3A_1047 : memref<10000x128xf32, #tpu.memory_space<hbm>>) target(%arg9 : memref<128x128xf32, #tpu.memory_space<vmem>>) offsets(%dma_start3A_1044 : memref<128xi32, #tpu.memory_space<vmem>>) semaphore(%arg13 : memref<!tpu.dma_semaphore, #tpu.memory_space<semaphore_mem>>)
      %get3A_1048 = arith.index_cast %add3A_1033 : i32 to index
      %get3A_1049 = arith.constant 0 : index
      %get3A_1050 = tpu.vector_load %arg8[%get3A_1048, %get3A_1049] {strides = array<i32>} : memref<16x128xi32, #tpu.memory_space<vmem>>, vector<16xi32>,
      tpu.vector_store_idx %arg11[%get3A_1050], %broadcast_in_dim3A_1 {add = true} : memref<10112xf32, #tpu.memory_space<vmem>>[vector<16xi32>], vector<16xf32>,
      %get3A_1051 = arith.index_cast %add3A_1033 : i32 to index
      %get3A_1052 = arith.constant 16 : index
      %get3A_1053 = tpu.vector_load %arg8[%get3A_1051, %get3A_1052] {strides = array<i32>} : memref<16x128xi32, #tpu.memory_space<vmem>>, vector<16xi32>,
      tpu.vector_store_idx %arg11[%get3A_1053], %broadcast_in_dim3A_1 {add = true} : memref<10112xf32, #tpu.memory_space<vmem>>[vector<16xi32>], vector<16xf32>,
      %get3A_1054 = arith.index_cast %add3A_1033 : i32 to index
      %get3A_1055 = arith.constant 32 : index
      %get3A_1056 = tpu.vector_load %arg8[%get3A_1054, %get3A_1055] {strides = array<i32>} : memref<16x128xi32, #tpu.memory_space<vmem>>, vector<16xi32>,
      tpu.vector_store_idx %arg11[%get3A_1056], %broadcast_in_dim3A_1 {add = true} : memref<10112xf32, #tpu.memory_space<vmem>>[vector<16xi32>], vector<16xf32>,
      %get3A_1057 = arith.index_cast %add3A_1033 : i32 to index
      %get3A_1058 = arith.constant 48 : index
      %get3A_1059 = tpu.vector_load %arg8[%get3A_1057, %get3A_1058] {strides = array<i32>} : memref<16x128xi32, #tpu.memory_space<vmem>>, vector<16xi32>,
      tpu.vector_store_idx %arg11[%get3A_1059], %broadcast_in_dim3A_1 {add = true} : memref<10112xf32, #tpu.memory_space<vmem>>[vector<16xi32>], vector<16xf32>,
      %get3A_1060 = arith.index_cast %add3A_1033 : i32 to index
      %get3A_1061 = arith.constant 64 : index
      %get3A_1062 = tpu.vector_load %arg8[%get3A_1060, %get3A_1061] {strides = array<i32>} : memref<16x128xi32, #tpu.memory_space<vmem>>, vector<16xi32>,
      tpu.vector_store_idx %arg11[%get3A_1062], %broadcast_in_dim3A_1 {add = true} : memref<10112xf32, #tpu.memory_space<vmem>>[vector<16xi32>], vector<16xf32>,
      %get3A_1063 = arith.index_cast %add3A_1033 : i32 to index
      %get3A_1064 = arith.constant 80 : index
      %get3A_1065 = tpu.vector_load %arg8[%get3A_1063, %get3A_1064] {strides = array<i32>} : memref<16x128xi32, #tpu.memory_space<vmem>>, vector<16xi32>,
      tpu.vector_store_idx %arg11[%get3A_1065], %broadcast_in_dim3A_1 {add = true} : memref<10112xf32, #tpu.memory_space<vmem>>[vector<16xi32>], vector<16xf32>,
      %get3A_1066 = arith.index_cast %add3A_1033 : i32 to index
      %get3A_1067 = arith.constant 96 : index
      %get3A_1068 = tpu.vector_load %arg8[%get3A_1066, %get3A_1067] {strides = array<i32>} : memref<16x128xi32, #tpu.memory_space<vmem>>, vector<16xi32>,
      tpu.vector_store_idx %arg11[%get3A_1068], %broadcast_in_dim3A_1 {add = true} : memref<10112xf32, #tpu.memory_space<vmem>>[vector<16xi32>], vector<16xf32>,
      %get3A_1069 = arith.index_cast %add3A_1033 : i32 to index
      %get3A_1070 = arith.constant 112 : index
      %get3A_1071 = tpu.vector_load %arg8[%get3A_1069, %get3A_1070] {strides = array<i32>} : memref<16x128xi32, #tpu.memory_space<vmem>>, vector<16xi32>,
      tpu.vector_store_idx %arg11[%get3A_1071], %broadcast_in_dim3A_1 {add = true} : memref<10112xf32, #tpu.memory_space<vmem>>[vector<16xi32>], vector<16xf32>,
      %mul3A_1072 = arith.constant 2 : i32
      %mul3A_1073 = arith.muli %scan3A_1029, %mul3A_1072 : i32
      %add3A_1074 = arith.constant 1 : i32
      %add3A_1075 = arith.addi %mul3A_1073, %add3A_1074 : i32
      %dma_wait3A_1076 = arith.constant 0 : i32
      %dma_wait3A_1077 = tpu.memref_slice %arg7[%add3A_1075, %dma_wait3A_1076] : memref<16x128xi32, #tpu.memory_space<vmem>> -> memref<1x128xi32, #tpu.memory_space<vmem>>
      %dma_wait3A_1078 = tpu.memref_squeeze %dma_wait3A_1077 : memref<1x128xi32, #tpu.memory_space<vmem>> -> memref<128xi32, #tpu.memory_space<vmem>>
      %dma_wait3A_1079 = arith.constant 0 : i32
      %dma_wait3A_1080 = arith.constant 0 : i32
      %dma_wait3A_1081 = tpu.memref_slice %arg2[%dma_wait3A_1079, %dma_wait3A_1080] : memref<10000x128xf32, #tpu.memory_space<hbm>> -> memref<10000x128xf32, #tpu.memory_space<hbm>>
      tpu.wait_indirect_dma semaphore(%arg14 : memref<!tpu.dma_semaphore, #tpu.memory_space<semaphore_mem>>) src(%dma_wait3A_1081 : memref<10000x128xf32, #tpu.memory_space<hbm>>) dst(%arg10 : memref<128x128xf32, #tpu.memory_space<vmem>>)
      "tpu.region"() ({
        %run_scoped3A_1114 = tpu.sem_alloc : memref<!tpu.dma_semaphore, #tpu.memory_space<semaphore_mem>>
        %dma_start3A_1115 = arith.constant 0 : i32
        %dma_start3A_1116 = tpu.memref_slice %arg8[%add3A_1075, %dma_start3A_1115] : memref<16x128xi32, #tpu.memory_space<vmem>> -> memref<1x128xi32, #tpu.memory_space<vmem>>
        %dma_start3A_1117 = tpu.memref_squeeze %dma_start3A_1116 : memref<1x128xi32, #tpu.memory_space<vmem>> -> memref<128xi32, #tpu.memory_space<vmem>>
        %dma_start3A_1118 = arith.constant 0 : i32
        %dma_start3A_1119 = arith.constant 0 : i32
        %dma_start3A_1120 = tpu.memref_slice %arg12[%dma_start3A_1118, %dma_start3A_1119] : memref<10112x128xf32, #tpu.memory_space<vmem_shared>> -> memref<10112x128xf32, #tpu.memory_space<vmem_shared>>
        tpu.enqueue_indirect_dma source(%arg10 : memref<128x128xf32, #tpu.memory_space<vmem>>) target(%dma_start3A_1120 : memref<10112x128xf32, #tpu.memory_space<vmem_shared>>) offsets(%dma_start3A_1117 : memref<128xi32, #tpu.memory_space<vmem>>) semaphore(%run_scoped3A_1114 : memref<!tpu.dma_semaphore, #tpu.memory_space<semaphore_mem>>) {add = true}
        %dma_wait3A_1121 = arith.constant 0 : i32
        %dma_wait3A_1122 = tpu.memref_slice %arg8[%add3A_1075, %dma_wait3A_1121] : memref<16x128xi32, #tpu.memory_space<vmem>> -> memref<1x128xi32, #tpu.memory_space<vmem>>
        %dma_wait3A_1123 = tpu.memref_squeeze %dma_wait3A_1122 : memref<1x128xi32, #tpu.memory_space<vmem>> -> memref<128xi32, #tpu.memory_space<vmem>>
        %dma_wait3A_1124 = arith.constant 0 : i32
        %dma_wait3A_1125 = arith.constant 0 : i32
        %dma_wait3A_1126 = tpu.memref_slice %arg12[%dma_wait3A_1124, %dma_wait3A_1125] : memref<10112x128xf32, #tpu.memory_space<vmem_shared>> -> memref<10112x128xf32, #tpu.memory_space<vmem_shared>>
        tpu.wait_indirect_dma semaphore(%run_scoped3A_1114 : memref<!tpu.dma_semaphore, #tpu.memory_space<semaphore_mem>>) src(%arg10 : memref<128x128xf32, #tpu.memory_space<vmem>>) dst(%dma_wait3A_1126 : memref<10112x128xf32, #tpu.memory_space<vmem_shared>>)
        tpu.yield
      }) : () -> ()
      %add3A_1082 = arith.constant 2 : i32
      %add3A_1083 = arith.addi %add3A_1075, %add3A_1082 : i32
      %dma_start3A_1084 = arith.constant 0 : i32
      %dma_start3A_1085 = tpu.memref_slice %arg7[%add3A_1083, %dma_start3A_1084] : memref<16x128xi32, #tpu.memory_space<vmem>> -> memref<1x128xi32, #tpu.memory_space<vmem>>
      %dma_start3A_1086 = tpu.memref_squeeze %dma_start3A_1085 : memref<1x128xi32, #tpu.memory_space<vmem>> -> memref<128xi32, #tpu.memory_space<vmem>>
      %dma_start3A_1087 = arith.constant 0 : i32
      %dma_start3A_1088 = arith.constant 0 : i32
      %dma_start3A_1089 = tpu.memref_slice %arg2[%dma_start3A_1087, %dma_start3A_1088] : memref<10000x128xf32, #tpu.memory_space<hbm>> -> memref<10000x128xf32, #tpu.memory_space<hbm>>
      tpu.enqueue_indirect_dma source(%dma_start3A_1089 : memref<10000x128xf32, #tpu.memory_space<hbm>>) target(%arg10 : memref<128x128xf32, #tpu.memory_space<vmem>>) offsets(%dma_start3A_1086 : memref<128xi32, #tpu.memory_space<vmem>>) semaphore(%arg14 : memref<!tpu.dma_semaphore, #tpu.memory_space<semaphore_mem>>)
      %get3A_1090 = arith.index_cast %add3A_1075 : i32 to index
      %get3A_1091 = arith.constant 0 : index
      %get3A_1092 = tpu.vector_load %arg8[%get3A_1090, %get3A_1091] {strides = array<i32>} : memref<16x128xi32, #tpu.memory_space<vmem>>, vector<16xi32>,
      tpu.vector_store_idx %arg11[%get3A_1092], %broadcast_in_dim3A_1 {add = true} : memref<10112xf32, #tpu.memory_space<vmem>>[vector<16xi32>], vector<16xf32>,
      %get3A_1093 = arith.index_cast %add3A_1075 : i32 to index
      %get3A_1094 = arith.constant 16 : index
      %get3A_1095 = tpu.vector_load %arg8[%get3A_1093, %get3A_1094] {strides = array<i32>} : memref<16x128xi32, #tpu.memory_space<vmem>>, vector<16xi32>,
      tpu.vector_store_idx %arg11[%get3A_1095], %broadcast_in_dim3A_1 {add = true} : memref<10112xf32, #tpu.memory_space<vmem>>[vector<16xi32>], vector<16xf32>,
      %get3A_1096 = arith.index_cast %add3A_1075 : i32 to index
      %get3A_1097 = arith.constant 32 : index
      %get3A_1098 = tpu.vector_load %arg8[%get3A_1096, %get3A_1097] {strides = array<i32>} : memref<16x128xi32, #tpu.memory_space<vmem>>, vector<16xi32>,
      tpu.vector_store_idx %arg11[%get3A_1098], %broadcast_in_dim3A_1 {add = true} : memref<10112xf32, #tpu.memory_space<vmem>>[vector<16xi32>], vector<16xf32>,
      %get3A_1099 = arith.index_cast %add3A_1075 : i32 to index
      %get3A_1100 = arith.constant 48 : index
      %get3A_1101 = tpu.vector_load %arg8[%get3A_1099, %get3A_1100] {strides = array<i32>} : memref<16x128xi32, #tpu.memory_space<vmem>>, vector<16xi32>,
      tpu.vector_store_idx %arg11[%get3A_1101], %broadcast_in_dim3A_1 {add = true} : memref<10112xf32, #tpu.memory_space<vmem>>[vector<16xi32>], vector<16xf32>,
      %get3A_1102 = arith.index_cast %add3A_1075 : i32 to index
      %get3A_1103 = arith.constant 64 : index
      %get3A_1104 = tpu.vector_load %arg8[%get3A_1102, %get3A_1103] {strides = array<i32>} : memref<16x128xi32, #tpu.memory_space<vmem>>, vector<16xi32>,
      tpu.vector_store_idx %arg11[%get3A_1104], %broadcast_in_dim3A_1 {add = true} : memref<10112xf32, #tpu.memory_space<vmem>>[vector<16xi32>], vector<16xf32>,
      %get3A_1105 = arith.index_cast %add3A_1075 : i32 to index
      %get3A_1106 = arith.constant 80 : index
      %get3A_1107 = tpu.vector_load %arg8[%get3A_1105, %get3A_1106] {strides = array<i32>} : memref<16x128xi32, #tpu.memory_space<vmem>>, vector<16xi32>,
      tpu.vector_store_idx %arg11[%get3A_1107], %broadcast_in_dim3A_1 {add = true} : memref<10112xf32, #tpu.memory_space<vmem>>[vector<16xi32>], vector<16xf32>,
      %get3A_1108 = arith.index_cast %add3A_1075 : i32 to index
      %get3A_1109 = arith.constant 96 : index
      %get3A_1110 = tpu.vector_load %arg8[%get3A_1108, %get3A_1109] {strides = array<i32>} : memref<16x128xi32, #tpu.memory_space<vmem>>, vector<16xi32>,
      tpu.vector_store_idx %arg11[%get3A_1110], %broadcast_in_dim3A_1 {add = true} : memref<10112xf32, #tpu.memory_space<vmem>>[vector<16xi32>], vector<16xf32>,
      %get3A_1111 = arith.index_cast %add3A_1075 : i32 to index
      %get3A_1112 = arith.constant 112 : index
      %get3A_1113 = tpu.vector_load %arg8[%get3A_1111, %get3A_1112] {strides = array<i32>} : memref<16x128xi32, #tpu.memory_space<vmem>>, vector<16xi32>,
      tpu.vector_store_idx %arg11[%get3A_1113], %broadcast_in_dim3A_1 {add = true} : memref<10112xf32, #tpu.memory_space<vmem>>[vector<16xi32>], vector<16xf32>,
    }
    %scan3A_443 = arith.constant 7 : i32
    %dma_wait3A_444 = arith.constant 14 : i32
    %dma_wait3A_445 = arith.constant 0 : i32
    %dma_wait3A_446 = tpu.memref_slice %arg7[%dma_wait3A_444, %dma_wait3A_445] : memref<16x128xi32, #tpu.memory_space<vmem>> -> memref<1x128xi32, #tpu.memory_space<vmem>>
    %dma_wait3A_447 = tpu.memref_squeeze %dma_wait3A_446 : memref<1x128xi32, #tpu.memory_space<vmem>> -> memref<128xi32, #tpu.memory_space<vmem>>
    %dma_wait3A_448 = arith.constant 0 : i32
    %dma_wait3A_449 = arith.constant 0 : i32
    %dma_wait3A_450 = tpu.memref_slice %arg2[%dma_wait3A_448, %dma_wait3A_449] : memref<10000x128xf32, #tpu.memory_space<hbm>> -> memref<10000x128xf32, #tpu.memory_space<hbm>>
    tpu.wait_indirect_dma semaphore(%arg13 : memref<!tpu.dma_semaphore, #tpu.memory_space<semaphore_mem>>) src(%dma_wait3A_450 : memref<10000x128xf32, #tpu.memory_space<hbm>>) dst(%arg9 : memref<128x128xf32, #tpu.memory_space<vmem>>)
    %run_scoped3A_451 = arith.constant 14 : i32
    "tpu.region"() ({
      %run_scoped3A_1029 = tpu.sem_alloc : memref<!tpu.dma_semaphore, #tpu.memory_space<semaphore_mem>>
      %dma_start3A_1030 = arith.constant 0 : i32
      %dma_start3A_1031 = tpu.memref_slice %arg8[%run_scoped3A_451, %dma_start3A_1030] : memref<16x128xi32, #tpu.memory_space<vmem>> -> memref<1x128xi32, #tpu.memory_space<vmem>>
      %dma_start3A_1032 = tpu.memref_squeeze %dma_start3A_1031 : memref<1x128xi32, #tpu.memory_space<vmem>> -> memref<128xi32, #tpu.memory_space<vmem>>
      %dma_start3A_1033 = arith.constant 0 : i32
      %dma_start3A_1034 = arith.constant 0 : i32
      %dma_start3A_1035 = tpu.memref_slice %arg12[%dma_start3A_1033, %dma_start3A_1034] : memref<10112x128xf32, #tpu.memory_space<vmem_shared>> -> memref<10112x128xf32, #tpu.memory_space<vmem_shared>>
      tpu.enqueue_indirect_dma source(%arg9 : memref<128x128xf32, #tpu.memory_space<vmem>>) target(%dma_start3A_1035 : memref<10112x128xf32, #tpu.memory_space<vmem_shared>>) offsets(%dma_start3A_1032 : memref<128xi32, #tpu.memory_space<vmem>>) semaphore(%run_scoped3A_1029 : memref<!tpu.dma_semaphore, #tpu.memory_space<semaphore_mem>>) {add = true}
      %dma_wait3A_1036 = arith.constant 0 : i32
      %dma_wait3A_1037 = tpu.memref_slice %arg8[%run_scoped3A_451, %dma_wait3A_1036] : memref<16x128xi32, #tpu.memory_space<vmem>> -> memref<1x128xi32, #tpu.memory_space<vmem>>
      %dma_wait3A_1038 = tpu.memref_squeeze %dma_wait3A_1037 : memref<1x128xi32, #tpu.memory_space<vmem>> -> memref<128xi32, #tpu.memory_space<vmem>>
      %dma_wait3A_1039 = arith.constant 0 : i32
      %dma_wait3A_1040 = arith.constant 0 : i32
      %dma_wait3A_1041 = tpu.memref_slice %arg12[%dma_wait3A_1039, %dma_wait3A_1040] : memref<10112x128xf32, #tpu.memory_space<vmem_shared>> -> memref<10112x128xf32, #tpu.memory_space<vmem_shared>>
      tpu.wait_indirect_dma semaphore(%run_scoped3A_1029 : memref<!tpu.dma_semaphore, #tpu.memory_space<semaphore_mem>>) src(%arg9 : memref<128x128xf32, #tpu.memory_space<vmem>>) dst(%dma_wait3A_1041 : memref<10112x128xf32, #tpu.memory_space<vmem_shared>>)
      tpu.yield
    }) : () -> ()
    %get3A_452 = arith.constant 14 : i32
    %get3A_453 = arith.index_cast %get3A_452 : i32 to index
    %get3A_454 = arith.constant 0 : index
    %get3A_455 = tpu.vector_load %arg8[%get3A_453, %get3A_454] {strides = array<i32>} : memref<16x128xi32, #tpu.memory_space<vmem>>, vector<16xi32>,
    tpu.vector_store_idx %arg11[%get3A_455], %broadcast_in_dim3A_1 {add = true} : memref<10112xf32, #tpu.memory_space<vmem>>[vector<16xi32>], vector<16xf32>,
    %get3A_456 = arith.constant 14 : i32
    %get3A_457 = arith.index_cast %get3A_456 : i32 to index
    %get3A_458 = arith.constant 16 : index
    %get3A_459 = tpu.vector_load %arg8[%get3A_457, %get3A_458] {strides = array<i32>} : memref<16x128xi32, #tpu.memory_space<vmem>>, vector<16xi32>,
    tpu.vector_store_idx %arg11[%get3A_459], %broadcast_in_dim3A_1 {add = true} : memref<10112xf32, #tpu.memory_space<vmem>>[vector<16xi32>], vector<16xf32>,
    %get3A_460 = arith.constant 14 : i32
    %get3A_461 = arith.index_cast %get3A_460 : i32 to index
    %get3A_462 = arith.constant 32 : index
    %get3A_463 = tpu.vector_load %arg8[%get3A_461, %get3A_462] {strides = array<i32>} : memref<16x128xi32, #tpu.memory_space<vmem>>, vector<16xi32>,
    tpu.vector_store_idx %arg11[%get3A_463], %broadcast_in_dim3A_1 {add = true} : memref<10112xf32, #tpu.memory_space<vmem>>[vector<16xi32>], vector<16xf32>,
    %get3A_464 = arith.constant 14 : i32
    %get3A_465 = arith.index_cast %get3A_464 : i32 to index
    %get3A_466 = arith.constant 48 : index
    %get3A_467 = tpu.vector_load %arg8[%get3A_465, %get3A_466] {strides = array<i32>} : memref<16x128xi32, #tpu.memory_space<vmem>>, vector<16xi32>,
    tpu.vector_store_idx %arg11[%get3A_467], %broadcast_in_dim3A_1 {add = true} : memref<10112xf32, #tpu.memory_space<vmem>>[vector<16xi32>], vector<16xf32>,
    %get3A_468 = arith.constant 14 : i32
    %get3A_469 = arith.index_cast %get3A_468 : i32 to index
    %get3A_470 = arith.constant 64 : index
    %get3A_471 = tpu.vector_load %arg8[%get3A_469, %get3A_470] {strides = array<i32>} : memref<16x128xi32, #tpu.memory_space<vmem>>, vector<16xi32>,
    tpu.vector_store_idx %arg11[%get3A_471], %broadcast_in_dim3A_1 {add = true} : memref<10112xf32, #tpu.memory_space<vmem>>[vector<16xi32>], vector<16xf32>,
    %get3A_472 = arith.constant 14 : i32
    %get3A_473 = arith.index_cast %get3A_472 : i32 to index
    %get3A_474 = arith.constant 80 : index
    %get3A_475 = tpu.vector_load %arg8[%get3A_473, %get3A_474] {strides = array<i32>} : memref<16x128xi32, #tpu.memory_space<vmem>>, vector<16xi32>,
    tpu.vector_store_idx %arg11[%get3A_475], %broadcast_in_dim3A_1 {add = true} : memref<10112xf32, #tpu.memory_space<vmem>>[vector<16xi32>], vector<16xf32>,
    %get3A_476 = arith.constant 14 : i32
    %get3A_477 = arith.index_cast %get3A_476 : i32 to index
    %get3A_478 = arith.constant 96 : index
    %get3A_479 = tpu.vector_load %arg8[%get3A_477, %get3A_478] {strides = array<i32>} : memref<16x128xi32, #tpu.memory_space<vmem>>, vector<16xi32>,
    tpu.vector_store_idx %arg11[%get3A_479], %broadcast_in_dim3A_1 {add = true} : memref<10112xf32, #tpu.memory_space<vmem>>[vector<16xi32>], vector<16xf32>,
    %get3A_480 = arith.constant 14 : i32
    %get3A_481 = arith.index_cast %get3A_480 : i32 to index
    %get3A_482 = arith.constant 112 : index
    %get3A_483 = tpu.vector_load %arg8[%get3A_481, %get3A_482] {strides = array<i32>} : memref<16x128xi32, #tpu.memory_space<vmem>>, vector<16xi32>,
    tpu.vector_store_idx %arg11[%get3A_483], %broadcast_in_dim3A_1 {add = true} : memref<10112xf32, #tpu.memory_space<vmem>>[vector<16xi32>], vector<16xf32>,
    %dma_wait3A_484 = arith.constant 15 : i32
    %dma_wait3A_485 = arith.constant 0 : i32
    %dma_wait3A_486 = tpu.memref_slice %arg7[%dma_wait3A_484, %dma_wait3A_485] : memref<16x128xi32, #tpu.memory_space<vmem>> -> memref<1x128xi32, #tpu.memory_space<vmem>>
    %dma_wait3A_487 = tpu.memref_squeeze %dma_wait3A_486 : memref<1x128xi32, #tpu.memory_space<vmem>> -> memref<128xi32, #tpu.memory_space<vmem>>
    %dma_wait3A_488 = arith.constant 0 : i32
    %dma_wait3A_489 = arith.constant 0 : i32
    %dma_wait3A_490 = tpu.memref_slice %arg2[%dma_wait3A_488, %dma_wait3A_489] : memref<10000x128xf32, #tpu.memory_space<hbm>> -> memref<10000x128xf32, #tpu.memory_space<hbm>>
    tpu.wait_indirect_dma semaphore(%arg14 : memref<!tpu.dma_semaphore, #tpu.memory_space<semaphore_mem>>) src(%dma_wait3A_490 : memref<10000x128xf32, #tpu.memory_space<hbm>>) dst(%arg10 : memref<128x128xf32, #tpu.memory_space<vmem>>)
    %run_scoped3A_491 = arith.constant 15 : i32
    "tpu.region"() ({
      %run_scoped3A_1029 = tpu.sem_alloc : memref<!tpu.dma_semaphore, #tpu.memory_space<semaphore_mem>>
      %dma_start3A_1030 = arith.constant 0 : i32
      %dma_start3A_1031 = tpu.memref_slice %arg8[%run_scoped3A_491, %dma_start3A_1030] : memref<16x128xi32, #tpu.memory_space<vmem>> -> memref<1x128xi32, #tpu.memory_space<vmem>>
      %dma_start3A_1032 = tpu.memref_squeeze %dma_start3A_1031 : memref<1x128xi32, #tpu.memory_space<vmem>> -> memref<128xi32, #tpu.memory_space<vmem>>
      %dma_start3A_1033 = arith.constant 0 : i32
      %dma_start3A_1034 = arith.constant 0 : i32
      %dma_start3A_1035 = tpu.memref_slice %arg12[%dma_start3A_1033, %dma_start3A_1034] : memref<10112x128xf32, #tpu.memory_space<vmem_shared>> -> memref<10112x128xf32, #tpu.memory_space<vmem_shared>>
      tpu.enqueue_indirect_dma source(%arg10 : memref<128x128xf32, #tpu.memory_space<vmem>>) target(%dma_start3A_1035 : memref<10112x128xf32, #tpu.memory_space<vmem_shared>>) offsets(%dma_start3A_1032 : memref<128xi32, #tpu.memory_space<vmem>>) semaphore(%run_scoped3A_1029 : memref<!tpu.dma_semaphore, #tpu.memory_space<semaphore_mem>>) {add = true}
      %dma_wait3A_1036 = arith.constant 0 : i32
      %dma_wait3A_1037 = tpu.memref_slice %arg8[%run_scoped3A_491, %dma_wait3A_1036] : memref<16x128xi32, #tpu.memory_space<vmem>> -> memref<1x128xi32, #tpu.memory_space<vmem>>
      %dma_wait3A_1038 = tpu.memref_squeeze %dma_wait3A_1037 : memref<1x128xi32, #tpu.memory_space<vmem>> -> memref<128xi32, #tpu.memory_space<vmem>>
      %dma_wait3A_1039 = arith.constant 0 : i32
      %dma_wait3A_1040 = arith.constant 0 : i32
      %dma_wait3A_1041 = tpu.memref_slice %arg12[%dma_wait3A_1039, %dma_wait3A_1040] : memref<10112x128xf32, #tpu.memory_space<vmem_shared>> -> memref<10112x128xf32, #tpu.memory_space<vmem_shared>>
      tpu.wait_indirect_dma semaphore(%run_scoped3A_1029 : memref<!tpu.dma_semaphore, #tpu.memory_space<semaphore_mem>>) src(%arg10 : memref<128x128xf32, #tpu.memory_space<vmem>>) dst(%dma_wait3A_1041 : memref<10112x128xf32, #tpu.memory_space<vmem_shared>>)
      tpu.yield
    }) : () -> ()
    %get3A_492 = arith.constant 15 : i32
    %get3A_493 = arith.index_cast %get3A_492 : i32 to index
    %get3A_494 = arith.constant 0 : index
    %get3A_495 = tpu.vector_load %arg8[%get3A_493, %get3A_494] {strides = array<i32>} : memref<16x128xi32, #tpu.memory_space<vmem>>, vector<16xi32>,
    tpu.vector_store_idx %arg11[%get3A_495], %broadcast_in_dim3A_1 {add = true} : memref<10112xf32, #tpu.memory_space<vmem>>[vector<16xi32>], vector<16xf32>,
    %get3A_496 = arith.constant 15 : i32
    %get3A_497 = arith.index_cast %get3A_496 : i32 to index
    %get3A_498 = arith.constant 16 : index
    %get3A_499 = tpu.vector_load %arg8[%get3A_497, %get3A_498] {strides = array<i32>} : memref<16x128xi32, #tpu.memory_space<vmem>>, vector<16xi32>,
    tpu.vector_store_idx %arg11[%get3A_499], %broadcast_in_dim3A_1 {add = true} : memref<10112xf32, #tpu.memory_space<vmem>>[vector<16xi32>], vector<16xf32>,
    %get3A_500 = arith.constant 15 : i32
    %get3A_501 = arith.index_cast %get3A_500 : i32 to index
    %get3A_502 = arith.constant 32 : index
    %get3A_503 = tpu.vector_load %arg8[%get3A_501, %get3A_502] {strides = array<i32>} : memref<16x128xi32, #tpu.memory_space<vmem>>, vector<16xi32>,
    tpu.vector_store_idx %arg11[%get3A_503], %broadcast_in_dim3A_1 {add = true} : memref<10112xf32, #tpu.memory_space<vmem>>[vector<16xi32>], vector<16xf32>,
    %get3A_504 = arith.constant 15 : i32
    %get3A_505 = arith.index_cast %get3A_504 : i32 to index
    %get3A_506 = arith.constant 48 : index
    %get3A_507 = tpu.vector_load %arg8[%get3A_505, %get3A_506] {strides = array<i32>} : memref<16x128xi32, #tpu.memory_space<vmem>>, vector<16xi32>,
    tpu.vector_store_idx %arg11[%get3A_507], %broadcast_in_dim3A_1 {add = true} : memref<10112xf32, #tpu.memory_space<vmem>>[vector<16xi32>], vector<16xf32>,
    %get3A_508 = arith.constant 15 : i32
    %get3A_509 = arith.index_cast %get3A_508 : i32 to index
    %get3A_510 = arith.constant 64 : index
    %get3A_511 = tpu.vector_load %arg8[%get3A_509, %get3A_510] {strides = array<i32>} : memref<16x128xi32, #tpu.memory_space<vmem>>, vector<16xi32>,
    tpu.vector_store_idx %arg11[%get3A_511], %broadcast_in_dim3A_1 {add = true} : memref<10112xf32, #tpu.memory_space<vmem>>[vector<16xi32>], vector<16xf32>,
    %get3A_512 = arith.constant 15 : i32
    %get3A_513 = arith.index_cast %get3A_512 : i32 to index
    %get3A_514 = arith.constant 80 : index
    %get3A_515 = tpu.vector_load %arg8[%get3A_513, %get3A_514] {strides = array<i32>} : memref<16x128xi32, #tpu.memory_space<vmem>>, vector<16xi32>,
    tpu.vector_store_idx %arg11[%get3A_515], %broadcast_in_dim3A_1 {add = true} : memref<10112xf32, #tpu.memory_space<vmem>>[vector<16xi32>], vector<16xf32>,
    %get3A_516 = arith.constant 15 : i32
    %get3A_517 = arith.index_cast %get3A_516 : i32 to index
    %get3A_518 = arith.constant 96 : index
    %get3A_519 = tpu.vector_load %arg8[%get3A_517, %get3A_518] {strides = array<i32>} : memref<16x128xi32, #tpu.memory_space<vmem>>, vector<16xi32>,
    tpu.vector_store_idx %arg11[%get3A_519], %broadcast_in_dim3A_1 {add = true} : memref<10112xf32, #tpu.memory_space<vmem>>[vector<16xi32>], vector<16xf32>,
    %get3A_520 = arith.constant 15 : i32
    %get3A_521 = arith.index_cast %get3A_520 : i32 to index
    %get3A_522 = arith.constant 112 : index
    %get3A_523 = tpu.vector_load %arg8[%get3A_521, %get3A_522] {strides = array<i32>} : memref<16x128xi32, #tpu.memory_space<vmem>>, vector<16xi32>,
    tpu.vector_store_idx %arg11[%get3A_523], %broadcast_in_dim3A_1 {add = true} : memref<10112xf32, #tpu.memory_space<vmem>>[vector<16xi32>], vector<16xf32>,
    "tpu.region"() ({
      %run_scoped3A_1029 = tpu.sem_alloc : memref<!tpu.dma_semaphore, #tpu.memory_space<semaphore_mem>>
      %dma_start3A_1030 = arith.constant 80 : i32
      %dma_start3A_1031 = arith.constant 0 : i32
      %dma_start3A_1032 = tpu.memref_slice %arg3[%add3A, %dma_start3A_1030, %dma_start3A_1031] : memref<16x160x128xi32, #tpu.memory_space<hbm>> -> memref<1x16x128xi32, #tpu.memory_space<hbm>>
      %dma_start3A_1033 = tpu.memref_squeeze %dma_start3A_1032 : memref<1x16x128xi32, #tpu.memory_space<hbm>> -> memref<16x128xi32, #tpu.memory_space<hbm>>
      %dma_start3A_1034 = arith.constant 80 : i32
      %dma_start3A_1035 = arith.constant 0 : i32
      %dma_start3A_1036 = tpu.memref_slice %arg3[%add3A, %dma_start3A_1034, %dma_start3A_1035] : memref<16x160x128xi32, #tpu.memory_space<hbm>> -> memref<1x16x128xi32, #tpu.memory_space<hbm>>
      %dma_start3A_1037 = tpu.memref_squeeze %dma_start3A_1036 : memref<1x16x128xi32, #tpu.memory_space<hbm>> -> memref<16x128xi32, #tpu.memory_space<hbm>>
      tpu.enqueue_dma source(%dma_start3A_1037 : memref<16x128xi32, #tpu.memory_space<hbm>>) target(%arg7 : memref<16x128xi32, #tpu.memory_space<vmem>>) target_semaphore(%run_scoped3A_1029 : memref<!tpu.dma_semaphore, #tpu.memory_space<semaphore_mem>>)
      %dma_wait3A_1038 = arith.constant 80 : i32
      %dma_wait3A_1039 = arith.constant 0 : i32
      %dma_wait3A_1040 = tpu.memref_slice %arg3[%add3A, %dma_wait3A_1038, %dma_wait3A_1039] : memref<16x160x128xi32, #tpu.memory_space<hbm>> -> memref<1x16x128xi32, #tpu.memory_space<hbm>>
      %dma_wait3A_1041 = tpu.memref_squeeze %dma_wait3A_1040 : memref<1x16x128xi32, #tpu.memory_space<hbm>> -> memref<16x128xi32, #tpu.memory_space<hbm>>
      %dma_wait3A_1042 = arith.constant 80 : i32
      %dma_wait3A_1043 = arith.constant 0 : i32
      %dma_wait3A_1044 = tpu.memref_slice %arg3[%add3A, %dma_wait3A_1042, %dma_wait3A_1043] : memref<16x160x128xi32, #tpu.memory_space<hbm>> -> memref<1x16x128xi32, #tpu.memory_space<hbm>>
      %dma_wait3A_1045 = tpu.memref_squeeze %dma_wait3A_1044 : memref<1x16x128xi32, #tpu.memory_space<hbm>> -> memref<16x128xi32, #tpu.memory_space<hbm>>
      tpu.wait_dma2 semaphore(%run_scoped3A_1029 : memref<!tpu.dma_semaphore, #tpu.memory_space<semaphore_mem>>) src(%dma_wait3A_1045 : memref<16x128xi32, #tpu.memory_space<hbm>>) dst(%arg7 : memref<16x128xi32, #tpu.memory_space<vmem>>)
      tpu.yield
    }) : () -> ()
    "tpu.region"() ({
      %run_scoped3A_1029 = tpu.sem_alloc : memref<!tpu.dma_semaphore, #tpu.memory_space<semaphore_mem>>
      %dma_start3A_1030 = arith.constant 80 : i32
      %dma_start3A_1031 = arith.constant 0 : i32
      %dma_start3A_1032 = tpu.memref_slice %arg4[%add3A, %dma_start3A_1030, %dma_start3A_1031] : memref<16x160x128xi32, #tpu.memory_space<hbm>> -> memref<1x16x128xi32, #tpu.memory_space<hbm>>
      %dma_start3A_1033 = tpu.memref_squeeze %dma_start3A_1032 : memref<1x16x128xi32, #tpu.memory_space<hbm>> -> memref<16x128xi32, #tpu.memory_space<hbm>>
      %dma_start3A_1034 = arith.constant 80 : i32
      %dma_start3A_1035 = arith.constant 0 : i32
      %dma_start3A_1036 = tpu.memref_slice %arg4[%add3A, %dma_start3A_1034, %dma_start3A_1035] : memref<16x160x128xi32, #tpu.memory_space<hbm>> -> memref<1x16x128xi32, #tpu.memory_space<hbm>>
      %dma_start3A_1037 = tpu.memref_squeeze %dma_start3A_1036 : memref<1x16x128xi32, #tpu.memory_space<hbm>> -> memref<16x128xi32, #tpu.memory_space<hbm>>
      tpu.enqueue_dma source(%dma_start3A_1037 : memref<16x128xi32, #tpu.memory_space<hbm>>) target(%arg8 : memref<16x128xi32, #tpu.memory_space<vmem>>) target_semaphore(%run_scoped3A_1029 : memref<!tpu.dma_semaphore, #tpu.memory_space<semaphore_mem>>)
      %dma_wait3A_1038 = arith.constant 80 : i32
      %dma_wait3A_1039 = arith.constant 0 : i32
      %dma_wait3A_1040 = tpu.memref_slice %arg4[%add3A, %dma_wait3A_1038, %dma_wait3A_1039] : memref<16x160x128xi32, #tpu.memory_space<hbm>> -> memref<1x16x128xi32, #tpu.memory_space<hbm>>
      %dma_wait3A_1041 = tpu.memref_squeeze %dma_wait3A_1040 : memref<1x16x128xi32, #tpu.memory_space<hbm>> -> memref<16x128xi32, #tpu.memory_space<hbm>>
      %dma_wait3A_1042 = arith.constant 80 : i32
      %dma_wait3A_1043 = arith.constant 0 : i32
      %dma_wait3A_1044 = tpu.memref_slice %arg4[%add3A, %dma_wait3A_1042, %dma_wait3A_1043] : memref<16x160x128xi32, #tpu.memory_space<hbm>> -> memref<1x16x128xi32, #tpu.memory_space<hbm>>
      %dma_wait3A_1045 = tpu.memref_squeeze %dma_wait3A_1044 : memref<1x16x128xi32, #tpu.memory_space<hbm>> -> memref<16x128xi32, #tpu.memory_space<hbm>>
      tpu.wait_dma2 semaphore(%run_scoped3A_1029 : memref<!tpu.dma_semaphore, #tpu.memory_space<semaphore_mem>>) src(%dma_wait3A_1045 : memref<16x128xi32, #tpu.memory_space<hbm>>) dst(%arg8 : memref<16x128xi32, #tpu.memory_space<vmem>>)
      tpu.yield
    }) : () -> ()
    %dma_start3A_524 = arith.constant 0 : i32
    %dma_start3A_525 = arith.constant 0 : i32
    %dma_start3A_526 = tpu.memref_slice %arg7[%dma_start3A_524, %dma_start3A_525] : memref<16x128xi32, #tpu.memory_space<vmem>> -> memref<1x128xi32, #tpu.memory_space<vmem>>
    %dma_start3A_527 = tpu.memref_squeeze %dma_start3A_526 : memref<1x128xi32, #tpu.memory_space<vmem>> -> memref<128xi32, #tpu.memory_space<vmem>>
    %dma_start3A_528 = arith.constant 0 : i32
    %dma_start3A_529 = arith.constant 0 : i32
    %dma_start3A_530 = tpu.memref_slice %arg2[%dma_start3A_528, %dma_start3A_529] : memref<10000x128xf32, #tpu.memory_space<hbm>> -> memref<10000x128xf32, #tpu.memory_space<hbm>>
    tpu.enqueue_indirect_dma source(%dma_start3A_530 : memref<10000x128xf32, #tpu.memory_space<hbm>>) target(%arg9 : memref<128x128xf32, #tpu.memory_space<vmem>>) offsets(%dma_start3A_527 : memref<128xi32, #tpu.memory_space<vmem>>) semaphore(%arg13 : memref<!tpu.dma_semaphore, #tpu.memory_space<semaphore_mem>>)
    %dma_start3A_531 = arith.constant 1 : i32
    %dma_start3A_532 = arith.constant 0 : i32
    %dma_start3A_533 = tpu.memref_slice %arg7[%dma_start3A_531, %dma_start3A_532] : memref<16x128xi32, #tpu.memory_space<vmem>> -> memref<1x128xi32, #tpu.memory_space<vmem>>
    %dma_start3A_534 = tpu.memref_squeeze %dma_start3A_533 : memref<1x128xi32, #tpu.memory_space<vmem>> -> memref<128xi32, #tpu.memory_space<vmem>>
    %dma_start3A_535 = arith.constant 0 : i32
    %dma_start3A_536 = arith.constant 0 : i32
    %dma_start3A_537 = tpu.memref_slice %arg2[%dma_start3A_535, %dma_start3A_536] : memref<10000x128xf32, #tpu.memory_space<hbm>> -> memref<10000x128xf32, #tpu.memory_space<hbm>>
    tpu.enqueue_indirect_dma source(%dma_start3A_537 : memref<10000x128xf32, #tpu.memory_space<hbm>>) target(%arg10 : memref<128x128xf32, #tpu.memory_space<vmem>>) offsets(%dma_start3A_534 : memref<128xi32, #tpu.memory_space<vmem>>) semaphore(%arg14 : memref<!tpu.dma_semaphore, #tpu.memory_space<semaphore_mem>>)
    %scan3A_538 = arith.constant 0 : i32
    %scan3A_539 = arith.constant 0 : i32
    %scan3A_540 = arith.constant 7 : i32
    %scan3A_541 = arith.addi %scan3A_539, %scan3A_540 : i32
    %scan3A_542 = arith.constant 1 : i32
    scf.for %scan3A_1029 = %scan3A_539 to %scan3A_541 step %scan3A_542  : i32 {
      %mul3A_1030 = arith.constant 2 : i32
      %mul3A_1031 = arith.muli %scan3A_1029, %mul3A_1030 : i32
      %add3A_1032 = arith.constant 0 : i32
      %add3A_1033 = arith.addi %mul3A_1031, %add3A_1032 : i32
      %dma_wait3A_1034 = arith.constant 0 : i32
      %dma_wait3A_1035 = tpu.memref_slice %arg7[%add3A_1033, %dma_wait3A_1034] : memref<16x128xi32, #tpu.memory_space<vmem>> -> memref<1x128xi32, #tpu.memory_space<vmem>>
      %dma_wait3A_1036 = tpu.memref_squeeze %dma_wait3A_1035 : memref<1x128xi32, #tpu.memory_space<vmem>> -> memref<128xi32, #tpu.memory_space<vmem>>
      %dma_wait3A_1037 = arith.constant 0 : i32
      %dma_wait3A_1038 = arith.constant 0 : i32
      %dma_wait3A_1039 = tpu.memref_slice %arg2[%dma_wait3A_1037, %dma_wait3A_1038] : memref<10000x128xf32, #tpu.memory_space<hbm>> -> memref<10000x128xf32, #tpu.memory_space<hbm>>
      tpu.wait_indirect_dma semaphore(%arg13 : memref<!tpu.dma_semaphore, #tpu.memory_space<semaphore_mem>>) src(%dma_wait3A_1039 : memref<10000x128xf32, #tpu.memory_space<hbm>>) dst(%arg9 : memref<128x128xf32, #tpu.memory_space<vmem>>)
      "tpu.region"() ({
        %run_scoped3A_1114 = tpu.sem_alloc : memref<!tpu.dma_semaphore, #tpu.memory_space<semaphore_mem>>
        %dma_start3A_1115 = arith.constant 0 : i32
        %dma_start3A_1116 = tpu.memref_slice %arg8[%add3A_1033, %dma_start3A_1115] : memref<16x128xi32, #tpu.memory_space<vmem>> -> memref<1x128xi32, #tpu.memory_space<vmem>>
        %dma_start3A_1117 = tpu.memref_squeeze %dma_start3A_1116 : memref<1x128xi32, #tpu.memory_space<vmem>> -> memref<128xi32, #tpu.memory_space<vmem>>
        %dma_start3A_1118 = arith.constant 0 : i32
        %dma_start3A_1119 = arith.constant 0 : i32
        %dma_start3A_1120 = tpu.memref_slice %arg12[%dma_start3A_1118, %dma_start3A_1119] : memref<10112x128xf32, #tpu.memory_space<vmem_shared>> -> memref<10112x128xf32, #tpu.memory_space<vmem_shared>>
        tpu.enqueue_indirect_dma source(%arg9 : memref<128x128xf32, #tpu.memory_space<vmem>>) target(%dma_start3A_1120 : memref<10112x128xf32, #tpu.memory_space<vmem_shared>>) offsets(%dma_start3A_1117 : memref<128xi32, #tpu.memory_space<vmem>>) semaphore(%run_scoped3A_1114 : memref<!tpu.dma_semaphore, #tpu.memory_space<semaphore_mem>>) {add = true}
        %dma_wait3A_1121 = arith.constant 0 : i32
        %dma_wait3A_1122 = tpu.memref_slice %arg8[%add3A_1033, %dma_wait3A_1121] : memref<16x128xi32, #tpu.memory_space<vmem>> -> memref<1x128xi32, #tpu.memory_space<vmem>>
        %dma_wait3A_1123 = tpu.memref_squeeze %dma_wait3A_1122 : memref<1x128xi32, #tpu.memory_space<vmem>> -> memref<128xi32, #tpu.memory_space<vmem>>
        %dma_wait3A_1124 = arith.constant 0 : i32
        %dma_wait3A_1125 = arith.constant 0 : i32
        %dma_wait3A_1126 = tpu.memref_slice %arg12[%dma_wait3A_1124, %dma_wait3A_1125] : memref<10112x128xf32, #tpu.memory_space<vmem_shared>> -> memref<10112x128xf32, #tpu.memory_space<vmem_shared>>
        tpu.wait_indirect_dma semaphore(%run_scoped3A_1114 : memref<!tpu.dma_semaphore, #tpu.memory_space<semaphore_mem>>) src(%arg9 : memref<128x128xf32, #tpu.memory_space<vmem>>) dst(%dma_wait3A_1126 : memref<10112x128xf32, #tpu.memory_space<vmem_shared>>)
        tpu.yield
      }) : () -> ()
      %add3A_1040 = arith.constant 2 : i32
      %add3A_1041 = arith.addi %add3A_1033, %add3A_1040 : i32
      %dma_start3A_1042 = arith.constant 0 : i32
      %dma_start3A_1043 = tpu.memref_slice %arg7[%add3A_1041, %dma_start3A_1042] : memref<16x128xi32, #tpu.memory_space<vmem>> -> memref<1x128xi32, #tpu.memory_space<vmem>>
      %dma_start3A_1044 = tpu.memref_squeeze %dma_start3A_1043 : memref<1x128xi32, #tpu.memory_space<vmem>> -> memref<128xi32, #tpu.memory_space<vmem>>
      %dma_start3A_1045 = arith.constant 0 : i32
      %dma_start3A_1046 = arith.constant 0 : i32
      %dma_start3A_1047 = tpu.memref_slice %arg2[%dma_start3A_1045, %dma_start3A_1046] : memref<10000x128xf32, #tpu.memory_space<hbm>> -> memref<10000x128xf32, #tpu.memory_space<hbm>>
      tpu.enqueue_indirect_dma source(%dma_start3A_1047 : memref<10000x128xf32, #tpu.memory_space<hbm>>) target(%arg9 : memref<128x128xf32, #tpu.memory_space<vmem>>) offsets(%dma_start3A_1044 : memref<128xi32, #tpu.memory_space<vmem>>) semaphore(%arg13 : memref<!tpu.dma_semaphore, #tpu.memory_space<semaphore_mem>>)
      %get3A_1048 = arith.index_cast %add3A_1033 : i32 to index
      %get3A_1049 = arith.constant 0 : index
      %get3A_1050 = tpu.vector_load %arg8[%get3A_1048, %get3A_1049] {strides = array<i32>} : memref<16x128xi32, #tpu.memory_space<vmem>>, vector<16xi32>,
      tpu.vector_store_idx %arg11[%get3A_1050], %broadcast_in_dim3A_1 {add = true} : memref<10112xf32, #tpu.memory_space<vmem>>[vector<16xi32>], vector<16xf32>,
      %get3A_1051 = arith.index_cast %add3A_1033 : i32 to index
      %get3A_1052 = arith.constant 16 : index
      %get3A_1053 = tpu.vector_load %arg8[%get3A_1051, %get3A_1052] {strides = array<i32>} : memref<16x128xi32, #tpu.memory_space<vmem>>, vector<16xi32>,
      tpu.vector_store_idx %arg11[%get3A_1053], %broadcast_in_dim3A_1 {add = true} : memref<10112xf32, #tpu.memory_space<vmem>>[vector<16xi32>], vector<16xf32>,
      %get3A_1054 = arith.index_cast %add3A_1033 : i32 to index
      %get3A_1055 = arith.constant 32 : index
      %get3A_1056 = tpu.vector_load %arg8[%get3A_1054, %get3A_1055] {strides = array<i32>} : memref<16x128xi32, #tpu.memory_space<vmem>>, vector<16xi32>,
      tpu.vector_store_idx %arg11[%get3A_1056], %broadcast_in_dim3A_1 {add = true} : memref<10112xf32, #tpu.memory_space<vmem>>[vector<16xi32>], vector<16xf32>,
      %get3A_1057 = arith.index_cast %add3A_1033 : i32 to index
      %get3A_1058 = arith.constant 48 : index
      %get3A_1059 = tpu.vector_load %arg8[%get3A_1057, %get3A_1058] {strides = array<i32>} : memref<16x128xi32, #tpu.memory_space<vmem>>, vector<16xi32>,
      tpu.vector_store_idx %arg11[%get3A_1059], %broadcast_in_dim3A_1 {add = true} : memref<10112xf32, #tpu.memory_space<vmem>>[vector<16xi32>], vector<16xf32>,
      %get3A_1060 = arith.index_cast %add3A_1033 : i32 to index
      %get3A_1061 = arith.constant 64 : index
      %get3A_1062 = tpu.vector_load %arg8[%get3A_1060, %get3A_1061] {strides = array<i32>} : memref<16x128xi32, #tpu.memory_space<vmem>>, vector<16xi32>,
      tpu.vector_store_idx %arg11[%get3A_1062], %broadcast_in_dim3A_1 {add = true} : memref<10112xf32, #tpu.memory_space<vmem>>[vector<16xi32>], vector<16xf32>,
      %get3A_1063 = arith.index_cast %add3A_1033 : i32 to index
      %get3A_1064 = arith.constant 80 : index
      %get3A_1065 = tpu.vector_load %arg8[%get3A_1063, %get3A_1064] {strides = array<i32>} : memref<16x128xi32, #tpu.memory_space<vmem>>, vector<16xi32>,
      tpu.vector_store_idx %arg11[%get3A_1065], %broadcast_in_dim3A_1 {add = true} : memref<10112xf32, #tpu.memory_space<vmem>>[vector<16xi32>], vector<16xf32>,
      %get3A_1066 = arith.index_cast %add3A_1033 : i32 to index
      %get3A_1067 = arith.constant 96 : index
      %get3A_1068 = tpu.vector_load %arg8[%get3A_1066, %get3A_1067] {strides = array<i32>} : memref<16x128xi32, #tpu.memory_space<vmem>>, vector<16xi32>,
      tpu.vector_store_idx %arg11[%get3A_1068], %broadcast_in_dim3A_1 {add = true} : memref<10112xf32, #tpu.memory_space<vmem>>[vector<16xi32>], vector<16xf32>,
      %get3A_1069 = arith.index_cast %add3A_1033 : i32 to index
      %get3A_1070 = arith.constant 112 : index
      %get3A_1071 = tpu.vector_load %arg8[%get3A_1069, %get3A_1070] {strides = array<i32>} : memref<16x128xi32, #tpu.memory_space<vmem>>, vector<16xi32>,
      tpu.vector_store_idx %arg11[%get3A_1071], %broadcast_in_dim3A_1 {add = true} : memref<10112xf32, #tpu.memory_space<vmem>>[vector<16xi32>], vector<16xf32>,
      %mul3A_1072 = arith.constant 2 : i32
      %mul3A_1073 = arith.muli %scan3A_1029, %mul3A_1072 : i32
      %add3A_1074 = arith.constant 1 : i32
      %add3A_1075 = arith.addi %mul3A_1073, %add3A_1074 : i32
      %dma_wait3A_1076 = arith.constant 0 : i32
      %dma_wait3A_1077 = tpu.memref_slice %arg7[%add3A_1075, %dma_wait3A_1076] : memref<16x128xi32, #tpu.memory_space<vmem>> -> memref<1x128xi32, #tpu.memory_space<vmem>>
      %dma_wait3A_1078 = tpu.memref_squeeze %dma_wait3A_1077 : memref<1x128xi32, #tpu.memory_space<vmem>> -> memref<128xi32, #tpu.memory_space<vmem>>
      %dma_wait3A_1079 = arith.constant 0 : i32
      %dma_wait3A_1080 = arith.constant 0 : i32
      %dma_wait3A_1081 = tpu.memref_slice %arg2[%dma_wait3A_1079, %dma_wait3A_1080] : memref<10000x128xf32, #tpu.memory_space<hbm>> -> memref<10000x128xf32, #tpu.memory_space<hbm>>
      tpu.wait_indirect_dma semaphore(%arg14 : memref<!tpu.dma_semaphore, #tpu.memory_space<semaphore_mem>>) src(%dma_wait3A_1081 : memref<10000x128xf32, #tpu.memory_space<hbm>>) dst(%arg10 : memref<128x128xf32, #tpu.memory_space<vmem>>)
      "tpu.region"() ({
        %run_scoped3A_1114 = tpu.sem_alloc : memref<!tpu.dma_semaphore, #tpu.memory_space<semaphore_mem>>
        %dma_start3A_1115 = arith.constant 0 : i32
        %dma_start3A_1116 = tpu.memref_slice %arg8[%add3A_1075, %dma_start3A_1115] : memref<16x128xi32, #tpu.memory_space<vmem>> -> memref<1x128xi32, #tpu.memory_space<vmem>>
        %dma_start3A_1117 = tpu.memref_squeeze %dma_start3A_1116 : memref<1x128xi32, #tpu.memory_space<vmem>> -> memref<128xi32, #tpu.memory_space<vmem>>
        %dma_start3A_1118 = arith.constant 0 : i32
        %dma_start3A_1119 = arith.constant 0 : i32
        %dma_start3A_1120 = tpu.memref_slice %arg12[%dma_start3A_1118, %dma_start3A_1119] : memref<10112x128xf32, #tpu.memory_space<vmem_shared>> -> memref<10112x128xf32, #tpu.memory_space<vmem_shared>>
        tpu.enqueue_indirect_dma source(%arg10 : memref<128x128xf32, #tpu.memory_space<vmem>>) target(%dma_start3A_1120 : memref<10112x128xf32, #tpu.memory_space<vmem_shared>>) offsets(%dma_start3A_1117 : memref<128xi32, #tpu.memory_space<vmem>>) semaphore(%run_scoped3A_1114 : memref<!tpu.dma_semaphore, #tpu.memory_space<semaphore_mem>>) {add = true}
        %dma_wait3A_1121 = arith.constant 0 : i32
        %dma_wait3A_1122 = tpu.memref_slice %arg8[%add3A_1075, %dma_wait3A_1121] : memref<16x128xi32, #tpu.memory_space<vmem>> -> memref<1x128xi32, #tpu.memory_space<vmem>>
        %dma_wait3A_1123 = tpu.memref_squeeze %dma_wait3A_1122 : memref<1x128xi32, #tpu.memory_space<vmem>> -> memref<128xi32, #tpu.memory_space<vmem>>
        %dma_wait3A_1124 = arith.constant 0 : i32
        %dma_wait3A_1125 = arith.constant 0 : i32
        %dma_wait3A_1126 = tpu.memref_slice %arg12[%dma_wait3A_1124, %dma_wait3A_1125] : memref<10112x128xf32, #tpu.memory_space<vmem_shared>> -> memref<10112x128xf32, #tpu.memory_space<vmem_shared>>
        tpu.wait_indirect_dma semaphore(%run_scoped3A_1114 : memref<!tpu.dma_semaphore, #tpu.memory_space<semaphore_mem>>) src(%arg10 : memref<128x128xf32, #tpu.memory_space<vmem>>) dst(%dma_wait3A_1126 : memref<10112x128xf32, #tpu.memory_space<vmem_shared>>)
        tpu.yield
      }) : () -> ()
      %add3A_1082 = arith.constant 2 : i32
      %add3A_1083 = arith.addi %add3A_1075, %add3A_1082 : i32
      %dma_start3A_1084 = arith.constant 0 : i32
      %dma_start3A_1085 = tpu.memref_slice %arg7[%add3A_1083, %dma_start3A_1084] : memref<16x128xi32, #tpu.memory_space<vmem>> -> memref<1x128xi32, #tpu.memory_space<vmem>>
      %dma_start3A_1086 = tpu.memref_squeeze %dma_start3A_1085 : memref<1x128xi32, #tpu.memory_space<vmem>> -> memref<128xi32, #tpu.memory_space<vmem>>
      %dma_start3A_1087 = arith.constant 0 : i32
      %dma_start3A_1088 = arith.constant 0 : i32
      %dma_start3A_1089 = tpu.memref_slice %arg2[%dma_start3A_1087, %dma_start3A_1088] : memref<10000x128xf32, #tpu.memory_space<hbm>> -> memref<10000x128xf32, #tpu.memory_space<hbm>>
      tpu.enqueue_indirect_dma source(%dma_start3A_1089 : memref<10000x128xf32, #tpu.memory_space<hbm>>) target(%arg10 : memref<128x128xf32, #tpu.memory_space<vmem>>) offsets(%dma_start3A_1086 : memref<128xi32, #tpu.memory_space<vmem>>) semaphore(%arg14 : memref<!tpu.dma_semaphore, #tpu.memory_space<semaphore_mem>>)
      %get3A_1090 = arith.index_cast %add3A_1075 : i32 to index
      %get3A_1091 = arith.constant 0 : index
      %get3A_1092 = tpu.vector_load %arg8[%get3A_1090, %get3A_1091] {strides = array<i32>} : memref<16x128xi32, #tpu.memory_space<vmem>>, vector<16xi32>,
      tpu.vector_store_idx %arg11[%get3A_1092], %broadcast_in_dim3A_1 {add = true} : memref<10112xf32, #tpu.memory_space<vmem>>[vector<16xi32>], vector<16xf32>,
      %get3A_1093 = arith.index_cast %add3A_1075 : i32 to index
      %get3A_1094 = arith.constant 16 : index
      %get3A_1095 = tpu.vector_load %arg8[%get3A_1093, %get3A_1094] {strides = array<i32>} : memref<16x128xi32, #tpu.memory_space<vmem>>, vector<16xi32>,
      tpu.vector_store_idx %arg11[%get3A_1095], %broadcast_in_dim3A_1 {add = true} : memref<10112xf32, #tpu.memory_space<vmem>>[vector<16xi32>], vector<16xf32>,
      %get3A_1096 = arith.index_cast %add3A_1075 : i32 to index
      %get3A_1097 = arith.constant 32 : index
      %get3A_1098 = tpu.vector_load %arg8[%get3A_1096, %get3A_1097] {strides = array<i32>} : memref<16x128xi32, #tpu.memory_space<vmem>>, vector<16xi32>,
      tpu.vector_store_idx %arg11[%get3A_1098], %broadcast_in_dim3A_1 {add = true} : memref<10112xf32, #tpu.memory_space<vmem>>[vector<16xi32>], vector<16xf32>,
      %get3A_1099 = arith.index_cast %add3A_1075 : i32 to index
      %get3A_1100 = arith.constant 48 : index
      %get3A_1101 = tpu.vector_load %arg8[%get3A_1099, %get3A_1100] {strides = array<i32>} : memref<16x128xi32, #tpu.memory_space<vmem>>, vector<16xi32>,
      tpu.vector_store_idx %arg11[%get3A_1101], %broadcast_in_dim3A_1 {add = true} : memref<10112xf32, #tpu.memory_space<vmem>>[vector<16xi32>], vector<16xf32>,
      %get3A_1102 = arith.index_cast %add3A_1075 : i32 to index
      %get3A_1103 = arith.constant 64 : index
      %get3A_1104 = tpu.vector_load %arg8[%get3A_1102, %get3A_1103] {strides = array<i32>} : memref<16x128xi32, #tpu.memory_space<vmem>>, vector<16xi32>,
      tpu.vector_store_idx %arg11[%get3A_1104], %broadcast_in_dim3A_1 {add = true} : memref<10112xf32, #tpu.memory_space<vmem>>[vector<16xi32>], vector<16xf32>,
      %get3A_1105 = arith.index_cast %add3A_1075 : i32 to index
      %get3A_1106 = arith.constant 80 : index
      %get3A_1107 = tpu.vector_load %arg8[%get3A_1105, %get3A_1106] {strides = array<i32>} : memref<16x128xi32, #tpu.memory_space<vmem>>, vector<16xi32>,
      tpu.vector_store_idx %arg11[%get3A_1107], %broadcast_in_dim3A_1 {add = true} : memref<10112xf32, #tpu.memory_space<vmem>>[vector<16xi32>], vector<16xf32>,
      %get3A_1108 = arith.index_cast %add3A_1075 : i32 to index
      %get3A_1109 = arith.constant 96 : index
      %get3A_1110 = tpu.vector_load %arg8[%get3A_1108, %get3A_1109] {strides = array<i32>} : memref<16x128xi32, #tpu.memory_space<vmem>>, vector<16xi32>,
      tpu.vector_store_idx %arg11[%get3A_1110], %broadcast_in_dim3A_1 {add = true} : memref<10112xf32, #tpu.memory_space<vmem>>[vector<16xi32>], vector<16xf32>,
      %get3A_1111 = arith.index_cast %add3A_1075 : i32 to index
      %get3A_1112 = arith.constant 112 : index
      %get3A_1113 = tpu.vector_load %arg8[%get3A_1111, %get3A_1112] {strides = array<i32>} : memref<16x128xi32, #tpu.memory_space<vmem>>, vector<16xi32>,
      tpu.vector_store_idx %arg11[%get3A_1113], %broadcast_in_dim3A_1 {add = true} : memref<10112xf32, #tpu.memory_space<vmem>>[vector<16xi32>], vector<16xf32>,
    }
    %scan3A_543 = arith.constant 7 : i32
    %dma_wait3A_544 = arith.constant 14 : i32
    %dma_wait3A_545 = arith.constant 0 : i32
    %dma_wait3A_546 = tpu.memref_slice %arg7[%dma_wait3A_544, %dma_wait3A_545] : memref<16x128xi32, #tpu.memory_space<vmem>> -> memref<1x128xi32, #tpu.memory_space<vmem>>
    %dma_wait3A_547 = tpu.memref_squeeze %dma_wait3A_546 : memref<1x128xi32, #tpu.memory_space<vmem>> -> memref<128xi32, #tpu.memory_space<vmem>>
    %dma_wait3A_548 = arith.constant 0 : i32
    %dma_wait3A_549 = arith.constant 0 : i32
    %dma_wait3A_550 = tpu.memref_slice %arg2[%dma_wait3A_548, %dma_wait3A_549] : memref<10000x128xf32, #tpu.memory_space<hbm>> -> memref<10000x128xf32, #tpu.memory_space<hbm>>
    tpu.wait_indirect_dma semaphore(%arg13 : memref<!tpu.dma_semaphore, #tpu.memory_space<semaphore_mem>>) src(%dma_wait3A_550 : memref<10000x128xf32, #tpu.memory_space<hbm>>) dst(%arg9 : memref<128x128xf32, #tpu.memory_space<vmem>>)
    %run_scoped3A_551 = arith.constant 14 : i32
    "tpu.region"() ({
      %run_scoped3A_1029 = tpu.sem_alloc : memref<!tpu.dma_semaphore, #tpu.memory_space<semaphore_mem>>
      %dma_start3A_1030 = arith.constant 0 : i32
      %dma_start3A_1031 = tpu.memref_slice %arg8[%run_scoped3A_551, %dma_start3A_1030] : memref<16x128xi32, #tpu.memory_space<vmem>> -> memref<1x128xi32, #tpu.memory_space<vmem>>
      %dma_start3A_1032 = tpu.memref_squeeze %dma_start3A_1031 : memref<1x128xi32, #tpu.memory_space<vmem>> -> memref<128xi32, #tpu.memory_space<vmem>>
      %dma_start3A_1033 = arith.constant 0 : i32
      %dma_start3A_1034 = arith.constant 0 : i32
      %dma_start3A_1035 = tpu.memref_slice %arg12[%dma_start3A_1033, %dma_start3A_1034] : memref<10112x128xf32, #tpu.memory_space<vmem_shared>> -> memref<10112x128xf32, #tpu.memory_space<vmem_shared>>
      tpu.enqueue_indirect_dma source(%arg9 : memref<128x128xf32, #tpu.memory_space<vmem>>) target(%dma_start3A_1035 : memref<10112x128xf32, #tpu.memory_space<vmem_shared>>) offsets(%dma_start3A_1032 : memref<128xi32, #tpu.memory_space<vmem>>) semaphore(%run_scoped3A_1029 : memref<!tpu.dma_semaphore, #tpu.memory_space<semaphore_mem>>) {add = true}
      %dma_wait3A_1036 = arith.constant 0 : i32
      %dma_wait3A_1037 = tpu.memref_slice %arg8[%run_scoped3A_551, %dma_wait3A_1036] : memref<16x128xi32, #tpu.memory_space<vmem>> -> memref<1x128xi32, #tpu.memory_space<vmem>>
      %dma_wait3A_1038 = tpu.memref_squeeze %dma_wait3A_1037 : memref<1x128xi32, #tpu.memory_space<vmem>> -> memref<128xi32, #tpu.memory_space<vmem>>
      %dma_wait3A_1039 = arith.constant 0 : i32
      %dma_wait3A_1040 = arith.constant 0 : i32
      %dma_wait3A_1041 = tpu.memref_slice %arg12[%dma_wait3A_1039, %dma_wait3A_1040] : memref<10112x128xf32, #tpu.memory_space<vmem_shared>> -> memref<10112x128xf32, #tpu.memory_space<vmem_shared>>
      tpu.wait_indirect_dma semaphore(%run_scoped3A_1029 : memref<!tpu.dma_semaphore, #tpu.memory_space<semaphore_mem>>) src(%arg9 : memref<128x128xf32, #tpu.memory_space<vmem>>) dst(%dma_wait3A_1041 : memref<10112x128xf32, #tpu.memory_space<vmem_shared>>)
      tpu.yield
    }) : () -> ()
    %get3A_552 = arith.constant 14 : i32
    %get3A_553 = arith.index_cast %get3A_552 : i32 to index
    %get3A_554 = arith.constant 0 : index
    %get3A_555 = tpu.vector_load %arg8[%get3A_553, %get3A_554] {strides = array<i32>} : memref<16x128xi32, #tpu.memory_space<vmem>>, vector<16xi32>,
    tpu.vector_store_idx %arg11[%get3A_555], %broadcast_in_dim3A_1 {add = true} : memref<10112xf32, #tpu.memory_space<vmem>>[vector<16xi32>], vector<16xf32>,
    %get3A_556 = arith.constant 14 : i32
    %get3A_557 = arith.index_cast %get3A_556 : i32 to index
    %get3A_558 = arith.constant 16 : index
    %get3A_559 = tpu.vector_load %arg8[%get3A_557, %get3A_558] {strides = array<i32>} : memref<16x128xi32, #tpu.memory_space<vmem>>, vector<16xi32>,
    tpu.vector_store_idx %arg11[%get3A_559], %broadcast_in_dim3A_1 {add = true} : memref<10112xf32, #tpu.memory_space<vmem>>[vector<16xi32>], vector<16xf32>,
    %get3A_560 = arith.constant 14 : i32
    %get3A_561 = arith.index_cast %get3A_560 : i32 to index
    %get3A_562 = arith.constant 32 : index
    %get3A_563 = tpu.vector_load %arg8[%get3A_561, %get3A_562] {strides = array<i32>} : memref<16x128xi32, #tpu.memory_space<vmem>>, vector<16xi32>,
    tpu.vector_store_idx %arg11[%get3A_563], %broadcast_in_dim3A_1 {add = true} : memref<10112xf32, #tpu.memory_space<vmem>>[vector<16xi32>], vector<16xf32>,
    %get3A_564 = arith.constant 14 : i32
    %get3A_565 = arith.index_cast %get3A_564 : i32 to index
    %get3A_566 = arith.constant 48 : index
    %get3A_567 = tpu.vector_load %arg8[%get3A_565, %get3A_566] {strides = array<i32>} : memref<16x128xi32, #tpu.memory_space<vmem>>, vector<16xi32>,
    tpu.vector_store_idx %arg11[%get3A_567], %broadcast_in_dim3A_1 {add = true} : memref<10112xf32, #tpu.memory_space<vmem>>[vector<16xi32>], vector<16xf32>,
    %get3A_568 = arith.constant 14 : i32
    %get3A_569 = arith.index_cast %get3A_568 : i32 to index
    %get3A_570 = arith.constant 64 : index
    %get3A_571 = tpu.vector_load %arg8[%get3A_569, %get3A_570] {strides = array<i32>} : memref<16x128xi32, #tpu.memory_space<vmem>>, vector<16xi32>,
    tpu.vector_store_idx %arg11[%get3A_571], %broadcast_in_dim3A_1 {add = true} : memref<10112xf32, #tpu.memory_space<vmem>>[vector<16xi32>], vector<16xf32>,
    %get3A_572 = arith.constant 14 : i32
    %get3A_573 = arith.index_cast %get3A_572 : i32 to index
    %get3A_574 = arith.constant 80 : index
    %get3A_575 = tpu.vector_load %arg8[%get3A_573, %get3A_574] {strides = array<i32>} : memref<16x128xi32, #tpu.memory_space<vmem>>, vector<16xi32>,
    tpu.vector_store_idx %arg11[%get3A_575], %broadcast_in_dim3A_1 {add = true} : memref<10112xf32, #tpu.memory_space<vmem>>[vector<16xi32>], vector<16xf32>,
    %get3A_576 = arith.constant 14 : i32
    %get3A_577 = arith.index_cast %get3A_576 : i32 to index
    %get3A_578 = arith.constant 96 : index
    %get3A_579 = tpu.vector_load %arg8[%get3A_577, %get3A_578] {strides = array<i32>} : memref<16x128xi32, #tpu.memory_space<vmem>>, vector<16xi32>,
    tpu.vector_store_idx %arg11[%get3A_579], %broadcast_in_dim3A_1 {add = true} : memref<10112xf32, #tpu.memory_space<vmem>>[vector<16xi32>], vector<16xf32>,
    %get3A_580 = arith.constant 14 : i32
    %get3A_581 = arith.index_cast %get3A_580 : i32 to index
    %get3A_582 = arith.constant 112 : index
    %get3A_583 = tpu.vector_load %arg8[%get3A_581, %get3A_582] {strides = array<i32>} : memref<16x128xi32, #tpu.memory_space<vmem>>, vector<16xi32>,
    tpu.vector_store_idx %arg11[%get3A_583], %broadcast_in_dim3A_1 {add = true} : memref<10112xf32, #tpu.memory_space<vmem>>[vector<16xi32>], vector<16xf32>,
    %dma_wait3A_584 = arith.constant 15 : i32
    %dma_wait3A_585 = arith.constant 0 : i32
    %dma_wait3A_586 = tpu.memref_slice %arg7[%dma_wait3A_584, %dma_wait3A_585] : memref<16x128xi32, #tpu.memory_space<vmem>> -> memref<1x128xi32, #tpu.memory_space<vmem>>
    %dma_wait3A_587 = tpu.memref_squeeze %dma_wait3A_586 : memref<1x128xi32, #tpu.memory_space<vmem>> -> memref<128xi32, #tpu.memory_space<vmem>>
    %dma_wait3A_588 = arith.constant 0 : i32
    %dma_wait3A_589 = arith.constant 0 : i32
    %dma_wait3A_590 = tpu.memref_slice %arg2[%dma_wait3A_588, %dma_wait3A_589] : memref<10000x128xf32, #tpu.memory_space<hbm>> -> memref<10000x128xf32, #tpu.memory_space<hbm>>
    tpu.wait_indirect_dma semaphore(%arg14 : memref<!tpu.dma_semaphore, #tpu.memory_space<semaphore_mem>>) src(%dma_wait3A_590 : memref<10000x128xf32, #tpu.memory_space<hbm>>) dst(%arg10 : memref<128x128xf32, #tpu.memory_space<vmem>>)
    %run_scoped3A_591 = arith.constant 15 : i32
    "tpu.region"() ({
      %run_scoped3A_1029 = tpu.sem_alloc : memref<!tpu.dma_semaphore, #tpu.memory_space<semaphore_mem>>
      %dma_start3A_1030 = arith.constant 0 : i32
      %dma_start3A_1031 = tpu.memref_slice %arg8[%run_scoped3A_591, %dma_start3A_1030] : memref<16x128xi32, #tpu.memory_space<vmem>> -> memref<1x128xi32, #tpu.memory_space<vmem>>
      %dma_start3A_1032 = tpu.memref_squeeze %dma_start3A_1031 : memref<1x128xi32, #tpu.memory_space<vmem>> -> memref<128xi32, #tpu.memory_space<vmem>>
      %dma_start3A_1033 = arith.constant 0 : i32
      %dma_start3A_1034 = arith.constant 0 : i32
      %dma_start3A_1035 = tpu.memref_slice %arg12[%dma_start3A_1033, %dma_start3A_1034] : memref<10112x128xf32, #tpu.memory_space<vmem_shared>> -> memref<10112x128xf32, #tpu.memory_space<vmem_shared>>
      tpu.enqueue_indirect_dma source(%arg10 : memref<128x128xf32, #tpu.memory_space<vmem>>) target(%dma_start3A_1035 : memref<10112x128xf32, #tpu.memory_space<vmem_shared>>) offsets(%dma_start3A_1032 : memref<128xi32, #tpu.memory_space<vmem>>) semaphore(%run_scoped3A_1029 : memref<!tpu.dma_semaphore, #tpu.memory_space<semaphore_mem>>) {add = true}
      %dma_wait3A_1036 = arith.constant 0 : i32
      %dma_wait3A_1037 = tpu.memref_slice %arg8[%run_scoped3A_591, %dma_wait3A_1036] : memref<16x128xi32, #tpu.memory_space<vmem>> -> memref<1x128xi32, #tpu.memory_space<vmem>>
      %dma_wait3A_1038 = tpu.memref_squeeze %dma_wait3A_1037 : memref<1x128xi32, #tpu.memory_space<vmem>> -> memref<128xi32, #tpu.memory_space<vmem>>
      %dma_wait3A_1039 = arith.constant 0 : i32
      %dma_wait3A_1040 = arith.constant 0 : i32
      %dma_wait3A_1041 = tpu.memref_slice %arg12[%dma_wait3A_1039, %dma_wait3A_1040] : memref<10112x128xf32, #tpu.memory_space<vmem_shared>> -> memref<10112x128xf32, #tpu.memory_space<vmem_shared>>
      tpu.wait_indirect_dma semaphore(%run_scoped3A_1029 : memref<!tpu.dma_semaphore, #tpu.memory_space<semaphore_mem>>) src(%arg10 : memref<128x128xf32, #tpu.memory_space<vmem>>) dst(%dma_wait3A_1041 : memref<10112x128xf32, #tpu.memory_space<vmem_shared>>)
      tpu.yield
    }) : () -> ()
    %get3A_592 = arith.constant 15 : i32
    %get3A_593 = arith.index_cast %get3A_592 : i32 to index
    %get3A_594 = arith.constant 0 : index
    %get3A_595 = tpu.vector_load %arg8[%get3A_593, %get3A_594] {strides = array<i32>} : memref<16x128xi32, #tpu.memory_space<vmem>>, vector<16xi32>,
    tpu.vector_store_idx %arg11[%get3A_595], %broadcast_in_dim3A_1 {add = true} : memref<10112xf32, #tpu.memory_space<vmem>>[vector<16xi32>], vector<16xf32>,
    %get3A_596 = arith.constant 15 : i32
    %get3A_597 = arith.index_cast %get3A_596 : i32 to index
    %get3A_598 = arith.constant 16 : index
    %get3A_599 = tpu.vector_load %arg8[%get3A_597, %get3A_598] {strides = array<i32>} : memref<16x128xi32, #tpu.memory_space<vmem>>, vector<16xi32>,
    tpu.vector_store_idx %arg11[%get3A_599], %broadcast_in_dim3A_1 {add = true} : memref<10112xf32, #tpu.memory_space<vmem>>[vector<16xi32>], vector<16xf32>,
    %get3A_600 = arith.constant 15 : i32
    %get3A_601 = arith.index_cast %get3A_600 : i32 to index
    %get3A_602 = arith.constant 32 : index
    %get3A_603 = tpu.vector_load %arg8[%get3A_601, %get3A_602] {strides = array<i32>} : memref<16x128xi32, #tpu.memory_space<vmem>>, vector<16xi32>,
    tpu.vector_store_idx %arg11[%get3A_603], %broadcast_in_dim3A_1 {add = true} : memref<10112xf32, #tpu.memory_space<vmem>>[vector<16xi32>], vector<16xf32>,
    %get3A_604 = arith.constant 15 : i32
    %get3A_605 = arith.index_cast %get3A_604 : i32 to index
    %get3A_606 = arith.constant 48 : index
    %get3A_607 = tpu.vector_load %arg8[%get3A_605, %get3A_606] {strides = array<i32>} : memref<16x128xi32, #tpu.memory_space<vmem>>, vector<16xi32>,
    tpu.vector_store_idx %arg11[%get3A_607], %broadcast_in_dim3A_1 {add = true} : memref<10112xf32, #tpu.memory_space<vmem>>[vector<16xi32>], vector<16xf32>,
    %get3A_608 = arith.constant 15 : i32
    %get3A_609 = arith.index_cast %get3A_608 : i32 to index
    %get3A_610 = arith.constant 64 : index
    %get3A_611 = tpu.vector_load %arg8[%get3A_609, %get3A_610] {strides = array<i32>} : memref<16x128xi32, #tpu.memory_space<vmem>>, vector<16xi32>,
    tpu.vector_store_idx %arg11[%get3A_611], %broadcast_in_dim3A_1 {add = true} : memref<10112xf32, #tpu.memory_space<vmem>>[vector<16xi32>], vector<16xf32>,
    %get3A_612 = arith.constant 15 : i32
    %get3A_613 = arith.index_cast %get3A_612 : i32 to index
    %get3A_614 = arith.constant 80 : index
    %get3A_615 = tpu.vector_load %arg8[%get3A_613, %get3A_614] {strides = array<i32>} : memref<16x128xi32, #tpu.memory_space<vmem>>, vector<16xi32>,
    tpu.vector_store_idx %arg11[%get3A_615], %broadcast_in_dim3A_1 {add = true} : memref<10112xf32, #tpu.memory_space<vmem>>[vector<16xi32>], vector<16xf32>,
    %get3A_616 = arith.constant 15 : i32
    %get3A_617 = arith.index_cast %get3A_616 : i32 to index
    %get3A_618 = arith.constant 96 : index
    %get3A_619 = tpu.vector_load %arg8[%get3A_617, %get3A_618] {strides = array<i32>} : memref<16x128xi32, #tpu.memory_space<vmem>>, vector<16xi32>,
    tpu.vector_store_idx %arg11[%get3A_619], %broadcast_in_dim3A_1 {add = true} : memref<10112xf32, #tpu.memory_space<vmem>>[vector<16xi32>], vector<16xf32>,
    %get3A_620 = arith.constant 15 : i32
    %get3A_621 = arith.index_cast %get3A_620 : i32 to index
    %get3A_622 = arith.constant 112 : index
    %get3A_623 = tpu.vector_load %arg8[%get3A_621, %get3A_622] {strides = array<i32>} : memref<16x128xi32, #tpu.memory_space<vmem>>, vector<16xi32>,
    tpu.vector_store_idx %arg11[%get3A_623], %broadcast_in_dim3A_1 {add = true} : memref<10112xf32, #tpu.memory_space<vmem>>[vector<16xi32>], vector<16xf32>,
    "tpu.region"() ({
      %run_scoped3A_1029 = tpu.sem_alloc : memref<!tpu.dma_semaphore, #tpu.memory_space<semaphore_mem>>
      %dma_start3A_1030 = arith.constant 96 : i32
      %dma_start3A_1031 = arith.constant 0 : i32
      %dma_start3A_1032 = tpu.memref_slice %arg3[%add3A, %dma_start3A_1030, %dma_start3A_1031] : memref<16x160x128xi32, #tpu.memory_space<hbm>> -> memref<1x16x128xi32, #tpu.memory_space<hbm>>
      %dma_start3A_1033 = tpu.memref_squeeze %dma_start3A_1032 : memref<1x16x128xi32, #tpu.memory_space<hbm>> -> memref<16x128xi32, #tpu.memory_space<hbm>>
      %dma_start3A_1034 = arith.constant 96 : i32
      %dma_start3A_1035 = arith.constant 0 : i32
      %dma_start3A_1036 = tpu.memref_slice %arg3[%add3A, %dma_start3A_1034, %dma_start3A_1035] : memref<16x160x128xi32, #tpu.memory_space<hbm>> -> memref<1x16x128xi32, #tpu.memory_space<hbm>>
      %dma_start3A_1037 = tpu.memref_squeeze %dma_start3A_1036 : memref<1x16x128xi32, #tpu.memory_space<hbm>> -> memref<16x128xi32, #tpu.memory_space<hbm>>
      tpu.enqueue_dma source(%dma_start3A_1037 : memref<16x128xi32, #tpu.memory_space<hbm>>) target(%arg7 : memref<16x128xi32, #tpu.memory_space<vmem>>) target_semaphore(%run_scoped3A_1029 : memref<!tpu.dma_semaphore, #tpu.memory_space<semaphore_mem>>)
      %dma_wait3A_1038 = arith.constant 96 : i32
      %dma_wait3A_1039 = arith.constant 0 : i32
      %dma_wait3A_1040 = tpu.memref_slice %arg3[%add3A, %dma_wait3A_1038, %dma_wait3A_1039] : memref<16x160x128xi32, #tpu.memory_space<hbm>> -> memref<1x16x128xi32, #tpu.memory_space<hbm>>
      %dma_wait3A_1041 = tpu.memref_squeeze %dma_wait3A_1040 : memref<1x16x128xi32, #tpu.memory_space<hbm>> -> memref<16x128xi32, #tpu.memory_space<hbm>>
      %dma_wait3A_1042 = arith.constant 96 : i32
      %dma_wait3A_1043 = arith.constant 0 : i32
      %dma_wait3A_1044 = tpu.memref_slice %arg3[%add3A, %dma_wait3A_1042, %dma_wait3A_1043] : memref<16x160x128xi32, #tpu.memory_space<hbm>> -> memref<1x16x128xi32, #tpu.memory_space<hbm>>
      %dma_wait3A_1045 = tpu.memref_squeeze %dma_wait3A_1044 : memref<1x16x128xi32, #tpu.memory_space<hbm>> -> memref<16x128xi32, #tpu.memory_space<hbm>>
      tpu.wait_dma2 semaphore(%run_scoped3A_1029 : memref<!tpu.dma_semaphore, #tpu.memory_space<semaphore_mem>>) src(%dma_wait3A_1045 : memref<16x128xi32, #tpu.memory_space<hbm>>) dst(%arg7 : memref<16x128xi32, #tpu.memory_space<vmem>>)
      tpu.yield
    }) : () -> ()
    "tpu.region"() ({
      %run_scoped3A_1029 = tpu.sem_alloc : memref<!tpu.dma_semaphore, #tpu.memory_space<semaphore_mem>>
      %dma_start3A_1030 = arith.constant 96 : i32
      %dma_start3A_1031 = arith.constant 0 : i32
      %dma_start3A_1032 = tpu.memref_slice %arg4[%add3A, %dma_start3A_1030, %dma_start3A_1031] : memref<16x160x128xi32, #tpu.memory_space<hbm>> -> memref<1x16x128xi32, #tpu.memory_space<hbm>>
      %dma_start3A_1033 = tpu.memref_squeeze %dma_start3A_1032 : memref<1x16x128xi32, #tpu.memory_space<hbm>> -> memref<16x128xi32, #tpu.memory_space<hbm>>
      %dma_start3A_1034 = arith.constant 96 : i32
      %dma_start3A_1035 = arith.constant 0 : i32
      %dma_start3A_1036 = tpu.memref_slice %arg4[%add3A, %dma_start3A_1034, %dma_start3A_1035] : memref<16x160x128xi32, #tpu.memory_space<hbm>> -> memref<1x16x128xi32, #tpu.memory_space<hbm>>
      %dma_start3A_1037 = tpu.memref_squeeze %dma_start3A_1036 : memref<1x16x128xi32, #tpu.memory_space<hbm>> -> memref<16x128xi32, #tpu.memory_space<hbm>>
      tpu.enqueue_dma source(%dma_start3A_1037 : memref<16x128xi32, #tpu.memory_space<hbm>>) target(%arg8 : memref<16x128xi32, #tpu.memory_space<vmem>>) target_semaphore(%run_scoped3A_1029 : memref<!tpu.dma_semaphore, #tpu.memory_space<semaphore_mem>>)
      %dma_wait3A_1038 = arith.constant 96 : i32
      %dma_wait3A_1039 = arith.constant 0 : i32
      %dma_wait3A_1040 = tpu.memref_slice %arg4[%add3A, %dma_wait3A_1038, %dma_wait3A_1039] : memref<16x160x128xi32, #tpu.memory_space<hbm>> -> memref<1x16x128xi32, #tpu.memory_space<hbm>>
      %dma_wait3A_1041 = tpu.memref_squeeze %dma_wait3A_1040 : memref<1x16x128xi32, #tpu.memory_space<hbm>> -> memref<16x128xi32, #tpu.memory_space<hbm>>
      %dma_wait3A_1042 = arith.constant 96 : i32
      %dma_wait3A_1043 = arith.constant 0 : i32
      %dma_wait3A_1044 = tpu.memref_slice %arg4[%add3A, %dma_wait3A_1042, %dma_wait3A_1043] : memref<16x160x128xi32, #tpu.memory_space<hbm>> -> memref<1x16x128xi32, #tpu.memory_space<hbm>>
      %dma_wait3A_1045 = tpu.memref_squeeze %dma_wait3A_1044 : memref<1x16x128xi32, #tpu.memory_space<hbm>> -> memref<16x128xi32, #tpu.memory_space<hbm>>
      tpu.wait_dma2 semaphore(%run_scoped3A_1029 : memref<!tpu.dma_semaphore, #tpu.memory_space<semaphore_mem>>) src(%dma_wait3A_1045 : memref<16x128xi32, #tpu.memory_space<hbm>>) dst(%arg8 : memref<16x128xi32, #tpu.memory_space<vmem>>)
      tpu.yield
    }) : () -> ()
    %dma_start3A_624 = arith.constant 0 : i32
    %dma_start3A_625 = arith.constant 0 : i32
    %dma_start3A_626 = tpu.memref_slice %arg7[%dma_start3A_624, %dma_start3A_625] : memref<16x128xi32, #tpu.memory_space<vmem>> -> memref<1x128xi32, #tpu.memory_space<vmem>>
    %dma_start3A_627 = tpu.memref_squeeze %dma_start3A_626 : memref<1x128xi32, #tpu.memory_space<vmem>> -> memref<128xi32, #tpu.memory_space<vmem>>
    %dma_start3A_628 = arith.constant 0 : i32
    %dma_start3A_629 = arith.constant 0 : i32
    %dma_start3A_630 = tpu.memref_slice %arg2[%dma_start3A_628, %dma_start3A_629] : memref<10000x128xf32, #tpu.memory_space<hbm>> -> memref<10000x128xf32, #tpu.memory_space<hbm>>
    tpu.enqueue_indirect_dma source(%dma_start3A_630 : memref<10000x128xf32, #tpu.memory_space<hbm>>) target(%arg9 : memref<128x128xf32, #tpu.memory_space<vmem>>) offsets(%dma_start3A_627 : memref<128xi32, #tpu.memory_space<vmem>>) semaphore(%arg13 : memref<!tpu.dma_semaphore, #tpu.memory_space<semaphore_mem>>)
    %dma_start3A_631 = arith.constant 1 : i32
    %dma_start3A_632 = arith.constant 0 : i32
    %dma_start3A_633 = tpu.memref_slice %arg7[%dma_start3A_631, %dma_start3A_632] : memref<16x128xi32, #tpu.memory_space<vmem>> -> memref<1x128xi32, #tpu.memory_space<vmem>>
    %dma_start3A_634 = tpu.memref_squeeze %dma_start3A_633 : memref<1x128xi32, #tpu.memory_space<vmem>> -> memref<128xi32, #tpu.memory_space<vmem>>
    %dma_start3A_635 = arith.constant 0 : i32
    %dma_start3A_636 = arith.constant 0 : i32
    %dma_start3A_637 = tpu.memref_slice %arg2[%dma_start3A_635, %dma_start3A_636] : memref<10000x128xf32, #tpu.memory_space<hbm>> -> memref<10000x128xf32, #tpu.memory_space<hbm>>
    tpu.enqueue_indirect_dma source(%dma_start3A_637 : memref<10000x128xf32, #tpu.memory_space<hbm>>) target(%arg10 : memref<128x128xf32, #tpu.memory_space<vmem>>) offsets(%dma_start3A_634 : memref<128xi32, #tpu.memory_space<vmem>>) semaphore(%arg14 : memref<!tpu.dma_semaphore, #tpu.memory_space<semaphore_mem>>)
    %scan3A_638 = arith.constant 0 : i32
    %scan3A_639 = arith.constant 0 : i32
    %scan3A_640 = arith.constant 7 : i32
    %scan3A_641 = arith.addi %scan3A_639, %scan3A_640 : i32
    %scan3A_642 = arith.constant 1 : i32
    scf.for %scan3A_1029 = %scan3A_639 to %scan3A_641 step %scan3A_642  : i32 {
      %mul3A_1030 = arith.constant 2 : i32
      %mul3A_1031 = arith.muli %scan3A_1029, %mul3A_1030 : i32
      %add3A_1032 = arith.constant 0 : i32
      %add3A_1033 = arith.addi %mul3A_1031, %add3A_1032 : i32
      %dma_wait3A_1034 = arith.constant 0 : i32
      %dma_wait3A_1035 = tpu.memref_slice %arg7[%add3A_1033, %dma_wait3A_1034] : memref<16x128xi32, #tpu.memory_space<vmem>> -> memref<1x128xi32, #tpu.memory_space<vmem>>
      %dma_wait3A_1036 = tpu.memref_squeeze %dma_wait3A_1035 : memref<1x128xi32, #tpu.memory_space<vmem>> -> memref<128xi32, #tpu.memory_space<vmem>>
      %dma_wait3A_1037 = arith.constant 0 : i32
      %dma_wait3A_1038 = arith.constant 0 : i32
      %dma_wait3A_1039 = tpu.memref_slice %arg2[%dma_wait3A_1037, %dma_wait3A_1038] : memref<10000x128xf32, #tpu.memory_space<hbm>> -> memref<10000x128xf32, #tpu.memory_space<hbm>>
      tpu.wait_indirect_dma semaphore(%arg13 : memref<!tpu.dma_semaphore, #tpu.memory_space<semaphore_mem>>) src(%dma_wait3A_1039 : memref<10000x128xf32, #tpu.memory_space<hbm>>) dst(%arg9 : memref<128x128xf32, #tpu.memory_space<vmem>>)
      "tpu.region"() ({
        %run_scoped3A_1114 = tpu.sem_alloc : memref<!tpu.dma_semaphore, #tpu.memory_space<semaphore_mem>>
        %dma_start3A_1115 = arith.constant 0 : i32
        %dma_start3A_1116 = tpu.memref_slice %arg8[%add3A_1033, %dma_start3A_1115] : memref<16x128xi32, #tpu.memory_space<vmem>> -> memref<1x128xi32, #tpu.memory_space<vmem>>
        %dma_start3A_1117 = tpu.memref_squeeze %dma_start3A_1116 : memref<1x128xi32, #tpu.memory_space<vmem>> -> memref<128xi32, #tpu.memory_space<vmem>>
        %dma_start3A_1118 = arith.constant 0 : i32
        %dma_start3A_1119 = arith.constant 0 : i32
        %dma_start3A_1120 = tpu.memref_slice %arg12[%dma_start3A_1118, %dma_start3A_1119] : memref<10112x128xf32, #tpu.memory_space<vmem_shared>> -> memref<10112x128xf32, #tpu.memory_space<vmem_shared>>
        tpu.enqueue_indirect_dma source(%arg9 : memref<128x128xf32, #tpu.memory_space<vmem>>) target(%dma_start3A_1120 : memref<10112x128xf32, #tpu.memory_space<vmem_shared>>) offsets(%dma_start3A_1117 : memref<128xi32, #tpu.memory_space<vmem>>) semaphore(%run_scoped3A_1114 : memref<!tpu.dma_semaphore, #tpu.memory_space<semaphore_mem>>) {add = true}
        %dma_wait3A_1121 = arith.constant 0 : i32
        %dma_wait3A_1122 = tpu.memref_slice %arg8[%add3A_1033, %dma_wait3A_1121] : memref<16x128xi32, #tpu.memory_space<vmem>> -> memref<1x128xi32, #tpu.memory_space<vmem>>
        %dma_wait3A_1123 = tpu.memref_squeeze %dma_wait3A_1122 : memref<1x128xi32, #tpu.memory_space<vmem>> -> memref<128xi32, #tpu.memory_space<vmem>>
        %dma_wait3A_1124 = arith.constant 0 : i32
        %dma_wait3A_1125 = arith.constant 0 : i32
        %dma_wait3A_1126 = tpu.memref_slice %arg12[%dma_wait3A_1124, %dma_wait3A_1125] : memref<10112x128xf32, #tpu.memory_space<vmem_shared>> -> memref<10112x128xf32, #tpu.memory_space<vmem_shared>>
        tpu.wait_indirect_dma semaphore(%run_scoped3A_1114 : memref<!tpu.dma_semaphore, #tpu.memory_space<semaphore_mem>>) src(%arg9 : memref<128x128xf32, #tpu.memory_space<vmem>>) dst(%dma_wait3A_1126 : memref<10112x128xf32, #tpu.memory_space<vmem_shared>>)
        tpu.yield
      }) : () -> ()
      %add3A_1040 = arith.constant 2 : i32
      %add3A_1041 = arith.addi %add3A_1033, %add3A_1040 : i32
      %dma_start3A_1042 = arith.constant 0 : i32
      %dma_start3A_1043 = tpu.memref_slice %arg7[%add3A_1041, %dma_start3A_1042] : memref<16x128xi32, #tpu.memory_space<vmem>> -> memref<1x128xi32, #tpu.memory_space<vmem>>
      %dma_start3A_1044 = tpu.memref_squeeze %dma_start3A_1043 : memref<1x128xi32, #tpu.memory_space<vmem>> -> memref<128xi32, #tpu.memory_space<vmem>>
      %dma_start3A_1045 = arith.constant 0 : i32
      %dma_start3A_1046 = arith.constant 0 : i32
      %dma_start3A_1047 = tpu.memref_slice %arg2[%dma_start3A_1045, %dma_start3A_1046] : memref<10000x128xf32, #tpu.memory_space<hbm>> -> memref<10000x128xf32, #tpu.memory_space<hbm>>
      tpu.enqueue_indirect_dma source(%dma_start3A_1047 : memref<10000x128xf32, #tpu.memory_space<hbm>>) target(%arg9 : memref<128x128xf32, #tpu.memory_space<vmem>>) offsets(%dma_start3A_1044 : memref<128xi32, #tpu.memory_space<vmem>>) semaphore(%arg13 : memref<!tpu.dma_semaphore, #tpu.memory_space<semaphore_mem>>)
      %get3A_1048 = arith.index_cast %add3A_1033 : i32 to index
      %get3A_1049 = arith.constant 0 : index
      %get3A_1050 = tpu.vector_load %arg8[%get3A_1048, %get3A_1049] {strides = array<i32>} : memref<16x128xi32, #tpu.memory_space<vmem>>, vector<16xi32>,
      tpu.vector_store_idx %arg11[%get3A_1050], %broadcast_in_dim3A_1 {add = true} : memref<10112xf32, #tpu.memory_space<vmem>>[vector<16xi32>], vector<16xf32>,
      %get3A_1051 = arith.index_cast %add3A_1033 : i32 to index
      %get3A_1052 = arith.constant 16 : index
      %get3A_1053 = tpu.vector_load %arg8[%get3A_1051, %get3A_1052] {strides = array<i32>} : memref<16x128xi32, #tpu.memory_space<vmem>>, vector<16xi32>,
      tpu.vector_store_idx %arg11[%get3A_1053], %broadcast_in_dim3A_1 {add = true} : memref<10112xf32, #tpu.memory_space<vmem>>[vector<16xi32>], vector<16xf32>,
      %get3A_1054 = arith.index_cast %add3A_1033 : i32 to index
      %get3A_1055 = arith.constant 32 : index
      %get3A_1056 = tpu.vector_load %arg8[%get3A_1054, %get3A_1055] {strides = array<i32>} : memref<16x128xi32, #tpu.memory_space<vmem>>, vector<16xi32>,
      tpu.vector_store_idx %arg11[%get3A_1056], %broadcast_in_dim3A_1 {add = true} : memref<10112xf32, #tpu.memory_space<vmem>>[vector<16xi32>], vector<16xf32>,
      %get3A_1057 = arith.index_cast %add3A_1033 : i32 to index
      %get3A_1058 = arith.constant 48 : index
      %get3A_1059 = tpu.vector_load %arg8[%get3A_1057, %get3A_1058] {strides = array<i32>} : memref<16x128xi32, #tpu.memory_space<vmem>>, vector<16xi32>,
      tpu.vector_store_idx %arg11[%get3A_1059], %broadcast_in_dim3A_1 {add = true} : memref<10112xf32, #tpu.memory_space<vmem>>[vector<16xi32>], vector<16xf32>,
      %get3A_1060 = arith.index_cast %add3A_1033 : i32 to index
      %get3A_1061 = arith.constant 64 : index
      %get3A_1062 = tpu.vector_load %arg8[%get3A_1060, %get3A_1061] {strides = array<i32>} : memref<16x128xi32, #tpu.memory_space<vmem>>, vector<16xi32>,
      tpu.vector_store_idx %arg11[%get3A_1062], %broadcast_in_dim3A_1 {add = true} : memref<10112xf32, #tpu.memory_space<vmem>>[vector<16xi32>], vector<16xf32>,
      %get3A_1063 = arith.index_cast %add3A_1033 : i32 to index
      %get3A_1064 = arith.constant 80 : index
      %get3A_1065 = tpu.vector_load %arg8[%get3A_1063, %get3A_1064] {strides = array<i32>} : memref<16x128xi32, #tpu.memory_space<vmem>>, vector<16xi32>,
      tpu.vector_store_idx %arg11[%get3A_1065], %broadcast_in_dim3A_1 {add = true} : memref<10112xf32, #tpu.memory_space<vmem>>[vector<16xi32>], vector<16xf32>,
      %get3A_1066 = arith.index_cast %add3A_1033 : i32 to index
      %get3A_1067 = arith.constant 96 : index
      %get3A_1068 = tpu.vector_load %arg8[%get3A_1066, %get3A_1067] {strides = array<i32>} : memref<16x128xi32, #tpu.memory_space<vmem>>, vector<16xi32>,
      tpu.vector_store_idx %arg11[%get3A_1068], %broadcast_in_dim3A_1 {add = true} : memref<10112xf32, #tpu.memory_space<vmem>>[vector<16xi32>], vector<16xf32>,
      %get3A_1069 = arith.index_cast %add3A_1033 : i32 to index
      %get3A_1070 = arith.constant 112 : index
      %get3A_1071 = tpu.vector_load %arg8[%get3A_1069, %get3A_1070] {strides = array<i32>} : memref<16x128xi32, #tpu.memory_space<vmem>>, vector<16xi32>,
      tpu.vector_store_idx %arg11[%get3A_1071], %broadcast_in_dim3A_1 {add = true} : memref<10112xf32, #tpu.memory_space<vmem>>[vector<16xi32>], vector<16xf32>,
      %mul3A_1072 = arith.constant 2 : i32
      %mul3A_1073 = arith.muli %scan3A_1029, %mul3A_1072 : i32
      %add3A_1074 = arith.constant 1 : i32
      %add3A_1075 = arith.addi %mul3A_1073, %add3A_1074 : i32
      %dma_wait3A_1076 = arith.constant 0 : i32
      %dma_wait3A_1077 = tpu.memref_slice %arg7[%add3A_1075, %dma_wait3A_1076] : memref<16x128xi32, #tpu.memory_space<vmem>> -> memref<1x128xi32, #tpu.memory_space<vmem>>
      %dma_wait3A_1078 = tpu.memref_squeeze %dma_wait3A_1077 : memref<1x128xi32, #tpu.memory_space<vmem>> -> memref<128xi32, #tpu.memory_space<vmem>>
      %dma_wait3A_1079 = arith.constant 0 : i32
      %dma_wait3A_1080 = arith.constant 0 : i32
      %dma_wait3A_1081 = tpu.memref_slice %arg2[%dma_wait3A_1079, %dma_wait3A_1080] : memref<10000x128xf32, #tpu.memory_space<hbm>> -> memref<10000x128xf32, #tpu.memory_space<hbm>>
      tpu.wait_indirect_dma semaphore(%arg14 : memref<!tpu.dma_semaphore, #tpu.memory_space<semaphore_mem>>) src(%dma_wait3A_1081 : memref<10000x128xf32, #tpu.memory_space<hbm>>) dst(%arg10 : memref<128x128xf32, #tpu.memory_space<vmem>>)
      "tpu.region"() ({
        %run_scoped3A_1114 = tpu.sem_alloc : memref<!tpu.dma_semaphore, #tpu.memory_space<semaphore_mem>>
        %dma_start3A_1115 = arith.constant 0 : i32
        %dma_start3A_1116 = tpu.memref_slice %arg8[%add3A_1075, %dma_start3A_1115] : memref<16x128xi32, #tpu.memory_space<vmem>> -> memref<1x128xi32, #tpu.memory_space<vmem>>
        %dma_start3A_1117 = tpu.memref_squeeze %dma_start3A_1116 : memref<1x128xi32, #tpu.memory_space<vmem>> -> memref<128xi32, #tpu.memory_space<vmem>>
        %dma_start3A_1118 = arith.constant 0 : i32
        %dma_start3A_1119 = arith.constant 0 : i32
        %dma_start3A_1120 = tpu.memref_slice %arg12[%dma_start3A_1118, %dma_start3A_1119] : memref<10112x128xf32, #tpu.memory_space<vmem_shared>> -> memref<10112x128xf32, #tpu.memory_space<vmem_shared>>
        tpu.enqueue_indirect_dma source(%arg10 : memref<128x128xf32, #tpu.memory_space<vmem>>) target(%dma_start3A_1120 : memref<10112x128xf32, #tpu.memory_space<vmem_shared>>) offsets(%dma_start3A_1117 : memref<128xi32, #tpu.memory_space<vmem>>) semaphore(%run_scoped3A_1114 : memref<!tpu.dma_semaphore, #tpu.memory_space<semaphore_mem>>) {add = true}
        %dma_wait3A_1121 = arith.constant 0 : i32
        %dma_wait3A_1122 = tpu.memref_slice %arg8[%add3A_1075, %dma_wait3A_1121] : memref<16x128xi32, #tpu.memory_space<vmem>> -> memref<1x128xi32, #tpu.memory_space<vmem>>
        %dma_wait3A_1123 = tpu.memref_squeeze %dma_wait3A_1122 : memref<1x128xi32, #tpu.memory_space<vmem>> -> memref<128xi32, #tpu.memory_space<vmem>>
        %dma_wait3A_1124 = arith.constant 0 : i32
        %dma_wait3A_1125 = arith.constant 0 : i32
        %dma_wait3A_1126 = tpu.memref_slice %arg12[%dma_wait3A_1124, %dma_wait3A_1125] : memref<10112x128xf32, #tpu.memory_space<vmem_shared>> -> memref<10112x128xf32, #tpu.memory_space<vmem_shared>>
        tpu.wait_indirect_dma semaphore(%run_scoped3A_1114 : memref<!tpu.dma_semaphore, #tpu.memory_space<semaphore_mem>>) src(%arg10 : memref<128x128xf32, #tpu.memory_space<vmem>>) dst(%dma_wait3A_1126 : memref<10112x128xf32, #tpu.memory_space<vmem_shared>>)
        tpu.yield
      }) : () -> ()
      %add3A_1082 = arith.constant 2 : i32
      %add3A_1083 = arith.addi %add3A_1075, %add3A_1082 : i32
      %dma_start3A_1084 = arith.constant 0 : i32
      %dma_start3A_1085 = tpu.memref_slice %arg7[%add3A_1083, %dma_start3A_1084] : memref<16x128xi32, #tpu.memory_space<vmem>> -> memref<1x128xi32, #tpu.memory_space<vmem>>
      %dma_start3A_1086 = tpu.memref_squeeze %dma_start3A_1085 : memref<1x128xi32, #tpu.memory_space<vmem>> -> memref<128xi32, #tpu.memory_space<vmem>>
      %dma_start3A_1087 = arith.constant 0 : i32
      %dma_start3A_1088 = arith.constant 0 : i32
      %dma_start3A_1089 = tpu.memref_slice %arg2[%dma_start3A_1087, %dma_start3A_1088] : memref<10000x128xf32, #tpu.memory_space<hbm>> -> memref<10000x128xf32, #tpu.memory_space<hbm>>
      tpu.enqueue_indirect_dma source(%dma_start3A_1089 : memref<10000x128xf32, #tpu.memory_space<hbm>>) target(%arg10 : memref<128x128xf32, #tpu.memory_space<vmem>>) offsets(%dma_start3A_1086 : memref<128xi32, #tpu.memory_space<vmem>>) semaphore(%arg14 : memref<!tpu.dma_semaphore, #tpu.memory_space<semaphore_mem>>)
      %get3A_1090 = arith.index_cast %add3A_1075 : i32 to index
      %get3A_1091 = arith.constant 0 : index
      %get3A_1092 = tpu.vector_load %arg8[%get3A_1090, %get3A_1091] {strides = array<i32>} : memref<16x128xi32, #tpu.memory_space<vmem>>, vector<16xi32>,
      tpu.vector_store_idx %arg11[%get3A_1092], %broadcast_in_dim3A_1 {add = true} : memref<10112xf32, #tpu.memory_space<vmem>>[vector<16xi32>], vector<16xf32>,
      %get3A_1093 = arith.index_cast %add3A_1075 : i32 to index
      %get3A_1094 = arith.constant 16 : index
      %get3A_1095 = tpu.vector_load %arg8[%get3A_1093, %get3A_1094] {strides = array<i32>} : memref<16x128xi32, #tpu.memory_space<vmem>>, vector<16xi32>,
      tpu.vector_store_idx %arg11[%get3A_1095], %broadcast_in_dim3A_1 {add = true} : memref<10112xf32, #tpu.memory_space<vmem>>[vector<16xi32>], vector<16xf32>,
      %get3A_1096 = arith.index_cast %add3A_1075 : i32 to index
      %get3A_1097 = arith.constant 32 : index
      %get3A_1098 = tpu.vector_load %arg8[%get3A_1096, %get3A_1097] {strides = array<i32>} : memref<16x128xi32, #tpu.memory_space<vmem>>, vector<16xi32>,
      tpu.vector_store_idx %arg11[%get3A_1098], %broadcast_in_dim3A_1 {add = true} : memref<10112xf32, #tpu.memory_space<vmem>>[vector<16xi32>], vector<16xf32>,
      %get3A_1099 = arith.index_cast %add3A_1075 : i32 to index
      %get3A_1100 = arith.constant 48 : index
      %get3A_1101 = tpu.vector_load %arg8[%get3A_1099, %get3A_1100] {strides = array<i32>} : memref<16x128xi32, #tpu.memory_space<vmem>>, vector<16xi32>,
      tpu.vector_store_idx %arg11[%get3A_1101], %broadcast_in_dim3A_1 {add = true} : memref<10112xf32, #tpu.memory_space<vmem>>[vector<16xi32>], vector<16xf32>,
      %get3A_1102 = arith.index_cast %add3A_1075 : i32 to index
      %get3A_1103 = arith.constant 64 : index
      %get3A_1104 = tpu.vector_load %arg8[%get3A_1102, %get3A_1103] {strides = array<i32>} : memref<16x128xi32, #tpu.memory_space<vmem>>, vector<16xi32>,
      tpu.vector_store_idx %arg11[%get3A_1104], %broadcast_in_dim3A_1 {add = true} : memref<10112xf32, #tpu.memory_space<vmem>>[vector<16xi32>], vector<16xf32>,
      %get3A_1105 = arith.index_cast %add3A_1075 : i32 to index
      %get3A_1106 = arith.constant 80 : index
      %get3A_1107 = tpu.vector_load %arg8[%get3A_1105, %get3A_1106] {strides = array<i32>} : memref<16x128xi32, #tpu.memory_space<vmem>>, vector<16xi32>,
      tpu.vector_store_idx %arg11[%get3A_1107], %broadcast_in_dim3A_1 {add = true} : memref<10112xf32, #tpu.memory_space<vmem>>[vector<16xi32>], vector<16xf32>,
      %get3A_1108 = arith.index_cast %add3A_1075 : i32 to index
      %get3A_1109 = arith.constant 96 : index
      %get3A_1110 = tpu.vector_load %arg8[%get3A_1108, %get3A_1109] {strides = array<i32>} : memref<16x128xi32, #tpu.memory_space<vmem>>, vector<16xi32>,
      tpu.vector_store_idx %arg11[%get3A_1110], %broadcast_in_dim3A_1 {add = true} : memref<10112xf32, #tpu.memory_space<vmem>>[vector<16xi32>], vector<16xf32>,
      %get3A_1111 = arith.index_cast %add3A_1075 : i32 to index
      %get3A_1112 = arith.constant 112 : index
      %get3A_1113 = tpu.vector_load %arg8[%get3A_1111, %get3A_1112] {strides = array<i32>} : memref<16x128xi32, #tpu.memory_space<vmem>>, vector<16xi32>,
      tpu.vector_store_idx %arg11[%get3A_1113], %broadcast_in_dim3A_1 {add = true} : memref<10112xf32, #tpu.memory_space<vmem>>[vector<16xi32>], vector<16xf32>,
    }
    %scan3A_643 = arith.constant 7 : i32
    %dma_wait3A_644 = arith.constant 14 : i32
    %dma_wait3A_645 = arith.constant 0 : i32
    %dma_wait3A_646 = tpu.memref_slice %arg7[%dma_wait3A_644, %dma_wait3A_645] : memref<16x128xi32, #tpu.memory_space<vmem>> -> memref<1x128xi32, #tpu.memory_space<vmem>>
    %dma_wait3A_647 = tpu.memref_squeeze %dma_wait3A_646 : memref<1x128xi32, #tpu.memory_space<vmem>> -> memref<128xi32, #tpu.memory_space<vmem>>
    %dma_wait3A_648 = arith.constant 0 : i32
    %dma_wait3A_649 = arith.constant 0 : i32
    %dma_wait3A_650 = tpu.memref_slice %arg2[%dma_wait3A_648, %dma_wait3A_649] : memref<10000x128xf32, #tpu.memory_space<hbm>> -> memref<10000x128xf32, #tpu.memory_space<hbm>>
    tpu.wait_indirect_dma semaphore(%arg13 : memref<!tpu.dma_semaphore, #tpu.memory_space<semaphore_mem>>) src(%dma_wait3A_650 : memref<10000x128xf32, #tpu.memory_space<hbm>>) dst(%arg9 : memref<128x128xf32, #tpu.memory_space<vmem>>)
    %run_scoped3A_651 = arith.constant 14 : i32
    "tpu.region"() ({
      %run_scoped3A_1029 = tpu.sem_alloc : memref<!tpu.dma_semaphore, #tpu.memory_space<semaphore_mem>>
      %dma_start3A_1030 = arith.constant 0 : i32
      %dma_start3A_1031 = tpu.memref_slice %arg8[%run_scoped3A_651, %dma_start3A_1030] : memref<16x128xi32, #tpu.memory_space<vmem>> -> memref<1x128xi32, #tpu.memory_space<vmem>>
      %dma_start3A_1032 = tpu.memref_squeeze %dma_start3A_1031 : memref<1x128xi32, #tpu.memory_space<vmem>> -> memref<128xi32, #tpu.memory_space<vmem>>
      %dma_start3A_1033 = arith.constant 0 : i32
      %dma_start3A_1034 = arith.constant 0 : i32
      %dma_start3A_1035 = tpu.memref_slice %arg12[%dma_start3A_1033, %dma_start3A_1034] : memref<10112x128xf32, #tpu.memory_space<vmem_shared>> -> memref<10112x128xf32, #tpu.memory_space<vmem_shared>>
      tpu.enqueue_indirect_dma source(%arg9 : memref<128x128xf32, #tpu.memory_space<vmem>>) target(%dma_start3A_1035 : memref<10112x128xf32, #tpu.memory_space<vmem_shared>>) offsets(%dma_start3A_1032 : memref<128xi32, #tpu.memory_space<vmem>>) semaphore(%run_scoped3A_1029 : memref<!tpu.dma_semaphore, #tpu.memory_space<semaphore_mem>>) {add = true}
      %dma_wait3A_1036 = arith.constant 0 : i32
      %dma_wait3A_1037 = tpu.memref_slice %arg8[%run_scoped3A_651, %dma_wait3A_1036] : memref<16x128xi32, #tpu.memory_space<vmem>> -> memref<1x128xi32, #tpu.memory_space<vmem>>
      %dma_wait3A_1038 = tpu.memref_squeeze %dma_wait3A_1037 : memref<1x128xi32, #tpu.memory_space<vmem>> -> memref<128xi32, #tpu.memory_space<vmem>>
      %dma_wait3A_1039 = arith.constant 0 : i32
      %dma_wait3A_1040 = arith.constant 0 : i32
      %dma_wait3A_1041 = tpu.memref_slice %arg12[%dma_wait3A_1039, %dma_wait3A_1040] : memref<10112x128xf32, #tpu.memory_space<vmem_shared>> -> memref<10112x128xf32, #tpu.memory_space<vmem_shared>>
      tpu.wait_indirect_dma semaphore(%run_scoped3A_1029 : memref<!tpu.dma_semaphore, #tpu.memory_space<semaphore_mem>>) src(%arg9 : memref<128x128xf32, #tpu.memory_space<vmem>>) dst(%dma_wait3A_1041 : memref<10112x128xf32, #tpu.memory_space<vmem_shared>>)
      tpu.yield
    }) : () -> ()
    %get3A_652 = arith.constant 14 : i32
    %get3A_653 = arith.index_cast %get3A_652 : i32 to index
    %get3A_654 = arith.constant 0 : index
    %get3A_655 = tpu.vector_load %arg8[%get3A_653, %get3A_654] {strides = array<i32>} : memref<16x128xi32, #tpu.memory_space<vmem>>, vector<16xi32>,
    tpu.vector_store_idx %arg11[%get3A_655], %broadcast_in_dim3A_1 {add = true} : memref<10112xf32, #tpu.memory_space<vmem>>[vector<16xi32>], vector<16xf32>,
    %get3A_656 = arith.constant 14 : i32
    %get3A_657 = arith.index_cast %get3A_656 : i32 to index
    %get3A_658 = arith.constant 16 : index
    %get3A_659 = tpu.vector_load %arg8[%get3A_657, %get3A_658] {strides = array<i32>} : memref<16x128xi32, #tpu.memory_space<vmem>>, vector<16xi32>,
    tpu.vector_store_idx %arg11[%get3A_659], %broadcast_in_dim3A_1 {add = true} : memref<10112xf32, #tpu.memory_space<vmem>>[vector<16xi32>], vector<16xf32>,
    %get3A_660 = arith.constant 14 : i32
    %get3A_661 = arith.index_cast %get3A_660 : i32 to index
    %get3A_662 = arith.constant 32 : index
    %get3A_663 = tpu.vector_load %arg8[%get3A_661, %get3A_662] {strides = array<i32>} : memref<16x128xi32, #tpu.memory_space<vmem>>, vector<16xi32>,
    tpu.vector_store_idx %arg11[%get3A_663], %broadcast_in_dim3A_1 {add = true} : memref<10112xf32, #tpu.memory_space<vmem>>[vector<16xi32>], vector<16xf32>,
    %get3A_664 = arith.constant 14 : i32
    %get3A_665 = arith.index_cast %get3A_664 : i32 to index
    %get3A_666 = arith.constant 48 : index
    %get3A_667 = tpu.vector_load %arg8[%get3A_665, %get3A_666] {strides = array<i32>} : memref<16x128xi32, #tpu.memory_space<vmem>>, vector<16xi32>,
    tpu.vector_store_idx %arg11[%get3A_667], %broadcast_in_dim3A_1 {add = true} : memref<10112xf32, #tpu.memory_space<vmem>>[vector<16xi32>], vector<16xf32>,
    %get3A_668 = arith.constant 14 : i32
    %get3A_669 = arith.index_cast %get3A_668 : i32 to index
    %get3A_670 = arith.constant 64 : index
    %get3A_671 = tpu.vector_load %arg8[%get3A_669, %get3A_670] {strides = array<i32>} : memref<16x128xi32, #tpu.memory_space<vmem>>, vector<16xi32>,
    tpu.vector_store_idx %arg11[%get3A_671], %broadcast_in_dim3A_1 {add = true} : memref<10112xf32, #tpu.memory_space<vmem>>[vector<16xi32>], vector<16xf32>,
    %get3A_672 = arith.constant 14 : i32
    %get3A_673 = arith.index_cast %get3A_672 : i32 to index
    %get3A_674 = arith.constant 80 : index
    %get3A_675 = tpu.vector_load %arg8[%get3A_673, %get3A_674] {strides = array<i32>} : memref<16x128xi32, #tpu.memory_space<vmem>>, vector<16xi32>,
    tpu.vector_store_idx %arg11[%get3A_675], %broadcast_in_dim3A_1 {add = true} : memref<10112xf32, #tpu.memory_space<vmem>>[vector<16xi32>], vector<16xf32>,
    %get3A_676 = arith.constant 14 : i32
    %get3A_677 = arith.index_cast %get3A_676 : i32 to index
    %get3A_678 = arith.constant 96 : index
    %get3A_679 = tpu.vector_load %arg8[%get3A_677, %get3A_678] {strides = array<i32>} : memref<16x128xi32, #tpu.memory_space<vmem>>, vector<16xi32>,
    tpu.vector_store_idx %arg11[%get3A_679], %broadcast_in_dim3A_1 {add = true} : memref<10112xf32, #tpu.memory_space<vmem>>[vector<16xi32>], vector<16xf32>,
    %get3A_680 = arith.constant 14 : i32
    %get3A_681 = arith.index_cast %get3A_680 : i32 to index
    %get3A_682 = arith.constant 112 : index
    %get3A_683 = tpu.vector_load %arg8[%get3A_681, %get3A_682] {strides = array<i32>} : memref<16x128xi32, #tpu.memory_space<vmem>>, vector<16xi32>,
    tpu.vector_store_idx %arg11[%get3A_683], %broadcast_in_dim3A_1 {add = true} : memref<10112xf32, #tpu.memory_space<vmem>>[vector<16xi32>], vector<16xf32>,
    %dma_wait3A_684 = arith.constant 15 : i32
    %dma_wait3A_685 = arith.constant 0 : i32
    %dma_wait3A_686 = tpu.memref_slice %arg7[%dma_wait3A_684, %dma_wait3A_685] : memref<16x128xi32, #tpu.memory_space<vmem>> -> memref<1x128xi32, #tpu.memory_space<vmem>>
    %dma_wait3A_687 = tpu.memref_squeeze %dma_wait3A_686 : memref<1x128xi32, #tpu.memory_space<vmem>> -> memref<128xi32, #tpu.memory_space<vmem>>
    %dma_wait3A_688 = arith.constant 0 : i32
    %dma_wait3A_689 = arith.constant 0 : i32
    %dma_wait3A_690 = tpu.memref_slice %arg2[%dma_wait3A_688, %dma_wait3A_689] : memref<10000x128xf32, #tpu.memory_space<hbm>> -> memref<10000x128xf32, #tpu.memory_space<hbm>>
    tpu.wait_indirect_dma semaphore(%arg14 : memref<!tpu.dma_semaphore, #tpu.memory_space<semaphore_mem>>) src(%dma_wait3A_690 : memref<10000x128xf32, #tpu.memory_space<hbm>>) dst(%arg10 : memref<128x128xf32, #tpu.memory_space<vmem>>)
    %run_scoped3A_691 = arith.constant 15 : i32
    "tpu.region"() ({
      %run_scoped3A_1029 = tpu.sem_alloc : memref<!tpu.dma_semaphore, #tpu.memory_space<semaphore_mem>>
      %dma_start3A_1030 = arith.constant 0 : i32
      %dma_start3A_1031 = tpu.memref_slice %arg8[%run_scoped3A_691, %dma_start3A_1030] : memref<16x128xi32, #tpu.memory_space<vmem>> -> memref<1x128xi32, #tpu.memory_space<vmem>>
      %dma_start3A_1032 = tpu.memref_squeeze %dma_start3A_1031 : memref<1x128xi32, #tpu.memory_space<vmem>> -> memref<128xi32, #tpu.memory_space<vmem>>
      %dma_start3A_1033 = arith.constant 0 : i32
      %dma_start3A_1034 = arith.constant 0 : i32
      %dma_start3A_1035 = tpu.memref_slice %arg12[%dma_start3A_1033, %dma_start3A_1034] : memref<10112x128xf32, #tpu.memory_space<vmem_shared>> -> memref<10112x128xf32, #tpu.memory_space<vmem_shared>>
      tpu.enqueue_indirect_dma source(%arg10 : memref<128x128xf32, #tpu.memory_space<vmem>>) target(%dma_start3A_1035 : memref<10112x128xf32, #tpu.memory_space<vmem_shared>>) offsets(%dma_start3A_1032 : memref<128xi32, #tpu.memory_space<vmem>>) semaphore(%run_scoped3A_1029 : memref<!tpu.dma_semaphore, #tpu.memory_space<semaphore_mem>>) {add = true}
      %dma_wait3A_1036 = arith.constant 0 : i32
      %dma_wait3A_1037 = tpu.memref_slice %arg8[%run_scoped3A_691, %dma_wait3A_1036] : memref<16x128xi32, #tpu.memory_space<vmem>> -> memref<1x128xi32, #tpu.memory_space<vmem>>
      %dma_wait3A_1038 = tpu.memref_squeeze %dma_wait3A_1037 : memref<1x128xi32, #tpu.memory_space<vmem>> -> memref<128xi32, #tpu.memory_space<vmem>>
      %dma_wait3A_1039 = arith.constant 0 : i32
      %dma_wait3A_1040 = arith.constant 0 : i32
      %dma_wait3A_1041 = tpu.memref_slice %arg12[%dma_wait3A_1039, %dma_wait3A_1040] : memref<10112x128xf32, #tpu.memory_space<vmem_shared>> -> memref<10112x128xf32, #tpu.memory_space<vmem_shared>>
      tpu.wait_indirect_dma semaphore(%run_scoped3A_1029 : memref<!tpu.dma_semaphore, #tpu.memory_space<semaphore_mem>>) src(%arg10 : memref<128x128xf32, #tpu.memory_space<vmem>>) dst(%dma_wait3A_1041 : memref<10112x128xf32, #tpu.memory_space<vmem_shared>>)
      tpu.yield
    }) : () -> ()
    %get3A_692 = arith.constant 15 : i32
    %get3A_693 = arith.index_cast %get3A_692 : i32 to index
    %get3A_694 = arith.constant 0 : index
    %get3A_695 = tpu.vector_load %arg8[%get3A_693, %get3A_694] {strides = array<i32>} : memref<16x128xi32, #tpu.memory_space<vmem>>, vector<16xi32>,
    tpu.vector_store_idx %arg11[%get3A_695], %broadcast_in_dim3A_1 {add = true} : memref<10112xf32, #tpu.memory_space<vmem>>[vector<16xi32>], vector<16xf32>,
    %get3A_696 = arith.constant 15 : i32
    %get3A_697 = arith.index_cast %get3A_696 : i32 to index
    %get3A_698 = arith.constant 16 : index
    %get3A_699 = tpu.vector_load %arg8[%get3A_697, %get3A_698] {strides = array<i32>} : memref<16x128xi32, #tpu.memory_space<vmem>>, vector<16xi32>,
    tpu.vector_store_idx %arg11[%get3A_699], %broadcast_in_dim3A_1 {add = true} : memref<10112xf32, #tpu.memory_space<vmem>>[vector<16xi32>], vector<16xf32>,
    %get3A_700 = arith.constant 15 : i32
    %get3A_701 = arith.index_cast %get3A_700 : i32 to index
    %get3A_702 = arith.constant 32 : index
    %get3A_703 = tpu.vector_load %arg8[%get3A_701, %get3A_702] {strides = array<i32>} : memref<16x128xi32, #tpu.memory_space<vmem>>, vector<16xi32>,
    tpu.vector_store_idx %arg11[%get3A_703], %broadcast_in_dim3A_1 {add = true} : memref<10112xf32, #tpu.memory_space<vmem>>[vector<16xi32>], vector<16xf32>,
    %get3A_704 = arith.constant 15 : i32
    %get3A_705 = arith.index_cast %get3A_704 : i32 to index
    %get3A_706 = arith.constant 48 : index
    %get3A_707 = tpu.vector_load %arg8[%get3A_705, %get3A_706] {strides = array<i32>} : memref<16x128xi32, #tpu.memory_space<vmem>>, vector<16xi32>,
    tpu.vector_store_idx %arg11[%get3A_707], %broadcast_in_dim3A_1 {add = true} : memref<10112xf32, #tpu.memory_space<vmem>>[vector<16xi32>], vector<16xf32>,
    %get3A_708 = arith.constant 15 : i32
    %get3A_709 = arith.index_cast %get3A_708 : i32 to index
    %get3A_710 = arith.constant 64 : index
    %get3A_711 = tpu.vector_load %arg8[%get3A_709, %get3A_710] {strides = array<i32>} : memref<16x128xi32, #tpu.memory_space<vmem>>, vector<16xi32>,
    tpu.vector_store_idx %arg11[%get3A_711], %broadcast_in_dim3A_1 {add = true} : memref<10112xf32, #tpu.memory_space<vmem>>[vector<16xi32>], vector<16xf32>,
    %get3A_712 = arith.constant 15 : i32
    %get3A_713 = arith.index_cast %get3A_712 : i32 to index
    %get3A_714 = arith.constant 80 : index
    %get3A_715 = tpu.vector_load %arg8[%get3A_713, %get3A_714] {strides = array<i32>} : memref<16x128xi32, #tpu.memory_space<vmem>>, vector<16xi32>,
    tpu.vector_store_idx %arg11[%get3A_715], %broadcast_in_dim3A_1 {add = true} : memref<10112xf32, #tpu.memory_space<vmem>>[vector<16xi32>], vector<16xf32>,
    %get3A_716 = arith.constant 15 : i32
    %get3A_717 = arith.index_cast %get3A_716 : i32 to index
    %get3A_718 = arith.constant 96 : index
    %get3A_719 = tpu.vector_load %arg8[%get3A_717, %get3A_718] {strides = array<i32>} : memref<16x128xi32, #tpu.memory_space<vmem>>, vector<16xi32>,
    tpu.vector_store_idx %arg11[%get3A_719], %broadcast_in_dim3A_1 {add = true} : memref<10112xf32, #tpu.memory_space<vmem>>[vector<16xi32>], vector<16xf32>,
    %get3A_720 = arith.constant 15 : i32
    %get3A_721 = arith.index_cast %get3A_720 : i32 to index
    %get3A_722 = arith.constant 112 : index
    %get3A_723 = tpu.vector_load %arg8[%get3A_721, %get3A_722] {strides = array<i32>} : memref<16x128xi32, #tpu.memory_space<vmem>>, vector<16xi32>,
    tpu.vector_store_idx %arg11[%get3A_723], %broadcast_in_dim3A_1 {add = true} : memref<10112xf32, #tpu.memory_space<vmem>>[vector<16xi32>], vector<16xf32>,
    "tpu.region"() ({
      %run_scoped3A_1029 = tpu.sem_alloc : memref<!tpu.dma_semaphore, #tpu.memory_space<semaphore_mem>>
      %dma_start3A_1030 = arith.constant 112 : i32
      %dma_start3A_1031 = arith.constant 0 : i32
      %dma_start3A_1032 = tpu.memref_slice %arg3[%add3A, %dma_start3A_1030, %dma_start3A_1031] : memref<16x160x128xi32, #tpu.memory_space<hbm>> -> memref<1x16x128xi32, #tpu.memory_space<hbm>>
      %dma_start3A_1033 = tpu.memref_squeeze %dma_start3A_1032 : memref<1x16x128xi32, #tpu.memory_space<hbm>> -> memref<16x128xi32, #tpu.memory_space<hbm>>
      %dma_start3A_1034 = arith.constant 112 : i32
      %dma_start3A_1035 = arith.constant 0 : i32
      %dma_start3A_1036 = tpu.memref_slice %arg3[%add3A, %dma_start3A_1034, %dma_start3A_1035] : memref<16x160x128xi32, #tpu.memory_space<hbm>> -> memref<1x16x128xi32, #tpu.memory_space<hbm>>
      %dma_start3A_1037 = tpu.memref_squeeze %dma_start3A_1036 : memref<1x16x128xi32, #tpu.memory_space<hbm>> -> memref<16x128xi32, #tpu.memory_space<hbm>>
      tpu.enqueue_dma source(%dma_start3A_1037 : memref<16x128xi32, #tpu.memory_space<hbm>>) target(%arg7 : memref<16x128xi32, #tpu.memory_space<vmem>>) target_semaphore(%run_scoped3A_1029 : memref<!tpu.dma_semaphore, #tpu.memory_space<semaphore_mem>>)
      %dma_wait3A_1038 = arith.constant 112 : i32
      %dma_wait3A_1039 = arith.constant 0 : i32
      %dma_wait3A_1040 = tpu.memref_slice %arg3[%add3A, %dma_wait3A_1038, %dma_wait3A_1039] : memref<16x160x128xi32, #tpu.memory_space<hbm>> -> memref<1x16x128xi32, #tpu.memory_space<hbm>>
      %dma_wait3A_1041 = tpu.memref_squeeze %dma_wait3A_1040 : memref<1x16x128xi32, #tpu.memory_space<hbm>> -> memref<16x128xi32, #tpu.memory_space<hbm>>
      %dma_wait3A_1042 = arith.constant 112 : i32
      %dma_wait3A_1043 = arith.constant 0 : i32
      %dma_wait3A_1044 = tpu.memref_slice %arg3[%add3A, %dma_wait3A_1042, %dma_wait3A_1043] : memref<16x160x128xi32, #tpu.memory_space<hbm>> -> memref<1x16x128xi32, #tpu.memory_space<hbm>>
      %dma_wait3A_1045 = tpu.memref_squeeze %dma_wait3A_1044 : memref<1x16x128xi32, #tpu.memory_space<hbm>> -> memref<16x128xi32, #tpu.memory_space<hbm>>
      tpu.wait_dma2 semaphore(%run_scoped3A_1029 : memref<!tpu.dma_semaphore, #tpu.memory_space<semaphore_mem>>) src(%dma_wait3A_1045 : memref<16x128xi32, #tpu.memory_space<hbm>>) dst(%arg7 : memref<16x128xi32, #tpu.memory_space<vmem>>)
      tpu.yield
    }) : () -> ()
    "tpu.region"() ({
      %run_scoped3A_1029 = tpu.sem_alloc : memref<!tpu.dma_semaphore, #tpu.memory_space<semaphore_mem>>
      %dma_start3A_1030 = arith.constant 112 : i32
      %dma_start3A_1031 = arith.constant 0 : i32
      %dma_start3A_1032 = tpu.memref_slice %arg4[%add3A, %dma_start3A_1030, %dma_start3A_1031] : memref<16x160x128xi32, #tpu.memory_space<hbm>> -> memref<1x16x128xi32, #tpu.memory_space<hbm>>
      %dma_start3A_1033 = tpu.memref_squeeze %dma_start3A_1032 : memref<1x16x128xi32, #tpu.memory_space<hbm>> -> memref<16x128xi32, #tpu.memory_space<hbm>>
      %dma_start3A_1034 = arith.constant 112 : i32
      %dma_start3A_1035 = arith.constant 0 : i32
      %dma_start3A_1036 = tpu.memref_slice %arg4[%add3A, %dma_start3A_1034, %dma_start3A_1035] : memref<16x160x128xi32, #tpu.memory_space<hbm>> -> memref<1x16x128xi32, #tpu.memory_space<hbm>>
      %dma_start3A_1037 = tpu.memref_squeeze %dma_start3A_1036 : memref<1x16x128xi32, #tpu.memory_space<hbm>> -> memref<16x128xi32, #tpu.memory_space<hbm>>
      tpu.enqueue_dma source(%dma_start3A_1037 : memref<16x128xi32, #tpu.memory_space<hbm>>) target(%arg8 : memref<16x128xi32, #tpu.memory_space<vmem>>) target_semaphore(%run_scoped3A_1029 : memref<!tpu.dma_semaphore, #tpu.memory_space<semaphore_mem>>)
      %dma_wait3A_1038 = arith.constant 112 : i32
      %dma_wait3A_1039 = arith.constant 0 : i32
      %dma_wait3A_1040 = tpu.memref_slice %arg4[%add3A, %dma_wait3A_1038, %dma_wait3A_1039] : memref<16x160x128xi32, #tpu.memory_space<hbm>> -> memref<1x16x128xi32, #tpu.memory_space<hbm>>
      %dma_wait3A_1041 = tpu.memref_squeeze %dma_wait3A_1040 : memref<1x16x128xi32, #tpu.memory_space<hbm>> -> memref<16x128xi32, #tpu.memory_space<hbm>>
      %dma_wait3A_1042 = arith.constant 112 : i32
      %dma_wait3A_1043 = arith.constant 0 : i32
      %dma_wait3A_1044 = tpu.memref_slice %arg4[%add3A, %dma_wait3A_1042, %dma_wait3A_1043] : memref<16x160x128xi32, #tpu.memory_space<hbm>> -> memref<1x16x128xi32, #tpu.memory_space<hbm>>
      %dma_wait3A_1045 = tpu.memref_squeeze %dma_wait3A_1044 : memref<1x16x128xi32, #tpu.memory_space<hbm>> -> memref<16x128xi32, #tpu.memory_space<hbm>>
      tpu.wait_dma2 semaphore(%run_scoped3A_1029 : memref<!tpu.dma_semaphore, #tpu.memory_space<semaphore_mem>>) src(%dma_wait3A_1045 : memref<16x128xi32, #tpu.memory_space<hbm>>) dst(%arg8 : memref<16x128xi32, #tpu.memory_space<vmem>>)
      tpu.yield
    }) : () -> ()
    %dma_start3A_724 = arith.constant 0 : i32
    %dma_start3A_725 = arith.constant 0 : i32
    %dma_start3A_726 = tpu.memref_slice %arg7[%dma_start3A_724, %dma_start3A_725] : memref<16x128xi32, #tpu.memory_space<vmem>> -> memref<1x128xi32, #tpu.memory_space<vmem>>
    %dma_start3A_727 = tpu.memref_squeeze %dma_start3A_726 : memref<1x128xi32, #tpu.memory_space<vmem>> -> memref<128xi32, #tpu.memory_space<vmem>>
    %dma_start3A_728 = arith.constant 0 : i32
    %dma_start3A_729 = arith.constant 0 : i32
    %dma_start3A_730 = tpu.memref_slice %arg2[%dma_start3A_728, %dma_start3A_729] : memref<10000x128xf32, #tpu.memory_space<hbm>> -> memref<10000x128xf32, #tpu.memory_space<hbm>>
    tpu.enqueue_indirect_dma source(%dma_start3A_730 : memref<10000x128xf32, #tpu.memory_space<hbm>>) target(%arg9 : memref<128x128xf32, #tpu.memory_space<vmem>>) offsets(%dma_start3A_727 : memref<128xi32, #tpu.memory_space<vmem>>) semaphore(%arg13 : memref<!tpu.dma_semaphore, #tpu.memory_space<semaphore_mem>>)
    %dma_start3A_731 = arith.constant 1 : i32
    %dma_start3A_732 = arith.constant 0 : i32
    %dma_start3A_733 = tpu.memref_slice %arg7[%dma_start3A_731, %dma_start3A_732] : memref<16x128xi32, #tpu.memory_space<vmem>> -> memref<1x128xi32, #tpu.memory_space<vmem>>
    %dma_start3A_734 = tpu.memref_squeeze %dma_start3A_733 : memref<1x128xi32, #tpu.memory_space<vmem>> -> memref<128xi32, #tpu.memory_space<vmem>>
    %dma_start3A_735 = arith.constant 0 : i32
    %dma_start3A_736 = arith.constant 0 : i32
    %dma_start3A_737 = tpu.memref_slice %arg2[%dma_start3A_735, %dma_start3A_736] : memref<10000x128xf32, #tpu.memory_space<hbm>> -> memref<10000x128xf32, #tpu.memory_space<hbm>>
    tpu.enqueue_indirect_dma source(%dma_start3A_737 : memref<10000x128xf32, #tpu.memory_space<hbm>>) target(%arg10 : memref<128x128xf32, #tpu.memory_space<vmem>>) offsets(%dma_start3A_734 : memref<128xi32, #tpu.memory_space<vmem>>) semaphore(%arg14 : memref<!tpu.dma_semaphore, #tpu.memory_space<semaphore_mem>>)
    %scan3A_738 = arith.constant 0 : i32
    %scan3A_739 = arith.constant 0 : i32
    %scan3A_740 = arith.constant 7 : i32
    %scan3A_741 = arith.addi %scan3A_739, %scan3A_740 : i32
    %scan3A_742 = arith.constant 1 : i32
    scf.for %scan3A_1029 = %scan3A_739 to %scan3A_741 step %scan3A_742  : i32 {
      %mul3A_1030 = arith.constant 2 : i32
      %mul3A_1031 = arith.muli %scan3A_1029, %mul3A_1030 : i32
      %add3A_1032 = arith.constant 0 : i32
      %add3A_1033 = arith.addi %mul3A_1031, %add3A_1032 : i32
      %dma_wait3A_1034 = arith.constant 0 : i32
      %dma_wait3A_1035 = tpu.memref_slice %arg7[%add3A_1033, %dma_wait3A_1034] : memref<16x128xi32, #tpu.memory_space<vmem>> -> memref<1x128xi32, #tpu.memory_space<vmem>>
      %dma_wait3A_1036 = tpu.memref_squeeze %dma_wait3A_1035 : memref<1x128xi32, #tpu.memory_space<vmem>> -> memref<128xi32, #tpu.memory_space<vmem>>
      %dma_wait3A_1037 = arith.constant 0 : i32
      %dma_wait3A_1038 = arith.constant 0 : i32
      %dma_wait3A_1039 = tpu.memref_slice %arg2[%dma_wait3A_1037, %dma_wait3A_1038] : memref<10000x128xf32, #tpu.memory_space<hbm>> -> memref<10000x128xf32, #tpu.memory_space<hbm>>
      tpu.wait_indirect_dma semaphore(%arg13 : memref<!tpu.dma_semaphore, #tpu.memory_space<semaphore_mem>>) src(%dma_wait3A_1039 : memref<10000x128xf32, #tpu.memory_space<hbm>>) dst(%arg9 : memref<128x128xf32, #tpu.memory_space<vmem>>)
      "tpu.region"() ({
        %run_scoped3A_1114 = tpu.sem_alloc : memref<!tpu.dma_semaphore, #tpu.memory_space<semaphore_mem>>
        %dma_start3A_1115 = arith.constant 0 : i32
        %dma_start3A_1116 = tpu.memref_slice %arg8[%add3A_1033, %dma_start3A_1115] : memref<16x128xi32, #tpu.memory_space<vmem>> -> memref<1x128xi32, #tpu.memory_space<vmem>>
        %dma_start3A_1117 = tpu.memref_squeeze %dma_start3A_1116 : memref<1x128xi32, #tpu.memory_space<vmem>> -> memref<128xi32, #tpu.memory_space<vmem>>
        %dma_start3A_1118 = arith.constant 0 : i32
        %dma_start3A_1119 = arith.constant 0 : i32
        %dma_start3A_1120 = tpu.memref_slice %arg12[%dma_start3A_1118, %dma_start3A_1119] : memref<10112x128xf32, #tpu.memory_space<vmem_shared>> -> memref<10112x128xf32, #tpu.memory_space<vmem_shared>>
        tpu.enqueue_indirect_dma source(%arg9 : memref<128x128xf32, #tpu.memory_space<vmem>>) target(%dma_start3A_1120 : memref<10112x128xf32, #tpu.memory_space<vmem_shared>>) offsets(%dma_start3A_1117 : memref<128xi32, #tpu.memory_space<vmem>>) semaphore(%run_scoped3A_1114 : memref<!tpu.dma_semaphore, #tpu.memory_space<semaphore_mem>>) {add = true}
        %dma_wait3A_1121 = arith.constant 0 : i32
        %dma_wait3A_1122 = tpu.memref_slice %arg8[%add3A_1033, %dma_wait3A_1121] : memref<16x128xi32, #tpu.memory_space<vmem>> -> memref<1x128xi32, #tpu.memory_space<vmem>>
        %dma_wait3A_1123 = tpu.memref_squeeze %dma_wait3A_1122 : memref<1x128xi32, #tpu.memory_space<vmem>> -> memref<128xi32, #tpu.memory_space<vmem>>
        %dma_wait3A_1124 = arith.constant 0 : i32
        %dma_wait3A_1125 = arith.constant 0 : i32
        %dma_wait3A_1126 = tpu.memref_slice %arg12[%dma_wait3A_1124, %dma_wait3A_1125] : memref<10112x128xf32, #tpu.memory_space<vmem_shared>> -> memref<10112x128xf32, #tpu.memory_space<vmem_shared>>
        tpu.wait_indirect_dma semaphore(%run_scoped3A_1114 : memref<!tpu.dma_semaphore, #tpu.memory_space<semaphore_mem>>) src(%arg9 : memref<128x128xf32, #tpu.memory_space<vmem>>) dst(%dma_wait3A_1126 : memref<10112x128xf32, #tpu.memory_space<vmem_shared>>)
        tpu.yield
      }) : () -> ()
      %add3A_1040 = arith.constant 2 : i32
      %add3A_1041 = arith.addi %add3A_1033, %add3A_1040 : i32
      %dma_start3A_1042 = arith.constant 0 : i32
      %dma_start3A_1043 = tpu.memref_slice %arg7[%add3A_1041, %dma_start3A_1042] : memref<16x128xi32, #tpu.memory_space<vmem>> -> memref<1x128xi32, #tpu.memory_space<vmem>>
      %dma_start3A_1044 = tpu.memref_squeeze %dma_start3A_1043 : memref<1x128xi32, #tpu.memory_space<vmem>> -> memref<128xi32, #tpu.memory_space<vmem>>
      %dma_start3A_1045 = arith.constant 0 : i32
      %dma_start3A_1046 = arith.constant 0 : i32
      %dma_start3A_1047 = tpu.memref_slice %arg2[%dma_start3A_1045, %dma_start3A_1046] : memref<10000x128xf32, #tpu.memory_space<hbm>> -> memref<10000x128xf32, #tpu.memory_space<hbm>>
      tpu.enqueue_indirect_dma source(%dma_start3A_1047 : memref<10000x128xf32, #tpu.memory_space<hbm>>) target(%arg9 : memref<128x128xf32, #tpu.memory_space<vmem>>) offsets(%dma_start3A_1044 : memref<128xi32, #tpu.memory_space<vmem>>) semaphore(%arg13 : memref<!tpu.dma_semaphore, #tpu.memory_space<semaphore_mem>>)
      %get3A_1048 = arith.index_cast %add3A_1033 : i32 to index
      %get3A_1049 = arith.constant 0 : index
      %get3A_1050 = tpu.vector_load %arg8[%get3A_1048, %get3A_1049] {strides = array<i32>} : memref<16x128xi32, #tpu.memory_space<vmem>>, vector<16xi32>,
      tpu.vector_store_idx %arg11[%get3A_1050], %broadcast_in_dim3A_1 {add = true} : memref<10112xf32, #tpu.memory_space<vmem>>[vector<16xi32>], vector<16xf32>,
      %get3A_1051 = arith.index_cast %add3A_1033 : i32 to index
      %get3A_1052 = arith.constant 16 : index
      %get3A_1053 = tpu.vector_load %arg8[%get3A_1051, %get3A_1052] {strides = array<i32>} : memref<16x128xi32, #tpu.memory_space<vmem>>, vector<16xi32>,
      tpu.vector_store_idx %arg11[%get3A_1053], %broadcast_in_dim3A_1 {add = true} : memref<10112xf32, #tpu.memory_space<vmem>>[vector<16xi32>], vector<16xf32>,
      %get3A_1054 = arith.index_cast %add3A_1033 : i32 to index
      %get3A_1055 = arith.constant 32 : index
      %get3A_1056 = tpu.vector_load %arg8[%get3A_1054, %get3A_1055] {strides = array<i32>} : memref<16x128xi32, #tpu.memory_space<vmem>>, vector<16xi32>,
      tpu.vector_store_idx %arg11[%get3A_1056], %broadcast_in_dim3A_1 {add = true} : memref<10112xf32, #tpu.memory_space<vmem>>[vector<16xi32>], vector<16xf32>,
      %get3A_1057 = arith.index_cast %add3A_1033 : i32 to index
      %get3A_1058 = arith.constant 48 : index
      %get3A_1059 = tpu.vector_load %arg8[%get3A_1057, %get3A_1058] {strides = array<i32>} : memref<16x128xi32, #tpu.memory_space<vmem>>, vector<16xi32>,
      tpu.vector_store_idx %arg11[%get3A_1059], %broadcast_in_dim3A_1 {add = true} : memref<10112xf32, #tpu.memory_space<vmem>>[vector<16xi32>], vector<16xf32>,
      %get3A_1060 = arith.index_cast %add3A_1033 : i32 to index
      %get3A_1061 = arith.constant 64 : index
      %get3A_1062 = tpu.vector_load %arg8[%get3A_1060, %get3A_1061] {strides = array<i32>} : memref<16x128xi32, #tpu.memory_space<vmem>>, vector<16xi32>,
      tpu.vector_store_idx %arg11[%get3A_1062], %broadcast_in_dim3A_1 {add = true} : memref<10112xf32, #tpu.memory_space<vmem>>[vector<16xi32>], vector<16xf32>,
      %get3A_1063 = arith.index_cast %add3A_1033 : i32 to index
      %get3A_1064 = arith.constant 80 : index
      %get3A_1065 = tpu.vector_load %arg8[%get3A_1063, %get3A_1064] {strides = array<i32>} : memref<16x128xi32, #tpu.memory_space<vmem>>, vector<16xi32>,
      tpu.vector_store_idx %arg11[%get3A_1065], %broadcast_in_dim3A_1 {add = true} : memref<10112xf32, #tpu.memory_space<vmem>>[vector<16xi32>], vector<16xf32>,
      %get3A_1066 = arith.index_cast %add3A_1033 : i32 to index
      %get3A_1067 = arith.constant 96 : index
      %get3A_1068 = tpu.vector_load %arg8[%get3A_1066, %get3A_1067] {strides = array<i32>} : memref<16x128xi32, #tpu.memory_space<vmem>>, vector<16xi32>,
      tpu.vector_store_idx %arg11[%get3A_1068], %broadcast_in_dim3A_1 {add = true} : memref<10112xf32, #tpu.memory_space<vmem>>[vector<16xi32>], vector<16xf32>,
      %get3A_1069 = arith.index_cast %add3A_1033 : i32 to index
      %get3A_1070 = arith.constant 112 : index
      %get3A_1071 = tpu.vector_load %arg8[%get3A_1069, %get3A_1070] {strides = array<i32>} : memref<16x128xi32, #tpu.memory_space<vmem>>, vector<16xi32>,
      tpu.vector_store_idx %arg11[%get3A_1071], %broadcast_in_dim3A_1 {add = true} : memref<10112xf32, #tpu.memory_space<vmem>>[vector<16xi32>], vector<16xf32>,
      %mul3A_1072 = arith.constant 2 : i32
      %mul3A_1073 = arith.muli %scan3A_1029, %mul3A_1072 : i32
      %add3A_1074 = arith.constant 1 : i32
      %add3A_1075 = arith.addi %mul3A_1073, %add3A_1074 : i32
      %dma_wait3A_1076 = arith.constant 0 : i32
      %dma_wait3A_1077 = tpu.memref_slice %arg7[%add3A_1075, %dma_wait3A_1076] : memref<16x128xi32, #tpu.memory_space<vmem>> -> memref<1x128xi32, #tpu.memory_space<vmem>>
      %dma_wait3A_1078 = tpu.memref_squeeze %dma_wait3A_1077 : memref<1x128xi32, #tpu.memory_space<vmem>> -> memref<128xi32, #tpu.memory_space<vmem>>
      %dma_wait3A_1079 = arith.constant 0 : i32
      %dma_wait3A_1080 = arith.constant 0 : i32
      %dma_wait3A_1081 = tpu.memref_slice %arg2[%dma_wait3A_1079, %dma_wait3A_1080] : memref<10000x128xf32, #tpu.memory_space<hbm>> -> memref<10000x128xf32, #tpu.memory_space<hbm>>
      tpu.wait_indirect_dma semaphore(%arg14 : memref<!tpu.dma_semaphore, #tpu.memory_space<semaphore_mem>>) src(%dma_wait3A_1081 : memref<10000x128xf32, #tpu.memory_space<hbm>>) dst(%arg10 : memref<128x128xf32, #tpu.memory_space<vmem>>)
      "tpu.region"() ({
        %run_scoped3A_1114 = tpu.sem_alloc : memref<!tpu.dma_semaphore, #tpu.memory_space<semaphore_mem>>
        %dma_start3A_1115 = arith.constant 0 : i32
        %dma_start3A_1116 = tpu.memref_slice %arg8[%add3A_1075, %dma_start3A_1115] : memref<16x128xi32, #tpu.memory_space<vmem>> -> memref<1x128xi32, #tpu.memory_space<vmem>>
        %dma_start3A_1117 = tpu.memref_squeeze %dma_start3A_1116 : memref<1x128xi32, #tpu.memory_space<vmem>> -> memref<128xi32, #tpu.memory_space<vmem>>
        %dma_start3A_1118 = arith.constant 0 : i32
        %dma_start3A_1119 = arith.constant 0 : i32
        %dma_start3A_1120 = tpu.memref_slice %arg12[%dma_start3A_1118, %dma_start3A_1119] : memref<10112x128xf32, #tpu.memory_space<vmem_shared>> -> memref<10112x128xf32, #tpu.memory_space<vmem_shared>>
        tpu.enqueue_indirect_dma source(%arg10 : memref<128x128xf32, #tpu.memory_space<vmem>>) target(%dma_start3A_1120 : memref<10112x128xf32, #tpu.memory_space<vmem_shared>>) offsets(%dma_start3A_1117 : memref<128xi32, #tpu.memory_space<vmem>>) semaphore(%run_scoped3A_1114 : memref<!tpu.dma_semaphore, #tpu.memory_space<semaphore_mem>>) {add = true}
        %dma_wait3A_1121 = arith.constant 0 : i32
        %dma_wait3A_1122 = tpu.memref_slice %arg8[%add3A_1075, %dma_wait3A_1121] : memref<16x128xi32, #tpu.memory_space<vmem>> -> memref<1x128xi32, #tpu.memory_space<vmem>>
        %dma_wait3A_1123 = tpu.memref_squeeze %dma_wait3A_1122 : memref<1x128xi32, #tpu.memory_space<vmem>> -> memref<128xi32, #tpu.memory_space<vmem>>
        %dma_wait3A_1124 = arith.constant 0 : i32
        %dma_wait3A_1125 = arith.constant 0 : i32
        %dma_wait3A_1126 = tpu.memref_slice %arg12[%dma_wait3A_1124, %dma_wait3A_1125] : memref<10112x128xf32, #tpu.memory_space<vmem_shared>> -> memref<10112x128xf32, #tpu.memory_space<vmem_shared>>
        tpu.wait_indirect_dma semaphore(%run_scoped3A_1114 : memref<!tpu.dma_semaphore, #tpu.memory_space<semaphore_mem>>) src(%arg10 : memref<128x128xf32, #tpu.memory_space<vmem>>) dst(%dma_wait3A_1126 : memref<10112x128xf32, #tpu.memory_space<vmem_shared>>)
        tpu.yield
      }) : () -> ()
      %add3A_1082 = arith.constant 2 : i32
      %add3A_1083 = arith.addi %add3A_1075, %add3A_1082 : i32
      %dma_start3A_1084 = arith.constant 0 : i32
      %dma_start3A_1085 = tpu.memref_slice %arg7[%add3A_1083, %dma_start3A_1084] : memref<16x128xi32, #tpu.memory_space<vmem>> -> memref<1x128xi32, #tpu.memory_space<vmem>>
      %dma_start3A_1086 = tpu.memref_squeeze %dma_start3A_1085 : memref<1x128xi32, #tpu.memory_space<vmem>> -> memref<128xi32, #tpu.memory_space<vmem>>
      %dma_start3A_1087 = arith.constant 0 : i32
      %dma_start3A_1088 = arith.constant 0 : i32
      %dma_start3A_1089 = tpu.memref_slice %arg2[%dma_start3A_1087, %dma_start3A_1088] : memref<10000x128xf32, #tpu.memory_space<hbm>> -> memref<10000x128xf32, #tpu.memory_space<hbm>>
      tpu.enqueue_indirect_dma source(%dma_start3A_1089 : memref<10000x128xf32, #tpu.memory_space<hbm>>) target(%arg10 : memref<128x128xf32, #tpu.memory_space<vmem>>) offsets(%dma_start3A_1086 : memref<128xi32, #tpu.memory_space<vmem>>) semaphore(%arg14 : memref<!tpu.dma_semaphore, #tpu.memory_space<semaphore_mem>>)
      %get3A_1090 = arith.index_cast %add3A_1075 : i32 to index
      %get3A_1091 = arith.constant 0 : index
      %get3A_1092 = tpu.vector_load %arg8[%get3A_1090, %get3A_1091] {strides = array<i32>} : memref<16x128xi32, #tpu.memory_space<vmem>>, vector<16xi32>,
      tpu.vector_store_idx %arg11[%get3A_1092], %broadcast_in_dim3A_1 {add = true} : memref<10112xf32, #tpu.memory_space<vmem>>[vector<16xi32>], vector<16xf32>,
      %get3A_1093 = arith.index_cast %add3A_1075 : i32 to index
      %get3A_1094 = arith.constant 16 : index
      %get3A_1095 = tpu.vector_load %arg8[%get3A_1093, %get3A_1094] {strides = array<i32>} : memref<16x128xi32, #tpu.memory_space<vmem>>, vector<16xi32>,
      tpu.vector_store_idx %arg11[%get3A_1095], %broadcast_in_dim3A_1 {add = true} : memref<10112xf32, #tpu.memory_space<vmem>>[vector<16xi32>], vector<16xf32>,
      %get3A_1096 = arith.index_cast %add3A_1075 : i32 to index
      %get3A_1097 = arith.constant 32 : index
      %get3A_1098 = tpu.vector_load %arg8[%get3A_1096, %get3A_1097] {strides = array<i32>} : memref<16x128xi32, #tpu.memory_space<vmem>>, vector<16xi32>,
      tpu.vector_store_idx %arg11[%get3A_1098], %broadcast_in_dim3A_1 {add = true} : memref<10112xf32, #tpu.memory_space<vmem>>[vector<16xi32>], vector<16xf32>,
      %get3A_1099 = arith.index_cast %add3A_1075 : i32 to index
      %get3A_1100 = arith.constant 48 : index
      %get3A_1101 = tpu.vector_load %arg8[%get3A_1099, %get3A_1100] {strides = array<i32>} : memref<16x128xi32, #tpu.memory_space<vmem>>, vector<16xi32>,
      tpu.vector_store_idx %arg11[%get3A_1101], %broadcast_in_dim3A_1 {add = true} : memref<10112xf32, #tpu.memory_space<vmem>>[vector<16xi32>], vector<16xf32>,
      %get3A_1102 = arith.index_cast %add3A_1075 : i32 to index
      %get3A_1103 = arith.constant 64 : index
      %get3A_1104 = tpu.vector_load %arg8[%get3A_1102, %get3A_1103] {strides = array<i32>} : memref<16x128xi32, #tpu.memory_space<vmem>>, vector<16xi32>,
      tpu.vector_store_idx %arg11[%get3A_1104], %broadcast_in_dim3A_1 {add = true} : memref<10112xf32, #tpu.memory_space<vmem>>[vector<16xi32>], vector<16xf32>,
      %get3A_1105 = arith.index_cast %add3A_1075 : i32 to index
      %get3A_1106 = arith.constant 80 : index
      %get3A_1107 = tpu.vector_load %arg8[%get3A_1105, %get3A_1106] {strides = array<i32>} : memref<16x128xi32, #tpu.memory_space<vmem>>, vector<16xi32>,
      tpu.vector_store_idx %arg11[%get3A_1107], %broadcast_in_dim3A_1 {add = true} : memref<10112xf32, #tpu.memory_space<vmem>>[vector<16xi32>], vector<16xf32>,
      %get3A_1108 = arith.index_cast %add3A_1075 : i32 to index
      %get3A_1109 = arith.constant 96 : index
      %get3A_1110 = tpu.vector_load %arg8[%get3A_1108, %get3A_1109] {strides = array<i32>} : memref<16x128xi32, #tpu.memory_space<vmem>>, vector<16xi32>,
      tpu.vector_store_idx %arg11[%get3A_1110], %broadcast_in_dim3A_1 {add = true} : memref<10112xf32, #tpu.memory_space<vmem>>[vector<16xi32>], vector<16xf32>,
      %get3A_1111 = arith.index_cast %add3A_1075 : i32 to index
      %get3A_1112 = arith.constant 112 : index
      %get3A_1113 = tpu.vector_load %arg8[%get3A_1111, %get3A_1112] {strides = array<i32>} : memref<16x128xi32, #tpu.memory_space<vmem>>, vector<16xi32>,
      tpu.vector_store_idx %arg11[%get3A_1113], %broadcast_in_dim3A_1 {add = true} : memref<10112xf32, #tpu.memory_space<vmem>>[vector<16xi32>], vector<16xf32>,
    }
    %scan3A_743 = arith.constant 7 : i32
    %dma_wait3A_744 = arith.constant 14 : i32
    %dma_wait3A_745 = arith.constant 0 : i32
    %dma_wait3A_746 = tpu.memref_slice %arg7[%dma_wait3A_744, %dma_wait3A_745] : memref<16x128xi32, #tpu.memory_space<vmem>> -> memref<1x128xi32, #tpu.memory_space<vmem>>
    %dma_wait3A_747 = tpu.memref_squeeze %dma_wait3A_746 : memref<1x128xi32, #tpu.memory_space<vmem>> -> memref<128xi32, #tpu.memory_space<vmem>>
    %dma_wait3A_748 = arith.constant 0 : i32
    %dma_wait3A_749 = arith.constant 0 : i32
    %dma_wait3A_750 = tpu.memref_slice %arg2[%dma_wait3A_748, %dma_wait3A_749] : memref<10000x128xf32, #tpu.memory_space<hbm>> -> memref<10000x128xf32, #tpu.memory_space<hbm>>
    tpu.wait_indirect_dma semaphore(%arg13 : memref<!tpu.dma_semaphore, #tpu.memory_space<semaphore_mem>>) src(%dma_wait3A_750 : memref<10000x128xf32, #tpu.memory_space<hbm>>) dst(%arg9 : memref<128x128xf32, #tpu.memory_space<vmem>>)
    %run_scoped3A_751 = arith.constant 14 : i32
    "tpu.region"() ({
      %run_scoped3A_1029 = tpu.sem_alloc : memref<!tpu.dma_semaphore, #tpu.memory_space<semaphore_mem>>
      %dma_start3A_1030 = arith.constant 0 : i32
      %dma_start3A_1031 = tpu.memref_slice %arg8[%run_scoped3A_751, %dma_start3A_1030] : memref<16x128xi32, #tpu.memory_space<vmem>> -> memref<1x128xi32, #tpu.memory_space<vmem>>
      %dma_start3A_1032 = tpu.memref_squeeze %dma_start3A_1031 : memref<1x128xi32, #tpu.memory_space<vmem>> -> memref<128xi32, #tpu.memory_space<vmem>>
      %dma_start3A_1033 = arith.constant 0 : i32
      %dma_start3A_1034 = arith.constant 0 : i32
      %dma_start3A_1035 = tpu.memref_slice %arg12[%dma_start3A_1033, %dma_start3A_1034] : memref<10112x128xf32, #tpu.memory_space<vmem_shared>> -> memref<10112x128xf32, #tpu.memory_space<vmem_shared>>
      tpu.enqueue_indirect_dma source(%arg9 : memref<128x128xf32, #tpu.memory_space<vmem>>) target(%dma_start3A_1035 : memref<10112x128xf32, #tpu.memory_space<vmem_shared>>) offsets(%dma_start3A_1032 : memref<128xi32, #tpu.memory_space<vmem>>) semaphore(%run_scoped3A_1029 : memref<!tpu.dma_semaphore, #tpu.memory_space<semaphore_mem>>) {add = true}
      %dma_wait3A_1036 = arith.constant 0 : i32
      %dma_wait3A_1037 = tpu.memref_slice %arg8[%run_scoped3A_751, %dma_wait3A_1036] : memref<16x128xi32, #tpu.memory_space<vmem>> -> memref<1x128xi32, #tpu.memory_space<vmem>>
      %dma_wait3A_1038 = tpu.memref_squeeze %dma_wait3A_1037 : memref<1x128xi32, #tpu.memory_space<vmem>> -> memref<128xi32, #tpu.memory_space<vmem>>
      %dma_wait3A_1039 = arith.constant 0 : i32
      %dma_wait3A_1040 = arith.constant 0 : i32
      %dma_wait3A_1041 = tpu.memref_slice %arg12[%dma_wait3A_1039, %dma_wait3A_1040] : memref<10112x128xf32, #tpu.memory_space<vmem_shared>> -> memref<10112x128xf32, #tpu.memory_space<vmem_shared>>
      tpu.wait_indirect_dma semaphore(%run_scoped3A_1029 : memref<!tpu.dma_semaphore, #tpu.memory_space<semaphore_mem>>) src(%arg9 : memref<128x128xf32, #tpu.memory_space<vmem>>) dst(%dma_wait3A_1041 : memref<10112x128xf32, #tpu.memory_space<vmem_shared>>)
      tpu.yield
    }) : () -> ()
    %get3A_752 = arith.constant 14 : i32
    %get3A_753 = arith.index_cast %get3A_752 : i32 to index
    %get3A_754 = arith.constant 0 : index
    %get3A_755 = tpu.vector_load %arg8[%get3A_753, %get3A_754] {strides = array<i32>} : memref<16x128xi32, #tpu.memory_space<vmem>>, vector<16xi32>,
    tpu.vector_store_idx %arg11[%get3A_755], %broadcast_in_dim3A_1 {add = true} : memref<10112xf32, #tpu.memory_space<vmem>>[vector<16xi32>], vector<16xf32>,
    %get3A_756 = arith.constant 14 : i32
    %get3A_757 = arith.index_cast %get3A_756 : i32 to index
    %get3A_758 = arith.constant 16 : index
    %get3A_759 = tpu.vector_load %arg8[%get3A_757, %get3A_758] {strides = array<i32>} : memref<16x128xi32, #tpu.memory_space<vmem>>, vector<16xi32>,
    tpu.vector_store_idx %arg11[%get3A_759], %broadcast_in_dim3A_1 {add = true} : memref<10112xf32, #tpu.memory_space<vmem>>[vector<16xi32>], vector<16xf32>,
    %get3A_760 = arith.constant 14 : i32
    %get3A_761 = arith.index_cast %get3A_760 : i32 to index
    %get3A_762 = arith.constant 32 : index
    %get3A_763 = tpu.vector_load %arg8[%get3A_761, %get3A_762] {strides = array<i32>} : memref<16x128xi32, #tpu.memory_space<vmem>>, vector<16xi32>,
    tpu.vector_store_idx %arg11[%get3A_763], %broadcast_in_dim3A_1 {add = true} : memref<10112xf32, #tpu.memory_space<vmem>>[vector<16xi32>], vector<16xf32>,
    %get3A_764 = arith.constant 14 : i32
    %get3A_765 = arith.index_cast %get3A_764 : i32 to index
    %get3A_766 = arith.constant 48 : index
    %get3A_767 = tpu.vector_load %arg8[%get3A_765, %get3A_766] {strides = array<i32>} : memref<16x128xi32, #tpu.memory_space<vmem>>, vector<16xi32>,
    tpu.vector_store_idx %arg11[%get3A_767], %broadcast_in_dim3A_1 {add = true} : memref<10112xf32, #tpu.memory_space<vmem>>[vector<16xi32>], vector<16xf32>,
    %get3A_768 = arith.constant 14 : i32
    %get3A_769 = arith.index_cast %get3A_768 : i32 to index
    %get3A_770 = arith.constant 64 : index
    %get3A_771 = tpu.vector_load %arg8[%get3A_769, %get3A_770] {strides = array<i32>} : memref<16x128xi32, #tpu.memory_space<vmem>>, vector<16xi32>,
    tpu.vector_store_idx %arg11[%get3A_771], %broadcast_in_dim3A_1 {add = true} : memref<10112xf32, #tpu.memory_space<vmem>>[vector<16xi32>], vector<16xf32>,
    %get3A_772 = arith.constant 14 : i32
    %get3A_773 = arith.index_cast %get3A_772 : i32 to index
    %get3A_774 = arith.constant 80 : index
    %get3A_775 = tpu.vector_load %arg8[%get3A_773, %get3A_774] {strides = array<i32>} : memref<16x128xi32, #tpu.memory_space<vmem>>, vector<16xi32>,
    tpu.vector_store_idx %arg11[%get3A_775], %broadcast_in_dim3A_1 {add = true} : memref<10112xf32, #tpu.memory_space<vmem>>[vector<16xi32>], vector<16xf32>,
    %get3A_776 = arith.constant 14 : i32
    %get3A_777 = arith.index_cast %get3A_776 : i32 to index
    %get3A_778 = arith.constant 96 : index
    %get3A_779 = tpu.vector_load %arg8[%get3A_777, %get3A_778] {strides = array<i32>} : memref<16x128xi32, #tpu.memory_space<vmem>>, vector<16xi32>,
    tpu.vector_store_idx %arg11[%get3A_779], %broadcast_in_dim3A_1 {add = true} : memref<10112xf32, #tpu.memory_space<vmem>>[vector<16xi32>], vector<16xf32>,
    %get3A_780 = arith.constant 14 : i32
    %get3A_781 = arith.index_cast %get3A_780 : i32 to index
    %get3A_782 = arith.constant 112 : index
    %get3A_783 = tpu.vector_load %arg8[%get3A_781, %get3A_782] {strides = array<i32>} : memref<16x128xi32, #tpu.memory_space<vmem>>, vector<16xi32>,
    tpu.vector_store_idx %arg11[%get3A_783], %broadcast_in_dim3A_1 {add = true} : memref<10112xf32, #tpu.memory_space<vmem>>[vector<16xi32>], vector<16xf32>,
    %dma_wait3A_784 = arith.constant 15 : i32
    %dma_wait3A_785 = arith.constant 0 : i32
    %dma_wait3A_786 = tpu.memref_slice %arg7[%dma_wait3A_784, %dma_wait3A_785] : memref<16x128xi32, #tpu.memory_space<vmem>> -> memref<1x128xi32, #tpu.memory_space<vmem>>
    %dma_wait3A_787 = tpu.memref_squeeze %dma_wait3A_786 : memref<1x128xi32, #tpu.memory_space<vmem>> -> memref<128xi32, #tpu.memory_space<vmem>>
    %dma_wait3A_788 = arith.constant 0 : i32
    %dma_wait3A_789 = arith.constant 0 : i32
    %dma_wait3A_790 = tpu.memref_slice %arg2[%dma_wait3A_788, %dma_wait3A_789] : memref<10000x128xf32, #tpu.memory_space<hbm>> -> memref<10000x128xf32, #tpu.memory_space<hbm>>
    tpu.wait_indirect_dma semaphore(%arg14 : memref<!tpu.dma_semaphore, #tpu.memory_space<semaphore_mem>>) src(%dma_wait3A_790 : memref<10000x128xf32, #tpu.memory_space<hbm>>) dst(%arg10 : memref<128x128xf32, #tpu.memory_space<vmem>>)
    %run_scoped3A_791 = arith.constant 15 : i32
    "tpu.region"() ({
      %run_scoped3A_1029 = tpu.sem_alloc : memref<!tpu.dma_semaphore, #tpu.memory_space<semaphore_mem>>
      %dma_start3A_1030 = arith.constant 0 : i32
      %dma_start3A_1031 = tpu.memref_slice %arg8[%run_scoped3A_791, %dma_start3A_1030] : memref<16x128xi32, #tpu.memory_space<vmem>> -> memref<1x128xi32, #tpu.memory_space<vmem>>
      %dma_start3A_1032 = tpu.memref_squeeze %dma_start3A_1031 : memref<1x128xi32, #tpu.memory_space<vmem>> -> memref<128xi32, #tpu.memory_space<vmem>>
      %dma_start3A_1033 = arith.constant 0 : i32
      %dma_start3A_1034 = arith.constant 0 : i32
      %dma_start3A_1035 = tpu.memref_slice %arg12[%dma_start3A_1033, %dma_start3A_1034] : memref<10112x128xf32, #tpu.memory_space<vmem_shared>> -> memref<10112x128xf32, #tpu.memory_space<vmem_shared>>
      tpu.enqueue_indirect_dma source(%arg10 : memref<128x128xf32, #tpu.memory_space<vmem>>) target(%dma_start3A_1035 : memref<10112x128xf32, #tpu.memory_space<vmem_shared>>) offsets(%dma_start3A_1032 : memref<128xi32, #tpu.memory_space<vmem>>) semaphore(%run_scoped3A_1029 : memref<!tpu.dma_semaphore, #tpu.memory_space<semaphore_mem>>) {add = true}
      %dma_wait3A_1036 = arith.constant 0 : i32
      %dma_wait3A_1037 = tpu.memref_slice %arg8[%run_scoped3A_791, %dma_wait3A_1036] : memref<16x128xi32, #tpu.memory_space<vmem>> -> memref<1x128xi32, #tpu.memory_space<vmem>>
      %dma_wait3A_1038 = tpu.memref_squeeze %dma_wait3A_1037 : memref<1x128xi32, #tpu.memory_space<vmem>> -> memref<128xi32, #tpu.memory_space<vmem>>
      %dma_wait3A_1039 = arith.constant 0 : i32
      %dma_wait3A_1040 = arith.constant 0 : i32
      %dma_wait3A_1041 = tpu.memref_slice %arg12[%dma_wait3A_1039, %dma_wait3A_1040] : memref<10112x128xf32, #tpu.memory_space<vmem_shared>> -> memref<10112x128xf32, #tpu.memory_space<vmem_shared>>
      tpu.wait_indirect_dma semaphore(%run_scoped3A_1029 : memref<!tpu.dma_semaphore, #tpu.memory_space<semaphore_mem>>) src(%arg10 : memref<128x128xf32, #tpu.memory_space<vmem>>) dst(%dma_wait3A_1041 : memref<10112x128xf32, #tpu.memory_space<vmem_shared>>)
      tpu.yield
    }) : () -> ()
    %get3A_792 = arith.constant 15 : i32
    %get3A_793 = arith.index_cast %get3A_792 : i32 to index
    %get3A_794 = arith.constant 0 : index
    %get3A_795 = tpu.vector_load %arg8[%get3A_793, %get3A_794] {strides = array<i32>} : memref<16x128xi32, #tpu.memory_space<vmem>>, vector<16xi32>,
    tpu.vector_store_idx %arg11[%get3A_795], %broadcast_in_dim3A_1 {add = true} : memref<10112xf32, #tpu.memory_space<vmem>>[vector<16xi32>], vector<16xf32>,
    %get3A_796 = arith.constant 15 : i32
    %get3A_797 = arith.index_cast %get3A_796 : i32 to index
    %get3A_798 = arith.constant 16 : index
    %get3A_799 = tpu.vector_load %arg8[%get3A_797, %get3A_798] {strides = array<i32>} : memref<16x128xi32, #tpu.memory_space<vmem>>, vector<16xi32>,
    tpu.vector_store_idx %arg11[%get3A_799], %broadcast_in_dim3A_1 {add = true} : memref<10112xf32, #tpu.memory_space<vmem>>[vector<16xi32>], vector<16xf32>,
    %get3A_800 = arith.constant 15 : i32
    %get3A_801 = arith.index_cast %get3A_800 : i32 to index
    %get3A_802 = arith.constant 32 : index
    %get3A_803 = tpu.vector_load %arg8[%get3A_801, %get3A_802] {strides = array<i32>} : memref<16x128xi32, #tpu.memory_space<vmem>>, vector<16xi32>,
    tpu.vector_store_idx %arg11[%get3A_803], %broadcast_in_dim3A_1 {add = true} : memref<10112xf32, #tpu.memory_space<vmem>>[vector<16xi32>], vector<16xf32>,
    %get3A_804 = arith.constant 15 : i32
    %get3A_805 = arith.index_cast %get3A_804 : i32 to index
    %get3A_806 = arith.constant 48 : index
    %get3A_807 = tpu.vector_load %arg8[%get3A_805, %get3A_806] {strides = array<i32>} : memref<16x128xi32, #tpu.memory_space<vmem>>, vector<16xi32>,
    tpu.vector_store_idx %arg11[%get3A_807], %broadcast_in_dim3A_1 {add = true} : memref<10112xf32, #tpu.memory_space<vmem>>[vector<16xi32>], vector<16xf32>,
    %get3A_808 = arith.constant 15 : i32
    %get3A_809 = arith.index_cast %get3A_808 : i32 to index
    %get3A_810 = arith.constant 64 : index
    %get3A_811 = tpu.vector_load %arg8[%get3A_809, %get3A_810] {strides = array<i32>} : memref<16x128xi32, #tpu.memory_space<vmem>>, vector<16xi32>,
    tpu.vector_store_idx %arg11[%get3A_811], %broadcast_in_dim3A_1 {add = true} : memref<10112xf32, #tpu.memory_space<vmem>>[vector<16xi32>], vector<16xf32>,
    %get3A_812 = arith.constant 15 : i32
    %get3A_813 = arith.index_cast %get3A_812 : i32 to index
    %get3A_814 = arith.constant 80 : index
    %get3A_815 = tpu.vector_load %arg8[%get3A_813, %get3A_814] {strides = array<i32>} : memref<16x128xi32, #tpu.memory_space<vmem>>, vector<16xi32>,
    tpu.vector_store_idx %arg11[%get3A_815], %broadcast_in_dim3A_1 {add = true} : memref<10112xf32, #tpu.memory_space<vmem>>[vector<16xi32>], vector<16xf32>,
    %get3A_816 = arith.constant 15 : i32
    %get3A_817 = arith.index_cast %get3A_816 : i32 to index
    %get3A_818 = arith.constant 96 : index
    %get3A_819 = tpu.vector_load %arg8[%get3A_817, %get3A_818] {strides = array<i32>} : memref<16x128xi32, #tpu.memory_space<vmem>>, vector<16xi32>,
    tpu.vector_store_idx %arg11[%get3A_819], %broadcast_in_dim3A_1 {add = true} : memref<10112xf32, #tpu.memory_space<vmem>>[vector<16xi32>], vector<16xf32>,
    %get3A_820 = arith.constant 15 : i32
    %get3A_821 = arith.index_cast %get3A_820 : i32 to index
    %get3A_822 = arith.constant 112 : index
    %get3A_823 = tpu.vector_load %arg8[%get3A_821, %get3A_822] {strides = array<i32>} : memref<16x128xi32, #tpu.memory_space<vmem>>, vector<16xi32>,
    tpu.vector_store_idx %arg11[%get3A_823], %broadcast_in_dim3A_1 {add = true} : memref<10112xf32, #tpu.memory_space<vmem>>[vector<16xi32>], vector<16xf32>,
    "tpu.region"() ({
      %run_scoped3A_1029 = tpu.sem_alloc : memref<!tpu.dma_semaphore, #tpu.memory_space<semaphore_mem>>
      %dma_start3A_1030 = arith.constant 128 : i32
      %dma_start3A_1031 = arith.constant 0 : i32
      %dma_start3A_1032 = tpu.memref_slice %arg3[%add3A, %dma_start3A_1030, %dma_start3A_1031] : memref<16x160x128xi32, #tpu.memory_space<hbm>> -> memref<1x16x128xi32, #tpu.memory_space<hbm>>
      %dma_start3A_1033 = tpu.memref_squeeze %dma_start3A_1032 : memref<1x16x128xi32, #tpu.memory_space<hbm>> -> memref<16x128xi32, #tpu.memory_space<hbm>>
      %dma_start3A_1034 = arith.constant 128 : i32
      %dma_start3A_1035 = arith.constant 0 : i32
      %dma_start3A_1036 = tpu.memref_slice %arg3[%add3A, %dma_start3A_1034, %dma_start3A_1035] : memref<16x160x128xi32, #tpu.memory_space<hbm>> -> memref<1x16x128xi32, #tpu.memory_space<hbm>>
      %dma_start3A_1037 = tpu.memref_squeeze %dma_start3A_1036 : memref<1x16x128xi32, #tpu.memory_space<hbm>> -> memref<16x128xi32, #tpu.memory_space<hbm>>
      tpu.enqueue_dma source(%dma_start3A_1037 : memref<16x128xi32, #tpu.memory_space<hbm>>) target(%arg7 : memref<16x128xi32, #tpu.memory_space<vmem>>) target_semaphore(%run_scoped3A_1029 : memref<!tpu.dma_semaphore, #tpu.memory_space<semaphore_mem>>)
      %dma_wait3A_1038 = arith.constant 128 : i32
      %dma_wait3A_1039 = arith.constant 0 : i32
      %dma_wait3A_1040 = tpu.memref_slice %arg3[%add3A, %dma_wait3A_1038, %dma_wait3A_1039] : memref<16x160x128xi32, #tpu.memory_space<hbm>> -> memref<1x16x128xi32, #tpu.memory_space<hbm>>
      %dma_wait3A_1041 = tpu.memref_squeeze %dma_wait3A_1040 : memref<1x16x128xi32, #tpu.memory_space<hbm>> -> memref<16x128xi32, #tpu.memory_space<hbm>>
      %dma_wait3A_1042 = arith.constant 128 : i32
      %dma_wait3A_1043 = arith.constant 0 : i32
      %dma_wait3A_1044 = tpu.memref_slice %arg3[%add3A, %dma_wait3A_1042, %dma_wait3A_1043] : memref<16x160x128xi32, #tpu.memory_space<hbm>> -> memref<1x16x128xi32, #tpu.memory_space<hbm>>
      %dma_wait3A_1045 = tpu.memref_squeeze %dma_wait3A_1044 : memref<1x16x128xi32, #tpu.memory_space<hbm>> -> memref<16x128xi32, #tpu.memory_space<hbm>>
      tpu.wait_dma2 semaphore(%run_scoped3A_1029 : memref<!tpu.dma_semaphore, #tpu.memory_space<semaphore_mem>>) src(%dma_wait3A_1045 : memref<16x128xi32, #tpu.memory_space<hbm>>) dst(%arg7 : memref<16x128xi32, #tpu.memory_space<vmem>>)
      tpu.yield
    }) : () -> ()
    "tpu.region"() ({
      %run_scoped3A_1029 = tpu.sem_alloc : memref<!tpu.dma_semaphore, #tpu.memory_space<semaphore_mem>>
      %dma_start3A_1030 = arith.constant 128 : i32
      %dma_start3A_1031 = arith.constant 0 : i32
      %dma_start3A_1032 = tpu.memref_slice %arg4[%add3A, %dma_start3A_1030, %dma_start3A_1031] : memref<16x160x128xi32, #tpu.memory_space<hbm>> -> memref<1x16x128xi32, #tpu.memory_space<hbm>>
      %dma_start3A_1033 = tpu.memref_squeeze %dma_start3A_1032 : memref<1x16x128xi32, #tpu.memory_space<hbm>> -> memref<16x128xi32, #tpu.memory_space<hbm>>
      %dma_start3A_1034 = arith.constant 128 : i32
      %dma_start3A_1035 = arith.constant 0 : i32
      %dma_start3A_1036 = tpu.memref_slice %arg4[%add3A, %dma_start3A_1034, %dma_start3A_1035] : memref<16x160x128xi32, #tpu.memory_space<hbm>> -> memref<1x16x128xi32, #tpu.memory_space<hbm>>
      %dma_start3A_1037 = tpu.memref_squeeze %dma_start3A_1036 : memref<1x16x128xi32, #tpu.memory_space<hbm>> -> memref<16x128xi32, #tpu.memory_space<hbm>>
      tpu.enqueue_dma source(%dma_start3A_1037 : memref<16x128xi32, #tpu.memory_space<hbm>>) target(%arg8 : memref<16x128xi32, #tpu.memory_space<vmem>>) target_semaphore(%run_scoped3A_1029 : memref<!tpu.dma_semaphore, #tpu.memory_space<semaphore_mem>>)
      %dma_wait3A_1038 = arith.constant 128 : i32
      %dma_wait3A_1039 = arith.constant 0 : i32
      %dma_wait3A_1040 = tpu.memref_slice %arg4[%add3A, %dma_wait3A_1038, %dma_wait3A_1039] : memref<16x160x128xi32, #tpu.memory_space<hbm>> -> memref<1x16x128xi32, #tpu.memory_space<hbm>>
      %dma_wait3A_1041 = tpu.memref_squeeze %dma_wait3A_1040 : memref<1x16x128xi32, #tpu.memory_space<hbm>> -> memref<16x128xi32, #tpu.memory_space<hbm>>
      %dma_wait3A_1042 = arith.constant 128 : i32
      %dma_wait3A_1043 = arith.constant 0 : i32
      %dma_wait3A_1044 = tpu.memref_slice %arg4[%add3A, %dma_wait3A_1042, %dma_wait3A_1043] : memref<16x160x128xi32, #tpu.memory_space<hbm>> -> memref<1x16x128xi32, #tpu.memory_space<hbm>>
      %dma_wait3A_1045 = tpu.memref_squeeze %dma_wait3A_1044 : memref<1x16x128xi32, #tpu.memory_space<hbm>> -> memref<16x128xi32, #tpu.memory_space<hbm>>
      tpu.wait_dma2 semaphore(%run_scoped3A_1029 : memref<!tpu.dma_semaphore, #tpu.memory_space<semaphore_mem>>) src(%dma_wait3A_1045 : memref<16x128xi32, #tpu.memory_space<hbm>>) dst(%arg8 : memref<16x128xi32, #tpu.memory_space<vmem>>)
      tpu.yield
    }) : () -> ()
    %dma_start3A_824 = arith.constant 0 : i32
    %dma_start3A_825 = arith.constant 0 : i32
    %dma_start3A_826 = tpu.memref_slice %arg7[%dma_start3A_824, %dma_start3A_825] : memref<16x128xi32, #tpu.memory_space<vmem>> -> memref<1x128xi32, #tpu.memory_space<vmem>>
    %dma_start3A_827 = tpu.memref_squeeze %dma_start3A_826 : memref<1x128xi32, #tpu.memory_space<vmem>> -> memref<128xi32, #tpu.memory_space<vmem>>
    %dma_start3A_828 = arith.constant 0 : i32
    %dma_start3A_829 = arith.constant 0 : i32
    %dma_start3A_830 = tpu.memref_slice %arg2[%dma_start3A_828, %dma_start3A_829] : memref<10000x128xf32, #tpu.memory_space<hbm>> -> memref<10000x128xf32, #tpu.memory_space<hbm>>
    tpu.enqueue_indirect_dma source(%dma_start3A_830 : memref<10000x128xf32, #tpu.memory_space<hbm>>) target(%arg9 : memref<128x128xf32, #tpu.memory_space<vmem>>) offsets(%dma_start3A_827 : memref<128xi32, #tpu.memory_space<vmem>>) semaphore(%arg13 : memref<!tpu.dma_semaphore, #tpu.memory_space<semaphore_mem>>)
    %dma_start3A_831 = arith.constant 1 : i32
    %dma_start3A_832 = arith.constant 0 : i32
    %dma_start3A_833 = tpu.memref_slice %arg7[%dma_start3A_831, %dma_start3A_832] : memref<16x128xi32, #tpu.memory_space<vmem>> -> memref<1x128xi32, #tpu.memory_space<vmem>>
    %dma_start3A_834 = tpu.memref_squeeze %dma_start3A_833 : memref<1x128xi32, #tpu.memory_space<vmem>> -> memref<128xi32, #tpu.memory_space<vmem>>
    %dma_start3A_835 = arith.constant 0 : i32
    %dma_start3A_836 = arith.constant 0 : i32
    %dma_start3A_837 = tpu.memref_slice %arg2[%dma_start3A_835, %dma_start3A_836] : memref<10000x128xf32, #tpu.memory_space<hbm>> -> memref<10000x128xf32, #tpu.memory_space<hbm>>
    tpu.enqueue_indirect_dma source(%dma_start3A_837 : memref<10000x128xf32, #tpu.memory_space<hbm>>) target(%arg10 : memref<128x128xf32, #tpu.memory_space<vmem>>) offsets(%dma_start3A_834 : memref<128xi32, #tpu.memory_space<vmem>>) semaphore(%arg14 : memref<!tpu.dma_semaphore, #tpu.memory_space<semaphore_mem>>)
    %scan3A_838 = arith.constant 0 : i32
    %scan3A_839 = arith.constant 0 : i32
    %scan3A_840 = arith.constant 7 : i32
    %scan3A_841 = arith.addi %scan3A_839, %scan3A_840 : i32
    %scan3A_842 = arith.constant 1 : i32
    scf.for %scan3A_1029 = %scan3A_839 to %scan3A_841 step %scan3A_842  : i32 {
      %mul3A_1030 = arith.constant 2 : i32
      %mul3A_1031 = arith.muli %scan3A_1029, %mul3A_1030 : i32
      %add3A_1032 = arith.constant 0 : i32
      %add3A_1033 = arith.addi %mul3A_1031, %add3A_1032 : i32
      %dma_wait3A_1034 = arith.constant 0 : i32
      %dma_wait3A_1035 = tpu.memref_slice %arg7[%add3A_1033, %dma_wait3A_1034] : memref<16x128xi32, #tpu.memory_space<vmem>> -> memref<1x128xi32, #tpu.memory_space<vmem>>
      %dma_wait3A_1036 = tpu.memref_squeeze %dma_wait3A_1035 : memref<1x128xi32, #tpu.memory_space<vmem>> -> memref<128xi32, #tpu.memory_space<vmem>>
      %dma_wait3A_1037 = arith.constant 0 : i32
      %dma_wait3A_1038 = arith.constant 0 : i32
      %dma_wait3A_1039 = tpu.memref_slice %arg2[%dma_wait3A_1037, %dma_wait3A_1038] : memref<10000x128xf32, #tpu.memory_space<hbm>> -> memref<10000x128xf32, #tpu.memory_space<hbm>>
      tpu.wait_indirect_dma semaphore(%arg13 : memref<!tpu.dma_semaphore, #tpu.memory_space<semaphore_mem>>) src(%dma_wait3A_1039 : memref<10000x128xf32, #tpu.memory_space<hbm>>) dst(%arg9 : memref<128x128xf32, #tpu.memory_space<vmem>>)
      "tpu.region"() ({
        %run_scoped3A_1114 = tpu.sem_alloc : memref<!tpu.dma_semaphore, #tpu.memory_space<semaphore_mem>>
        %dma_start3A_1115 = arith.constant 0 : i32
        %dma_start3A_1116 = tpu.memref_slice %arg8[%add3A_1033, %dma_start3A_1115] : memref<16x128xi32, #tpu.memory_space<vmem>> -> memref<1x128xi32, #tpu.memory_space<vmem>>
        %dma_start3A_1117 = tpu.memref_squeeze %dma_start3A_1116 : memref<1x128xi32, #tpu.memory_space<vmem>> -> memref<128xi32, #tpu.memory_space<vmem>>
        %dma_start3A_1118 = arith.constant 0 : i32
        %dma_start3A_1119 = arith.constant 0 : i32
        %dma_start3A_1120 = tpu.memref_slice %arg12[%dma_start3A_1118, %dma_start3A_1119] : memref<10112x128xf32, #tpu.memory_space<vmem_shared>> -> memref<10112x128xf32, #tpu.memory_space<vmem_shared>>
        tpu.enqueue_indirect_dma source(%arg9 : memref<128x128xf32, #tpu.memory_space<vmem>>) target(%dma_start3A_1120 : memref<10112x128xf32, #tpu.memory_space<vmem_shared>>) offsets(%dma_start3A_1117 : memref<128xi32, #tpu.memory_space<vmem>>) semaphore(%run_scoped3A_1114 : memref<!tpu.dma_semaphore, #tpu.memory_space<semaphore_mem>>) {add = true}
        %dma_wait3A_1121 = arith.constant 0 : i32
        %dma_wait3A_1122 = tpu.memref_slice %arg8[%add3A_1033, %dma_wait3A_1121] : memref<16x128xi32, #tpu.memory_space<vmem>> -> memref<1x128xi32, #tpu.memory_space<vmem>>
        %dma_wait3A_1123 = tpu.memref_squeeze %dma_wait3A_1122 : memref<1x128xi32, #tpu.memory_space<vmem>> -> memref<128xi32, #tpu.memory_space<vmem>>
        %dma_wait3A_1124 = arith.constant 0 : i32
        %dma_wait3A_1125 = arith.constant 0 : i32
        %dma_wait3A_1126 = tpu.memref_slice %arg12[%dma_wait3A_1124, %dma_wait3A_1125] : memref<10112x128xf32, #tpu.memory_space<vmem_shared>> -> memref<10112x128xf32, #tpu.memory_space<vmem_shared>>
        tpu.wait_indirect_dma semaphore(%run_scoped3A_1114 : memref<!tpu.dma_semaphore, #tpu.memory_space<semaphore_mem>>) src(%arg9 : memref<128x128xf32, #tpu.memory_space<vmem>>) dst(%dma_wait3A_1126 : memref<10112x128xf32, #tpu.memory_space<vmem_shared>>)
        tpu.yield
      }) : () -> ()
      %add3A_1040 = arith.constant 2 : i32
      %add3A_1041 = arith.addi %add3A_1033, %add3A_1040 : i32
      %dma_start3A_1042 = arith.constant 0 : i32
      %dma_start3A_1043 = tpu.memref_slice %arg7[%add3A_1041, %dma_start3A_1042] : memref<16x128xi32, #tpu.memory_space<vmem>> -> memref<1x128xi32, #tpu.memory_space<vmem>>
      %dma_start3A_1044 = tpu.memref_squeeze %dma_start3A_1043 : memref<1x128xi32, #tpu.memory_space<vmem>> -> memref<128xi32, #tpu.memory_space<vmem>>
      %dma_start3A_1045 = arith.constant 0 : i32
      %dma_start3A_1046 = arith.constant 0 : i32
      %dma_start3A_1047 = tpu.memref_slice %arg2[%dma_start3A_1045, %dma_start3A_1046] : memref<10000x128xf32, #tpu.memory_space<hbm>> -> memref<10000x128xf32, #tpu.memory_space<hbm>>
      tpu.enqueue_indirect_dma source(%dma_start3A_1047 : memref<10000x128xf32, #tpu.memory_space<hbm>>) target(%arg9 : memref<128x128xf32, #tpu.memory_space<vmem>>) offsets(%dma_start3A_1044 : memref<128xi32, #tpu.memory_space<vmem>>) semaphore(%arg13 : memref<!tpu.dma_semaphore, #tpu.memory_space<semaphore_mem>>)
      %get3A_1048 = arith.index_cast %add3A_1033 : i32 to index
      %get3A_1049 = arith.constant 0 : index
      %get3A_1050 = tpu.vector_load %arg8[%get3A_1048, %get3A_1049] {strides = array<i32>} : memref<16x128xi32, #tpu.memory_space<vmem>>, vector<16xi32>,
      tpu.vector_store_idx %arg11[%get3A_1050], %broadcast_in_dim3A_1 {add = true} : memref<10112xf32, #tpu.memory_space<vmem>>[vector<16xi32>], vector<16xf32>,
      %get3A_1051 = arith.index_cast %add3A_1033 : i32 to index
      %get3A_1052 = arith.constant 16 : index
      %get3A_1053 = tpu.vector_load %arg8[%get3A_1051, %get3A_1052] {strides = array<i32>} : memref<16x128xi32, #tpu.memory_space<vmem>>, vector<16xi32>,
      tpu.vector_store_idx %arg11[%get3A_1053], %broadcast_in_dim3A_1 {add = true} : memref<10112xf32, #tpu.memory_space<vmem>>[vector<16xi32>], vector<16xf32>,
      %get3A_1054 = arith.index_cast %add3A_1033 : i32 to index
      %get3A_1055 = arith.constant 32 : index
      %get3A_1056 = tpu.vector_load %arg8[%get3A_1054, %get3A_1055] {strides = array<i32>} : memref<16x128xi32, #tpu.memory_space<vmem>>, vector<16xi32>,
      tpu.vector_store_idx %arg11[%get3A_1056], %broadcast_in_dim3A_1 {add = true} : memref<10112xf32, #tpu.memory_space<vmem>>[vector<16xi32>], vector<16xf32>,
      %get3A_1057 = arith.index_cast %add3A_1033 : i32 to index
      %get3A_1058 = arith.constant 48 : index
      %get3A_1059 = tpu.vector_load %arg8[%get3A_1057, %get3A_1058] {strides = array<i32>} : memref<16x128xi32, #tpu.memory_space<vmem>>, vector<16xi32>,
      tpu.vector_store_idx %arg11[%get3A_1059], %broadcast_in_dim3A_1 {add = true} : memref<10112xf32, #tpu.memory_space<vmem>>[vector<16xi32>], vector<16xf32>,
      %get3A_1060 = arith.index_cast %add3A_1033 : i32 to index
      %get3A_1061 = arith.constant 64 : index
      %get3A_1062 = tpu.vector_load %arg8[%get3A_1060, %get3A_1061] {strides = array<i32>} : memref<16x128xi32, #tpu.memory_space<vmem>>, vector<16xi32>,
      tpu.vector_store_idx %arg11[%get3A_1062], %broadcast_in_dim3A_1 {add = true} : memref<10112xf32, #tpu.memory_space<vmem>>[vector<16xi32>], vector<16xf32>,
      %get3A_1063 = arith.index_cast %add3A_1033 : i32 to index
      %get3A_1064 = arith.constant 80 : index
      %get3A_1065 = tpu.vector_load %arg8[%get3A_1063, %get3A_1064] {strides = array<i32>} : memref<16x128xi32, #tpu.memory_space<vmem>>, vector<16xi32>,
      tpu.vector_store_idx %arg11[%get3A_1065], %broadcast_in_dim3A_1 {add = true} : memref<10112xf32, #tpu.memory_space<vmem>>[vector<16xi32>], vector<16xf32>,
      %get3A_1066 = arith.index_cast %add3A_1033 : i32 to index
      %get3A_1067 = arith.constant 96 : index
      %get3A_1068 = tpu.vector_load %arg8[%get3A_1066, %get3A_1067] {strides = array<i32>} : memref<16x128xi32, #tpu.memory_space<vmem>>, vector<16xi32>,
      tpu.vector_store_idx %arg11[%get3A_1068], %broadcast_in_dim3A_1 {add = true} : memref<10112xf32, #tpu.memory_space<vmem>>[vector<16xi32>], vector<16xf32>,
      %get3A_1069 = arith.index_cast %add3A_1033 : i32 to index
      %get3A_1070 = arith.constant 112 : index
      %get3A_1071 = tpu.vector_load %arg8[%get3A_1069, %get3A_1070] {strides = array<i32>} : memref<16x128xi32, #tpu.memory_space<vmem>>, vector<16xi32>,
      tpu.vector_store_idx %arg11[%get3A_1071], %broadcast_in_dim3A_1 {add = true} : memref<10112xf32, #tpu.memory_space<vmem>>[vector<16xi32>], vector<16xf32>,
      %mul3A_1072 = arith.constant 2 : i32
      %mul3A_1073 = arith.muli %scan3A_1029, %mul3A_1072 : i32
      %add3A_1074 = arith.constant 1 : i32
      %add3A_1075 = arith.addi %mul3A_1073, %add3A_1074 : i32
      %dma_wait3A_1076 = arith.constant 0 : i32
      %dma_wait3A_1077 = tpu.memref_slice %arg7[%add3A_1075, %dma_wait3A_1076] : memref<16x128xi32, #tpu.memory_space<vmem>> -> memref<1x128xi32, #tpu.memory_space<vmem>>
      %dma_wait3A_1078 = tpu.memref_squeeze %dma_wait3A_1077 : memref<1x128xi32, #tpu.memory_space<vmem>> -> memref<128xi32, #tpu.memory_space<vmem>>
      %dma_wait3A_1079 = arith.constant 0 : i32
      %dma_wait3A_1080 = arith.constant 0 : i32
      %dma_wait3A_1081 = tpu.memref_slice %arg2[%dma_wait3A_1079, %dma_wait3A_1080] : memref<10000x128xf32, #tpu.memory_space<hbm>> -> memref<10000x128xf32, #tpu.memory_space<hbm>>
      tpu.wait_indirect_dma semaphore(%arg14 : memref<!tpu.dma_semaphore, #tpu.memory_space<semaphore_mem>>) src(%dma_wait3A_1081 : memref<10000x128xf32, #tpu.memory_space<hbm>>) dst(%arg10 : memref<128x128xf32, #tpu.memory_space<vmem>>)
      "tpu.region"() ({
        %run_scoped3A_1114 = tpu.sem_alloc : memref<!tpu.dma_semaphore, #tpu.memory_space<semaphore_mem>>
        %dma_start3A_1115 = arith.constant 0 : i32
        %dma_start3A_1116 = tpu.memref_slice %arg8[%add3A_1075, %dma_start3A_1115] : memref<16x128xi32, #tpu.memory_space<vmem>> -> memref<1x128xi32, #tpu.memory_space<vmem>>
        %dma_start3A_1117 = tpu.memref_squeeze %dma_start3A_1116 : memref<1x128xi32, #tpu.memory_space<vmem>> -> memref<128xi32, #tpu.memory_space<vmem>>
        %dma_start3A_1118 = arith.constant 0 : i32
        %dma_start3A_1119 = arith.constant 0 : i32
        %dma_start3A_1120 = tpu.memref_slice %arg12[%dma_start3A_1118, %dma_start3A_1119] : memref<10112x128xf32, #tpu.memory_space<vmem_shared>> -> memref<10112x128xf32, #tpu.memory_space<vmem_shared>>
        tpu.enqueue_indirect_dma source(%arg10 : memref<128x128xf32, #tpu.memory_space<vmem>>) target(%dma_start3A_1120 : memref<10112x128xf32, #tpu.memory_space<vmem_shared>>) offsets(%dma_start3A_1117 : memref<128xi32, #tpu.memory_space<vmem>>) semaphore(%run_scoped3A_1114 : memref<!tpu.dma_semaphore, #tpu.memory_space<semaphore_mem>>) {add = true}
        %dma_wait3A_1121 = arith.constant 0 : i32
        %dma_wait3A_1122 = tpu.memref_slice %arg8[%add3A_1075, %dma_wait3A_1121] : memref<16x128xi32, #tpu.memory_space<vmem>> -> memref<1x128xi32, #tpu.memory_space<vmem>>
        %dma_wait3A_1123 = tpu.memref_squeeze %dma_wait3A_1122 : memref<1x128xi32, #tpu.memory_space<vmem>> -> memref<128xi32, #tpu.memory_space<vmem>>
        %dma_wait3A_1124 = arith.constant 0 : i32
        %dma_wait3A_1125 = arith.constant 0 : i32
        %dma_wait3A_1126 = tpu.memref_slice %arg12[%dma_wait3A_1124, %dma_wait3A_1125] : memref<10112x128xf32, #tpu.memory_space<vmem_shared>> -> memref<10112x128xf32, #tpu.memory_space<vmem_shared>>
        tpu.wait_indirect_dma semaphore(%run_scoped3A_1114 : memref<!tpu.dma_semaphore, #tpu.memory_space<semaphore_mem>>) src(%arg10 : memref<128x128xf32, #tpu.memory_space<vmem>>) dst(%dma_wait3A_1126 : memref<10112x128xf32, #tpu.memory_space<vmem_shared>>)
        tpu.yield
      }) : () -> ()
      %add3A_1082 = arith.constant 2 : i32
      %add3A_1083 = arith.addi %add3A_1075, %add3A_1082 : i32
      %dma_start3A_1084 = arith.constant 0 : i32
      %dma_start3A_1085 = tpu.memref_slice %arg7[%add3A_1083, %dma_start3A_1084] : memref<16x128xi32, #tpu.memory_space<vmem>> -> memref<1x128xi32, #tpu.memory_space<vmem>>
      %dma_start3A_1086 = tpu.memref_squeeze %dma_start3A_1085 : memref<1x128xi32, #tpu.memory_space<vmem>> -> memref<128xi32, #tpu.memory_space<vmem>>
      %dma_start3A_1087 = arith.constant 0 : i32
      %dma_start3A_1088 = arith.constant 0 : i32
      %dma_start3A_1089 = tpu.memref_slice %arg2[%dma_start3A_1087, %dma_start3A_1088] : memref<10000x128xf32, #tpu.memory_space<hbm>> -> memref<10000x128xf32, #tpu.memory_space<hbm>>
      tpu.enqueue_indirect_dma source(%dma_start3A_1089 : memref<10000x128xf32, #tpu.memory_space<hbm>>) target(%arg10 : memref<128x128xf32, #tpu.memory_space<vmem>>) offsets(%dma_start3A_1086 : memref<128xi32, #tpu.memory_space<vmem>>) semaphore(%arg14 : memref<!tpu.dma_semaphore, #tpu.memory_space<semaphore_mem>>)
      %get3A_1090 = arith.index_cast %add3A_1075 : i32 to index
      %get3A_1091 = arith.constant 0 : index
      %get3A_1092 = tpu.vector_load %arg8[%get3A_1090, %get3A_1091] {strides = array<i32>} : memref<16x128xi32, #tpu.memory_space<vmem>>, vector<16xi32>,
      tpu.vector_store_idx %arg11[%get3A_1092], %broadcast_in_dim3A_1 {add = true} : memref<10112xf32, #tpu.memory_space<vmem>>[vector<16xi32>], vector<16xf32>,
      %get3A_1093 = arith.index_cast %add3A_1075 : i32 to index
      %get3A_1094 = arith.constant 16 : index
      %get3A_1095 = tpu.vector_load %arg8[%get3A_1093, %get3A_1094] {strides = array<i32>} : memref<16x128xi32, #tpu.memory_space<vmem>>, vector<16xi32>,
      tpu.vector_store_idx %arg11[%get3A_1095], %broadcast_in_dim3A_1 {add = true} : memref<10112xf32, #tpu.memory_space<vmem>>[vector<16xi32>], vector<16xf32>,
      %get3A_1096 = arith.index_cast %add3A_1075 : i32 to index
      %get3A_1097 = arith.constant 32 : index
      %get3A_1098 = tpu.vector_load %arg8[%get3A_1096, %get3A_1097] {strides = array<i32>} : memref<16x128xi32, #tpu.memory_space<vmem>>, vector<16xi32>,
      tpu.vector_store_idx %arg11[%get3A_1098], %broadcast_in_dim3A_1 {add = true} : memref<10112xf32, #tpu.memory_space<vmem>>[vector<16xi32>], vector<16xf32>,
      %get3A_1099 = arith.index_cast %add3A_1075 : i32 to index
      %get3A_1100 = arith.constant 48 : index
      %get3A_1101 = tpu.vector_load %arg8[%get3A_1099, %get3A_1100] {strides = array<i32>} : memref<16x128xi32, #tpu.memory_space<vmem>>, vector<16xi32>,
      tpu.vector_store_idx %arg11[%get3A_1101], %broadcast_in_dim3A_1 {add = true} : memref<10112xf32, #tpu.memory_space<vmem>>[vector<16xi32>], vector<16xf32>,
      %get3A_1102 = arith.index_cast %add3A_1075 : i32 to index
      %get3A_1103 = arith.constant 64 : index
      %get3A_1104 = tpu.vector_load %arg8[%get3A_1102, %get3A_1103] {strides = array<i32>} : memref<16x128xi32, #tpu.memory_space<vmem>>, vector<16xi32>,
      tpu.vector_store_idx %arg11[%get3A_1104], %broadcast_in_dim3A_1 {add = true} : memref<10112xf32, #tpu.memory_space<vmem>>[vector<16xi32>], vector<16xf32>,
      %get3A_1105 = arith.index_cast %add3A_1075 : i32 to index
      %get3A_1106 = arith.constant 80 : index
      %get3A_1107 = tpu.vector_load %arg8[%get3A_1105, %get3A_1106] {strides = array<i32>} : memref<16x128xi32, #tpu.memory_space<vmem>>, vector<16xi32>,
      tpu.vector_store_idx %arg11[%get3A_1107], %broadcast_in_dim3A_1 {add = true} : memref<10112xf32, #tpu.memory_space<vmem>>[vector<16xi32>], vector<16xf32>,
      %get3A_1108 = arith.index_cast %add3A_1075 : i32 to index
      %get3A_1109 = arith.constant 96 : index
      %get3A_1110 = tpu.vector_load %arg8[%get3A_1108, %get3A_1109] {strides = array<i32>} : memref<16x128xi32, #tpu.memory_space<vmem>>, vector<16xi32>,
      tpu.vector_store_idx %arg11[%get3A_1110], %broadcast_in_dim3A_1 {add = true} : memref<10112xf32, #tpu.memory_space<vmem>>[vector<16xi32>], vector<16xf32>,
      %get3A_1111 = arith.index_cast %add3A_1075 : i32 to index
      %get3A_1112 = arith.constant 112 : index
      %get3A_1113 = tpu.vector_load %arg8[%get3A_1111, %get3A_1112] {strides = array<i32>} : memref<16x128xi32, #tpu.memory_space<vmem>>, vector<16xi32>,
      tpu.vector_store_idx %arg11[%get3A_1113], %broadcast_in_dim3A_1 {add = true} : memref<10112xf32, #tpu.memory_space<vmem>>[vector<16xi32>], vector<16xf32>,
    }
    %scan3A_843 = arith.constant 7 : i32
    %dma_wait3A_844 = arith.constant 14 : i32
    %dma_wait3A_845 = arith.constant 0 : i32
    %dma_wait3A_846 = tpu.memref_slice %arg7[%dma_wait3A_844, %dma_wait3A_845] : memref<16x128xi32, #tpu.memory_space<vmem>> -> memref<1x128xi32, #tpu.memory_space<vmem>>
    %dma_wait3A_847 = tpu.memref_squeeze %dma_wait3A_846 : memref<1x128xi32, #tpu.memory_space<vmem>> -> memref<128xi32, #tpu.memory_space<vmem>>
    %dma_wait3A_848 = arith.constant 0 : i32
    %dma_wait3A_849 = arith.constant 0 : i32
    %dma_wait3A_850 = tpu.memref_slice %arg2[%dma_wait3A_848, %dma_wait3A_849] : memref<10000x128xf32, #tpu.memory_space<hbm>> -> memref<10000x128xf32, #tpu.memory_space<hbm>>
    tpu.wait_indirect_dma semaphore(%arg13 : memref<!tpu.dma_semaphore, #tpu.memory_space<semaphore_mem>>) src(%dma_wait3A_850 : memref<10000x128xf32, #tpu.memory_space<hbm>>) dst(%arg9 : memref<128x128xf32, #tpu.memory_space<vmem>>)
    %run_scoped3A_851 = arith.constant 14 : i32
    "tpu.region"() ({
      %run_scoped3A_1029 = tpu.sem_alloc : memref<!tpu.dma_semaphore, #tpu.memory_space<semaphore_mem>>
      %dma_start3A_1030 = arith.constant 0 : i32
      %dma_start3A_1031 = tpu.memref_slice %arg8[%run_scoped3A_851, %dma_start3A_1030] : memref<16x128xi32, #tpu.memory_space<vmem>> -> memref<1x128xi32, #tpu.memory_space<vmem>>
      %dma_start3A_1032 = tpu.memref_squeeze %dma_start3A_1031 : memref<1x128xi32, #tpu.memory_space<vmem>> -> memref<128xi32, #tpu.memory_space<vmem>>
      %dma_start3A_1033 = arith.constant 0 : i32
      %dma_start3A_1034 = arith.constant 0 : i32
      %dma_start3A_1035 = tpu.memref_slice %arg12[%dma_start3A_1033, %dma_start3A_1034] : memref<10112x128xf32, #tpu.memory_space<vmem_shared>> -> memref<10112x128xf32, #tpu.memory_space<vmem_shared>>
      tpu.enqueue_indirect_dma source(%arg9 : memref<128x128xf32, #tpu.memory_space<vmem>>) target(%dma_start3A_1035 : memref<10112x128xf32, #tpu.memory_space<vmem_shared>>) offsets(%dma_start3A_1032 : memref<128xi32, #tpu.memory_space<vmem>>) semaphore(%run_scoped3A_1029 : memref<!tpu.dma_semaphore, #tpu.memory_space<semaphore_mem>>) {add = true}
      %dma_wait3A_1036 = arith.constant 0 : i32
      %dma_wait3A_1037 = tpu.memref_slice %arg8[%run_scoped3A_851, %dma_wait3A_1036] : memref<16x128xi32, #tpu.memory_space<vmem>> -> memref<1x128xi32, #tpu.memory_space<vmem>>
      %dma_wait3A_1038 = tpu.memref_squeeze %dma_wait3A_1037 : memref<1x128xi32, #tpu.memory_space<vmem>> -> memref<128xi32, #tpu.memory_space<vmem>>
      %dma_wait3A_1039 = arith.constant 0 : i32
      %dma_wait3A_1040 = arith.constant 0 : i32
      %dma_wait3A_1041 = tpu.memref_slice %arg12[%dma_wait3A_1039, %dma_wait3A_1040] : memref<10112x128xf32, #tpu.memory_space<vmem_shared>> -> memref<10112x128xf32, #tpu.memory_space<vmem_shared>>
      tpu.wait_indirect_dma semaphore(%run_scoped3A_1029 : memref<!tpu.dma_semaphore, #tpu.memory_space<semaphore_mem>>) src(%arg9 : memref<128x128xf32, #tpu.memory_space<vmem>>) dst(%dma_wait3A_1041 : memref<10112x128xf32, #tpu.memory_space<vmem_shared>>)
      tpu.yield
    }) : () -> ()
    %get3A_852 = arith.constant 14 : i32
    %get3A_853 = arith.index_cast %get3A_852 : i32 to index
    %get3A_854 = arith.constant 0 : index
    %get3A_855 = tpu.vector_load %arg8[%get3A_853, %get3A_854] {strides = array<i32>} : memref<16x128xi32, #tpu.memory_space<vmem>>, vector<16xi32>,
    tpu.vector_store_idx %arg11[%get3A_855], %broadcast_in_dim3A_1 {add = true} : memref<10112xf32, #tpu.memory_space<vmem>>[vector<16xi32>], vector<16xf32>,
    %get3A_856 = arith.constant 14 : i32
    %get3A_857 = arith.index_cast %get3A_856 : i32 to index
    %get3A_858 = arith.constant 16 : index
    %get3A_859 = tpu.vector_load %arg8[%get3A_857, %get3A_858] {strides = array<i32>} : memref<16x128xi32, #tpu.memory_space<vmem>>, vector<16xi32>,
    tpu.vector_store_idx %arg11[%get3A_859], %broadcast_in_dim3A_1 {add = true} : memref<10112xf32, #tpu.memory_space<vmem>>[vector<16xi32>], vector<16xf32>,
    %get3A_860 = arith.constant 14 : i32
    %get3A_861 = arith.index_cast %get3A_860 : i32 to index
    %get3A_862 = arith.constant 32 : index
    %get3A_863 = tpu.vector_load %arg8[%get3A_861, %get3A_862] {strides = array<i32>} : memref<16x128xi32, #tpu.memory_space<vmem>>, vector<16xi32>,
    tpu.vector_store_idx %arg11[%get3A_863], %broadcast_in_dim3A_1 {add = true} : memref<10112xf32, #tpu.memory_space<vmem>>[vector<16xi32>], vector<16xf32>,
    %get3A_864 = arith.constant 14 : i32
    %get3A_865 = arith.index_cast %get3A_864 : i32 to index
    %get3A_866 = arith.constant 48 : index
    %get3A_867 = tpu.vector_load %arg8[%get3A_865, %get3A_866] {strides = array<i32>} : memref<16x128xi32, #tpu.memory_space<vmem>>, vector<16xi32>,
    tpu.vector_store_idx %arg11[%get3A_867], %broadcast_in_dim3A_1 {add = true} : memref<10112xf32, #tpu.memory_space<vmem>>[vector<16xi32>], vector<16xf32>,
    %get3A_868 = arith.constant 14 : i32
    %get3A_869 = arith.index_cast %get3A_868 : i32 to index
    %get3A_870 = arith.constant 64 : index
    %get3A_871 = tpu.vector_load %arg8[%get3A_869, %get3A_870] {strides = array<i32>} : memref<16x128xi32, #tpu.memory_space<vmem>>, vector<16xi32>,
    tpu.vector_store_idx %arg11[%get3A_871], %broadcast_in_dim3A_1 {add = true} : memref<10112xf32, #tpu.memory_space<vmem>>[vector<16xi32>], vector<16xf32>,
    %get3A_872 = arith.constant 14 : i32
    %get3A_873 = arith.index_cast %get3A_872 : i32 to index
    %get3A_874 = arith.constant 80 : index
    %get3A_875 = tpu.vector_load %arg8[%get3A_873, %get3A_874] {strides = array<i32>} : memref<16x128xi32, #tpu.memory_space<vmem>>, vector<16xi32>,
    tpu.vector_store_idx %arg11[%get3A_875], %broadcast_in_dim3A_1 {add = true} : memref<10112xf32, #tpu.memory_space<vmem>>[vector<16xi32>], vector<16xf32>,
    %get3A_876 = arith.constant 14 : i32
    %get3A_877 = arith.index_cast %get3A_876 : i32 to index
    %get3A_878 = arith.constant 96 : index
    %get3A_879 = tpu.vector_load %arg8[%get3A_877, %get3A_878] {strides = array<i32>} : memref<16x128xi32, #tpu.memory_space<vmem>>, vector<16xi32>,
    tpu.vector_store_idx %arg11[%get3A_879], %broadcast_in_dim3A_1 {add = true} : memref<10112xf32, #tpu.memory_space<vmem>>[vector<16xi32>], vector<16xf32>,
    %get3A_880 = arith.constant 14 : i32
    %get3A_881 = arith.index_cast %get3A_880 : i32 to index
    %get3A_882 = arith.constant 112 : index
    %get3A_883 = tpu.vector_load %arg8[%get3A_881, %get3A_882] {strides = array<i32>} : memref<16x128xi32, #tpu.memory_space<vmem>>, vector<16xi32>,
    tpu.vector_store_idx %arg11[%get3A_883], %broadcast_in_dim3A_1 {add = true} : memref<10112xf32, #tpu.memory_space<vmem>>[vector<16xi32>], vector<16xf32>,
    %dma_wait3A_884 = arith.constant 15 : i32
    %dma_wait3A_885 = arith.constant 0 : i32
    %dma_wait3A_886 = tpu.memref_slice %arg7[%dma_wait3A_884, %dma_wait3A_885] : memref<16x128xi32, #tpu.memory_space<vmem>> -> memref<1x128xi32, #tpu.memory_space<vmem>>
    %dma_wait3A_887 = tpu.memref_squeeze %dma_wait3A_886 : memref<1x128xi32, #tpu.memory_space<vmem>> -> memref<128xi32, #tpu.memory_space<vmem>>
    %dma_wait3A_888 = arith.constant 0 : i32
    %dma_wait3A_889 = arith.constant 0 : i32
    %dma_wait3A_890 = tpu.memref_slice %arg2[%dma_wait3A_888, %dma_wait3A_889] : memref<10000x128xf32, #tpu.memory_space<hbm>> -> memref<10000x128xf32, #tpu.memory_space<hbm>>
    tpu.wait_indirect_dma semaphore(%arg14 : memref<!tpu.dma_semaphore, #tpu.memory_space<semaphore_mem>>) src(%dma_wait3A_890 : memref<10000x128xf32, #tpu.memory_space<hbm>>) dst(%arg10 : memref<128x128xf32, #tpu.memory_space<vmem>>)
    %run_scoped3A_891 = arith.constant 15 : i32
    "tpu.region"() ({
      %run_scoped3A_1029 = tpu.sem_alloc : memref<!tpu.dma_semaphore, #tpu.memory_space<semaphore_mem>>
      %dma_start3A_1030 = arith.constant 0 : i32
      %dma_start3A_1031 = tpu.memref_slice %arg8[%run_scoped3A_891, %dma_start3A_1030] : memref<16x128xi32, #tpu.memory_space<vmem>> -> memref<1x128xi32, #tpu.memory_space<vmem>>
      %dma_start3A_1032 = tpu.memref_squeeze %dma_start3A_1031 : memref<1x128xi32, #tpu.memory_space<vmem>> -> memref<128xi32, #tpu.memory_space<vmem>>
      %dma_start3A_1033 = arith.constant 0 : i32
      %dma_start3A_1034 = arith.constant 0 : i32
      %dma_start3A_1035 = tpu.memref_slice %arg12[%dma_start3A_1033, %dma_start3A_1034] : memref<10112x128xf32, #tpu.memory_space<vmem_shared>> -> memref<10112x128xf32, #tpu.memory_space<vmem_shared>>
      tpu.enqueue_indirect_dma source(%arg10 : memref<128x128xf32, #tpu.memory_space<vmem>>) target(%dma_start3A_1035 : memref<10112x128xf32, #tpu.memory_space<vmem_shared>>) offsets(%dma_start3A_1032 : memref<128xi32, #tpu.memory_space<vmem>>) semaphore(%run_scoped3A_1029 : memref<!tpu.dma_semaphore, #tpu.memory_space<semaphore_mem>>) {add = true}
      %dma_wait3A_1036 = arith.constant 0 : i32
      %dma_wait3A_1037 = tpu.memref_slice %arg8[%run_scoped3A_891, %dma_wait3A_1036] : memref<16x128xi32, #tpu.memory_space<vmem>> -> memref<1x128xi32, #tpu.memory_space<vmem>>
      %dma_wait3A_1038 = tpu.memref_squeeze %dma_wait3A_1037 : memref<1x128xi32, #tpu.memory_space<vmem>> -> memref<128xi32, #tpu.memory_space<vmem>>
      %dma_wait3A_1039 = arith.constant 0 : i32
      %dma_wait3A_1040 = arith.constant 0 : i32
      %dma_wait3A_1041 = tpu.memref_slice %arg12[%dma_wait3A_1039, %dma_wait3A_1040] : memref<10112x128xf32, #tpu.memory_space<vmem_shared>> -> memref<10112x128xf32, #tpu.memory_space<vmem_shared>>
      tpu.wait_indirect_dma semaphore(%run_scoped3A_1029 : memref<!tpu.dma_semaphore, #tpu.memory_space<semaphore_mem>>) src(%arg10 : memref<128x128xf32, #tpu.memory_space<vmem>>) dst(%dma_wait3A_1041 : memref<10112x128xf32, #tpu.memory_space<vmem_shared>>)
      tpu.yield
    }) : () -> ()
    %get3A_892 = arith.constant 15 : i32
    %get3A_893 = arith.index_cast %get3A_892 : i32 to index
    %get3A_894 = arith.constant 0 : index
    %get3A_895 = tpu.vector_load %arg8[%get3A_893, %get3A_894] {strides = array<i32>} : memref<16x128xi32, #tpu.memory_space<vmem>>, vector<16xi32>,
    tpu.vector_store_idx %arg11[%get3A_895], %broadcast_in_dim3A_1 {add = true} : memref<10112xf32, #tpu.memory_space<vmem>>[vector<16xi32>], vector<16xf32>,
    %get3A_896 = arith.constant 15 : i32
    %get3A_897 = arith.index_cast %get3A_896 : i32 to index
    %get3A_898 = arith.constant 16 : index
    %get3A_899 = tpu.vector_load %arg8[%get3A_897, %get3A_898] {strides = array<i32>} : memref<16x128xi32, #tpu.memory_space<vmem>>, vector<16xi32>,
    tpu.vector_store_idx %arg11[%get3A_899], %broadcast_in_dim3A_1 {add = true} : memref<10112xf32, #tpu.memory_space<vmem>>[vector<16xi32>], vector<16xf32>,
    %get3A_900 = arith.constant 15 : i32
    %get3A_901 = arith.index_cast %get3A_900 : i32 to index
    %get3A_902 = arith.constant 32 : index
    %get3A_903 = tpu.vector_load %arg8[%get3A_901, %get3A_902] {strides = array<i32>} : memref<16x128xi32, #tpu.memory_space<vmem>>, vector<16xi32>,
    tpu.vector_store_idx %arg11[%get3A_903], %broadcast_in_dim3A_1 {add = true} : memref<10112xf32, #tpu.memory_space<vmem>>[vector<16xi32>], vector<16xf32>,
    %get3A_904 = arith.constant 15 : i32
    %get3A_905 = arith.index_cast %get3A_904 : i32 to index
    %get3A_906 = arith.constant 48 : index
    %get3A_907 = tpu.vector_load %arg8[%get3A_905, %get3A_906] {strides = array<i32>} : memref<16x128xi32, #tpu.memory_space<vmem>>, vector<16xi32>,
    tpu.vector_store_idx %arg11[%get3A_907], %broadcast_in_dim3A_1 {add = true} : memref<10112xf32, #tpu.memory_space<vmem>>[vector<16xi32>], vector<16xf32>,
    %get3A_908 = arith.constant 15 : i32
    %get3A_909 = arith.index_cast %get3A_908 : i32 to index
    %get3A_910 = arith.constant 64 : index
    %get3A_911 = tpu.vector_load %arg8[%get3A_909, %get3A_910] {strides = array<i32>} : memref<16x128xi32, #tpu.memory_space<vmem>>, vector<16xi32>,
    tpu.vector_store_idx %arg11[%get3A_911], %broadcast_in_dim3A_1 {add = true} : memref<10112xf32, #tpu.memory_space<vmem>>[vector<16xi32>], vector<16xf32>,
    %get3A_912 = arith.constant 15 : i32
    %get3A_913 = arith.index_cast %get3A_912 : i32 to index
    %get3A_914 = arith.constant 80 : index
    %get3A_915 = tpu.vector_load %arg8[%get3A_913, %get3A_914] {strides = array<i32>} : memref<16x128xi32, #tpu.memory_space<vmem>>, vector<16xi32>,
    tpu.vector_store_idx %arg11[%get3A_915], %broadcast_in_dim3A_1 {add = true} : memref<10112xf32, #tpu.memory_space<vmem>>[vector<16xi32>], vector<16xf32>,
    %get3A_916 = arith.constant 15 : i32
    %get3A_917 = arith.index_cast %get3A_916 : i32 to index
    %get3A_918 = arith.constant 96 : index
    %get3A_919 = tpu.vector_load %arg8[%get3A_917, %get3A_918] {strides = array<i32>} : memref<16x128xi32, #tpu.memory_space<vmem>>, vector<16xi32>,
    tpu.vector_store_idx %arg11[%get3A_919], %broadcast_in_dim3A_1 {add = true} : memref<10112xf32, #tpu.memory_space<vmem>>[vector<16xi32>], vector<16xf32>,
    %get3A_920 = arith.constant 15 : i32
    %get3A_921 = arith.index_cast %get3A_920 : i32 to index
    %get3A_922 = arith.constant 112 : index
    %get3A_923 = tpu.vector_load %arg8[%get3A_921, %get3A_922] {strides = array<i32>} : memref<16x128xi32, #tpu.memory_space<vmem>>, vector<16xi32>,
    tpu.vector_store_idx %arg11[%get3A_923], %broadcast_in_dim3A_1 {add = true} : memref<10112xf32, #tpu.memory_space<vmem>>[vector<16xi32>], vector<16xf32>,
    "tpu.region"() ({
      %run_scoped3A_1029 = tpu.sem_alloc : memref<!tpu.dma_semaphore, #tpu.memory_space<semaphore_mem>>
      %dma_start3A_1030 = arith.constant 144 : i32
      %dma_start3A_1031 = arith.constant 0 : i32
      %dma_start3A_1032 = tpu.memref_slice %arg3[%add3A, %dma_start3A_1030, %dma_start3A_1031] : memref<16x160x128xi32, #tpu.memory_space<hbm>> -> memref<1x16x128xi32, #tpu.memory_space<hbm>>
      %dma_start3A_1033 = tpu.memref_squeeze %dma_start3A_1032 : memref<1x16x128xi32, #tpu.memory_space<hbm>> -> memref<16x128xi32, #tpu.memory_space<hbm>>
      %dma_start3A_1034 = arith.constant 144 : i32
      %dma_start3A_1035 = arith.constant 0 : i32
      %dma_start3A_1036 = tpu.memref_slice %arg3[%add3A, %dma_start3A_1034, %dma_start3A_1035] : memref<16x160x128xi32, #tpu.memory_space<hbm>> -> memref<1x16x128xi32, #tpu.memory_space<hbm>>
      %dma_start3A_1037 = tpu.memref_squeeze %dma_start3A_1036 : memref<1x16x128xi32, #tpu.memory_space<hbm>> -> memref<16x128xi32, #tpu.memory_space<hbm>>
      tpu.enqueue_dma source(%dma_start3A_1037 : memref<16x128xi32, #tpu.memory_space<hbm>>) target(%arg7 : memref<16x128xi32, #tpu.memory_space<vmem>>) target_semaphore(%run_scoped3A_1029 : memref<!tpu.dma_semaphore, #tpu.memory_space<semaphore_mem>>)
      %dma_wait3A_1038 = arith.constant 144 : i32
      %dma_wait3A_1039 = arith.constant 0 : i32
      %dma_wait3A_1040 = tpu.memref_slice %arg3[%add3A, %dma_wait3A_1038, %dma_wait3A_1039] : memref<16x160x128xi32, #tpu.memory_space<hbm>> -> memref<1x16x128xi32, #tpu.memory_space<hbm>>
      %dma_wait3A_1041 = tpu.memref_squeeze %dma_wait3A_1040 : memref<1x16x128xi32, #tpu.memory_space<hbm>> -> memref<16x128xi32, #tpu.memory_space<hbm>>
      %dma_wait3A_1042 = arith.constant 144 : i32
      %dma_wait3A_1043 = arith.constant 0 : i32
      %dma_wait3A_1044 = tpu.memref_slice %arg3[%add3A, %dma_wait3A_1042, %dma_wait3A_1043] : memref<16x160x128xi32, #tpu.memory_space<hbm>> -> memref<1x16x128xi32, #tpu.memory_space<hbm>>
      %dma_wait3A_1045 = tpu.memref_squeeze %dma_wait3A_1044 : memref<1x16x128xi32, #tpu.memory_space<hbm>> -> memref<16x128xi32, #tpu.memory_space<hbm>>
      tpu.wait_dma2 semaphore(%run_scoped3A_1029 : memref<!tpu.dma_semaphore, #tpu.memory_space<semaphore_mem>>) src(%dma_wait3A_1045 : memref<16x128xi32, #tpu.memory_space<hbm>>) dst(%arg7 : memref<16x128xi32, #tpu.memory_space<vmem>>)
      tpu.yield
    }) : () -> ()
    "tpu.region"() ({
      %run_scoped3A_1029 = tpu.sem_alloc : memref<!tpu.dma_semaphore, #tpu.memory_space<semaphore_mem>>
      %dma_start3A_1030 = arith.constant 144 : i32
      %dma_start3A_1031 = arith.constant 0 : i32
      %dma_start3A_1032 = tpu.memref_slice %arg4[%add3A, %dma_start3A_1030, %dma_start3A_1031] : memref<16x160x128xi32, #tpu.memory_space<hbm>> -> memref<1x16x128xi32, #tpu.memory_space<hbm>>
      %dma_start3A_1033 = tpu.memref_squeeze %dma_start3A_1032 : memref<1x16x128xi32, #tpu.memory_space<hbm>> -> memref<16x128xi32, #tpu.memory_space<hbm>>
      %dma_start3A_1034 = arith.constant 144 : i32
      %dma_start3A_1035 = arith.constant 0 : i32
      %dma_start3A_1036 = tpu.memref_slice %arg4[%add3A, %dma_start3A_1034, %dma_start3A_1035] : memref<16x160x128xi32, #tpu.memory_space<hbm>> -> memref<1x16x128xi32, #tpu.memory_space<hbm>>
      %dma_start3A_1037 = tpu.memref_squeeze %dma_start3A_1036 : memref<1x16x128xi32, #tpu.memory_space<hbm>> -> memref<16x128xi32, #tpu.memory_space<hbm>>
      tpu.enqueue_dma source(%dma_start3A_1037 : memref<16x128xi32, #tpu.memory_space<hbm>>) target(%arg8 : memref<16x128xi32, #tpu.memory_space<vmem>>) target_semaphore(%run_scoped3A_1029 : memref<!tpu.dma_semaphore, #tpu.memory_space<semaphore_mem>>)
      %dma_wait3A_1038 = arith.constant 144 : i32
      %dma_wait3A_1039 = arith.constant 0 : i32
      %dma_wait3A_1040 = tpu.memref_slice %arg4[%add3A, %dma_wait3A_1038, %dma_wait3A_1039] : memref<16x160x128xi32, #tpu.memory_space<hbm>> -> memref<1x16x128xi32, #tpu.memory_space<hbm>>
      %dma_wait3A_1041 = tpu.memref_squeeze %dma_wait3A_1040 : memref<1x16x128xi32, #tpu.memory_space<hbm>> -> memref<16x128xi32, #tpu.memory_space<hbm>>
      %dma_wait3A_1042 = arith.constant 144 : i32
      %dma_wait3A_1043 = arith.constant 0 : i32
      %dma_wait3A_1044 = tpu.memref_slice %arg4[%add3A, %dma_wait3A_1042, %dma_wait3A_1043] : memref<16x160x128xi32, #tpu.memory_space<hbm>> -> memref<1x16x128xi32, #tpu.memory_space<hbm>>
      %dma_wait3A_1045 = tpu.memref_squeeze %dma_wait3A_1044 : memref<1x16x128xi32, #tpu.memory_space<hbm>> -> memref<16x128xi32, #tpu.memory_space<hbm>>
      tpu.wait_dma2 semaphore(%run_scoped3A_1029 : memref<!tpu.dma_semaphore, #tpu.memory_space<semaphore_mem>>) src(%dma_wait3A_1045 : memref<16x128xi32, #tpu.memory_space<hbm>>) dst(%arg8 : memref<16x128xi32, #tpu.memory_space<vmem>>)
      tpu.yield
    }) : () -> ()
    %dma_start3A_924 = arith.constant 0 : i32
    %dma_start3A_925 = arith.constant 0 : i32
    %dma_start3A_926 = tpu.memref_slice %arg7[%dma_start3A_924, %dma_start3A_925] : memref<16x128xi32, #tpu.memory_space<vmem>> -> memref<1x128xi32, #tpu.memory_space<vmem>>
    %dma_start3A_927 = tpu.memref_squeeze %dma_start3A_926 : memref<1x128xi32, #tpu.memory_space<vmem>> -> memref<128xi32, #tpu.memory_space<vmem>>
    %dma_start3A_928 = arith.constant 0 : i32
    %dma_start3A_929 = arith.constant 0 : i32
    %dma_start3A_930 = tpu.memref_slice %arg2[%dma_start3A_928, %dma_start3A_929] : memref<10000x128xf32, #tpu.memory_space<hbm>> -> memref<10000x128xf32, #tpu.memory_space<hbm>>
    tpu.enqueue_indirect_dma source(%dma_start3A_930 : memref<10000x128xf32, #tpu.memory_space<hbm>>) target(%arg9 : memref<128x128xf32, #tpu.memory_space<vmem>>) offsets(%dma_start3A_927 : memref<128xi32, #tpu.memory_space<vmem>>) semaphore(%arg13 : memref<!tpu.dma_semaphore, #tpu.memory_space<semaphore_mem>>)
    %dma_start3A_931 = arith.constant 1 : i32
    %dma_start3A_932 = arith.constant 0 : i32
    %dma_start3A_933 = tpu.memref_slice %arg7[%dma_start3A_931, %dma_start3A_932] : memref<16x128xi32, #tpu.memory_space<vmem>> -> memref<1x128xi32, #tpu.memory_space<vmem>>
    %dma_start3A_934 = tpu.memref_squeeze %dma_start3A_933 : memref<1x128xi32, #tpu.memory_space<vmem>> -> memref<128xi32, #tpu.memory_space<vmem>>
    %dma_start3A_935 = arith.constant 0 : i32
    %dma_start3A_936 = arith.constant 0 : i32
    %dma_start3A_937 = tpu.memref_slice %arg2[%dma_start3A_935, %dma_start3A_936] : memref<10000x128xf32, #tpu.memory_space<hbm>> -> memref<10000x128xf32, #tpu.memory_space<hbm>>
    tpu.enqueue_indirect_dma source(%dma_start3A_937 : memref<10000x128xf32, #tpu.memory_space<hbm>>) target(%arg10 : memref<128x128xf32, #tpu.memory_space<vmem>>) offsets(%dma_start3A_934 : memref<128xi32, #tpu.memory_space<vmem>>) semaphore(%arg14 : memref<!tpu.dma_semaphore, #tpu.memory_space<semaphore_mem>>)
    %scan3A_938 = arith.constant 0 : i32
    %scan3A_939 = arith.constant 0 : i32
    %scan3A_940 = arith.constant 7 : i32
    %scan3A_941 = arith.addi %scan3A_939, %scan3A_940 : i32
    %scan3A_942 = arith.constant 1 : i32
    scf.for %scan3A_1029 = %scan3A_939 to %scan3A_941 step %scan3A_942  : i32 {
      %mul3A_1030 = arith.constant 2 : i32
      %mul3A_1031 = arith.muli %scan3A_1029, %mul3A_1030 : i32
      %add3A_1032 = arith.constant 0 : i32
      %add3A_1033 = arith.addi %mul3A_1031, %add3A_1032 : i32
      %dma_wait3A_1034 = arith.constant 0 : i32
      %dma_wait3A_1035 = tpu.memref_slice %arg7[%add3A_1033, %dma_wait3A_1034] : memref<16x128xi32, #tpu.memory_space<vmem>> -> memref<1x128xi32, #tpu.memory_space<vmem>>
      %dma_wait3A_1036 = tpu.memref_squeeze %dma_wait3A_1035 : memref<1x128xi32, #tpu.memory_space<vmem>> -> memref<128xi32, #tpu.memory_space<vmem>>
      %dma_wait3A_1037 = arith.constant 0 : i32
      %dma_wait3A_1038 = arith.constant 0 : i32
      %dma_wait3A_1039 = tpu.memref_slice %arg2[%dma_wait3A_1037, %dma_wait3A_1038] : memref<10000x128xf32, #tpu.memory_space<hbm>> -> memref<10000x128xf32, #tpu.memory_space<hbm>>
      tpu.wait_indirect_dma semaphore(%arg13 : memref<!tpu.dma_semaphore, #tpu.memory_space<semaphore_mem>>) src(%dma_wait3A_1039 : memref<10000x128xf32, #tpu.memory_space<hbm>>) dst(%arg9 : memref<128x128xf32, #tpu.memory_space<vmem>>)
      "tpu.region"() ({
        %run_scoped3A_1114 = tpu.sem_alloc : memref<!tpu.dma_semaphore, #tpu.memory_space<semaphore_mem>>
        %dma_start3A_1115 = arith.constant 0 : i32
        %dma_start3A_1116 = tpu.memref_slice %arg8[%add3A_1033, %dma_start3A_1115] : memref<16x128xi32, #tpu.memory_space<vmem>> -> memref<1x128xi32, #tpu.memory_space<vmem>>
        %dma_start3A_1117 = tpu.memref_squeeze %dma_start3A_1116 : memref<1x128xi32, #tpu.memory_space<vmem>> -> memref<128xi32, #tpu.memory_space<vmem>>
        %dma_start3A_1118 = arith.constant 0 : i32
        %dma_start3A_1119 = arith.constant 0 : i32
        %dma_start3A_1120 = tpu.memref_slice %arg12[%dma_start3A_1118, %dma_start3A_1119] : memref<10112x128xf32, #tpu.memory_space<vmem_shared>> -> memref<10112x128xf32, #tpu.memory_space<vmem_shared>>
        tpu.enqueue_indirect_dma source(%arg9 : memref<128x128xf32, #tpu.memory_space<vmem>>) target(%dma_start3A_1120 : memref<10112x128xf32, #tpu.memory_space<vmem_shared>>) offsets(%dma_start3A_1117 : memref<128xi32, #tpu.memory_space<vmem>>) semaphore(%run_scoped3A_1114 : memref<!tpu.dma_semaphore, #tpu.memory_space<semaphore_mem>>) {add = true}
        %dma_wait3A_1121 = arith.constant 0 : i32
        %dma_wait3A_1122 = tpu.memref_slice %arg8[%add3A_1033, %dma_wait3A_1121] : memref<16x128xi32, #tpu.memory_space<vmem>> -> memref<1x128xi32, #tpu.memory_space<vmem>>
        %dma_wait3A_1123 = tpu.memref_squeeze %dma_wait3A_1122 : memref<1x128xi32, #tpu.memory_space<vmem>> -> memref<128xi32, #tpu.memory_space<vmem>>
        %dma_wait3A_1124 = arith.constant 0 : i32
        %dma_wait3A_1125 = arith.constant 0 : i32
        %dma_wait3A_1126 = tpu.memref_slice %arg12[%dma_wait3A_1124, %dma_wait3A_1125] : memref<10112x128xf32, #tpu.memory_space<vmem_shared>> -> memref<10112x128xf32, #tpu.memory_space<vmem_shared>>
        tpu.wait_indirect_dma semaphore(%run_scoped3A_1114 : memref<!tpu.dma_semaphore, #tpu.memory_space<semaphore_mem>>) src(%arg9 : memref<128x128xf32, #tpu.memory_space<vmem>>) dst(%dma_wait3A_1126 : memref<10112x128xf32, #tpu.memory_space<vmem_shared>>)
        tpu.yield
      }) : () -> ()
      %add3A_1040 = arith.constant 2 : i32
      %add3A_1041 = arith.addi %add3A_1033, %add3A_1040 : i32
      %dma_start3A_1042 = arith.constant 0 : i32
      %dma_start3A_1043 = tpu.memref_slice %arg7[%add3A_1041, %dma_start3A_1042] : memref<16x128xi32, #tpu.memory_space<vmem>> -> memref<1x128xi32, #tpu.memory_space<vmem>>
      %dma_start3A_1044 = tpu.memref_squeeze %dma_start3A_1043 : memref<1x128xi32, #tpu.memory_space<vmem>> -> memref<128xi32, #tpu.memory_space<vmem>>
      %dma_start3A_1045 = arith.constant 0 : i32
      %dma_start3A_1046 = arith.constant 0 : i32
      %dma_start3A_1047 = tpu.memref_slice %arg2[%dma_start3A_1045, %dma_start3A_1046] : memref<10000x128xf32, #tpu.memory_space<hbm>> -> memref<10000x128xf32, #tpu.memory_space<hbm>>
      tpu.enqueue_indirect_dma source(%dma_start3A_1047 : memref<10000x128xf32, #tpu.memory_space<hbm>>) target(%arg9 : memref<128x128xf32, #tpu.memory_space<vmem>>) offsets(%dma_start3A_1044 : memref<128xi32, #tpu.memory_space<vmem>>) semaphore(%arg13 : memref<!tpu.dma_semaphore, #tpu.memory_space<semaphore_mem>>)
      %get3A_1048 = arith.index_cast %add3A_1033 : i32 to index
      %get3A_1049 = arith.constant 0 : index
      %get3A_1050 = tpu.vector_load %arg8[%get3A_1048, %get3A_1049] {strides = array<i32>} : memref<16x128xi32, #tpu.memory_space<vmem>>, vector<16xi32>,
      tpu.vector_store_idx %arg11[%get3A_1050], %broadcast_in_dim3A_1 {add = true} : memref<10112xf32, #tpu.memory_space<vmem>>[vector<16xi32>], vector<16xf32>,
      %get3A_1051 = arith.index_cast %add3A_1033 : i32 to index
      %get3A_1052 = arith.constant 16 : index
      %get3A_1053 = tpu.vector_load %arg8[%get3A_1051, %get3A_1052] {strides = array<i32>} : memref<16x128xi32, #tpu.memory_space<vmem>>, vector<16xi32>,
      tpu.vector_store_idx %arg11[%get3A_1053], %broadcast_in_dim3A_1 {add = true} : memref<10112xf32, #tpu.memory_space<vmem>>[vector<16xi32>], vector<16xf32>,
      %get3A_1054 = arith.index_cast %add3A_1033 : i32 to index
      %get3A_1055 = arith.constant 32 : index
      %get3A_1056 = tpu.vector_load %arg8[%get3A_1054, %get3A_1055] {strides = array<i32>} : memref<16x128xi32, #tpu.memory_space<vmem>>, vector<16xi32>,
      tpu.vector_store_idx %arg11[%get3A_1056], %broadcast_in_dim3A_1 {add = true} : memref<10112xf32, #tpu.memory_space<vmem>>[vector<16xi32>], vector<16xf32>,
      %get3A_1057 = arith.index_cast %add3A_1033 : i32 to index
      %get3A_1058 = arith.constant 48 : index
      %get3A_1059 = tpu.vector_load %arg8[%get3A_1057, %get3A_1058] {strides = array<i32>} : memref<16x128xi32, #tpu.memory_space<vmem>>, vector<16xi32>,
      tpu.vector_store_idx %arg11[%get3A_1059], %broadcast_in_dim3A_1 {add = true} : memref<10112xf32, #tpu.memory_space<vmem>>[vector<16xi32>], vector<16xf32>,
      %get3A_1060 = arith.index_cast %add3A_1033 : i32 to index
      %get3A_1061 = arith.constant 64 : index
      %get3A_1062 = tpu.vector_load %arg8[%get3A_1060, %get3A_1061] {strides = array<i32>} : memref<16x128xi32, #tpu.memory_space<vmem>>, vector<16xi32>,
      tpu.vector_store_idx %arg11[%get3A_1062], %broadcast_in_dim3A_1 {add = true} : memref<10112xf32, #tpu.memory_space<vmem>>[vector<16xi32>], vector<16xf32>,
      %get3A_1063 = arith.index_cast %add3A_1033 : i32 to index
      %get3A_1064 = arith.constant 80 : index
      %get3A_1065 = tpu.vector_load %arg8[%get3A_1063, %get3A_1064] {strides = array<i32>} : memref<16x128xi32, #tpu.memory_space<vmem>>, vector<16xi32>,
      tpu.vector_store_idx %arg11[%get3A_1065], %broadcast_in_dim3A_1 {add = true} : memref<10112xf32, #tpu.memory_space<vmem>>[vector<16xi32>], vector<16xf32>,
      %get3A_1066 = arith.index_cast %add3A_1033 : i32 to index
      %get3A_1067 = arith.constant 96 : index
      %get3A_1068 = tpu.vector_load %arg8[%get3A_1066, %get3A_1067] {strides = array<i32>} : memref<16x128xi32, #tpu.memory_space<vmem>>, vector<16xi32>,
      tpu.vector_store_idx %arg11[%get3A_1068], %broadcast_in_dim3A_1 {add = true} : memref<10112xf32, #tpu.memory_space<vmem>>[vector<16xi32>], vector<16xf32>,
      %get3A_1069 = arith.index_cast %add3A_1033 : i32 to index
      %get3A_1070 = arith.constant 112 : index
      %get3A_1071 = tpu.vector_load %arg8[%get3A_1069, %get3A_1070] {strides = array<i32>} : memref<16x128xi32, #tpu.memory_space<vmem>>, vector<16xi32>,
      tpu.vector_store_idx %arg11[%get3A_1071], %broadcast_in_dim3A_1 {add = true} : memref<10112xf32, #tpu.memory_space<vmem>>[vector<16xi32>], vector<16xf32>,
      %mul3A_1072 = arith.constant 2 : i32
      %mul3A_1073 = arith.muli %scan3A_1029, %mul3A_1072 : i32
      %add3A_1074 = arith.constant 1 : i32
      %add3A_1075 = arith.addi %mul3A_1073, %add3A_1074 : i32
      %dma_wait3A_1076 = arith.constant 0 : i32
      %dma_wait3A_1077 = tpu.memref_slice %arg7[%add3A_1075, %dma_wait3A_1076] : memref<16x128xi32, #tpu.memory_space<vmem>> -> memref<1x128xi32, #tpu.memory_space<vmem>>
      %dma_wait3A_1078 = tpu.memref_squeeze %dma_wait3A_1077 : memref<1x128xi32, #tpu.memory_space<vmem>> -> memref<128xi32, #tpu.memory_space<vmem>>
      %dma_wait3A_1079 = arith.constant 0 : i32
      %dma_wait3A_1080 = arith.constant 0 : i32
      %dma_wait3A_1081 = tpu.memref_slice %arg2[%dma_wait3A_1079, %dma_wait3A_1080] : memref<10000x128xf32, #tpu.memory_space<hbm>> -> memref<10000x128xf32, #tpu.memory_space<hbm>>
      tpu.wait_indirect_dma semaphore(%arg14 : memref<!tpu.dma_semaphore, #tpu.memory_space<semaphore_mem>>) src(%dma_wait3A_1081 : memref<10000x128xf32, #tpu.memory_space<hbm>>) dst(%arg10 : memref<128x128xf32, #tpu.memory_space<vmem>>)
      "tpu.region"() ({
        %run_scoped3A_1114 = tpu.sem_alloc : memref<!tpu.dma_semaphore, #tpu.memory_space<semaphore_mem>>
        %dma_start3A_1115 = arith.constant 0 : i32
        %dma_start3A_1116 = tpu.memref_slice %arg8[%add3A_1075, %dma_start3A_1115] : memref<16x128xi32, #tpu.memory_space<vmem>> -> memref<1x128xi32, #tpu.memory_space<vmem>>
        %dma_start3A_1117 = tpu.memref_squeeze %dma_start3A_1116 : memref<1x128xi32, #tpu.memory_space<vmem>> -> memref<128xi32, #tpu.memory_space<vmem>>
        %dma_start3A_1118 = arith.constant 0 : i32
        %dma_start3A_1119 = arith.constant 0 : i32
        %dma_start3A_1120 = tpu.memref_slice %arg12[%dma_start3A_1118, %dma_start3A_1119] : memref<10112x128xf32, #tpu.memory_space<vmem_shared>> -> memref<10112x128xf32, #tpu.memory_space<vmem_shared>>
        tpu.enqueue_indirect_dma source(%arg10 : memref<128x128xf32, #tpu.memory_space<vmem>>) target(%dma_start3A_1120 : memref<10112x128xf32, #tpu.memory_space<vmem_shared>>) offsets(%dma_start3A_1117 : memref<128xi32, #tpu.memory_space<vmem>>) semaphore(%run_scoped3A_1114 : memref<!tpu.dma_semaphore, #tpu.memory_space<semaphore_mem>>) {add = true}
        %dma_wait3A_1121 = arith.constant 0 : i32
        %dma_wait3A_1122 = tpu.memref_slice %arg8[%add3A_1075, %dma_wait3A_1121] : memref<16x128xi32, #tpu.memory_space<vmem>> -> memref<1x128xi32, #tpu.memory_space<vmem>>
        %dma_wait3A_1123 = tpu.memref_squeeze %dma_wait3A_1122 : memref<1x128xi32, #tpu.memory_space<vmem>> -> memref<128xi32, #tpu.memory_space<vmem>>
        %dma_wait3A_1124 = arith.constant 0 : i32
        %dma_wait3A_1125 = arith.constant 0 : i32
        %dma_wait3A_1126 = tpu.memref_slice %arg12[%dma_wait3A_1124, %dma_wait3A_1125] : memref<10112x128xf32, #tpu.memory_space<vmem_shared>> -> memref<10112x128xf32, #tpu.memory_space<vmem_shared>>
        tpu.wait_indirect_dma semaphore(%run_scoped3A_1114 : memref<!tpu.dma_semaphore, #tpu.memory_space<semaphore_mem>>) src(%arg10 : memref<128x128xf32, #tpu.memory_space<vmem>>) dst(%dma_wait3A_1126 : memref<10112x128xf32, #tpu.memory_space<vmem_shared>>)
        tpu.yield
      }) : () -> ()
      %add3A_1082 = arith.constant 2 : i32
      %add3A_1083 = arith.addi %add3A_1075, %add3A_1082 : i32
      %dma_start3A_1084 = arith.constant 0 : i32
      %dma_start3A_1085 = tpu.memref_slice %arg7[%add3A_1083, %dma_start3A_1084] : memref<16x128xi32, #tpu.memory_space<vmem>> -> memref<1x128xi32, #tpu.memory_space<vmem>>
      %dma_start3A_1086 = tpu.memref_squeeze %dma_start3A_1085 : memref<1x128xi32, #tpu.memory_space<vmem>> -> memref<128xi32, #tpu.memory_space<vmem>>
      %dma_start3A_1087 = arith.constant 0 : i32
      %dma_start3A_1088 = arith.constant 0 : i32
      %dma_start3A_1089 = tpu.memref_slice %arg2[%dma_start3A_1087, %dma_start3A_1088] : memref<10000x128xf32, #tpu.memory_space<hbm>> -> memref<10000x128xf32, #tpu.memory_space<hbm>>
      tpu.enqueue_indirect_dma source(%dma_start3A_1089 : memref<10000x128xf32, #tpu.memory_space<hbm>>) target(%arg10 : memref<128x128xf32, #tpu.memory_space<vmem>>) offsets(%dma_start3A_1086 : memref<128xi32, #tpu.memory_space<vmem>>) semaphore(%arg14 : memref<!tpu.dma_semaphore, #tpu.memory_space<semaphore_mem>>)
      %get3A_1090 = arith.index_cast %add3A_1075 : i32 to index
      %get3A_1091 = arith.constant 0 : index
      %get3A_1092 = tpu.vector_load %arg8[%get3A_1090, %get3A_1091] {strides = array<i32>} : memref<16x128xi32, #tpu.memory_space<vmem>>, vector<16xi32>,
      tpu.vector_store_idx %arg11[%get3A_1092], %broadcast_in_dim3A_1 {add = true} : memref<10112xf32, #tpu.memory_space<vmem>>[vector<16xi32>], vector<16xf32>,
      %get3A_1093 = arith.index_cast %add3A_1075 : i32 to index
      %get3A_1094 = arith.constant 16 : index
      %get3A_1095 = tpu.vector_load %arg8[%get3A_1093, %get3A_1094] {strides = array<i32>} : memref<16x128xi32, #tpu.memory_space<vmem>>, vector<16xi32>,
      tpu.vector_store_idx %arg11[%get3A_1095], %broadcast_in_dim3A_1 {add = true} : memref<10112xf32, #tpu.memory_space<vmem>>[vector<16xi32>], vector<16xf32>,
      %get3A_1096 = arith.index_cast %add3A_1075 : i32 to index
      %get3A_1097 = arith.constant 32 : index
      %get3A_1098 = tpu.vector_load %arg8[%get3A_1096, %get3A_1097] {strides = array<i32>} : memref<16x128xi32, #tpu.memory_space<vmem>>, vector<16xi32>,
      tpu.vector_store_idx %arg11[%get3A_1098], %broadcast_in_dim3A_1 {add = true} : memref<10112xf32, #tpu.memory_space<vmem>>[vector<16xi32>], vector<16xf32>,
      %get3A_1099 = arith.index_cast %add3A_1075 : i32 to index
      %get3A_1100 = arith.constant 48 : index
      %get3A_1101 = tpu.vector_load %arg8[%get3A_1099, %get3A_1100] {strides = array<i32>} : memref<16x128xi32, #tpu.memory_space<vmem>>, vector<16xi32>,
      tpu.vector_store_idx %arg11[%get3A_1101], %broadcast_in_dim3A_1 {add = true} : memref<10112xf32, #tpu.memory_space<vmem>>[vector<16xi32>], vector<16xf32>,
      %get3A_1102 = arith.index_cast %add3A_1075 : i32 to index
      %get3A_1103 = arith.constant 64 : index
      %get3A_1104 = tpu.vector_load %arg8[%get3A_1102, %get3A_1103] {strides = array<i32>} : memref<16x128xi32, #tpu.memory_space<vmem>>, vector<16xi32>,
      tpu.vector_store_idx %arg11[%get3A_1104], %broadcast_in_dim3A_1 {add = true} : memref<10112xf32, #tpu.memory_space<vmem>>[vector<16xi32>], vector<16xf32>,
      %get3A_1105 = arith.index_cast %add3A_1075 : i32 to index
      %get3A_1106 = arith.constant 80 : index
      %get3A_1107 = tpu.vector_load %arg8[%get3A_1105, %get3A_1106] {strides = array<i32>} : memref<16x128xi32, #tpu.memory_space<vmem>>, vector<16xi32>,
      tpu.vector_store_idx %arg11[%get3A_1107], %broadcast_in_dim3A_1 {add = true} : memref<10112xf32, #tpu.memory_space<vmem>>[vector<16xi32>], vector<16xf32>,
      %get3A_1108 = arith.index_cast %add3A_1075 : i32 to index
      %get3A_1109 = arith.constant 96 : index
      %get3A_1110 = tpu.vector_load %arg8[%get3A_1108, %get3A_1109] {strides = array<i32>} : memref<16x128xi32, #tpu.memory_space<vmem>>, vector<16xi32>,
      tpu.vector_store_idx %arg11[%get3A_1110], %broadcast_in_dim3A_1 {add = true} : memref<10112xf32, #tpu.memory_space<vmem>>[vector<16xi32>], vector<16xf32>,
      %get3A_1111 = arith.index_cast %add3A_1075 : i32 to index
      %get3A_1112 = arith.constant 112 : index
      %get3A_1113 = tpu.vector_load %arg8[%get3A_1111, %get3A_1112] {strides = array<i32>} : memref<16x128xi32, #tpu.memory_space<vmem>>, vector<16xi32>,
      tpu.vector_store_idx %arg11[%get3A_1113], %broadcast_in_dim3A_1 {add = true} : memref<10112xf32, #tpu.memory_space<vmem>>[vector<16xi32>], vector<16xf32>,
    }
    %scan3A_943 = arith.constant 7 : i32
    %dma_wait3A_944 = arith.constant 14 : i32
    %dma_wait3A_945 = arith.constant 0 : i32
    %dma_wait3A_946 = tpu.memref_slice %arg7[%dma_wait3A_944, %dma_wait3A_945] : memref<16x128xi32, #tpu.memory_space<vmem>> -> memref<1x128xi32, #tpu.memory_space<vmem>>
    %dma_wait3A_947 = tpu.memref_squeeze %dma_wait3A_946 : memref<1x128xi32, #tpu.memory_space<vmem>> -> memref<128xi32, #tpu.memory_space<vmem>>
    %dma_wait3A_948 = arith.constant 0 : i32
    %dma_wait3A_949 = arith.constant 0 : i32
    %dma_wait3A_950 = tpu.memref_slice %arg2[%dma_wait3A_948, %dma_wait3A_949] : memref<10000x128xf32, #tpu.memory_space<hbm>> -> memref<10000x128xf32, #tpu.memory_space<hbm>>
    tpu.wait_indirect_dma semaphore(%arg13 : memref<!tpu.dma_semaphore, #tpu.memory_space<semaphore_mem>>) src(%dma_wait3A_950 : memref<10000x128xf32, #tpu.memory_space<hbm>>) dst(%arg9 : memref<128x128xf32, #tpu.memory_space<vmem>>)
    %run_scoped3A_951 = arith.constant 14 : i32
    "tpu.region"() ({
      %run_scoped3A_1029 = tpu.sem_alloc : memref<!tpu.dma_semaphore, #tpu.memory_space<semaphore_mem>>
      %dma_start3A_1030 = arith.constant 0 : i32
      %dma_start3A_1031 = tpu.memref_slice %arg8[%run_scoped3A_951, %dma_start3A_1030] : memref<16x128xi32, #tpu.memory_space<vmem>> -> memref<1x128xi32, #tpu.memory_space<vmem>>
      %dma_start3A_1032 = tpu.memref_squeeze %dma_start3A_1031 : memref<1x128xi32, #tpu.memory_space<vmem>> -> memref<128xi32, #tpu.memory_space<vmem>>
      %dma_start3A_1033 = arith.constant 0 : i32
      %dma_start3A_1034 = arith.constant 0 : i32
      %dma_start3A_1035 = tpu.memref_slice %arg12[%dma_start3A_1033, %dma_start3A_1034] : memref<10112x128xf32, #tpu.memory_space<vmem_shared>> -> memref<10112x128xf32, #tpu.memory_space<vmem_shared>>
      tpu.enqueue_indirect_dma source(%arg9 : memref<128x128xf32, #tpu.memory_space<vmem>>) target(%dma_start3A_1035 : memref<10112x128xf32, #tpu.memory_space<vmem_shared>>) offsets(%dma_start3A_1032 : memref<128xi32, #tpu.memory_space<vmem>>) semaphore(%run_scoped3A_1029 : memref<!tpu.dma_semaphore, #tpu.memory_space<semaphore_mem>>) {add = true}
      %dma_wait3A_1036 = arith.constant 0 : i32
      %dma_wait3A_1037 = tpu.memref_slice %arg8[%run_scoped3A_951, %dma_wait3A_1036] : memref<16x128xi32, #tpu.memory_space<vmem>> -> memref<1x128xi32, #tpu.memory_space<vmem>>
      %dma_wait3A_1038 = tpu.memref_squeeze %dma_wait3A_1037 : memref<1x128xi32, #tpu.memory_space<vmem>> -> memref<128xi32, #tpu.memory_space<vmem>>
      %dma_wait3A_1039 = arith.constant 0 : i32
      %dma_wait3A_1040 = arith.constant 0 : i32
      %dma_wait3A_1041 = tpu.memref_slice %arg12[%dma_wait3A_1039, %dma_wait3A_1040] : memref<10112x128xf32, #tpu.memory_space<vmem_shared>> -> memref<10112x128xf32, #tpu.memory_space<vmem_shared>>
      tpu.wait_indirect_dma semaphore(%run_scoped3A_1029 : memref<!tpu.dma_semaphore, #tpu.memory_space<semaphore_mem>>) src(%arg9 : memref<128x128xf32, #tpu.memory_space<vmem>>) dst(%dma_wait3A_1041 : memref<10112x128xf32, #tpu.memory_space<vmem_shared>>)
      tpu.yield
    }) : () -> ()
    %get3A_952 = arith.constant 14 : i32
    %get3A_953 = arith.index_cast %get3A_952 : i32 to index
    %get3A_954 = arith.constant 0 : index
    %get3A_955 = tpu.vector_load %arg8[%get3A_953, %get3A_954] {strides = array<i32>} : memref<16x128xi32, #tpu.memory_space<vmem>>, vector<16xi32>,
    tpu.vector_store_idx %arg11[%get3A_955], %broadcast_in_dim3A_1 {add = true} : memref<10112xf32, #tpu.memory_space<vmem>>[vector<16xi32>], vector<16xf32>,
    %get3A_956 = arith.constant 14 : i32
    %get3A_957 = arith.index_cast %get3A_956 : i32 to index
    %get3A_958 = arith.constant 16 : index
    %get3A_959 = tpu.vector_load %arg8[%get3A_957, %get3A_958] {strides = array<i32>} : memref<16x128xi32, #tpu.memory_space<vmem>>, vector<16xi32>,
    tpu.vector_store_idx %arg11[%get3A_959], %broadcast_in_dim3A_1 {add = true} : memref<10112xf32, #tpu.memory_space<vmem>>[vector<16xi32>], vector<16xf32>,
    %get3A_960 = arith.constant 14 : i32
    %get3A_961 = arith.index_cast %get3A_960 : i32 to index
    %get3A_962 = arith.constant 32 : index
    %get3A_963 = tpu.vector_load %arg8[%get3A_961, %get3A_962] {strides = array<i32>} : memref<16x128xi32, #tpu.memory_space<vmem>>, vector<16xi32>,
    tpu.vector_store_idx %arg11[%get3A_963], %broadcast_in_dim3A_1 {add = true} : memref<10112xf32, #tpu.memory_space<vmem>>[vector<16xi32>], vector<16xf32>,
    %get3A_964 = arith.constant 14 : i32
    %get3A_965 = arith.index_cast %get3A_964 : i32 to index
    %get3A_966 = arith.constant 48 : index
    %get3A_967 = tpu.vector_load %arg8[%get3A_965, %get3A_966] {strides = array<i32>} : memref<16x128xi32, #tpu.memory_space<vmem>>, vector<16xi32>,
    tpu.vector_store_idx %arg11[%get3A_967], %broadcast_in_dim3A_1 {add = true} : memref<10112xf32, #tpu.memory_space<vmem>>[vector<16xi32>], vector<16xf32>,
    %get3A_968 = arith.constant 14 : i32
    %get3A_969 = arith.index_cast %get3A_968 : i32 to index
    %get3A_970 = arith.constant 64 : index
    %get3A_971 = tpu.vector_load %arg8[%get3A_969, %get3A_970] {strides = array<i32>} : memref<16x128xi32, #tpu.memory_space<vmem>>, vector<16xi32>,
    tpu.vector_store_idx %arg11[%get3A_971], %broadcast_in_dim3A_1 {add = true} : memref<10112xf32, #tpu.memory_space<vmem>>[vector<16xi32>], vector<16xf32>,
    %get3A_972 = arith.constant 14 : i32
    %get3A_973 = arith.index_cast %get3A_972 : i32 to index
    %get3A_974 = arith.constant 80 : index
    %get3A_975 = tpu.vector_load %arg8[%get3A_973, %get3A_974] {strides = array<i32>} : memref<16x128xi32, #tpu.memory_space<vmem>>, vector<16xi32>,
    tpu.vector_store_idx %arg11[%get3A_975], %broadcast_in_dim3A_1 {add = true} : memref<10112xf32, #tpu.memory_space<vmem>>[vector<16xi32>], vector<16xf32>,
    %get3A_976 = arith.constant 14 : i32
    %get3A_977 = arith.index_cast %get3A_976 : i32 to index
    %get3A_978 = arith.constant 96 : index
    %get3A_979 = tpu.vector_load %arg8[%get3A_977, %get3A_978] {strides = array<i32>} : memref<16x128xi32, #tpu.memory_space<vmem>>, vector<16xi32>,
    tpu.vector_store_idx %arg11[%get3A_979], %broadcast_in_dim3A_1 {add = true} : memref<10112xf32, #tpu.memory_space<vmem>>[vector<16xi32>], vector<16xf32>,
    %get3A_980 = arith.constant 14 : i32
    %get3A_981 = arith.index_cast %get3A_980 : i32 to index
    %get3A_982 = arith.constant 112 : index
    %get3A_983 = tpu.vector_load %arg8[%get3A_981, %get3A_982] {strides = array<i32>} : memref<16x128xi32, #tpu.memory_space<vmem>>, vector<16xi32>,
    tpu.vector_store_idx %arg11[%get3A_983], %broadcast_in_dim3A_1 {add = true} : memref<10112xf32, #tpu.memory_space<vmem>>[vector<16xi32>], vector<16xf32>,
    %dma_wait3A_984 = arith.constant 15 : i32
    %dma_wait3A_985 = arith.constant 0 : i32
    %dma_wait3A_986 = tpu.memref_slice %arg7[%dma_wait3A_984, %dma_wait3A_985] : memref<16x128xi32, #tpu.memory_space<vmem>> -> memref<1x128xi32, #tpu.memory_space<vmem>>
    %dma_wait3A_987 = tpu.memref_squeeze %dma_wait3A_986 : memref<1x128xi32, #tpu.memory_space<vmem>> -> memref<128xi32, #tpu.memory_space<vmem>>
    %dma_wait3A_988 = arith.constant 0 : i32
    %dma_wait3A_989 = arith.constant 0 : i32
    %dma_wait3A_990 = tpu.memref_slice %arg2[%dma_wait3A_988, %dma_wait3A_989] : memref<10000x128xf32, #tpu.memory_space<hbm>> -> memref<10000x128xf32, #tpu.memory_space<hbm>>
    tpu.wait_indirect_dma semaphore(%arg14 : memref<!tpu.dma_semaphore, #tpu.memory_space<semaphore_mem>>) src(%dma_wait3A_990 : memref<10000x128xf32, #tpu.memory_space<hbm>>) dst(%arg10 : memref<128x128xf32, #tpu.memory_space<vmem>>)
    %run_scoped3A_991 = arith.constant 15 : i32
    "tpu.region"() ({
      %run_scoped3A_1029 = tpu.sem_alloc : memref<!tpu.dma_semaphore, #tpu.memory_space<semaphore_mem>>
      %dma_start3A_1030 = arith.constant 0 : i32
      %dma_start3A_1031 = tpu.memref_slice %arg8[%run_scoped3A_991, %dma_start3A_1030] : memref<16x128xi32, #tpu.memory_space<vmem>> -> memref<1x128xi32, #tpu.memory_space<vmem>>
      %dma_start3A_1032 = tpu.memref_squeeze %dma_start3A_1031 : memref<1x128xi32, #tpu.memory_space<vmem>> -> memref<128xi32, #tpu.memory_space<vmem>>
      %dma_start3A_1033 = arith.constant 0 : i32
      %dma_start3A_1034 = arith.constant 0 : i32
      %dma_start3A_1035 = tpu.memref_slice %arg12[%dma_start3A_1033, %dma_start3A_1034] : memref<10112x128xf32, #tpu.memory_space<vmem_shared>> -> memref<10112x128xf32, #tpu.memory_space<vmem_shared>>
      tpu.enqueue_indirect_dma source(%arg10 : memref<128x128xf32, #tpu.memory_space<vmem>>) target(%dma_start3A_1035 : memref<10112x128xf32, #tpu.memory_space<vmem_shared>>) offsets(%dma_start3A_1032 : memref<128xi32, #tpu.memory_space<vmem>>) semaphore(%run_scoped3A_1029 : memref<!tpu.dma_semaphore, #tpu.memory_space<semaphore_mem>>) {add = true}
      %dma_wait3A_1036 = arith.constant 0 : i32
      %dma_wait3A_1037 = tpu.memref_slice %arg8[%run_scoped3A_991, %dma_wait3A_1036] : memref<16x128xi32, #tpu.memory_space<vmem>> -> memref<1x128xi32, #tpu.memory_space<vmem>>
      %dma_wait3A_1038 = tpu.memref_squeeze %dma_wait3A_1037 : memref<1x128xi32, #tpu.memory_space<vmem>> -> memref<128xi32, #tpu.memory_space<vmem>>
      %dma_wait3A_1039 = arith.constant 0 : i32
      %dma_wait3A_1040 = arith.constant 0 : i32
      %dma_wait3A_1041 = tpu.memref_slice %arg12[%dma_wait3A_1039, %dma_wait3A_1040] : memref<10112x128xf32, #tpu.memory_space<vmem_shared>> -> memref<10112x128xf32, #tpu.memory_space<vmem_shared>>
      tpu.wait_indirect_dma semaphore(%run_scoped3A_1029 : memref<!tpu.dma_semaphore, #tpu.memory_space<semaphore_mem>>) src(%arg10 : memref<128x128xf32, #tpu.memory_space<vmem>>) dst(%dma_wait3A_1041 : memref<10112x128xf32, #tpu.memory_space<vmem_shared>>)
      tpu.yield
    }) : () -> ()
    %get3A_992 = arith.constant 15 : i32
    %get3A_993 = arith.index_cast %get3A_992 : i32 to index
    %get3A_994 = arith.constant 0 : index
    %get3A_995 = tpu.vector_load %arg8[%get3A_993, %get3A_994] {strides = array<i32>} : memref<16x128xi32, #tpu.memory_space<vmem>>, vector<16xi32>,
    tpu.vector_store_idx %arg11[%get3A_995], %broadcast_in_dim3A_1 {add = true} : memref<10112xf32, #tpu.memory_space<vmem>>[vector<16xi32>], vector<16xf32>,
    %get3A_996 = arith.constant 15 : i32
    %get3A_997 = arith.index_cast %get3A_996 : i32 to index
    %get3A_998 = arith.constant 16 : index
    %get3A_999 = tpu.vector_load %arg8[%get3A_997, %get3A_998] {strides = array<i32>} : memref<16x128xi32, #tpu.memory_space<vmem>>, vector<16xi32>,
    tpu.vector_store_idx %arg11[%get3A_999], %broadcast_in_dim3A_1 {add = true} : memref<10112xf32, #tpu.memory_space<vmem>>[vector<16xi32>], vector<16xf32>,
    %get3A_1000 = arith.constant 15 : i32
    %get3A_1001 = arith.index_cast %get3A_1000 : i32 to index
    %get3A_1002 = arith.constant 32 : index
    %get3A_1003 = tpu.vector_load %arg8[%get3A_1001, %get3A_1002] {strides = array<i32>} : memref<16x128xi32, #tpu.memory_space<vmem>>, vector<16xi32>,
    tpu.vector_store_idx %arg11[%get3A_1003], %broadcast_in_dim3A_1 {add = true} : memref<10112xf32, #tpu.memory_space<vmem>>[vector<16xi32>], vector<16xf32>,
    %get3A_1004 = arith.constant 15 : i32
    %get3A_1005 = arith.index_cast %get3A_1004 : i32 to index
    %get3A_1006 = arith.constant 48 : index
    %get3A_1007 = tpu.vector_load %arg8[%get3A_1005, %get3A_1006] {strides = array<i32>} : memref<16x128xi32, #tpu.memory_space<vmem>>, vector<16xi32>,
    tpu.vector_store_idx %arg11[%get3A_1007], %broadcast_in_dim3A_1 {add = true} : memref<10112xf32, #tpu.memory_space<vmem>>[vector<16xi32>], vector<16xf32>,
    %get3A_1008 = arith.constant 15 : i32
    %get3A_1009 = arith.index_cast %get3A_1008 : i32 to index
    %get3A_1010 = arith.constant 64 : index
    %get3A_1011 = tpu.vector_load %arg8[%get3A_1009, %get3A_1010] {strides = array<i32>} : memref<16x128xi32, #tpu.memory_space<vmem>>, vector<16xi32>,
    tpu.vector_store_idx %arg11[%get3A_1011], %broadcast_in_dim3A_1 {add = true} : memref<10112xf32, #tpu.memory_space<vmem>>[vector<16xi32>], vector<16xf32>,
    %get3A_1012 = arith.constant 15 : i32
    %get3A_1013 = arith.index_cast %get3A_1012 : i32 to index
    %get3A_1014 = arith.constant 80 : index
    %get3A_1015 = tpu.vector_load %arg8[%get3A_1013, %get3A_1014] {strides = array<i32>} : memref<16x128xi32, #tpu.memory_space<vmem>>, vector<16xi32>,
    tpu.vector_store_idx %arg11[%get3A_1015], %broadcast_in_dim3A_1 {add = true} : memref<10112xf32, #tpu.memory_space<vmem>>[vector<16xi32>], vector<16xf32>,
    %get3A_1016 = arith.constant 15 : i32
    %get3A_1017 = arith.index_cast %get3A_1016 : i32 to index
    %get3A_1018 = arith.constant 96 : index
    %get3A_1019 = tpu.vector_load %arg8[%get3A_1017, %get3A_1018] {strides = array<i32>} : memref<16x128xi32, #tpu.memory_space<vmem>>, vector<16xi32>,
    tpu.vector_store_idx %arg11[%get3A_1019], %broadcast_in_dim3A_1 {add = true} : memref<10112xf32, #tpu.memory_space<vmem>>[vector<16xi32>], vector<16xf32>,
    %get3A_1020 = arith.constant 15 : i32
    %get3A_1021 = arith.index_cast %get3A_1020 : i32 to index
    %get3A_1022 = arith.constant 112 : index
    %get3A_1023 = tpu.vector_load %arg8[%get3A_1021, %get3A_1022] {strides = array<i32>} : memref<16x128xi32, #tpu.memory_space<vmem>>, vector<16xi32>,
    tpu.vector_store_idx %arg11[%get3A_1023], %broadcast_in_dim3A_1 {add = true} : memref<10112xf32, #tpu.memory_space<vmem>>[vector<16xi32>], vector<16xf32>,
    %barrier3A_1024 = arith.constant 0 : index
    tpu.barrier barrier_id(%barrier3A_1024)
    %mul3A_1025 = arith.constant 632 : i32
    %mul3A_1026 = arith.muli %arg1, %mul3A_1025 : i32
    %mul3A_1027 = arith.constant 632 : i32
    %mul3A_1028 = arith.muli %arg1, %mul3A_1027 : i32
    "tpu.region"() ({
      %run_scoped3A_1029 = tpu.sem_alloc : memref<!tpu.dma_semaphore, #tpu.memory_space<semaphore_mem>>
      %dma_start3A_1030 = arith.constant 0 : i32
      %dma_start3A_1031 = tpu.memref_slice %arg5[%arg0, %mul3A_1028, %dma_start3A_1030] : memref<1x10112x128xf32, #tpu.memory_space<hbm>> -> memref<1x632x128xf32, #tpu.memory_space<hbm>>
      %dma_start3A_1032 = tpu.memref_squeeze %dma_start3A_1031 : memref<1x632x128xf32, #tpu.memory_space<hbm>> -> memref<632x128xf32, #tpu.memory_space<hbm>>
      %dma_start3A_1033 = arith.constant 0 : i32
      %dma_start3A_1034 = tpu.memref_slice %arg12[%mul3A_1026, %dma_start3A_1033] : memref<10112x128xf32, #tpu.memory_space<vmem_shared>> -> memref<632x128xf32, #tpu.memory_space<vmem_shared>>
      tpu.enqueue_dma source(%dma_start3A_1034 : memref<632x128xf32, #tpu.memory_space<vmem_shared>>) target(%dma_start3A_1032 : memref<632x128xf32, #tpu.memory_space<hbm>>) target_semaphore(%run_scoped3A_1029 : memref<!tpu.dma_semaphore, #tpu.memory_space<semaphore_mem>>)
      %dma_wait3A_1035 = arith.constant 0 : i32
      %dma_wait3A_1036 = tpu.memref_slice %arg5[%arg0, %mul3A_1028, %dma_wait3A_1035] : memref<1x10112x128xf32, #tpu.memory_space<hbm>> -> memref<1x632x128xf32, #tpu.memory_space<hbm>>
      %dma_wait3A_1037 = tpu.memref_squeeze %dma_wait3A_1036 : memref<1x632x128xf32, #tpu.memory_space<hbm>> -> memref<632x128xf32, #tpu.memory_space<hbm>>
      %dma_wait3A_1038 = arith.constant 0 : i32
      %dma_wait3A_1039 = tpu.memref_slice %arg12[%mul3A_1026, %dma_wait3A_1038] : memref<10112x128xf32, #tpu.memory_space<vmem_shared>> -> memref<632x128xf32, #tpu.memory_space<vmem_shared>>
      tpu.wait_dma2 semaphore(%run_scoped3A_1029 : memref<!tpu.dma_semaphore, #tpu.memory_space<semaphore_mem>>) src(%dma_wait3A_1039 : memref<632x128xf32, #tpu.memory_space<vmem_shared>>) dst(%dma_wait3A_1037 : memref<632x128xf32, #tpu.memory_space<hbm>>)
      tpu.yield
    }) : () -> ()
    "tpu.region"() ({
      %run_scoped3A_1029 = tpu.sem_alloc : memref<!tpu.dma_semaphore, #tpu.memory_space<semaphore_mem>>
      %dma_start3A_1030 = arith.constant 0 : i32
      %dma_start3A_1031 = tpu.memref_slice %arg6[%add3A, %dma_start3A_1030] : memref<16x10112xf32, #tpu.memory_space<hbm>> -> memref<1x10112xf32, #tpu.memory_space<hbm>>
      %dma_start3A_1032 = tpu.memref_squeeze %dma_start3A_1031 : memref<1x10112xf32, #tpu.memory_space<hbm>> -> memref<10112xf32, #tpu.memory_space<hbm>>
      %dma_start3A_1033 = arith.constant 0 : i32
      %dma_start3A_1034 = tpu.memref_slice %arg6[%add3A, %dma_start3A_1033] : memref<16x10112xf32, #tpu.memory_space<hbm>> -> memref<1x10112xf32, #tpu.memory_space<hbm>>
      %dma_start3A_1035 = tpu.memref_squeeze %dma_start3A_1034 : memref<1x10112xf32, #tpu.memory_space<hbm>> -> memref<10112xf32, #tpu.memory_space<hbm>>
      tpu.enqueue_dma source(%arg11 : memref<10112xf32, #tpu.memory_space<vmem>>) target(%dma_start3A_1035 : memref<10112xf32, #tpu.memory_space<hbm>>) target_semaphore(%run_scoped3A_1029 : memref<!tpu.dma_semaphore, #tpu.memory_space<semaphore_mem>>)
      %dma_wait3A_1036 = arith.constant 0 : i32
      %dma_wait3A_1037 = tpu.memref_slice %arg6[%add3A, %dma_wait3A_1036] : memref<16x10112xf32, #tpu.memory_space<hbm>> -> memref<1x10112xf32, #tpu.memory_space<hbm>>
      %dma_wait3A_1038 = tpu.memref_squeeze %dma_wait3A_1037 : memref<1x10112xf32, #tpu.memory_space<hbm>> -> memref<10112xf32, #tpu.memory_space<hbm>>
      %dma_wait3A_1039 = arith.constant 0 : i32
      %dma_wait3A_1040 = tpu.memref_slice %arg6[%add3A, %dma_wait3A_1039] : memref<16x10112xf32, #tpu.memory_space<hbm>> -> memref<1x10112xf32, #tpu.memory_space<hbm>>
      %dma_wait3A_1041 = tpu.memref_squeeze %dma_wait3A_1040 : memref<1x10112xf32, #tpu.memory_space<hbm>> -> memref<10112xf32, #tpu.memory_space<hbm>>
      tpu.wait_dma2 semaphore(%run_scoped3A_1029 : memref<!tpu.dma_semaphore, #tpu.memory_space<semaphore_mem>>) src(%arg11 : memref<10112xf32, #tpu.memory_space<vmem>>) dst(%dma_wait3A_1041 : memref<10112xf32, #tpu.memory_space<hbm>>)
      tpu.yield
    }) : () -> ()
    return
  }
}

module attributes {stable_mosaic.version = 14 : i64} {
  func.func @_tc_body(%arg0: i32, %arg1: memref<1024x128xf32, #tpu.memory_space<vmem>>, %arg2: memref<1024x128xf32, #tpu.memory_space<vmem>>, %arg3: memref<16x1024xf32, #tpu.memory_space<vmem>>, %arg4: memref<1024x128xf32, #tpu.memory_space<vmem>>, %arg5: memref<128x128xf32, #tpu.memory_space<vmem>>, %arg6: memref<128x128xf32, #tpu.memory_space<vmem>>, %arg7: memref<1x128xf32, #tpu.memory_space<vmem>>, %arg8: memref<1024x128xf32, #tpu.memory_space<vmem>>) attributes {dimension_semantics = [#tpu.dimension_semantics<arbitrary>], iteration_bounds = array<i64: 10>, scalar_prefetch = 0 : i64, scratch_operands = 0 : i64, tpu.core_type = #tpu.core_type<tc>, window_params = [{transform_indices = @transform_0, window_bounds = array<i64: 1024, 128>}, {transform_indices = @transform_1, window_bounds = array<i64: 1024, 128>}, {transform_indices = @transform_2, window_bounds = array<i64: 16, 1024>}, {transform_indices = @transform_3, window_bounds = array<i64: 1024, 128>}, {pipeline_mode = #tpu.pipeline_mode<synchronous>, transform_indices = @transform_4, window_bounds = array<i64: 128, 128>}, {pipeline_mode = #tpu.pipeline_mode<synchronous>, transform_indices = @transform_5, window_bounds = array<i64: 128, 128>}, {pipeline_mode = #tpu.pipeline_mode<synchronous>, transform_indices = @transform_6, window_bounds = array<i64: 1, 128>}, {transform_indices = @transform_7, window_bounds = array<i64: 1024, 128>}]} {
    %get3A = arith.constant 0 : index
    %get3A_0 = arith.constant 0 : index
    %get3A_1 = vector.load %arg1[%get3A, %get3A_0] : memref<1024x128xf32, #tpu.memory_space<vmem>>, vector<1024x128xf32>
    %get3A_2 = arith.constant 0 : index
    %get3A_3 = arith.constant 0 : index
    %get3A_4 = vector.load %arg2[%get3A_2, %get3A_3] : memref<1024x128xf32, #tpu.memory_space<vmem>>, vector<1024x128xf32>
    %add3A = arith.addf %get3A_1, %get3A_4 : vector<1024x128xf32>
    %get3A_5 = arith.constant 0 : index
    %get3A_6 = arith.constant 0 : index
    %get3A_7 = vector.load %arg3[%get3A_5, %get3A_6] : memref<16x1024xf32, #tpu.memory_space<vmem>>, vector<16x1024xf32>
    %broadcast_in_dim3A = arith.constant 1.000000e+00 : f32
    %broadcast_in_dim3A_8 = vector.broadcast %broadcast_in_dim3A : f32 to vector<16x1xf32>
    %dot_general3A = arith.constant dense<0.000000e+00> : vector<1024x1xf32>
    %dot_general3A_9 = tpu.matmul %get3A_7, %broadcast_in_dim3A_8, %dot_general3A {dimension_numbers = #tpu.dot_dimension_numbers<[0], [0], [1], [1], [0, 1, 1, 1], [], []>, transpose_lhs_hint = false} : vector<16x1024xf32>, vector<16x1xf32>, vector<1024x1xf32> -> vector<1024x1xf32>
    %max3A = arith.constant 1.000000e+00 : f32
    %max3A_10 = vector.broadcast %max3A : f32 to vector<1024x1xf32>
    %max3A_11 = arith.maximumf %dot_general3A_9, %max3A_10 : vector<1024x1xf32>
    %div3A = vector.broadcast %max3A_11 : vector<1024x1xf32> to vector<1024x128xf32>
    %div3A_12 = arith.divf %add3A, %div3A : vector<1024x128xf32>
    %get3A_13 = arith.constant 0 : index
    %get3A_14 = arith.constant 0 : index
    %get3A_15 = vector.load %arg5[%get3A_13, %get3A_14] : memref<128x128xf32, #tpu.memory_space<vmem>>, vector<128x128xf32>
    %dot_general3A_16 = arith.constant dense<0.000000e+00> : vector<1024x128xf32>
    %dot_general3A_17 = tpu.matmul %div3A_12, %get3A_15, %dot_general3A_16 {dimension_numbers = #tpu.dot_dimension_numbers<[1], [0], [0], [1], [0, 0, 1, 1], [], []>, transpose_lhs_hint = false} : vector<1024x128xf32>, vector<128x128xf32>, vector<1024x128xf32> -> vector<1024x128xf32>
    %get3A_18 = arith.constant 0 : index
    %get3A_19 = arith.constant 0 : index
    %get3A_20 = vector.load %arg4[%get3A_18, %get3A_19] : memref<1024x128xf32, #tpu.memory_space<vmem>>, vector<1024x128xf32>
    %get3A_21 = arith.constant 0 : index
    %get3A_22 = arith.constant 0 : index
    %get3A_23 = vector.load %arg6[%get3A_21, %get3A_22] : memref<128x128xf32, #tpu.memory_space<vmem>>, vector<128x128xf32>
    %dot_general3A_24 = arith.constant dense<0.000000e+00> : vector<1024x128xf32>
    %dot_general3A_25 = tpu.matmul %get3A_20, %get3A_23, %dot_general3A_24 {dimension_numbers = #tpu.dot_dimension_numbers<[1], [0], [0], [1], [0, 0, 1, 1], [], []>, transpose_lhs_hint = false} : vector<1024x128xf32>, vector<128x128xf32>, vector<1024x128xf32> -> vector<1024x128xf32>
    %add3A_26 = arith.addf %dot_general3A_17, %dot_general3A_25 : vector<1024x128xf32>
    %get3A_27 = arith.constant 0 : index
    %get3A_28 = arith.constant 0 : index
    %get3A_29 = vector.load %arg7[%get3A_27, %get3A_28] : memref<1x128xf32, #tpu.memory_space<vmem>>, vector<1x128xf32>
    %add3A_30 = vector.broadcast %get3A_29 : vector<1x128xf32> to vector<1024x128xf32>
    %add3A_31 = arith.addf %add3A_26, %add3A_30 : vector<1024x128xf32>
    %max3A_32 = arith.constant 0.000000e+00 : f32
    %max3A_33 = vector.broadcast %max3A_32 : f32 to vector<1024x128xf32>
    %max3A_34 = arith.maximumf %add3A_31, %max3A_33 : vector<1024x128xf32>
    %swap3A = arith.constant 0 : index
    %swap3A_35 = arith.constant 0 : index
    %swap3A_36 = vector.load %arg8[%swap3A, %swap3A_35] : memref<1024x128xf32, #tpu.memory_space<vmem>>, vector<1024x128xf32>
    tpu.vector_store %arg8[%swap3A, %swap3A_35], %max3A_34 {strides = array<i32>} : memref<1024x128xf32, #tpu.memory_space<vmem>>, vector<1024x128xf32>,
    return
  }
  func.func @transform_0(%arg0: i32) -> (i32, i32) {
    %c0_i32 = arith.constant 0 : i32
    %c0_i32_0 = arith.constant 0 : i32
    return %arg0, %c0_i32 : i32, i32
  }
  func.func @transform_1(%arg0: i32) -> (i32, i32) {
    %c0_i32 = arith.constant 0 : i32
    %c0_i32_0 = arith.constant 0 : i32
    return %arg0, %c0_i32 : i32, i32
  }
  func.func @transform_2(%arg0: i32) -> (i32, i32) {
    %c0_i32 = arith.constant 0 : i32
    %c0_i32_0 = arith.constant 0 : i32
    return %c0_i32, %arg0 : i32, i32
  }
  func.func @transform_3(%arg0: i32) -> (i32, i32) {
    %c0_i32 = arith.constant 0 : i32
    %c0_i32_0 = arith.constant 0 : i32
    return %arg0, %c0_i32 : i32, i32
  }
  func.func @transform_4(%arg0: i32) -> (i32, i32) {
    %c0_i32 = arith.constant 0 : i32
    %c0_i32_0 = arith.constant 0 : i32
    %c0_i32_1 = arith.constant 0 : i32
    return %c0_i32, %c0_i32_0 : i32, i32
  }
  func.func @transform_5(%arg0: i32) -> (i32, i32) {
    %c0_i32 = arith.constant 0 : i32
    %c0_i32_0 = arith.constant 0 : i32
    %c0_i32_1 = arith.constant 0 : i32
    return %c0_i32, %c0_i32_0 : i32, i32
  }
  func.func @transform_6(%arg0: i32) -> (i32, i32) {
    %c0_i32 = arith.constant 0 : i32
    %c0_i32_0 = arith.constant 0 : i32
    %c0_i32_1 = arith.constant 0 : i32
    return %c0_i32, %c0_i32_0 : i32, i32
  }
  func.func @transform_7(%arg0: i32) -> (i32, i32) {
    %c0_i32 = arith.constant 0 : i32
    %c0_i32_0 = arith.constant 0 : i32
    return %arg0, %c0_i32 : i32, i32
  }
}

</mosaic_0001>

<sc_bundles>
// kernel: kernel.4.cloned.1.call-start
scs
__scs_entry_jumppad:
0x0: {  	(pc) =	sbr.rel $0x88, $3  }
0x1: {  	(tag) =	ssettag $0x0;
	lr =	simm.s32 $0x1  }
0x2: {  	[smem:$0x3F9C] =	sst lr;
	_ =	strace $0xD0000000  }
0x3: {  	_ = 	snop  }
0x4: {  	_ = 	snop  }
0x5: {  	_ = 	snop  }
0x6: {  	_ = 	snop  }
0x7: {  	_ = 	snop  }
__scs_overlays_trampoline_lowered:
0x8: {  	[smem:$0x3FAB] =	sst s0  }
0x9: {  	[smem:$0x3FAC] =	sst s1  }
0xa: {  	[smem:$0x3FAD] =	sst s2  }
0xb: {  	[smem:$0x3FAE] =	sst s3  }
0xc: {  	[smem:$0x3FAF] =	sst s4  }
0xd: {  	[smem:$0x3FB0] =	sst s5  }
0xe: {  	[smem:$0x3FB1] =	sst s6  }
0xf: {  	[smem:$0x3FB2] =	sst s7  }
0x10: {  	[smem:$0x3FB3] =	sst s8  }
0x11: {  	[smem:$0x3FB4] =	sst s9;
	s0 =	simm.s32 @!p0 $0x0  }
0x12: {  	s1 =	sld [smem:$0x3F9A];
	s0 =	simm.s32 @p0 $0x1  }
0x13: {  	[smem:$0x3FB5] =	sst s0;
	s0 =	simm.s32 @!p1 $0x0  }
0x14: {  	s2 =	sld [smem:$0x3F99];
	s0 =	simm.s32 @p1 $0x1  }
0x15: {  	[smem:$0x3FB6] =	sst s0;
	s0 =	simm.s32 @!p2 $0x0  }
0x16: {  	s3 =	sld [smem:$0x3FDB];
	s0 =	simm.s32 @p2 $0x1  }
0x17: {  	s4 =	simm.s32 $0x1BF5;
	[smem:$0x3FB8] =	sst s0  }
0x18: {  	s0 =	sld [smem:$0x3F9B];
	_ =	swait.ge [sflag:s4], $0x0  }
0x19: {  	s7 =	sld [smem:$0x3F9C]  }
0x1a: {  	s8 =	sadd.s32 $0xFFFFE003, lr  }
0x1b: {  	s9 =	sadd.s32 $0xFFFFFEF7, lr;
	s5 =	simm.s32 $0xFFFFFFFF;
	p2 =	slt.u32 s8, $0xFFFFF086  }
0x1c: {  	p1 =	slt.u32 s9, $0xF7A;
	s5 =	simm.s32 @!p2 $0x0  }
0x1d: {  	s5 =	simm.s32 @p1 $0x1;
	p0 =	seq.s32 s7, s2  }
0x1e: {  	s7 =	smul.u32 @!p0 $0xF7A, s2;
	p2 =	seq.s32 @!p0 s5, $0x0  }
0x1f: {  	s9 =	smul.u32 $0xF7A, s1;
	s8 =	simm.s32 @!p0 $0x1BF5;
	p2 =	por !p2, p0  }
0x20: {  	[sflag:s8] =	ssyncset.s32 @!p0 $0xFFFFF086;
	s6 =	sadd.s32 @!p0 s3, s7;
	s7 =	simm.s32 @!p0 $0x108  }
0x21: {  	s3 =	sadd.s32 s3, s9;
	s6 =	sadd.s32 @!p0 $0x88, s6;
	s7 =	simm.s32 @p2 $0x1082  }
0x22: {  	[simem:s7], [sflag:s8] =	dma.local @!p0 [hbm:s6], $0xF7A  }
0x23: {  	s9 =	sor.u32 $0xD0000000, s2;
	s6 =	simm.s32 $0x108;
	_ =	swait.ge @!p0 [sflag:s8], $0x0  }
0x24: {  	s3 =	sadd.s32 $0x88, s3;
	s6 =	simm.s32 @!p1 $0x1082;
	[sflag:s4] =	ssyncset.s32 $0xFFFFF086  }
0x25: {  	[simem:s6], [sflag:s4] =	dma.local [hbm:s3], $0xF7A  }
0x26: {  	[smem:$0x3F9C] =	sst s1;
	(tag) =	ssettag s2;
	_ =	strace s9  }
0x27: {  	s1 =	sld [smem:$0x3FAC]  }
0x28: {  	s2 =	sld [smem:$0x3FAD]  }
0x29: {  	s4 =	sld [smem:$0x3FAF]  }
0x2a: {  	p0 =	seq.s32 s5, $0x0;
	s5 =	sld [smem:$0x3FB0]  }
0x2b: {  	s6 =	sld [smem:$0x3FB1]  }
0x2c: {  	s7 =	sld [smem:$0x3FB2]  }
0x2d: {  	s3 =	simm.s32 $0x108;
	s8 =	sld [smem:$0x3FB3]  }
0x2e: {  	s3 =	simm.s32 @!p0 $0x1082;
	s9 =	sld [smem:$0x3FB4]  }
0x2f: {  	lr =	sadd.s32 s0, s3;
	s0 =	sld [smem:$0x3FAB]  }
0x30: {  	s3 =	sld [smem:$0x3FAE]  }
0x31: {  	[smem:$0x3FB7] =	sst s10  }
0x32: {  	s10 =	sld [smem:$0x3FB5];
	_ =	sdelay $0x3  }
0x33: {  	p0 =	seq.s32 s10, $0x1;
	s10 =	sld [smem:$0x3FB7];
	_ =	sdelay $0x3  }
0x34: {  	[smem:$0x3FB7] =	sst s10  }
0x35: {  	s10 =	sld [smem:$0x3FB6];
	_ =	sdelay $0x3  }
0x36: {  	p1 =	seq.s32 s10, $0x1;
	s10 =	sld [smem:$0x3FB7];
	_ =	sdelay $0x3  }
0x37: {  	[smem:$0x3FB7] =	sst s10  }
0x38: {  	s10 =	sld [smem:$0x3FB8]  }
0x39: {  	_ = 	snop;
	(pc) =	sbr.ind lr, $3  }
0x3a: {  	_ = 	snop  }
0x3b: {  	_ = 	snop  }
0x3c: {  	p2 =	seq.s32 s10, $0x1;
	s10 =	sld [smem:$0x3FB7]  }
0x3d: {  	_ =	shalt  }
0x3e: {  	_ =	shalt  }
0x3f: {  	_ =	shalt  }
0x40: {  	_ =	shalt  }
0x41: {  	_ =	shalt  }
0x42: {  	_ =	shalt  }
0x43: {  	_ =	shalt  }
0x44: {  	_ =	shalt  }
0x45: {  	_ =	shalt  }
0x46: {  	_ =	shalt  }
0x47: {  	_ =	shalt  }
0x48: {  	_ =	shalt  }
0x49: {  	_ =	shalt  }
0x4a: {  	_ =	shalt  }
0x4b: {  	_ =	shalt  }
0x4c: {  	_ =	shalt  }
0x4d: {  	_ =	shalt  }
0x4e: {  	_ =	shalt  }
0x4f: {  	_ =	shalt  }
0x50: {  	_ =	shalt  }
0x51: {  	_ =	shalt  }
0x52: {  	_ =	shalt  }
0x53: {  	_ =	shalt  }
0x54: {  	_ =	shalt  }
0x55: {  	_ =	shalt  }
0x56: {  	_ =	shalt  }
0x57: {  	_ =	shalt  }
0x58: {  	_ =	shalt  }
0x59: {  	_ =	shalt  }
0x5a: {  	_ =	shalt  }
0x5b: {  	_ =	shalt  }
0x5c: {  	_ =	shalt  }
0x5d: {  	_ =	shalt  }
0x5e: {  	_ =	shalt  }
0x5f: {  	_ =	shalt  }
0x60: {  	_ =	shalt  }
0x61: {  	_ =	shalt  }
0x62: {  	_ =	shalt  }
0x63: {  	_ =	shalt  }
0x64: {  	_ =	shalt  }
0x65: {  	_ =	shalt  }
0x66: {  	_ =	shalt  }
0x67: {  	_ =	shalt  }
0x68: {  	_ =	shalt  }
0x69: {  	_ =	shalt  }
0x6a: {  	_ =	shalt  }
0x6b: {  	_ =	shalt  }
0x6c: {  	_ =	shalt  }
0x6d: {  	_ =	shalt  }
0x6e: {  	_ =	shalt  }
0x6f: {  	_ =	shalt  }
0x70: {  	_ =	shalt  }
0x71: {  	_ =	shalt  }
0x72: {  	_ =	shalt  }
0x73: {  	_ =	shalt  }
0x74: {  	_ =	shalt  }
0x75: {  	_ =	shalt  }
0x76: {  	_ =	shalt  }
0x77: {  	_ =	shalt  }
0x78: {  	_ =	shalt  }
0x79: {  	_ =	shalt  }
0x7a: {  	_ =	shalt  }
0x7b: {  	_ =	shalt  }
0x7c: {  	_ =	shalt  }
0x7d: {  	_ =	shalt  }
0x7e: {  	_ =	shalt  }
0x7f: {  	_ =	shalt  }
0x80: {  	_ =	shalt  }
0x81: {  	_ =	shalt  }
0x82: {  	_ =	shalt  }
0x83: {  	_ =	shalt  }
0x84: {  	_ =	shalt  }
0x85: {  	_ =	shalt  }
0x86: {  	_ =	shalt  }
0x87: {  	_ =	shalt  }
.Lfunc_end0:
.L_simem_size_0:
called_computation_lowered:
.L_overlay_start_0:
0x88: {  	s0 =	sld [smem:$0x3FD9]  }
0x89: {  	s1 =	sld [smem:$0x3FFE];
	_ =	sdelay $0x3  }
0x8a: {  	s0 =	sadd.s32 s1, s0  }
0x8b: {  	[smem:$0x3FC3] =	sst s0  }
0x8c: {  	_ = 	snop  }
0x8d: {  	s0 =	sld [smem:$0x3FC9]  }
0x8e: {  	s16 =	sld [smem:$0x3FD0];
	(tm) =	ssettm $0x1  }
0x8f: {  	s2 =	sld [smem:$0x3FFB];
	_ =	sdelay $0x3  }
0x90: {  	_ =	strace s2  }
0x91: {  	s2 =	sld [smem:$0x3FFC];
	_ =	sdelay $0x3  }
0x92: {  	_ =	strace s2  }
0x93: {  	s2 =	sld [smem:$0x3FFD];
	_ =	sdelay $0x3  }
0x94: {  	_ =	strace s2  }
0x95: {  	_ =	strace $0x8FFFFFFF  }
0x96: {  	s17 =	sld [smem:$0x3FDB];
	_ =	sdelay $0x1  }
0x97: {  	s3 =	simm.s32 $_scs_section_size  }
0x98: {  	s4 =	simm.s32 $_size__tile_overlayer_lowered;
	s5 =	simm.s32 $_tile_overlayer_lowered  }
0x99: {  	s20 =	simm.s32 $0x1BFF;
	s19 =	sshll.u32 s5, $0x1;
	s2 =	sadd.s32 s3, s17  }
0x9a: {  	s6 =	simm.s32 $0x0;
	s18 =	sshll.u32 s4, $0x1;
	s4 =	sadd.s32 s19, s2  }
0x9b: {  	[timem:s6], [sflag:s20] =	dma.local [hbm:s4], s18  }
0x9c: {  	_ =	swait.ge [sflag:s20], s18  }
0x9d: {  	s3 =	ssub.s32 $0x0, s18;
	[sflag:s20] =	ssyncset.done $0x0  }
0x9e: {  	[sflag:s20] =	ssyncadd.s32 s3;
	_ =	sdelay $0x1  }
0x9f: {  	s21 =	simm.s32 $0x1B8B  }
0xa0: {  	_ =	swait.ge [sflag:s21], $0x1  }
0xa1: {  	[sflag:s21] =	ssyncset.done $0x0  }
0xa2: {  	s23 =	simm.s32 $0x1B8E;
	s22 =	sld [smem:$0x3FFE];
	[sflag:s21] =	ssyncadd.s32 $0xFFFFFFFF  }
0xa3: {  	s24 =	simm.s32 $execute0_lowered;
	[smem:$0x3FD2] =	sst s23  }
0xa4: {  	s4 =	sshll.u32 s24, $0x1;
	_ =	strace $0x80000046;
	[dreg:$0x1] =	wrdreg $0xFFFFFFFF  }
0xa5: {  	s25 =	simm.s32 $_size_execute0_lowered;
	s2 =	sadd.s32 s2, s4;
	[dreg:$0x0] =	wrdreg $0x0  }
0xa6: {  	s4 =	sshll.u32 s25, $0x1;
	[dreg:$0x2] =	wrdreg s2  }
0xa7: {  	[dreg:$0x3] =	wrdreg s4  }
0xa8: {  	[dreg:$0x4] =	wrdreg $0xC0  }
0xa9: {  	_ =	task [dreg:s6], $0x5FFFF  }
0xaa: {  	[dreg:$0x1] =	wrdreg $0xFFFFFFFF  }
0xab: {  	[dreg:$0x0] =	wrdreg $0x60  }
0xac: {  	[dreg:$0x2] =	wrdreg s0  }
0xad: {  	[dreg:$0x3] =	wrdreg s16  }
0xae: {  	[dreg:$0x4] =	wrdreg s22  }
0xaf: {  	[dreg:$0x5] =	wrdreg $0xB7800  }
0xb0: {  	[dreg:$0x6] =	wrdreg $0x9  }
0xb1: {  	_ =	task.clear_ibuf [dreg:s6], $0x7FFFF;
	_ =	strace $0x90000046  }
0xb2: {  	s26 =	simm.s32 $0x9;
	_ =	strace $0x80000048  }
0xb3: {  	_ =	swait.ge [sflag:s26], $0x1  }
0xb4: {  	[sflag:s26] =	ssyncadd.s32 $0xFFFFFFFF  }
0xb5: {  	_ =	strace $0x90000048  }
0xb6: {  	_ =	sfence  }
0xb7: {  	s28 =	sld [smem:$0x0];
	_ =	sdelay $0x1  }
0xb8: {  	s29 =	srdreg.scid  }
0xb9: {  	s30 =	sshll.u32 s29, $0xD;
	s31 =	sshrl.u32 s29, $0x2  }
0xba: {  	s1 =	sand.u32 $0x1, s29;
	s2 =	sand.u32 $0x4000, s30;
	s0 =	sadd.s32 s31, s28  }
0xbb: {  	s1 =	sor.u32 s2, s1;
	s0 =	sshll.u32 s0, $0x11  }
0xbc: {  	s0 =	sor.u32 s0, s1  }
0xbd: {  	s0 =	sadd.s32 $0x8F2B, s0  }
0xbe: {  	[sflag:s0] =	ssyncadd.remote.s32 $0x1  }
0xbf: {  	_ =	sfence.sel $0xFFFF  }
0xc0: {  	[dreg:$0x0] =	wrdreg $0xFFFFFFFF;
	(pc) =	sbr.abs _section_cstart, $3  }
0xc1: {  	[dreg:$0x1] =	wrdreg $0xFFFFFFFF  }
0xc2: {  	_ =	task.clear_ibuf [dreg:s6], $0x2FFFF;
	_ =	strace $0x9FFFFFFF  }
0xc3: {  	(tm) =	ssettm $0x7FFFFFFF  }
tec
execute0_lowered:
.L_overlay_start_1:
0x0: {  	(tag) =	ssettag $0x1  }
0x1: {  	s6 =	rddreg [dreg:$0x0]  }
0x2: {  	s7 =	rddreg [dreg:$0x1]  }
0x3: {  	s1 =	rddreg [dreg:$0x2]  }
0x4: {  	s4 =	rddreg [dreg:$0x3]  }
0x5: {  	s0 =	rddreg [dreg:$0x4]  }
0x6: {  	s2 =	simm.s32 $0x0;
	s5 =	simm.s32 $0x0;
	s9 =	simm.s32 $0x200  }
0x7: {  	[smem:$0x7FF] =	sst s2;
	s8 =	sadd.s32 $0x1200, s1;
	s3 =	sadd.s32 $0xB200, s1  }
0x8: {  	v0 =	vimm.f32 $0.0e+00;
	s2 =	sadd.s32 $0x32A00, s1;
	s1 =	stileid.u32;
	_ =	strace $0x80000047  }
.LBB2_1:
0x9: {  	p0 =	sne.s32 s9, $0xFE00;
	[tilespmem:s5+$0x1070] =	vst v0  }
0xa: {  	[tilespmem:s5+$0x1000] =	vst v0  }
0xb: {  	[tilespmem:s5+$0x1010] =	vst v0  }
.Ltmp0:
0xc: {  	[tilespmem:s5+$0x1020] =	vst v0;
	(pc) =	sbr.rel @p0 .LBB2_1-.Ltmp0, $4  }
0xd: {  	[tilespmem:s5+$0x1030] =	vst v0  }
0xe: {  	[tilespmem:s5+$0x1040] =	vst v0  }
0xf: {  	[tilespmem:s5+$0x1050] =	vst v0  }
0x10: {  	[tilespmem:s5+$0x1060] =	vst v0;
	s5 =	sshra.s32 s9, $0x2;
	s9 =	sadd.s32 $0x200, s9  }
0x11: {  	[tilespmem:s5+$0x1070] =	vst v0  }
0x12: {  	[tilespmem:s5+$0x1000] =	vst v0  }
0x13: {  	[tilespmem:s5+$0x1010] =	vst v0  }
0x14: {  	[tilespmem:s5+$0x1020] =	vst v0  }
0x15: {  	[tilespmem:s5+$0x1030] =	vst v0  }
0x16: {  	[tilespmem:s5+$0x1040] =	vst v0  }
0x17: {  	[tilespmem:s5+$0x1050] =	vst v0  }
0x18: {  	[tilespmem:s5+$0x1060] =	vst v0;
	v0 =	vimm.f32 $0.0e+00;
	s5 =	simm.s32 $0x40;
	s9 =	simm.s32 $0x0  }
.LBB2_3:
0x19: {  	p0 =	sne.s32 s5, $0x9DC0;
	[tilespmem:s9+$0x9000] =	vst v0;
	s9 =	smov.u32 s5;
	s5 =	sadd.s32 $0x40, s5  }
.Ltmp1:
0x1a: {  	(pc) =	sbr.rel @p0 .LBB2_3-.Ltmp1, $2  }
0x1b: {  	_ =	sdelay $0x2  }
0x1c: {  	s9 =	sshra.s32 s9, $0x2  }
0x1d: {  	s5 =	smul.u32 $0x4F000, s1;
	_ =	sdelay $0x1  }
0x1e: {  	s5 =	sshrl.u32 s5, $0x2  }
0x1f: {  	[tilespmem:s9+$0x9000] =	vst v0;
	s10 =	simm.s32 $0x1000;
	s11 =	simm.s32 $0x3;
	s5 =	sadd.s32 s5, s4  }
0x20: {  	[spmem:s5] =	stream.linear.scatter [tilespmem:s10], [sflag:$0x3], $0x4000, $0x38;
	[tilespmem:$0x1F380] =	vst v63  }
0x21: {  	_ =	swait.ge [sflag:s11], $0x4000  }
0x22: {  	[sflag:s11] =	ssyncset.done $0x0  }
0x23: {  	s25 =	sadd.s32 $0x4000, s5;
	[sflag:s11] =	ssyncadd.s32 $0xFFFFC000  }
0x24: {  	[spmem:s25] =	stream.linear.scatter [tilespmem:s10], [sflag:$0x3], $0x4000, $0x38;
	[tilespmem:$0x1F380] =	vst v63  }
0x25: {  	_ =	swait.ge [sflag:s11], $0x4000  }
0x26: {  	[sflag:s11] =	ssyncset.done $0x0  }
0x27: {  	s26 =	sadd.s32 $0x8000, s5;
	[sflag:s11] =	ssyncadd.s32 $0xFFFFC000  }
0x28: {  	[spmem:s26] =	stream.linear.scatter [tilespmem:s10], [sflag:$0x3], $0x4000, $0x38;
	[tilespmem:$0x1F380] =	vst v63  }
0x29: {  	_ =	swait.ge [sflag:s11], $0x4000  }
0x2a: {  	[sflag:s11] =	ssyncset.done $0x0  }
0x2b: {  	s28 =	sadd.s32 $0xC000, s5;
	[sflag:s11] =	ssyncadd.s32 $0xFFFFC000  }
0x2c: {  	[spmem:s28] =	stream.linear.scatter [tilespmem:s10], [sflag:$0x3], $0x4000, $0x38;
	[tilespmem:$0x1F380] =	vst v63  }
0x2d: {  	_ =	swait.ge [sflag:s11], $0x4000  }
0x2e: {  	[sflag:s11] =	ssyncset.done $0x0  }
0x2f: {  	s29 =	sadd.s32 $0x10000, s5;
	[sflag:s11] =	ssyncadd.s32 $0xFFFFC000  }
0x30: {  	[spmem:s29] =	stream.linear.scatter [tilespmem:s10], [sflag:$0x3], $0x3C00, $0x38;
	[tilespmem:$0x1F380] =	vst v63  }
0x31: {  	s30 =	smul.u32 $0x5000, s1;
	_ =	swait.ge [sflag:s11], $0x3C00  }
0x32: {  	[sflag:s11] =	ssyncset.done $0x0  }
0x33: {  	s9 =	sshrl.u32 s30, $0x3;
	[sflag:s11] =	ssyncadd.s32 $0xFFFFC400  }
0x34: {  	s12 =	simm.s32 $0x0;
	s13 =	sadd.s32 s7, s9;
	[bflag:$0x0] =	sbarrier.arrive $0xFFFF  }
0x35: {  	[tilespmem:s12], [sflag:$0x3] =	stream.linear.gather [hbm4b:s13+s12], $0x800, $0x38;
	[tilespmem:$0x1F380] =	vst v63  }
0x36: {  	_ =	swait.ge [sflag:s11], $0x800  }
0x37: {  	[sflag:s11] =	ssyncset.done $0x0  }
0x38: {  	s14 =	simm.s32 $0x800;
	s31 =	sadd.s32 s8, s9;
	[sflag:s11] =	ssyncadd.s32 $0xFFFFF800  }
0x39: {  	[tilespmem:s14], [sflag:$0x3] =	stream.linear.gather [hbm4b:s31+s12], $0x800, $0x38;
	[tilespmem:$0x1F380] =	vst v63  }
0x3a: {  	_ =	swait.ge [sflag:s11], $0x800  }
0x3b: {  	[sflag:s11] =	ssyncset.done $0x0  }
0x3c: {  	s15 =	simm.s32 $0x1;
	s13 =	simm.s32 $0x80;
	[sflag:s11] =	ssyncadd.s32 $0xFFFFF800  }
0x3d: {  	[tilespmem:s10], [sflag:$0x1] =	stream.indirect.gather [hbm4b:s6+s13], $0x80, s12, s13, $0xb8;
	[tilespmem:$0x1F380] =	vst v63  }
0x3e: {  	s16 =	simm.s32 $0x9000;
	s17 =	simm.s32 $0x2;
	s14 =	simm.s32 $0x5000  }
0x3f: {  	v0 =	vimm.f32 $1.000000000e+00;
	[tilespmem:s14], [sflag:$0x2] =	stream.indirect.gather [hbm4b:s6+s13], $0x80, s13, s13, $0xb8;
	[tilespmem:$0x1F380] =	vst v63  }
.LBB2_5:
0x40: {  	_ =	swait.ge [sflag:s15], $0x4000  }
0x41: {  	s18 =	sshra.s32 s12, $0x2;
	[sflag:s15] =	ssyncset.done $0x0  }
0x42: {  	s19 =	sadd.s32 $0x800, s18;
	[sflag:s15] =	ssyncadd.s32 $0xFFFFC000  }
0x43: {  	[spmem:s4] =	stream.indirect.scatter.add.f32 [tilespmem:s10], [sflag:$0x3], $0x80, s19, s13, $0xb8;
	[tilespmem:$0x1F380] =	vst v63  }
0x44: {  	_ =	swait.ge [sflag:s11], $0x4000  }
0x45: {  	[sflag:s11] =	ssyncset.done $0x0  }
0x46: {  	s29 =	sadd.s32 $0x100, s18;
	[sflag:s11] =	ssyncadd.s32 $0xFFFFC000  }
0x47: {  	[tilespmem:s10], [sflag:$0x1] =	stream.indirect.gather [hbm4b:s6+s13], $0x80, s29, s13, $0xb8;
	[tilespmem:$0x1F380] =	vst v63  }
0x48: {  	v1 =	vld [tilespmem:s18+$0x800];
	_ =	sdelay $0x7  }
0x49: {  	[tilespmem:v1+s16+$0x0] =	vst.idx.add.f32.msk $0xffff, v0  }
0x4a: {  	v1 =	vld [tilespmem:s18+$0x810];
	_ =	sdelay $0x7  }
0x4b: {  	[tilespmem:v1+s16+$0x0] =	vst.idx.add.f32.msk $0xffff, v0  }
0x4c: {  	v1 =	vld [tilespmem:s18+$0x820];
	_ =	sdelay $0x7  }
0x4d: {  	[tilespmem:v1+s16+$0x0] =	vst.idx.add.f32.msk $0xffff, v0  }
0x4e: {  	v1 =	vld [tilespmem:s18+$0x830];
	_ =	sdelay $0x7  }
0x4f: {  	[tilespmem:v1+s16+$0x0] =	vst.idx.add.f32.msk $0xffff, v0  }
0x50: {  	v1 =	vld [tilespmem:s18+$0x840];
	_ =	sdelay $0x7  }
0x51: {  	[tilespmem:v1+s16+$0x0] =	vst.idx.add.f32.msk $0xffff, v0  }
0x52: {  	v1 =	vld [tilespmem:s18+$0x850];
	_ =	sdelay $0x7  }
0x53: {  	[tilespmem:v1+s16+$0x0] =	vst.idx.add.f32.msk $0xffff, v0  }
0x54: {  	v1 =	vld [tilespmem:s18+$0x860];
	_ =	sdelay $0x7  }
0x55: {  	[tilespmem:v1+s16+$0x0] =	vst.idx.add.f32.msk $0xffff, v0  }
0x56: {  	v1 =	vld [tilespmem:s18+$0x870];
	_ =	sdelay $0x7  }
0x57: {  	[tilespmem:v1+s16+$0x0] =	vst.idx.add.f32.msk $0xffff, v0  }
0x58: {  	_ =	swait.ge [sflag:s17], $0x4000  }
0x59: {  	[sflag:s17] =	ssyncset.done $0x0  }
0x5a: {  	s30 =	sadd.s32 $0x880, s18;
	[sflag:s17] =	ssyncadd.s32 $0xFFFFC000  }
0x5b: {  	[spmem:s4] =	stream.indirect.scatter.add.f32 [tilespmem:s14], [sflag:$0x3], $0x80, s30, s13, $0xb8;
	[tilespmem:$0x1F380] =	vst v63  }
0x5c: {  	_ =	swait.ge [sflag:s11], $0x4000  }
0x5d: {  	[sflag:s11] =	ssyncset.done $0x0  }
0x5e: {  	s31 =	sadd.s32 $0x180, s18;
	[sflag:s11] =	ssyncadd.s32 $0xFFFFC000  }
0x5f: {  	[tilespmem:s14], [sflag:$0x2] =	stream.indirect.gather [hbm4b:s6+s13], $0x80, s31, s13, $0xb8;
	[tilespmem:$0x1F380] =	vst v63  }
0x60: {  	v1 =	vld [tilespmem:s18+$0x880];
	_ =	sdelay $0x7  }
0x61: {  	[tilespmem:v1+s16+$0x0] =	vst.idx.add.f32.msk $0xffff, v0  }
0x62: {  	v1 =	vld [tilespmem:s18+$0x890];
	_ =	sdelay $0x7  }
0x63: {  	[tilespmem:v1+s16+$0x0] =	vst.idx.add.f32.msk $0xffff, v0  }
0x64: {  	v1 =	vld [tilespmem:s18+$0x8A0];
	_ =	sdelay $0x7  }
0x65: {  	[tilespmem:v1+s16+$0x0] =	vst.idx.add.f32.msk $0xffff, v0  }
0x66: {  	v1 =	vld [tilespmem:s18+$0x8B0];
	_ =	sdelay $0x7  }
0x67: {  	[tilespmem:v1+s16+$0x0] =	vst.idx.add.f32.msk $0xffff, v0  }
0x68: {  	v1 =	vld [tilespmem:s18+$0x8C0];
	_ =	sdelay $0x7  }
0x69: {  	[tilespmem:v1+s16+$0x0] =	vst.idx.add.f32.msk $0xffff, v0  }
0x6a: {  	v1 =	vld [tilespmem:s18+$0x8D0];
	_ =	sdelay $0x7  }
0x6b: {  	[tilespmem:v1+s16+$0x0] =	vst.idx.add.f32.msk $0xffff, v0  }
0x6c: {  	v1 =	vld [tilespmem:s18+$0x8E0];
	_ =	sdelay $0x7  }
0x6d: {  	[tilespmem:v1+s16+$0x0] =	vst.idx.add.f32.msk $0xffff, v0  }
0x6e: {  	v1 =	vld [tilespmem:s18+$0x8F0];
	_ =	sdelay $0x2  }
0x6f: {  	p0 =	sne.s32 s12, $0x1800  }
.Ltmp2:
0x70: {  	_ = 	snop;
	(pc) =	sbr.rel @p0 .LBB2_5-.Ltmp2, $2  }
0x71: {  	_ =	sdelay $0x2  }
0x72: {  	s12 =	sadd.s32 $0x400, s12;
	[tilespmem:v1+s16+$0x0] =	vst.idx.add.f32.msk $0xffff, v0  }
0x73: {  	s10 =	simm.s32 $0x1  }
0x74: {  	_ =	swait.ge [sflag:s10], $0x4000  }
0x75: {  	s11 =	simm.s32 $0x80;
	[sflag:s10] =	ssyncset.done $0x0  }
0x76: {  	s13 =	simm.s32 $0xF00;
	s12 =	simm.s32 $0x1000;
	[sflag:s10] =	ssyncadd.s32 $0xFFFFC000  }
0x77: {  	[spmem:s4] =	stream.indirect.scatter.add.f32 [tilespmem:s12], [sflag:$0x3], $0x80, s13, s11, $0xb8;
	[tilespmem:$0x1F380] =	vst v63  }
0x78: {  	s13 =	simm.s32 $0x3  }
0x79: {  	_ =	swait.ge [sflag:s13], $0x4000  }
0x7a: {  	[sflag:s13] =	ssyncset.done $0x0  }
0x7b: {  	[sflag:s13] =	ssyncadd.s32 $0xFFFFC000  }
0x7c: {  	v1 =	vld [tilespmem:$0xF00];
	_ =	sdelay $0x6  }
0x7d: {  	v0 =	vimm.f32 $1.000000000e+00;
	s14 =	simm.s32 $0x9000  }
0x7e: {  	[tilespmem:v1+s14+$0x0] =	vst.idx.add.f32.msk $0xffff, v0  }
0x7f: {  	v1 =	vld [tilespmem:$0xF10];
	_ =	sdelay $0x7  }
0x80: {  	[tilespmem:v1+s14+$0x0] =	vst.idx.add.f32.msk $0xffff, v0  }
0x81: {  	v1 =	vld [tilespmem:$0xF20];
	_ =	sdelay $0x7  }
0x82: {  	[tilespmem:v1+s14+$0x0] =	vst.idx.add.f32.msk $0xffff, v0  }
0x83: {  	v1 =	vld [tilespmem:$0xF30];
	_ =	sdelay $0x7  }
0x84: {  	[tilespmem:v1+s14+$0x0] =	vst.idx.add.f32.msk $0xffff, v0  }
0x85: {  	v1 =	vld [tilespmem:$0xF40];
	_ =	sdelay $0x7  }
0x86: {  	[tilespmem:v1+s14+$0x0] =	vst.idx.add.f32.msk $0xffff, v0  }
0x87: {  	v1 =	vld [tilespmem:$0xF50];
	_ =	sdelay $0x7  }
0x88: {  	[tilespmem:v1+s14+$0x0] =	vst.idx.add.f32.msk $0xffff, v0  }
0x89: {  	v1 =	vld [tilespmem:$0xF60];
	_ =	sdelay $0x7  }
0x8a: {  	[tilespmem:v1+s14+$0x0] =	vst.idx.add.f32.msk $0xffff, v0  }
0x8b: {  	v1 =	vld [tilespmem:$0xF70];
	_ =	sdelay $0x7  }
0x8c: {  	s15 =	simm.s32 $0x2;
	[tilespmem:v1+s14+$0x0] =	vst.idx.add.f32.msk $0xffff, v0  }
0x8d: {  	_ =	swait.ge [sflag:s15], $0x4000  }
0x8e: {  	[sflag:s15] =	ssyncset.done $0x0  }
0x8f: {  	s17 =	simm.s32 $0xF80;
	s16 =	simm.s32 $0x5000;
	[sflag:s15] =	ssyncadd.s32 $0xFFFFC000  }
0x90: {  	[spmem:s4] =	stream.indirect.scatter.add.f32 [tilespmem:s16], [sflag:$0x3], $0x80, s17, s11, $0xb8;
	[tilespmem:$0x1F380] =	vst v63  }
0x91: {  	_ =	swait.ge [sflag:s13], $0x4000  }
0x92: {  	[sflag:s13] =	ssyncset.done $0x0  }
0x93: {  	[sflag:s13] =	ssyncadd.s32 $0xFFFFC000  }
0x94: {  	v1 =	vld [tilespmem:$0xF80];
	_ =	sdelay $0x7  }
0x95: {  	[tilespmem:v1+s14+$0x0] =	vst.idx.add.f32.msk $0xffff, v0  }
0x96: {  	v1 =	vld [tilespmem:$0xF90];
	_ =	sdelay $0x7  }
0x97: {  	[tilespmem:v1+s14+$0x0] =	vst.idx.add.f32.msk $0xffff, v0  }
0x98: {  	v1 =	vld [tilespmem:$0xFA0];
	_ =	sdelay $0x7  }
0x99: {  	[tilespmem:v1+s14+$0x0] =	vst.idx.add.f32.msk $0xffff, v0  }
0x9a: {  	v1 =	vld [tilespmem:$0xFB0];
	_ =	sdelay $0x7  }
0x9b: {  	[tilespmem:v1+s14+$0x0] =	vst.idx.add.f32.msk $0xffff, v0  }
0x9c: {  	v1 =	vld [tilespmem:$0xFC0];
	_ =	sdelay $0x7  }
0x9d: {  	[tilespmem:v1+s14+$0x0] =	vst.idx.add.f32.msk $0xffff, v0  }
0x9e: {  	v1 =	vld [tilespmem:$0xFD0];
	_ =	sdelay $0x7  }
0x9f: {  	[tilespmem:v1+s14+$0x0] =	vst.idx.add.f32.msk $0xffff, v0  }
0xa0: {  	v1 =	vld [tilespmem:$0xFE0];
	_ =	sdelay $0x7  }
0xa1: {  	[tilespmem:v1+s14+$0x0] =	vst.idx.add.f32.msk $0xffff, v0  }
0xa2: {  	v1 =	vld [tilespmem:$0xFF0];
	_ =	sdelay $0x6  }
0xa3: {  	s18 =	sor.u32 $0x100, s9  }
0xa4: {  	s19 =	sadd.s32 s7, s18;
	s17 =	simm.s32 $0x0;
	[tilespmem:v1+s14+$0x0] =	vst.idx.add.f32.msk $0xffff, v0  }
0xa5: {  	[tilespmem:s17], [sflag:$0x3] =	stream.linear.gather [hbm4b:s19+s17], $0x800, $0x38;
	[tilespmem:$0x1F380] =	vst v63  }
0xa6: {  	_ =	swait.ge [sflag:s13], $0x800  }
0xa7: {  	[sflag:s13] =	ssyncset.done $0x0  }
0xa8: {  	s31 =	simm.s32 $0x800;
	s18 =	sadd.s32 s8, s18;
	[sflag:s13] =	ssyncadd.s32 $0xFFFFF800  }
0xa9: {  	[tilespmem:s31], [sflag:$0x3] =	stream.linear.gather [hbm4b:s18+s17], $0x800, $0x38;
	[tilespmem:$0x1F380] =	vst v63  }
0xaa: {  	_ =	swait.ge [sflag:s13], $0x800  }
0xab: {  	[sflag:s13] =	ssyncset.done $0x0  }
0xac: {  	[sflag:s13] =	ssyncadd.s32 $0xFFFFF800  }
0xad: {  	[tilespmem:s12], [sflag:$0x1] =	stream.indirect.gather [hbm4b:s6+s11], $0x80, s17, s11, $0xb8;
	[tilespmem:$0x1F380] =	vst v63  }
0xae: {  	_ = 	snop  }
0xaf: {  	[tilespmem:s16], [sflag:$0x2] =	stream.indirect.gather [hbm4b:s6+s11], $0x80, s11, s11, $0xb8;
	[tilespmem:$0x1F380] =	vst v63  }
.LBB2_7:
0xb0: {  	_ =	swait.ge [sflag:s10], $0x4000  }
0xb1: {  	s18 =	sshra.s32 s17, $0x2;
	[sflag:s10] =	ssyncset.done $0x0  }
0xb2: {  	s19 =	sadd.s32 $0x800, s18;
	[sflag:s10] =	ssyncadd.s32 $0xFFFFC000  }
0xb3: {  	[spmem:s4] =	stream.indirect.scatter.add.f32 [tilespmem:s12], [sflag:$0x3], $0x80, s19, s11, $0xb8;
	[tilespmem:$0x1F380] =	vst v63  }
0xb4: {  	_ =	swait.ge [sflag:s13], $0x4000  }
0xb5: {  	[sflag:s13] =	ssyncset.done $0x0  }
0xb6: {  	s29 =	sadd.s32 $0x100, s18;
	[sflag:s13] =	ssyncadd.s32 $0xFFFFC000  }
0xb7: {  	[tilespmem:s12], [sflag:$0x1] =	stream.indirect.gather [hbm4b:s6+s11], $0x80, s29, s11, $0xb8;
	[tilespmem:$0x1F380] =	vst v63  }
0xb8: {  	v1 =	vld [tilespmem:s18+$0x800];
	_ =	sdelay $0x7  }
0xb9: {  	[tilespmem:v1+s14+$0x0] =	vst.idx.add.f32.msk $0xffff, v0  }
0xba: {  	v1 =	vld [tilespmem:s18+$0x810];
	_ =	sdelay $0x7  }
0xbb: {  	[tilespmem:v1+s14+$0x0] =	vst.idx.add.f32.msk $0xffff, v0  }
0xbc: {  	v1 =	vld [tilespmem:s18+$0x820];
	_ =	sdelay $0x7  }
0xbd: {  	[tilespmem:v1+s14+$0x0] =	vst.idx.add.f32.msk $0xffff, v0  }
0xbe: {  	v1 =	vld [tilespmem:s18+$0x830];
	_ =	sdelay $0x7  }
0xbf: {  	[tilespmem:v1+s14+$0x0] =	vst.idx.add.f32.msk $0xffff, v0  }
0xc0: {  	v1 =	vld [tilespmem:s18+$0x840];
	_ =	sdelay $0x7  }
0xc1: {  	[tilespmem:v1+s14+$0x0] =	vst.idx.add.f32.msk $0xffff, v0  }
0xc2: {  	v1 =	vld [tilespmem:s18+$0x850];
	_ =	sdelay $0x7  }
0xc3: {  	[tilespmem:v1+s14+$0x0] =	vst.idx.add.f32.msk $0xffff, v0  }
0xc4: {  	v1 =	vld [tilespmem:s18+$0x860];
	_ =	sdelay $0x7  }
0xc5: {  	[tilespmem:v1+s14+$0x0] =	vst.idx.add.f32.msk $0xffff, v0  }
0xc6: {  	v1 =	vld [tilespmem:s18+$0x870];
	_ =	sdelay $0x7  }
0xc7: {  	[tilespmem:v1+s14+$0x0] =	vst.idx.add.f32.msk $0xffff, v0  }
0xc8: {  	_ =	swait.ge [sflag:s15], $0x4000  }
0xc9: {  	[sflag:s15] =	ssyncset.done $0x0  }
0xca: {  	s30 =	sadd.s32 $0x880, s18;
	[sflag:s15] =	ssyncadd.s32 $0xFFFFC000  }
0xcb: {  	[spmem:s4] =	stream.indirect.scatter.add.f32 [tilespmem:s16], [sflag:$0x3], $0x80, s30, s11, $0xb8;
	[tilespmem:$0x1F380] =	vst v63  }
0xcc: {  	_ =	swait.ge [sflag:s13], $0x4000  }
0xcd: {  	[sflag:s13] =	ssyncset.done $0x0  }
0xce: {  	s31 =	sadd.s32 $0x180, s18;
	[sflag:s13] =	ssyncadd.s32 $0xFFFFC000  }
0xcf: {  	[tilespmem:s16], [sflag:$0x2] =	stream.indirect.gather [hbm4b:s6+s11], $0x80, s31, s11, $0xb8;
	[tilespmem:$0x1F380] =	vst v63  }
0xd0: {  	v1 =	vld [tilespmem:s18+$0x880];
	_ =	sdelay $0x7  }
0xd1: {  	[tilespmem:v1+s14+$0x0] =	vst.idx.add.f32.msk $0xffff, v0  }
0xd2: {  	v1 =	vld [tilespmem:s18+$0x890];
	_ =	sdelay $0x7  }
0xd3: {  	[tilespmem:v1+s14+$0x0] =	vst.idx.add.f32.msk $0xffff, v0  }
0xd4: {  	v1 =	vld [tilespmem:s18+$0x8A0];
	_ =	sdelay $0x7  }
0xd5: {  	[tilespmem:v1+s14+$0x0] =	vst.idx.add.f32.msk $0xffff, v0  }
0xd6: {  	v1 =	vld [tilespmem:s18+$0x8B0];
	_ =	sdelay $0x7  }
0xd7: {  	[tilespmem:v1+s14+$0x0] =	vst.idx.add.f32.msk $0xffff, v0  }
0xd8: {  	v1 =	vld [tilespmem:s18+$0x8C0];
	_ =	sdelay $0x7  }
0xd9: {  	[tilespmem:v1+s14+$0x0] =	vst.idx.add.f32.msk $0xffff, v0  }
0xda: {  	v1 =	vld [tilespmem:s18+$0x8D0];
	_ =	sdelay $0x7  }
0xdb: {  	[tilespmem:v1+s14+$0x0] =	vst.idx.add.f32.msk $0xffff, v0  }
0xdc: {  	v1 =	vld [tilespmem:s18+$0x8E0];
	_ =	sdelay $0x7  }
0xdd: {  	[tilespmem:v1+s14+$0x0] =	vst.idx.add.f32.msk $0xffff, v0  }
0xde: {  	v1 =	vld [tilespmem:s18+$0x8F0];
	_ =	sdelay $0x2  }
0xdf: {  	p0 =	sne.s32 s17, $0x1800  }
.Ltmp3:
0xe0: {  	_ = 	snop;
	(pc) =	sbr.rel @p0 .LBB2_7-.Ltmp3, $2  }
0xe1: {  	_ =	sdelay $0x2  }
0xe2: {  	s17 =	sadd.s32 $0x400, s17;
	[tilespmem:v1+s14+$0x0] =	vst.idx.add.f32.msk $0xffff, v0  }
0xe3: {  	s10 =	simm.s32 $0x1  }
0xe4: {  	_ =	swait.ge [sflag:s10], $0x4000  }
0xe5: {  	s11 =	simm.s32 $0x80;
	[sflag:s10] =	ssyncset.done $0x0  }
0xe6: {  	s13 =	simm.s32 $0xF00;
	s12 =	simm.s32 $0x1000;
	[sflag:s10] =	ssyncadd.s32 $0xFFFFC000  }
0xe7: {  	[spmem:s4] =	stream.indirect.scatter.add.f32 [tilespmem:s12], [sflag:$0x3], $0x80, s13, s11, $0xb8;
	[tilespmem:$0x1F380] =	vst v63  }
0xe8: {  	s13 =	simm.s32 $0x3  }
0xe9: {  	_ =	swait.ge [sflag:s13], $0x4000  }
0xea: {  	[sflag:s13] =	ssyncset.done $0x0  }
0xeb: {  	[sflag:s13] =	ssyncadd.s32 $0xFFFFC000  }
0xec: {  	v1 =	vld [tilespmem:$0xF00];
	_ =	sdelay $0x6  }
0xed: {  	v0 =	vimm.f32 $1.000000000e+00;
	s14 =	simm.s32 $0x9000  }
0xee: {  	[tilespmem:v1+s14+$0x0] =	vst.idx.add.f32.msk $0xffff, v0  }
0xef: {  	v1 =	vld [tilespmem:$0xF10];
	_ =	sdelay $0x7  }
0xf0: {  	[tilespmem:v1+s14+$0x0] =	vst.idx.add.f32.msk $0xffff, v0  }
0xf1: {  	v1 =	vld [tilespmem:$0xF20];
	_ =	sdelay $0x7  }
0xf2: {  	[tilespmem:v1+s14+$0x0] =	vst.idx.add.f32.msk $0xffff, v0  }
0xf3: {  	v1 =	vld [tilespmem:$0xF30];
	_ =	sdelay $0x7  }
0xf4: {  	[tilespmem:v1+s14+$0x0] =	vst.idx.add.f32.msk $0xffff, v0  }
0xf5: {  	v1 =	vld [tilespmem:$0xF40];
	_ =	sdelay $0x7  }
0xf6: {  	[tilespmem:v1+s14+$0x0] =	vst.idx.add.f32.msk $0xffff, v0  }
0xf7: {  	v1 =	vld [tilespmem:$0xF50];
	_ =	sdelay $0x7  }
0xf8: {  	[tilespmem:v1+s14+$0x0] =	vst.idx.add.f32.msk $0xffff, v0  }
0xf9: {  	v1 =	vld [tilespmem:$0xF60];
	_ =	sdelay $0x7  }
0xfa: {  	[tilespmem:v1+s14+$0x0] =	vst.idx.add.f32.msk $0xffff, v0  }
0xfb: {  	v1 =	vld [tilespmem:$0xF70];
	_ =	sdelay $0x7  }
0xfc: {  	s15 =	simm.s32 $0x2;
	[tilespmem:v1+s14+$0x0] =	vst.idx.add.f32.msk $0xffff, v0  }
0xfd: {  	_ =	swait.ge [sflag:s15], $0x4000  }
0xfe: {  	[sflag:s15] =	ssyncset.done $0x0  }
0xff: {  	s17 =	simm.s32 $0xF80;
	s16 =	simm.s32 $0x5000;
	[sflag:s15] =	ssyncadd.s32 $0xFFFFC000  }
0x100: {  	[spmem:s4] =	stream.indirect.scatter.add.f32 [tilespmem:s16], [sflag:$0x3], $0x80, s17, s11, $0xb8;
	[tilespmem:$0x1F380] =	vst v63  }
0x101: {  	_ =	swait.ge [sflag:s13], $0x4000  }
0x102: {  	[sflag:s13] =	ssyncset.done $0x0  }
0x103: {  	[sflag:s13] =	ssyncadd.s32 $0xFFFFC000  }
0x104: {  	v1 =	vld [tilespmem:$0xF80];
	_ =	sdelay $0x7  }
0x105: {  	[tilespmem:v1+s14+$0x0] =	vst.idx.add.f32.msk $0xffff, v0  }
0x106: {  	v1 =	vld [tilespmem:$0xF90];
	_ =	sdelay $0x7  }
0x107: {  	[tilespmem:v1+s14+$0x0] =	vst.idx.add.f32.msk $0xffff, v0  }
0x108: {  	v1 =	vld [tilespmem:$0xFA0];
	_ =	sdelay $0x7  }
0x109: {  	[tilespmem:v1+s14+$0x0] =	vst.idx.add.f32.msk $0xffff, v0  }
0x10a: {  	v1 =	vld [tilespmem:$0xFB0];
	_ =	sdelay $0x7  }
0x10b: {  	[tilespmem:v1+s14+$0x0] =	vst.idx.add.f32.msk $0xffff, v0  }
0x10c: {  	v1 =	vld [tilespmem:$0xFC0];
	_ =	sdelay $0x7  }
0x10d: {  	[tilespmem:v1+s14+$0x0] =	vst.idx.add.f32.msk $0xffff, v0  }
0x10e: {  	v1 =	vld [tilespmem:$0xFD0];
	_ =	sdelay $0x7  }
0x10f: {  	[tilespmem:v1+s14+$0x0] =	vst.idx.add.f32.msk $0xffff, v0  }
0x110: {  	v1 =	vld [tilespmem:$0xFE0];
	_ =	sdelay $0x7  }
0x111: {  	[tilespmem:v1+s14+$0x0] =	vst.idx.add.f32.msk $0xffff, v0  }
0x112: {  	v1 =	vld [tilespmem:$0xFF0];
	_ =	sdelay $0x6  }
0x113: {  	s18 =	sadd.s32 $0x200, s9  }
0x114: {  	s19 =	sadd.s32 s7, s18;
	s17 =	simm.s32 $0x0;
	[tilespmem:v1+s14+$0x0] =	vst.idx.add.f32.msk $0xffff, v0  }
0x115: {  	[tilespmem:s17], [sflag:$0x3] =	stream.linear.gather [hbm4b:s19+s17], $0x800, $0x38;
	[tilespmem:$0x1F380] =	vst v63  }
0x116: {  	_ =	swait.ge [sflag:s13], $0x800  }
0x117: {  	[sflag:s13] =	ssyncset.done $0x0  }
0x118: {  	s31 =	simm.s32 $0x800;
	s18 =	sadd.s32 s8, s18;
	[sflag:s13] =	ssyncadd.s32 $0xFFFFF800  }
0x119: {  	[tilespmem:s31], [sflag:$0x3] =	stream.linear.gather [hbm4b:s18+s17], $0x800, $0x38;
	[tilespmem:$0x1F380] =	vst v63  }
0x11a: {  	_ =	swait.ge [sflag:s13], $0x800  }
0x11b: {  	[sflag:s13] =	ssyncset.done $0x0  }
0x11c: {  	[sflag:s13] =	ssyncadd.s32 $0xFFFFF800  }
0x11d: {  	[tilespmem:s12], [sflag:$0x1] =	stream.indirect.gather [hbm4b:s6+s11], $0x80, s17, s11, $0xb8;
	[tilespmem:$0x1F380] =	vst v63  }
0x11e: {  	_ = 	snop  }
0x11f: {  	[tilespmem:s16], [sflag:$0x2] =	stream.indirect.gather [hbm4b:s6+s11], $0x80, s11, s11, $0xb8;
	[tilespmem:$0x1F380] =	vst v63  }
.LBB2_9:
0x120: {  	_ =	swait.ge [sflag:s10], $0x4000  }
0x121: {  	s18 =	sshra.s32 s17, $0x2;
	[sflag:s10] =	ssyncset.done $0x0  }
0x122: {  	s19 =	sadd.s32 $0x800, s18;
	[sflag:s10] =	ssyncadd.s32 $0xFFFFC000  }
0x123: {  	[spmem:s4] =	stream.indirect.scatter.add.f32 [tilespmem:s12], [sflag:$0x3], $0x80, s19, s11, $0xb8;
	[tilespmem:$0x1F380] =	vst v63  }
0x124: {  	_ =	swait.ge [sflag:s13], $0x4000  }
0x125: {  	[sflag:s13] =	ssyncset.done $0x0  }
0x126: {  	s29 =	sadd.s32 $0x100, s18;
	[sflag:s13] =	ssyncadd.s32 $0xFFFFC000  }
0x127: {  	[tilespmem:s12], [sflag:$0x1] =	stream.indirect.gather [hbm4b:s6+s11], $0x80, s29, s11, $0xb8;
	[tilespmem:$0x1F380] =	vst v63  }
0x128: {  	v1 =	vld [tilespmem:s18+$0x800];
	_ =	sdelay $0x7  }
0x129: {  	[tilespmem:v1+s14+$0x0] =	vst.idx.add.f32.msk $0xffff, v0  }
0x12a: {  	v1 =	vld [tilespmem:s18+$0x810];
	_ =	sdelay $0x7  }
0x12b: {  	[tilespmem:v1+s14+$0x0] =	vst.idx.add.f32.msk $0xffff, v0  }
0x12c: {  	v1 =	vld [tilespmem:s18+$0x820];
	_ =	sdelay $0x7  }
0x12d: {  	[tilespmem:v1+s14+$0x0] =	vst.idx.add.f32.msk $0xffff, v0  }
0x12e: {  	v1 =	vld [tilespmem:s18+$0x830];
	_ =	sdelay $0x7  }
0x12f: {  	[tilespmem:v1+s14+$0x0] =	vst.idx.add.f32.msk $0xffff, v0  }
0x130: {  	v1 =	vld [tilespmem:s18+$0x840];
	_ =	sdelay $0x7  }
0x131: {  	[tilespmem:v1+s14+$0x0] =	vst.idx.add.f32.msk $0xffff, v0  }
0x132: {  	v1 =	vld [tilespmem:s18+$0x850];
	_ =	sdelay $0x7  }
0x133: {  	[tilespmem:v1+s14+$0x0] =	vst.idx.add.f32.msk $0xffff, v0  }
0x134: {  	v1 =	vld [tilespmem:s18+$0x860];
	_ =	sdelay $0x7  }
0x135: {  	[tilespmem:v1+s14+$0x0] =	vst.idx.add.f32.msk $0xffff, v0  }
0x136: {  	v1 =	vld [tilespmem:s18+$0x870];
	_ =	sdelay $0x7  }
0x137: {  	[tilespmem:v1+s14+$0x0] =	vst.idx.add.f32.msk $0xffff, v0  }
0x138: {  	_ =	swait.ge [sflag:s15], $0x4000  }
0x139: {  	[sflag:s15] =	ssyncset.done $0x0  }
0x13a: {  	s30 =	sadd.s32 $0x880, s18;
	[sflag:s15] =	ssyncadd.s32 $0xFFFFC000  }
0x13b: {  	[spmem:s4] =	stream.indirect.scatter.add.f32 [tilespmem:s16], [sflag:$0x3], $0x80, s30, s11, $0xb8;
	[tilespmem:$0x1F380] =	vst v63  }
0x13c: {  	_ =	swait.ge [sflag:s13], $0x4000  }
0x13d: {  	[sflag:s13] =	ssyncset.done $0x0  }
0x13e: {  	s31 =	sadd.s32 $0x180, s18;
	[sflag:s13] =	ssyncadd.s32 $0xFFFFC000  }
0x13f: {  	[tilespmem:s16], [sflag:$0x2] =	stream.indirect.gather [hbm4b:s6+s11], $0x80, s31, s11, $0xb8;
	[tilespmem:$0x1F380] =	vst v63  }
0x140: {  	v1 =	vld [tilespmem:s18+$0x880];
	_ =	sdelay $0x7  }
0x141: {  	[tilespmem:v1+s14+$0x0] =	vst.idx.add.f32.msk $0xffff, v0  }
0x142: {  	v1 =	vld [tilespmem:s18+$0x890];
	_ =	sdelay $0x7  }
0x143: {  	[tilespmem:v1+s14+$0x0] =	vst.idx.add.f32.msk $0xffff, v0  }
0x144: {  	v1 =	vld [tilespmem:s18+$0x8A0];
	_ =	sdelay $0x7  }
0x145: {  	[tilespmem:v1+s14+$0x0] =	vst.idx.add.f32.msk $0xffff, v0  }
0x146: {  	v1 =	vld [tilespmem:s18+$0x8B0];
	_ =	sdelay $0x7  }
0x147: {  	[tilespmem:v1+s14+$0x0] =	vst.idx.add.f32.msk $0xffff, v0  }
0x148: {  	v1 =	vld [tilespmem:s18+$0x8C0];
	_ =	sdelay $0x7  }
0x149: {  	[tilespmem:v1+s14+$0x0] =	vst.idx.add.f32.msk $0xffff, v0  }
0x14a: {  	v1 =	vld [tilespmem:s18+$0x8D0];
	_ =	sdelay $0x7  }
0x14b: {  	[tilespmem:v1+s14+$0x0] =	vst.idx.add.f32.msk $0xffff, v0  }
0x14c: {  	v1 =	vld [tilespmem:s18+$0x8E0];
	_ =	sdelay $0x7  }
0x14d: {  	[tilespmem:v1+s14+$0x0] =	vst.idx.add.f32.msk $0xffff, v0  }
0x14e: {  	v1 =	vld [tilespmem:s18+$0x8F0];
	_ =	sdelay $0x2  }
0x14f: {  	p0 =	sne.s32 s17, $0x1800  }
.Ltmp4:
0x150: {  	_ = 	snop;
	(pc) =	sbr.rel @p0 .LBB2_9-.Ltmp4, $2  }
0x151: {  	_ =	sdelay $0x2  }
0x152: {  	s17 =	sadd.s32 $0x400, s17;
	[tilespmem:v1+s14+$0x0] =	vst.idx.add.f32.msk $0xffff, v0  }
0x153: {  	s10 =	simm.s32 $0x1  }
0x154: {  	_ =	swait.ge [sflag:s10], $0x4000  }
0x155: {  	s11 =	simm.s32 $0x80;
	[sflag:s10] =	ssyncset.done $0x0  }
0x156: {  	s13 =	simm.s32 $0xF00;
	s12 =	simm.s32 $0x1000;
	[sflag:s10] =	ssyncadd.s32 $0xFFFFC000  }
0x157: {  	[spmem:s4] =	stream.indirect.scatter.add.f32 [tilespmem:s12], [sflag:$0x3], $0x80, s13, s11, $0xb8;
	[tilespmem:$0x1F380] =	vst v63  }
0x158: {  	s13 =	simm.s32 $0x3  }
0x159: {  	_ =	swait.ge [sflag:s13], $0x4000  }
0x15a: {  	[sflag:s13] =	ssyncset.done $0x0  }
0x15b: {  	[sflag:s13] =	ssyncadd.s32 $0xFFFFC000  }
0x15c: {  	v1 =	vld [tilespmem:$0xF00];
	_ =	sdelay $0x6  }
0x15d: {  	v0 =	vimm.f32 $1.000000000e+00;
	s14 =	simm.s32 $0x9000  }
0x15e: {  	[tilespmem:v1+s14+$0x0] =	vst.idx.add.f32.msk $0xffff, v0  }
0x15f: {  	v1 =	vld [tilespmem:$0xF10];
	_ =	sdelay $0x7  }
0x160: {  	[tilespmem:v1+s14+$0x0] =	vst.idx.add.f32.msk $0xffff, v0  }
0x161: {  	v1 =	vld [tilespmem:$0xF20];
	_ =	sdelay $0x7  }
0x162: {  	[tilespmem:v1+s14+$0x0] =	vst.idx.add.f32.msk $0xffff, v0  }
0x163: {  	v1 =	vld [tilespmem:$0xF30];
	_ =	sdelay $0x7  }
0x164: {  	[tilespmem:v1+s14+$0x0] =	vst.idx.add.f32.msk $0xffff, v0  }
0x165: {  	v1 =	vld [tilespmem:$0xF40];
	_ =	sdelay $0x7  }
0x166: {  	[tilespmem:v1+s14+$0x0] =	vst.idx.add.f32.msk $0xffff, v0  }
0x167: {  	v1 =	vld [tilespmem:$0xF50];
	_ =	sdelay $0x7  }
0x168: {  	[tilespmem:v1+s14+$0x0] =	vst.idx.add.f32.msk $0xffff, v0  }
0x169: {  	v1 =	vld [tilespmem:$0xF60];
	_ =	sdelay $0x7  }
0x16a: {  	[tilespmem:v1+s14+$0x0] =	vst.idx.add.f32.msk $0xffff, v0  }
0x16b: {  	v1 =	vld [tilespmem:$0xF70];
	_ =	sdelay $0x7  }
0x16c: {  	s15 =	simm.s32 $0x2;
	[tilespmem:v1+s14+$0x0] =	vst.idx.add.f32.msk $0xffff, v0  }
0x16d: {  	_ =	swait.ge [sflag:s15], $0x4000  }
0x16e: {  	[sflag:s15] =	ssyncset.done $0x0  }
0x16f: {  	s17 =	simm.s32 $0xF80;
	s16 =	simm.s32 $0x5000;
	[sflag:s15] =	ssyncadd.s32 $0xFFFFC000  }
0x170: {  	[spmem:s4] =	stream.indirect.scatter.add.f32 [tilespmem:s16], [sflag:$0x3], $0x80, s17, s11, $0xb8;
	[tilespmem:$0x1F380] =	vst v63  }
0x171: {  	_ =	swait.ge [sflag:s13], $0x4000  }
0x172: {  	[sflag:s13] =	ssyncset.done $0x0  }
0x173: {  	[sflag:s13] =	ssyncadd.s32 $0xFFFFC000  }
0x174: {  	v1 =	vld [tilespmem:$0xF80];
	_ =	sdelay $0x7  }
0x175: {  	[tilespmem:v1+s14+$0x0] =	vst.idx.add.f32.msk $0xffff, v0  }
0x176: {  	v1 =	vld [tilespmem:$0xF90];
	_ =	sdelay $0x7  }
0x177: {  	[tilespmem:v1+s14+$0x0] =	vst.idx.add.f32.msk $0xffff, v0  }
0x178: {  	v1 =	vld [tilespmem:$0xFA0];
	_ =	sdelay $0x7  }
0x179: {  	[tilespmem:v1+s14+$0x0] =	vst.idx.add.f32.msk $0xffff, v0  }
0x17a: {  	v1 =	vld [tilespmem:$0xFB0];
	_ =	sdelay $0x7  }
0x17b: {  	[tilespmem:v1+s14+$0x0] =	vst.idx.add.f32.msk $0xffff, v0  }
0x17c: {  	v1 =	vld [tilespmem:$0xFC0];
	_ =	sdelay $0x7  }
0x17d: {  	[tilespmem:v1+s14+$0x0] =	vst.idx.add.f32.msk $0xffff, v0  }
0x17e: {  	v1 =	vld [tilespmem:$0xFD0];
	_ =	sdelay $0x7  }
0x17f: {  	[tilespmem:v1+s14+$0x0] =	vst.idx.add.f32.msk $0xffff, v0  }
0x180: {  	v1 =	vld [tilespmem:$0xFE0];
	_ =	sdelay $0x7  }
0x181: {  	[tilespmem:v1+s14+$0x0] =	vst.idx.add.f32.msk $0xffff, v0  }
0x182: {  	v1 =	vld [tilespmem:$0xFF0];
	_ =	sdelay $0x6  }
0x183: {  	s18 =	sadd.s32 $0x300, s9  }
0x184: {  	s19 =	sadd.s32 s7, s18;
	s17 =	simm.s32 $0x0;
	[tilespmem:v1+s14+$0x0] =	vst.idx.add.f32.msk $0xffff, v0  }
0x185: {  	[tilespmem:s17], [sflag:$0x3] =	stream.linear.gather [hbm4b:s19+s17], $0x800, $0x38;
	[tilespmem:$0x1F380] =	vst v63  }
0x186: {  	_ =	swait.ge [sflag:s13], $0x800  }
0x187: {  	[sflag:s13] =	ssyncset.done $0x0  }
0x188: {  	s31 =	simm.s32 $0x800;
	s18 =	sadd.s32 s8, s18;
	[sflag:s13] =	ssyncadd.s32 $0xFFFFF800  }
0x189: {  	[tilespmem:s31], [sflag:$0x3] =	stream.linear.gather [hbm4b:s18+s17], $0x800, $0x38;
	[tilespmem:$0x1F380] =	vst v63  }
0x18a: {  	_ =	swait.ge [sflag:s13], $0x800  }
0x18b: {  	[sflag:s13] =	ssyncset.done $0x0  }
0x18c: {  	[sflag:s13] =	ssyncadd.s32 $0xFFFFF800  }
0x18d: {  	[tilespmem:s12], [sflag:$0x1] =	stream.indirect.gather [hbm4b:s6+s11], $0x80, s17, s11, $0xb8;
	[tilespmem:$0x1F380] =	vst v63  }
0x18e: {  	_ = 	snop  }
0x18f: {  	[tilespmem:s16], [sflag:$0x2] =	stream.indirect.gather [hbm4b:s6+s11], $0x80, s11, s11, $0xb8;
	[tilespmem:$0x1F380] =	vst v63  }
.LBB2_11:
0x190: {  	_ =	swait.ge [sflag:s10], $0x4000  }
0x191: {  	s18 =	sshra.s32 s17, $0x2;
	[sflag:s10] =	ssyncset.done $0x0  }
0x192: {  	s19 =	sadd.s32 $0x800, s18;
	[sflag:s10] =	ssyncadd.s32 $0xFFFFC000  }
0x193: {  	[spmem:s4] =	stream.indirect.scatter.add.f32 [tilespmem:s12], [sflag:$0x3], $0x80, s19, s11, $0xb8;
	[tilespmem:$0x1F380] =	vst v63  }
0x194: {  	_ =	swait.ge [sflag:s13], $0x4000  }
0x195: {  	[sflag:s13] =	ssyncset.done $0x0  }
0x196: {  	s29 =	sadd.s32 $0x100, s18;
	[sflag:s13] =	ssyncadd.s32 $0xFFFFC000  }
0x197: {  	[tilespmem:s12], [sflag:$0x1] =	stream.indirect.gather [hbm4b:s6+s11], $0x80, s29, s11, $0xb8;
	[tilespmem:$0x1F380] =	vst v63  }
0x198: {  	v1 =	vld [tilespmem:s18+$0x800];
	_ =	sdelay $0x7  }
0x199: {  	[tilespmem:v1+s14+$0x0] =	vst.idx.add.f32.msk $0xffff, v0  }
0x19a: {  	v1 =	vld [tilespmem:s18+$0x810];
	_ =	sdelay $0x7  }
0x19b: {  	[tilespmem:v1+s14+$0x0] =	vst.idx.add.f32.msk $0xffff, v0  }
0x19c: {  	v1 =	vld [tilespmem:s18+$0x820];
	_ =	sdelay $0x7  }
0x19d: {  	[tilespmem:v1+s14+$0x0] =	vst.idx.add.f32.msk $0xffff, v0  }
0x19e: {  	v1 =	vld [tilespmem:s18+$0x830];
	_ =	sdelay $0x7  }
0x19f: {  	[tilespmem:v1+s14+$0x0] =	vst.idx.add.f32.msk $0xffff, v0  }
0x1a0: {  	v1 =	vld [tilespmem:s18+$0x840];
	_ =	sdelay $0x7  }
0x1a1: {  	[tilespmem:v1+s14+$0x0] =	vst.idx.add.f32.msk $0xffff, v0  }
0x1a2: {  	v1 =	vld [tilespmem:s18+$0x850];
	_ =	sdelay $0x7  }
0x1a3: {  	[tilespmem:v1+s14+$0x0] =	vst.idx.add.f32.msk $0xffff, v0  }
0x1a4: {  	v1 =	vld [tilespmem:s18+$0x860];
	_ =	sdelay $0x7  }
0x1a5: {  	[tilespmem:v1+s14+$0x0] =	vst.idx.add.f32.msk $0xffff, v0  }
0x1a6: {  	v1 =	vld [tilespmem:s18+$0x870];
	_ =	sdelay $0x7  }
0x1a7: {  	[tilespmem:v1+s14+$0x0] =	vst.idx.add.f32.msk $0xffff, v0  }
0x1a8: {  	_ =	swait.ge [sflag:s15], $0x4000  }
0x1a9: {  	[sflag:s15] =	ssyncset.done $0x0  }
0x1aa: {  	s30 =	sadd.s32 $0x880, s18;
	[sflag:s15] =	ssyncadd.s32 $0xFFFFC000  }
0x1ab: {  	[spmem:s4] =	stream.indirect.scatter.add.f32 [tilespmem:s16], [sflag:$0x3], $0x80, s30, s11, $0xb8;
	[tilespmem:$0x1F380] =	vst v63  }
0x1ac: {  	_ =	swait.ge [sflag:s13], $0x4000  }
0x1ad: {  	[sflag:s13] =	ssyncset.done $0x0  }
0x1ae: {  	s31 =	sadd.s32 $0x180, s18;
	[sflag:s13] =	ssyncadd.s32 $0xFFFFC000  }
0x1af: {  	[tilespmem:s16], [sflag:$0x2] =	stream.indirect.gather [hbm4b:s6+s11], $0x80, s31, s11, $0xb8;
	[tilespmem:$0x1F380] =	vst v63  }
0x1b0: {  	v1 =	vld [tilespmem:s18+$0x880];
	_ =	sdelay $0x7  }
0x1b1: {  	[tilespmem:v1+s14+$0x0] =	vst.idx.add.f32.msk $0xffff, v0  }
0x1b2: {  	v1 =	vld [tilespmem:s18+$0x890];
	_ =	sdelay $0x7  }
0x1b3: {  	[tilespmem:v1+s14+$0x0] =	vst.idx.add.f32.msk $0xffff, v0  }
0x1b4: {  	v1 =	vld [tilespmem:s18+$0x8A0];
	_ =	sdelay $0x7  }
0x1b5: {  	[tilespmem:v1+s14+$0x0] =	vst.idx.add.f32.msk $0xffff, v0  }
0x1b6: {  	v1 =	vld [tilespmem:s18+$0x8B0];
	_ =	sdelay $0x7  }
0x1b7: {  	[tilespmem:v1+s14+$0x0] =	vst.idx.add.f32.msk $0xffff, v0  }
0x1b8: {  	v1 =	vld [tilespmem:s18+$0x8C0];
	_ =	sdelay $0x7  }
0x1b9: {  	[tilespmem:v1+s14+$0x0] =	vst.idx.add.f32.msk $0xffff, v0  }
0x1ba: {  	v1 =	vld [tilespmem:s18+$0x8D0];
	_ =	sdelay $0x7  }
0x1bb: {  	[tilespmem:v1+s14+$0x0] =	vst.idx.add.f32.msk $0xffff, v0  }
0x1bc: {  	v1 =	vld [tilespmem:s18+$0x8E0];
	_ =	sdelay $0x7  }
0x1bd: {  	[tilespmem:v1+s14+$0x0] =	vst.idx.add.f32.msk $0xffff, v0  }
0x1be: {  	v1 =	vld [tilespmem:s18+$0x8F0];
	_ =	sdelay $0x2  }
0x1bf: {  	p0 =	sne.s32 s17, $0x1800  }
.Ltmp5:
0x1c0: {  	_ = 	snop;
	(pc) =	sbr.rel @p0 .LBB2_11-.Ltmp5, $2  }
0x1c1: {  	_ =	sdelay $0x2  }
0x1c2: {  	s17 =	sadd.s32 $0x400, s17;
	[tilespmem:v1+s14+$0x0] =	vst.idx.add.f32.msk $0xffff, v0  }
0x1c3: {  	s10 =	simm.s32 $0x1  }
0x1c4: {  	_ =	swait.ge [sflag:s10], $0x4000  }
0x1c5: {  	s11 =	simm.s32 $0x80;
	[sflag:s10] =	ssyncset.done $0x0  }
0x1c6: {  	s13 =	simm.s32 $0xF00;
	s12 =	simm.s32 $0x1000;
	[sflag:s10] =	ssyncadd.s32 $0xFFFFC000  }
0x1c7: {  	[spmem:s4] =	stream.indirect.scatter.add.f32 [tilespmem:s12], [sflag:$0x3], $0x80, s13, s11, $0xb8;
	[tilespmem:$0x1F380] =	vst v63  }
0x1c8: {  	s13 =	simm.s32 $0x3  }
0x1c9: {  	_ =	swait.ge [sflag:s13], $0x4000  }
0x1ca: {  	[sflag:s13] =	ssyncset.done $0x0  }
0x1cb: {  	[sflag:s13] =	ssyncadd.s32 $0xFFFFC000  }
0x1cc: {  	v1 =	vld [tilespmem:$0xF00];
	_ =	sdelay $0x6  }
0x1cd: {  	v0 =	vimm.f32 $1.000000000e+00;
	s14 =	simm.s32 $0x9000  }
0x1ce: {  	[tilespmem:v1+s14+$0x0] =	vst.idx.add.f32.msk $0xffff, v0  }
0x1cf: {  	v1 =	vld [tilespmem:$0xF10];
	_ =	sdelay $0x7  }
0x1d0: {  	[tilespmem:v1+s14+$0x0] =	vst.idx.add.f32.msk $0xffff, v0  }
0x1d1: {  	v1 =	vld [tilespmem:$0xF20];
	_ =	sdelay $0x7  }
0x1d2: {  	[tilespmem:v1+s14+$0x0] =	vst.idx.add.f32.msk $0xffff, v0  }
0x1d3: {  	v1 =	vld [tilespmem:$0xF30];
	_ =	sdelay $0x7  }
0x1d4: {  	[tilespmem:v1+s14+$0x0] =	vst.idx.add.f32.msk $0xffff, v0  }
0x1d5: {  	v1 =	vld [tilespmem:$0xF40];
	_ =	sdelay $0x7  }
0x1d6: {  	[tilespmem:v1+s14+$0x0] =	vst.idx.add.f32.msk $0xffff, v0  }
0x1d7: {  	v1 =	vld [tilespmem:$0xF50];
	_ =	sdelay $0x7  }
0x1d8: {  	[tilespmem:v1+s14+$0x0] =	vst.idx.add.f32.msk $0xffff, v0  }
0x1d9: {  	v1 =	vld [tilespmem:$0xF60];
	_ =	sdelay $0x7  }
0x1da: {  	[tilespmem:v1+s14+$0x0] =	vst.idx.add.f32.msk $0xffff, v0  }
0x1db: {  	v1 =	vld [tilespmem:$0xF70];
	_ =	sdelay $0x7  }
0x1dc: {  	s15 =	simm.s32 $0x2;
	[tilespmem:v1+s14+$0x0] =	vst.idx.add.f32.msk $0xffff, v0  }
0x1dd: {  	_ =	swait.ge [sflag:s15], $0x4000  }
0x1de: {  	[sflag:s15] =	ssyncset.done $0x0  }
0x1df: {  	s17 =	simm.s32 $0xF80;
	s16 =	simm.s32 $0x5000;
	[sflag:s15] =	ssyncadd.s32 $0xFFFFC000  }
0x1e0: {  	[spmem:s4] =	stream.indirect.scatter.add.f32 [tilespmem:s16], [sflag:$0x3], $0x80, s17, s11, $0xb8;
	[tilespmem:$0x1F380] =	vst v63  }
0x1e1: {  	_ =	swait.ge [sflag:s13], $0x4000  }
0x1e2: {  	[sflag:s13] =	ssyncset.done $0x0  }
0x1e3: {  	[sflag:s13] =	ssyncadd.s32 $0xFFFFC000  }
0x1e4: {  	v1 =	vld [tilespmem:$0xF80];
	_ =	sdelay $0x7  }
0x1e5: {  	[tilespmem:v1+s14+$0x0] =	vst.idx.add.f32.msk $0xffff, v0  }
0x1e6: {  	v1 =	vld [tilespmem:$0xF90];
	_ =	sdelay $0x7  }
0x1e7: {  	[tilespmem:v1+s14+$0x0] =	vst.idx.add.f32.msk $0xffff, v0  }
0x1e8: {  	v1 =	vld [tilespmem:$0xFA0];
	_ =	sdelay $0x7  }
0x1e9: {  	[tilespmem:v1+s14+$0x0] =	vst.idx.add.f32.msk $0xffff, v0  }
0x1ea: {  	v1 =	vld [tilespmem:$0xFB0];
	_ =	sdelay $0x7  }
0x1eb: {  	[tilespmem:v1+s14+$0x0] =	vst.idx.add.f32.msk $0xffff, v0  }
0x1ec: {  	v1 =	vld [tilespmem:$0xFC0];
	_ =	sdelay $0x7  }
0x1ed: {  	[tilespmem:v1+s14+$0x0] =	vst.idx.add.f32.msk $0xffff, v0  }
0x1ee: {  	v1 =	vld [tilespmem:$0xFD0];
	_ =	sdelay $0x7  }
0x1ef: {  	[tilespmem:v1+s14+$0x0] =	vst.idx.add.f32.msk $0xffff, v0  }
0x1f0: {  	v1 =	vld [tilespmem:$0xFE0];
	_ =	sdelay $0x7  }
0x1f1: {  	[tilespmem:v1+s14+$0x0] =	vst.idx.add.f32.msk $0xffff, v0  }
0x1f2: {  	v1 =	vld [tilespmem:$0xFF0];
	_ =	sdelay $0x6  }
0x1f3: {  	s18 =	sadd.s32 $0x400, s9  }
0x1f4: {  	s19 =	sadd.s32 s7, s18;
	s17 =	simm.s32 $0x0;
	[tilespmem:v1+s14+$0x0] =	vst.idx.add.f32.msk $0xffff, v0  }
0x1f5: {  	[tilespmem:s17], [sflag:$0x3] =	stream.linear.gather [hbm4b:s19+s17], $0x800, $0x38;
	[tilespmem:$0x1F380] =	vst v63  }
0x1f6: {  	_ =	swait.ge [sflag:s13], $0x800  }
0x1f7: {  	[sflag:s13] =	ssyncset.done $0x0  }
0x1f8: {  	s31 =	simm.s32 $0x800;
	s18 =	sadd.s32 s8, s18;
	[sflag:s13] =	ssyncadd.s32 $0xFFFFF800  }
0x1f9: {  	[tilespmem:s31], [sflag:$0x3] =	stream.linear.gather [hbm4b:s18+s17], $0x800, $0x38;
	[tilespmem:$0x1F380] =	vst v63  }
0x1fa: {  	_ =	swait.ge [sflag:s13], $0x800  }
0x1fb: {  	[sflag:s13] =	ssyncset.done $0x0  }
0x1fc: {  	[sflag:s13] =	ssyncadd.s32 $0xFFFFF800  }
0x1fd: {  	[tilespmem:s12], [sflag:$0x1] =	stream.indirect.gather [hbm4b:s6+s11], $0x80, s17, s11, $0xb8;
	[tilespmem:$0x1F380] =	vst v63  }
0x1fe: {  	_ = 	snop  }
0x1ff: {  	[tilespmem:s16], [sflag:$0x2] =	stream.indirect.gather [hbm4b:s6+s11], $0x80, s11, s11, $0xb8;
	[tilespmem:$0x1F380] =	vst v63  }
.LBB2_13:
0x200: {  	_ =	swait.ge [sflag:s10], $0x4000  }
0x201: {  	s18 =	sshra.s32 s17, $0x2;
	[sflag:s10] =	ssyncset.done $0x0  }
0x202: {  	s19 =	sadd.s32 $0x800, s18;
	[sflag:s10] =	ssyncadd.s32 $0xFFFFC000  }
0x203: {  	[spmem:s4] =	stream.indirect.scatter.add.f32 [tilespmem:s12], [sflag:$0x3], $0x80, s19, s11, $0xb8;
	[tilespmem:$0x1F380] =	vst v63  }
0x204: {  	_ =	swait.ge [sflag:s13], $0x4000  }
0x205: {  	[sflag:s13] =	ssyncset.done $0x0  }
0x206: {  	s29 =	sadd.s32 $0x100, s18;
	[sflag:s13] =	ssyncadd.s32 $0xFFFFC000  }
0x207: {  	[tilespmem:s12], [sflag:$0x1] =	stream.indirect.gather [hbm4b:s6+s11], $0x80, s29, s11, $0xb8;
	[tilespmem:$0x1F380] =	vst v63  }
0x208: {  	v1 =	vld [tilespmem:s18+$0x800];
	_ =	sdelay $0x7  }
0x209: {  	[tilespmem:v1+s14+$0x0] =	vst.idx.add.f32.msk $0xffff, v0  }
0x20a: {  	v1 =	vld [tilespmem:s18+$0x810];
	_ =	sdelay $0x7  }
0x20b: {  	[tilespmem:v1+s14+$0x0] =	vst.idx.add.f32.msk $0xffff, v0  }
0x20c: {  	v1 =	vld [tilespmem:s18+$0x820];
	_ =	sdelay $0x7  }
0x20d: {  	[tilespmem:v1+s14+$0x0] =	vst.idx.add.f32.msk $0xffff, v0  }
0x20e: {  	v1 =	vld [tilespmem:s18+$0x830];
	_ =	sdelay $0x7  }
0x20f: {  	[tilespmem:v1+s14+$0x0] =	vst.idx.add.f32.msk $0xffff, v0  }
0x210: {  	v1 =	vld [tilespmem:s18+$0x840];
	_ =	sdelay $0x7  }
0x211: {  	[tilespmem:v1+s14+$0x0] =	vst.idx.add.f32.msk $0xffff, v0  }
0x212: {  	v1 =	vld [tilespmem:s18+$0x850];
	_ =	sdelay $0x7  }
0x213: {  	[tilespmem:v1+s14+$0x0] =	vst.idx.add.f32.msk $0xffff, v0  }
0x214: {  	v1 =	vld [tilespmem:s18+$0x860];
	_ =	sdelay $0x7  }
0x215: {  	[tilespmem:v1+s14+$0x0] =	vst.idx.add.f32.msk $0xffff, v0  }
0x216: {  	v1 =	vld [tilespmem:s18+$0x870];
	_ =	sdelay $0x7  }
0x217: {  	[tilespmem:v1+s14+$0x0] =	vst.idx.add.f32.msk $0xffff, v0  }
0x218: {  	_ =	swait.ge [sflag:s15], $0x4000  }
0x219: {  	[sflag:s15] =	ssyncset.done $0x0  }
0x21a: {  	s30 =	sadd.s32 $0x880, s18;
	[sflag:s15] =	ssyncadd.s32 $0xFFFFC000  }
0x21b: {  	[spmem:s4] =	stream.indirect.scatter.add.f32 [tilespmem:s16], [sflag:$0x3], $0x80, s30, s11, $0xb8;
	[tilespmem:$0x1F380] =	vst v63  }
0x21c: {  	_ =	swait.ge [sflag:s13], $0x4000  }
0x21d: {  	[sflag:s13] =	ssyncset.done $0x0  }
0x21e: {  	s31 =	sadd.s32 $0x180, s18;
	[sflag:s13] =	ssyncadd.s32 $0xFFFFC000  }
0x21f: {  	[tilespmem:s16], [sflag:$0x2] =	stream.indirect.gather [hbm4b:s6+s11], $0x80, s31, s11, $0xb8;
	[tilespmem:$0x1F380] =	vst v63  }
0x220: {  	v1 =	vld [tilespmem:s18+$0x880];
	_ =	sdelay $0x7  }
0x221: {  	[tilespmem:v1+s14+$0x0] =	vst.idx.add.f32.msk $0xffff, v0  }
0x222: {  	v1 =	vld [tilespmem:s18+$0x890];
	_ =	sdelay $0x7  }
0x223: {  	[tilespmem:v1+s14+$0x0] =	vst.idx.add.f32.msk $0xffff, v0  }
0x224: {  	v1 =	vld [tilespmem:s18+$0x8A0];
	_ =	sdelay $0x7  }
0x225: {  	[tilespmem:v1+s14+$0x0] =	vst.idx.add.f32.msk $0xffff, v0  }
0x226: {  	v1 =	vld [tilespmem:s18+$0x8B0];
	_ =	sdelay $0x7  }
0x227: {  	[tilespmem:v1+s14+$0x0] =	vst.idx.add.f32.msk $0xffff, v0  }
0x228: {  	v1 =	vld [tilespmem:s18+$0x8C0];
	_ =	sdelay $0x7  }
0x229: {  	[tilespmem:v1+s14+$0x0] =	vst.idx.add.f32.msk $0xffff, v0  }
0x22a: {  	v1 =	vld [tilespmem:s18+$0x8D0];
	_ =	sdelay $0x7  }
0x22b: {  	[tilespmem:v1+s14+$0x0] =	vst.idx.add.f32.msk $0xffff, v0  }
0x22c: {  	v1 =	vld [tilespmem:s18+$0x8E0];
	_ =	sdelay $0x7  }
0x22d: {  	[tilespmem:v1+s14+$0x0] =	vst.idx.add.f32.msk $0xffff, v0  }
0x22e: {  	v1 =	vld [tilespmem:s18+$0x8F0];
	_ =	sdelay $0x2  }
0x22f: {  	p0 =	sne.s32 s17, $0x1800  }
.Ltmp6:
0x230: {  	_ = 	snop;
	(pc) =	sbr.rel @p0 .LBB2_13-.Ltmp6, $2  }
0x231: {  	_ =	sdelay $0x2  }
0x232: {  	s17 =	sadd.s32 $0x400, s17;
	[tilespmem:v1+s14+$0x0] =	vst.idx.add.f32.msk $0xffff, v0  }
0x233: {  	s10 =	simm.s32 $0x1  }
0x234: {  	_ =	swait.ge [sflag:s10], $0x4000  }
0x235: {  	s11 =	simm.s32 $0x80;
	[sflag:s10] =	ssyncset.done $0x0  }
0x236: {  	s13 =	simm.s32 $0xF00;
	s12 =	simm.s32 $0x1000;
	[sflag:s10] =	ssyncadd.s32 $0xFFFFC000  }
0x237: {  	[spmem:s4] =	stream.indirect.scatter.add.f32 [tilespmem:s12], [sflag:$0x3], $0x80, s13, s11, $0xb8;
	[tilespmem:$0x1F380] =	vst v63  }
0x238: {  	s13 =	simm.s32 $0x3  }
0x239: {  	_ =	swait.ge [sflag:s13], $0x4000  }
0x23a: {  	[sflag:s13] =	ssyncset.done $0x0  }
0x23b: {  	[sflag:s13] =	ssyncadd.s32 $0xFFFFC000  }
0x23c: {  	v1 =	vld [tilespmem:$0xF00];
	_ =	sdelay $0x6  }
0x23d: {  	v0 =	vimm.f32 $1.000000000e+00;
	s14 =	simm.s32 $0x9000  }
0x23e: {  	[tilespmem:v1+s14+$0x0] =	vst.idx.add.f32.msk $0xffff, v0  }
0x23f: {  	v1 =	vld [tilespmem:$0xF10];
	_ =	sdelay $0x7  }
0x240: {  	[tilespmem:v1+s14+$0x0] =	vst.idx.add.f32.msk $0xffff, v0  }
0x241: {  	v1 =	vld [tilespmem:$0xF20];
	_ =	sdelay $0x7  }
0x242: {  	[tilespmem:v1+s14+$0x0] =	vst.idx.add.f32.msk $0xffff, v0  }
0x243: {  	v1 =	vld [tilespmem:$0xF30];
	_ =	sdelay $0x7  }
0x244: {  	[tilespmem:v1+s14+$0x0] =	vst.idx.add.f32.msk $0xffff, v0  }
0x245: {  	v1 =	vld [tilespmem:$0xF40];
	_ =	sdelay $0x7  }
0x246: {  	[tilespmem:v1+s14+$0x0] =	vst.idx.add.f32.msk $0xffff, v0  }
0x247: {  	v1 =	vld [tilespmem:$0xF50];
	_ =	sdelay $0x7  }
0x248: {  	[tilespmem:v1+s14+$0x0] =	vst.idx.add.f32.msk $0xffff, v0  }
0x249: {  	v1 =	vld [tilespmem:$0xF60];
	_ =	sdelay $0x7  }
0x24a: {  	[tilespmem:v1+s14+$0x0] =	vst.idx.add.f32.msk $0xffff, v0  }
0x24b: {  	v1 =	vld [tilespmem:$0xF70];
	_ =	sdelay $0x7  }
0x24c: {  	s15 =	simm.s32 $0x2;
	[tilespmem:v1+s14+$0x0] =	vst.idx.add.f32.msk $0xffff, v0  }
0x24d: {  	_ =	swait.ge [sflag:s15], $0x4000  }
0x24e: {  	[sflag:s15] =	ssyncset.done $0x0  }
0x24f: {  	s17 =	simm.s32 $0xF80;
	s16 =	simm.s32 $0x5000;
	[sflag:s15] =	ssyncadd.s32 $0xFFFFC000  }
0x250: {  	[spmem:s4] =	stream.indirect.scatter.add.f32 [tilespmem:s16], [sflag:$0x3], $0x80, s17, s11, $0xb8;
	[tilespmem:$0x1F380] =	vst v63  }
0x251: {  	_ =	swait.ge [sflag:s13], $0x4000  }
0x252: {  	[sflag:s13] =	ssyncset.done $0x0  }
0x253: {  	[sflag:s13] =	ssyncadd.s32 $0xFFFFC000  }
0x254: {  	v1 =	vld [tilespmem:$0xF80];
	_ =	sdelay $0x7  }
0x255: {  	[tilespmem:v1+s14+$0x0] =	vst.idx.add.f32.msk $0xffff, v0  }
0x256: {  	v1 =	vld [tilespmem:$0xF90];
	_ =	sdelay $0x7  }
0x257: {  	[tilespmem:v1+s14+$0x0] =	vst.idx.add.f32.msk $0xffff, v0  }
0x258: {  	v1 =	vld [tilespmem:$0xFA0];
	_ =	sdelay $0x7  }
0x259: {  	[tilespmem:v1+s14+$0x0] =	vst.idx.add.f32.msk $0xffff, v0  }
0x25a: {  	v1 =	vld [tilespmem:$0xFB0];
	_ =	sdelay $0x7  }
0x25b: {  	[tilespmem:v1+s14+$0x0] =	vst.idx.add.f32.msk $0xffff, v0  }
0x25c: {  	v1 =	vld [tilespmem:$0xFC0];
	_ =	sdelay $0x7  }
0x25d: {  	[tilespmem:v1+s14+$0x0] =	vst.idx.add.f32.msk $0xffff, v0  }
0x25e: {  	v1 =	vld [tilespmem:$0xFD0];
	_ =	sdelay $0x7  }
0x25f: {  	[tilespmem:v1+s14+$0x0] =	vst.idx.add.f32.msk $0xffff, v0  }
0x260: {  	v1 =	vld [tilespmem:$0xFE0];
	_ =	sdelay $0x7  }
0x261: {  	[tilespmem:v1+s14+$0x0] =	vst.idx.add.f32.msk $0xffff, v0  }
0x262: {  	v1 =	vld [tilespmem:$0xFF0];
	_ =	sdelay $0x6  }
0x263: {  	s18 =	sadd.s32 $0x500, s9  }
0x264: {  	s19 =	sadd.s32 s7, s18;
	s17 =	simm.s32 $0x0;
	[tilespmem:v1+s14+$0x0] =	vst.idx.add.f32.msk $0xffff, v0  }
0x265: {  	[tilespmem:s17], [sflag:$0x3] =	stream.linear.gather [hbm4b:s19+s17], $0x800, $0x38;
	[tilespmem:$0x1F380] =	vst v63  }
0x266: {  	_ =	swait.ge [sflag:s13], $0x800  }
0x267: {  	[sflag:s13] =	ssyncset.done $0x0  }
0x268: {  	s31 =	simm.s32 $0x800;
	s18 =	sadd.s32 s8, s18;
	[sflag:s13] =	ssyncadd.s32 $0xFFFFF800  }
0x269: {  	[tilespmem:s31], [sflag:$0x3] =	stream.linear.gather [hbm4b:s18+s17], $0x800, $0x38;
	[tilespmem:$0x1F380] =	vst v63  }
0x26a: {  	_ =	swait.ge [sflag:s13], $0x800  }
0x26b: {  	[sflag:s13] =	ssyncset.done $0x0  }
0x26c: {  	[sflag:s13] =	ssyncadd.s32 $0xFFFFF800  }
0x26d: {  	[tilespmem:s12], [sflag:$0x1] =	stream.indirect.gather [hbm4b:s6+s11], $0x80, s17, s11, $0xb8;
	[tilespmem:$0x1F380] =	vst v63  }
0x26e: {  	_ = 	snop  }
0x26f: {  	[tilespmem:s16], [sflag:$0x2] =	stream.indirect.gather [hbm4b:s6+s11], $0x80, s11, s11, $0xb8;
	[tilespmem:$0x1F380] =	vst v63  }
.LBB2_15:
0x270: {  	_ =	swait.ge [sflag:s10], $0x4000  }
0x271: {  	s18 =	sshra.s32 s17, $0x2;
	[sflag:s10] =	ssyncset.done $0x0  }
0x272: {  	s19 =	sadd.s32 $0x800, s18;
	[sflag:s10] =	ssyncadd.s32 $0xFFFFC000  }
0x273: {  	[spmem:s4] =	stream.indirect.scatter.add.f32 [tilespmem:s12], [sflag:$0x3], $0x80, s19, s11, $0xb8;
	[tilespmem:$0x1F380] =	vst v63  }
0x274: {  	_ =	swait.ge [sflag:s13], $0x4000  }
0x275: {  	[sflag:s13] =	ssyncset.done $0x0  }
0x276: {  	s29 =	sadd.s32 $0x100, s18;
	[sflag:s13] =	ssyncadd.s32 $0xFFFFC000  }
0x277: {  	[tilespmem:s12], [sflag:$0x1] =	stream.indirect.gather [hbm4b:s6+s11], $0x80, s29, s11, $0xb8;
	[tilespmem:$0x1F380] =	vst v63  }
0x278: {  	v1 =	vld [tilespmem:s18+$0x800];
	_ =	sdelay $0x7  }
0x279: {  	[tilespmem:v1+s14+$0x0] =	vst.idx.add.f32.msk $0xffff, v0  }
0x27a: {  	v1 =	vld [tilespmem:s18+$0x810];
	_ =	sdelay $0x7  }
0x27b: {  	[tilespmem:v1+s14+$0x0] =	vst.idx.add.f32.msk $0xffff, v0  }
0x27c: {  	v1 =	vld [tilespmem:s18+$0x820];
	_ =	sdelay $0x7  }
0x27d: {  	[tilespmem:v1+s14+$0x0] =	vst.idx.add.f32.msk $0xffff, v0  }
0x27e: {  	v1 =	vld [tilespmem:s18+$0x830];
	_ =	sdelay $0x7  }
0x27f: {  	[tilespmem:v1+s14+$0x0] =	vst.idx.add.f32.msk $0xffff, v0  }
0x280: {  	v1 =	vld [tilespmem:s18+$0x840];
	_ =	sdelay $0x7  }
0x281: {  	[tilespmem:v1+s14+$0x0] =	vst.idx.add.f32.msk $0xffff, v0  }
0x282: {  	v1 =	vld [tilespmem:s18+$0x850];
	_ =	sdelay $0x7  }
0x283: {  	[tilespmem:v1+s14+$0x0] =	vst.idx.add.f32.msk $0xffff, v0  }
0x284: {  	v1 =	vld [tilespmem:s18+$0x860];
	_ =	sdelay $0x7  }
0x285: {  	[tilespmem:v1+s14+$0x0] =	vst.idx.add.f32.msk $0xffff, v0  }
0x286: {  	v1 =	vld [tilespmem:s18+$0x870];
	_ =	sdelay $0x7  }
0x287: {  	[tilespmem:v1+s14+$0x0] =	vst.idx.add.f32.msk $0xffff, v0  }
0x288: {  	_ =	swait.ge [sflag:s15], $0x4000  }
0x289: {  	[sflag:s15] =	ssyncset.done $0x0  }
0x28a: {  	s30 =	sadd.s32 $0x880, s18;
	[sflag:s15] =	ssyncadd.s32 $0xFFFFC000  }
0x28b: {  	[spmem:s4] =	stream.indirect.scatter.add.f32 [tilespmem:s16], [sflag:$0x3], $0x80, s30, s11, $0xb8;
	[tilespmem:$0x1F380] =	vst v63  }
0x28c: {  	_ =	swait.ge [sflag:s13], $0x4000  }
0x28d: {  	[sflag:s13] =	ssyncset.done $0x0  }
0x28e: {  	s31 =	sadd.s32 $0x180, s18;
	[sflag:s13] =	ssyncadd.s32 $0xFFFFC000  }
0x28f: {  	[tilespmem:s16], [sflag:$0x2] =	stream.indirect.gather [hbm4b:s6+s11], $0x80, s31, s11, $0xb8;
	[tilespmem:$0x1F380] =	vst v63  }
0x290: {  	v1 =	vld [tilespmem:s18+$0x880];
	_ =	sdelay $0x7  }
0x291: {  	[tilespmem:v1+s14+$0x0] =	vst.idx.add.f32.msk $0xffff, v0  }
0x292: {  	v1 =	vld [tilespmem:s18+$0x890];
	_ =	sdelay $0x7  }
0x293: {  	[tilespmem:v1+s14+$0x0] =	vst.idx.add.f32.msk $0xffff, v0  }
0x294: {  	v1 =	vld [tilespmem:s18+$0x8A0];
	_ =	sdelay $0x7  }
0x295: {  	[tilespmem:v1+s14+$0x0] =	vst.idx.add.f32.msk $0xffff, v0  }
0x296: {  	v1 =	vld [tilespmem:s18+$0x8B0];
	_ =	sdelay $0x7  }
0x297: {  	[tilespmem:v1+s14+$0x0] =	vst.idx.add.f32.msk $0xffff, v0  }
0x298: {  	v1 =	vld [tilespmem:s18+$0x8C0];
	_ =	sdelay $0x7  }
0x299: {  	[tilespmem:v1+s14+$0x0] =	vst.idx.add.f32.msk $0xffff, v0  }
0x29a: {  	v1 =	vld [tilespmem:s18+$0x8D0];
	_ =	sdelay $0x7  }
0x29b: {  	[tilespmem:v1+s14+$0x0] =	vst.idx.add.f32.msk $0xffff, v0  }
0x29c: {  	v1 =	vld [tilespmem:s18+$0x8E0];
	_ =	sdelay $0x7  }
0x29d: {  	[tilespmem:v1+s14+$0x0] =	vst.idx.add.f32.msk $0xffff, v0  }
0x29e: {  	v1 =	vld [tilespmem:s18+$0x8F0];
	_ =	sdelay $0x2  }
0x29f: {  	p0 =	sne.s32 s17, $0x1800  }
.Ltmp7:
0x2a0: {  	_ = 	snop;
	(pc) =	sbr.rel @p0 .LBB2_15-.Ltmp7, $2  }
0x2a1: {  	_ =	sdelay $0x2  }
0x2a2: {  	s17 =	sadd.s32 $0x400, s17;
	[tilespmem:v1+s14+$0x0] =	vst.idx.add.f32.msk $0xffff, v0  }
0x2a3: {  	s10 =	simm.s32 $0x1  }
0x2a4: {  	_ =	swait.ge [sflag:s10], $0x4000  }
0x2a5: {  	s11 =	simm.s32 $0x80;
	[sflag:s10] =	ssyncset.done $0x0  }
0x2a6: {  	s13 =	simm.s32 $0xF00;
	s12 =	simm.s32 $0x1000;
	[sflag:s10] =	ssyncadd.s32 $0xFFFFC000  }
0x2a7: {  	[spmem:s4] =	stream.indirect.scatter.add.f32 [tilespmem:s12], [sflag:$0x3], $0x80, s13, s11, $0xb8;
	[tilespmem:$0x1F380] =	vst v63  }
0x2a8: {  	s13 =	simm.s32 $0x3  }
0x2a9: {  	_ =	swait.ge [sflag:s13], $0x4000  }
0x2aa: {  	[sflag:s13] =	ssyncset.done $0x0  }
0x2ab: {  	[sflag:s13] =	ssyncadd.s32 $0xFFFFC000  }
0x2ac: {  	v1 =	vld [tilespmem:$0xF00];
	_ =	sdelay $0x6  }
0x2ad: {  	v0 =	vimm.f32 $1.000000000e+00;
	s14 =	simm.s32 $0x9000  }
0x2ae: {  	[tilespmem:v1+s14+$0x0] =	vst.idx.add.f32.msk $0xffff, v0  }
0x2af: {  	v1 =	vld [tilespmem:$0xF10];
	_ =	sdelay $0x7  }
0x2b0: {  	[tilespmem:v1+s14+$0x0] =	vst.idx.add.f32.msk $0xffff, v0  }
0x2b1: {  	v1 =	vld [tilespmem:$0xF20];
	_ =	sdelay $0x7  }
0x2b2: {  	[tilespmem:v1+s14+$0x0] =	vst.idx.add.f32.msk $0xffff, v0  }
0x2b3: {  	v1 =	vld [tilespmem:$0xF30];
	_ =	sdelay $0x7  }
0x2b4: {  	[tilespmem:v1+s14+$0x0] =	vst.idx.add.f32.msk $0xffff, v0  }
0x2b5: {  	v1 =	vld [tilespmem:$0xF40];
	_ =	sdelay $0x7  }
0x2b6: {  	[tilespmem:v1+s14+$0x0] =	vst.idx.add.f32.msk $0xffff, v0  }
0x2b7: {  	v1 =	vld [tilespmem:$0xF50];
	_ =	sdelay $0x7  }
0x2b8: {  	[tilespmem:v1+s14+$0x0] =	vst.idx.add.f32.msk $0xffff, v0  }
0x2b9: {  	v1 =	vld [tilespmem:$0xF60];
	_ =	sdelay $0x7  }
0x2ba: {  	[tilespmem:v1+s14+$0x0] =	vst.idx.add.f32.msk $0xffff, v0  }
0x2bb: {  	v1 =	vld [tilespmem:$0xF70];
	_ =	sdelay $0x7  }
0x2bc: {  	s15 =	simm.s32 $0x2;
	[tilespmem:v1+s14+$0x0] =	vst.idx.add.f32.msk $0xffff, v0  }
0x2bd: {  	_ =	swait.ge [sflag:s15], $0x4000  }
0x2be: {  	[sflag:s15] =	ssyncset.done $0x0  }
0x2bf: {  	s17 =	simm.s32 $0xF80;
	s16 =	simm.s32 $0x5000;
	[sflag:s15] =	ssyncadd.s32 $0xFFFFC000  }
0x2c0: {  	[spmem:s4] =	stream.indirect.scatter.add.f32 [tilespmem:s16], [sflag:$0x3], $0x80, s17, s11, $0xb8;
	[tilespmem:$0x1F380] =	vst v63  }
0x2c1: {  	_ =	swait.ge [sflag:s13], $0x4000  }
0x2c2: {  	[sflag:s13] =	ssyncset.done $0x0  }
0x2c3: {  	[sflag:s13] =	ssyncadd.s32 $0xFFFFC000  }
0x2c4: {  	v1 =	vld [tilespmem:$0xF80];
	_ =	sdelay $0x7  }
0x2c5: {  	[tilespmem:v1+s14+$0x0] =	vst.idx.add.f32.msk $0xffff, v0  }
0x2c6: {  	v1 =	vld [tilespmem:$0xF90];
	_ =	sdelay $0x7  }
0x2c7: {  	[tilespmem:v1+s14+$0x0] =	vst.idx.add.f32.msk $0xffff, v0  }
0x2c8: {  	v1 =	vld [tilespmem:$0xFA0];
	_ =	sdelay $0x7  }
0x2c9: {  	[tilespmem:v1+s14+$0x0] =	vst.idx.add.f32.msk $0xffff, v0  }
0x2ca: {  	v1 =	vld [tilespmem:$0xFB0];
	_ =	sdelay $0x7  }
0x2cb: {  	[tilespmem:v1+s14+$0x0] =	vst.idx.add.f32.msk $0xffff, v0  }
0x2cc: {  	v1 =	vld [tilespmem:$0xFC0];
	_ =	sdelay $0x7  }
0x2cd: {  	[tilespmem:v1+s14+$0x0] =	vst.idx.add.f32.msk $0xffff, v0  }
0x2ce: {  	v1 =	vld [tilespmem:$0xFD0];
	_ =	sdelay $0x7  }
0x2cf: {  	[tilespmem:v1+s14+$0x0] =	vst.idx.add.f32.msk $0xffff, v0  }
0x2d0: {  	v1 =	vld [tilespmem:$0xFE0];
	_ =	sdelay $0x7  }
0x2d1: {  	[tilespmem:v1+s14+$0x0] =	vst.idx.add.f32.msk $0xffff, v0  }
0x2d2: {  	v1 =	vld [tilespmem:$0xFF0];
	_ =	sdelay $0x6  }
0x2d3: {  	s18 =	sadd.s32 $0x600, s9  }
0x2d4: {  	s19 =	sadd.s32 s7, s18;
	s17 =	simm.s32 $0x0;
	[tilespmem:v1+s14+$0x0] =	vst.idx.add.f32.msk $0xffff, v0  }
0x2d5: {  	[tilespmem:s17], [sflag:$0x3] =	stream.linear.gather [hbm4b:s19+s17], $0x800, $0x38;
	[tilespmem:$0x1F380] =	vst v63  }
0x2d6: {  	_ =	swait.ge [sflag:s13], $0x800  }
0x2d7: {  	[sflag:s13] =	ssyncset.done $0x0  }
0x2d8: {  	s31 =	simm.s32 $0x800;
	s18 =	sadd.s32 s8, s18;
	[sflag:s13] =	ssyncadd.s32 $0xFFFFF800  }
0x2d9: {  	[tilespmem:s31], [sflag:$0x3] =	stream.linear.gather [hbm4b:s18+s17], $0x800, $0x38;
	[tilespmem:$0x1F380] =	vst v63  }
0x2da: {  	_ =	swait.ge [sflag:s13], $0x800  }
0x2db: {  	[sflag:s13] =	ssyncset.done $0x0  }
0x2dc: {  	[sflag:s13] =	ssyncadd.s32 $0xFFFFF800  }
0x2dd: {  	[tilespmem:s12], [sflag:$0x1] =	stream.indirect.gather [hbm4b:s6+s11], $0x80, s17, s11, $0xb8;
	[tilespmem:$0x1F380] =	vst v63  }
0x2de: {  	_ = 	snop  }
0x2df: {  	[tilespmem:s16], [sflag:$0x2] =	stream.indirect.gather [hbm4b:s6+s11], $0x80, s11, s11, $0xb8;
	[tilespmem:$0x1F380] =	vst v63  }
.LBB2_17:
0x2e0: {  	_ =	swait.ge [sflag:s10], $0x4000  }
0x2e1: {  	s18 =	sshra.s32 s17, $0x2;
	[sflag:s10] =	ssyncset.done $0x0  }
0x2e2: {  	s19 =	sadd.s32 $0x800, s18;
	[sflag:s10] =	ssyncadd.s32 $0xFFFFC000  }
0x2e3: {  	[spmem:s4] =	stream.indirect.scatter.add.f32 [tilespmem:s12], [sflag:$0x3], $0x80, s19, s11, $0xb8;
	[tilespmem:$0x1F380] =	vst v63  }
0x2e4: {  	_ =	swait.ge [sflag:s13], $0x4000  }
0x2e5: {  	[sflag:s13] =	ssyncset.done $0x0  }
0x2e6: {  	s29 =	sadd.s32 $0x100, s18;
	[sflag:s13] =	ssyncadd.s32 $0xFFFFC000  }
0x2e7: {  	[tilespmem:s12], [sflag:$0x1] =	stream.indirect.gather [hbm4b:s6+s11], $0x80, s29, s11, $0xb8;
	[tilespmem:$0x1F380] =	vst v63  }
0x2e8: {  	v1 =	vld [tilespmem:s18+$0x800];
	_ =	sdelay $0x7  }
0x2e9: {  	[tilespmem:v1+s14+$0x0] =	vst.idx.add.f32.msk $0xffff, v0  }
0x2ea: {  	v1 =	vld [tilespmem:s18+$0x810];
	_ =	sdelay $0x7  }
0x2eb: {  	[tilespmem:v1+s14+$0x0] =	vst.idx.add.f32.msk $0xffff, v0  }
0x2ec: {  	v1 =	vld [tilespmem:s18+$0x820];
	_ =	sdelay $0x7  }
0x2ed: {  	[tilespmem:v1+s14+$0x0] =	vst.idx.add.f32.msk $0xffff, v0  }
0x2ee: {  	v1 =	vld [tilespmem:s18+$0x830];
	_ =	sdelay $0x7  }
0x2ef: {  	[tilespmem:v1+s14+$0x0] =	vst.idx.add.f32.msk $0xffff, v0  }
0x2f0: {  	v1 =	vld [tilespmem:s18+$0x840];
	_ =	sdelay $0x7  }
0x2f1: {  	[tilespmem:v1+s14+$0x0] =	vst.idx.add.f32.msk $0xffff, v0  }
0x2f2: {  	v1 =	vld [tilespmem:s18+$0x850];
	_ =	sdelay $0x7  }
0x2f3: {  	[tilespmem:v1+s14+$0x0] =	vst.idx.add.f32.msk $0xffff, v0  }
0x2f4: {  	v1 =	vld [tilespmem:s18+$0x860];
	_ =	sdelay $0x7  }
0x2f5: {  	[tilespmem:v1+s14+$0x0] =	vst.idx.add.f32.msk $0xffff, v0  }
0x2f6: {  	v1 =	vld [tilespmem:s18+$0x870];
	_ =	sdelay $0x7  }
0x2f7: {  	[tilespmem:v1+s14+$0x0] =	vst.idx.add.f32.msk $0xffff, v0  }
0x2f8: {  	_ =	swait.ge [sflag:s15], $0x4000  }
0x2f9: {  	[sflag:s15] =	ssyncset.done $0x0  }
0x2fa: {  	s30 =	sadd.s32 $0x880, s18;
	[sflag:s15] =	ssyncadd.s32 $0xFFFFC000  }
0x2fb: {  	[spmem:s4] =	stream.indirect.scatter.add.f32 [tilespmem:s16], [sflag:$0x3], $0x80, s30, s11, $0xb8;
	[tilespmem:$0x1F380] =	vst v63  }
0x2fc: {  	_ =	swait.ge [sflag:s13], $0x4000  }
0x2fd: {  	[sflag:s13] =	ssyncset.done $0x0  }
0x2fe: {  	s31 =	sadd.s32 $0x180, s18;
	[sflag:s13] =	ssyncadd.s32 $0xFFFFC000  }
0x2ff: {  	[tilespmem:s16], [sflag:$0x2] =	stream.indirect.gather [hbm4b:s6+s11], $0x80, s31, s11, $0xb8;
	[tilespmem:$0x1F380] =	vst v63  }
0x300: {  	v1 =	vld [tilespmem:s18+$0x880];
	_ =	sdelay $0x7  }
0x301: {  	[tilespmem:v1+s14+$0x0] =	vst.idx.add.f32.msk $0xffff, v0  }
0x302: {  	v1 =	vld [tilespmem:s18+$0x890];
	_ =	sdelay $0x7  }
0x303: {  	[tilespmem:v1+s14+$0x0] =	vst.idx.add.f32.msk $0xffff, v0  }
0x304: {  	v1 =	vld [tilespmem:s18+$0x8A0];
	_ =	sdelay $0x7  }
0x305: {  	[tilespmem:v1+s14+$0x0] =	vst.idx.add.f32.msk $0xffff, v0  }
0x306: {  	v1 =	vld [tilespmem:s18+$0x8B0];
	_ =	sdelay $0x7  }
0x307: {  	[tilespmem:v1+s14+$0x0] =	vst.idx.add.f32.msk $0xffff, v0  }
0x308: {  	v1 =	vld [tilespmem:s18+$0x8C0];
	_ =	sdelay $0x7  }
0x309: {  	[tilespmem:v1+s14+$0x0] =	vst.idx.add.f32.msk $0xffff, v0  }
0x30a: {  	v1 =	vld [tilespmem:s18+$0x8D0];
	_ =	sdelay $0x7  }
0x30b: {  	[tilespmem:v1+s14+$0x0] =	vst.idx.add.f32.msk $0xffff, v0  }
0x30c: {  	v1 =	vld [tilespmem:s18+$0x8E0];
	_ =	sdelay $0x7  }
0x30d: {  	[tilespmem:v1+s14+$0x0] =	vst.idx.add.f32.msk $0xffff, v0  }
0x30e: {  	v1 =	vld [tilespmem:s18+$0x8F0];
	_ =	sdelay $0x2  }
0x30f: {  	p0 =	sne.s32 s17, $0x1800  }
.Ltmp8:
0x310: {  	_ = 	snop;
	(pc) =	sbr.rel @p0 .LBB2_17-.Ltmp8, $2  }
0x311: {  	_ =	sdelay $0x2  }
0x312: {  	s17 =	sadd.s32 $0x400, s17;
	[tilespmem:v1+s14+$0x0] =	vst.idx.add.f32.msk $0xffff, v0  }
0x313: {  	s10 =	simm.s32 $0x1  }
0x314: {  	_ =	swait.ge [sflag:s10], $0x4000  }
0x315: {  	s11 =	simm.s32 $0x80;
	[sflag:s10] =	ssyncset.done $0x0  }
0x316: {  	s13 =	simm.s32 $0xF00;
	s12 =	simm.s32 $0x1000;
	[sflag:s10] =	ssyncadd.s32 $0xFFFFC000  }
0x317: {  	[spmem:s4] =	stream.indirect.scatter.add.f32 [tilespmem:s12], [sflag:$0x3], $0x80, s13, s11, $0xb8;
	[tilespmem:$0x1F380] =	vst v63  }
0x318: {  	s13 =	simm.s32 $0x3  }
0x319: {  	_ =	swait.ge [sflag:s13], $0x4000  }
0x31a: {  	[sflag:s13] =	ssyncset.done $0x0  }
0x31b: {  	[sflag:s13] =	ssyncadd.s32 $0xFFFFC000  }
0x31c: {  	v1 =	vld [tilespmem:$0xF00];
	_ =	sdelay $0x6  }
0x31d: {  	v0 =	vimm.f32 $1.000000000e+00;
	s14 =	simm.s32 $0x9000  }
0x31e: {  	[tilespmem:v1+s14+$0x0] =	vst.idx.add.f32.msk $0xffff, v0  }
0x31f: {  	v1 =	vld [tilespmem:$0xF10];
	_ =	sdelay $0x7  }
0x320: {  	[tilespmem:v1+s14+$0x0] =	vst.idx.add.f32.msk $0xffff, v0  }
0x321: {  	v1 =	vld [tilespmem:$0xF20];
	_ =	sdelay $0x7  }
0x322: {  	[tilespmem:v1+s14+$0x0] =	vst.idx.add.f32.msk $0xffff, v0  }
0x323: {  	v1 =	vld [tilespmem:$0xF30];
	_ =	sdelay $0x7  }
0x324: {  	[tilespmem:v1+s14+$0x0] =	vst.idx.add.f32.msk $0xffff, v0  }
0x325: {  	v1 =	vld [tilespmem:$0xF40];
	_ =	sdelay $0x7  }
0x326: {  	[tilespmem:v1+s14+$0x0] =	vst.idx.add.f32.msk $0xffff, v0  }
0x327: {  	v1 =	vld [tilespmem:$0xF50];
	_ =	sdelay $0x7  }
0x328: {  	[tilespmem:v1+s14+$0x0] =	vst.idx.add.f32.msk $0xffff, v0  }
0x329: {  	v1 =	vld [tilespmem:$0xF60];
	_ =	sdelay $0x7  }
0x32a: {  	[tilespmem:v1+s14+$0x0] =	vst.idx.add.f32.msk $0xffff, v0  }
0x32b: {  	v1 =	vld [tilespmem:$0xF70];
	_ =	sdelay $0x7  }
0x32c: {  	s15 =	simm.s32 $0x2;
	[tilespmem:v1+s14+$0x0] =	vst.idx.add.f32.msk $0xffff, v0  }
0x32d: {  	_ =	swait.ge [sflag:s15], $0x4000  }
0x32e: {  	[sflag:s15] =	ssyncset.done $0x0  }
0x32f: {  	s17 =	simm.s32 $0xF80;
	s16 =	simm.s32 $0x5000;
	[sflag:s15] =	ssyncadd.s32 $0xFFFFC000  }
0x330: {  	[spmem:s4] =	stream.indirect.scatter.add.f32 [tilespmem:s16], [sflag:$0x3], $0x80, s17, s11, $0xb8;
	[tilespmem:$0x1F380] =	vst v63  }
0x331: {  	_ =	swait.ge [sflag:s13], $0x4000  }
0x332: {  	[sflag:s13] =	ssyncset.done $0x0  }
0x333: {  	[sflag:s13] =	ssyncadd.s32 $0xFFFFC000  }
0x334: {  	v1 =	vld [tilespmem:$0xF80];
	_ =	sdelay $0x7  }
0x335: {  	[tilespmem:v1+s14+$0x0] =	vst.idx.add.f32.msk $0xffff, v0  }
0x336: {  	v1 =	vld [tilespmem:$0xF90];
	_ =	sdelay $0x7  }
0x337: {  	[tilespmem:v1+s14+$0x0] =	vst.idx.add.f32.msk $0xffff, v0  }
0x338: {  	v1 =	vld [tilespmem:$0xFA0];
	_ =	sdelay $0x7  }
0x339: {  	[tilespmem:v1+s14+$0x0] =	vst.idx.add.f32.msk $0xffff, v0  }
0x33a: {  	v1 =	vld [tilespmem:$0xFB0];
	_ =	sdelay $0x7  }
0x33b: {  	[tilespmem:v1+s14+$0x0] =	vst.idx.add.f32.msk $0xffff, v0  }
0x33c: {  	v1 =	vld [tilespmem:$0xFC0];
	_ =	sdelay $0x7  }
0x33d: {  	[tilespmem:v1+s14+$0x0] =	vst.idx.add.f32.msk $0xffff, v0  }
0x33e: {  	v1 =	vld [tilespmem:$0xFD0];
	_ =	sdelay $0x7  }
0x33f: {  	[tilespmem:v1+s14+$0x0] =	vst.idx.add.f32.msk $0xffff, v0  }
0x340: {  	v1 =	vld [tilespmem:$0xFE0];
	_ =	sdelay $0x7  }
0x341: {  	[tilespmem:v1+s14+$0x0] =	vst.idx.add.f32.msk $0xffff, v0  }
0x342: {  	v1 =	vld [tilespmem:$0xFF0];
	_ =	sdelay $0x6  }
0x343: {  	s18 =	sadd.s32 $0x700, s9  }
0x344: {  	s19 =	sadd.s32 s7, s18;
	s17 =	simm.s32 $0x0;
	[tilespmem:v1+s14+$0x0] =	vst.idx.add.f32.msk $0xffff, v0  }
0x345: {  	[tilespmem:s17], [sflag:$0x3] =	stream.linear.gather [hbm4b:s19+s17], $0x800, $0x38;
	[tilespmem:$0x1F380] =	vst v63  }
0x346: {  	_ =	swait.ge [sflag:s13], $0x800  }
0x347: {  	[sflag:s13] =	ssyncset.done $0x0  }
0x348: {  	s31 =	simm.s32 $0x800;
	s18 =	sadd.s32 s8, s18;
	[sflag:s13] =	ssyncadd.s32 $0xFFFFF800  }
0x349: {  	[tilespmem:s31], [sflag:$0x3] =	stream.linear.gather [hbm4b:s18+s17], $0x800, $0x38;
	[tilespmem:$0x1F380] =	vst v63  }
0x34a: {  	_ =	swait.ge [sflag:s13], $0x800  }
0x34b: {  	[sflag:s13] =	ssyncset.done $0x0  }
0x34c: {  	[sflag:s13] =	ssyncadd.s32 $0xFFFFF800  }
0x34d: {  	[tilespmem:s12], [sflag:$0x1] =	stream.indirect.gather [hbm4b:s6+s11], $0x80, s17, s11, $0xb8;
	[tilespmem:$0x1F380] =	vst v63  }
0x34e: {  	_ = 	snop  }
0x34f: {  	[tilespmem:s16], [sflag:$0x2] =	stream.indirect.gather [hbm4b:s6+s11], $0x80, s11, s11, $0xb8;
	[tilespmem:$0x1F380] =	vst v63  }
.LBB2_19:
0x350: {  	_ =	swait.ge [sflag:s10], $0x4000  }
0x351: {  	s18 =	sshra.s32 s17, $0x2;
	[sflag:s10] =	ssyncset.done $0x0  }
0x352: {  	s19 =	sadd.s32 $0x800, s18;
	[sflag:s10] =	ssyncadd.s32 $0xFFFFC000  }
0x353: {  	[spmem:s4] =	stream.indirect.scatter.add.f32 [tilespmem:s12], [sflag:$0x3], $0x80, s19, s11, $0xb8;
	[tilespmem:$0x1F380] =	vst v63  }
0x354: {  	_ =	swait.ge [sflag:s13], $0x4000  }
0x355: {  	[sflag:s13] =	ssyncset.done $0x0  }
0x356: {  	s29 =	sadd.s32 $0x100, s18;
	[sflag:s13] =	ssyncadd.s32 $0xFFFFC000  }
0x357: {  	[tilespmem:s12], [sflag:$0x1] =	stream.indirect.gather [hbm4b:s6+s11], $0x80, s29, s11, $0xb8;
	[tilespmem:$0x1F380] =	vst v63  }
0x358: {  	v1 =	vld [tilespmem:s18+$0x800];
	_ =	sdelay $0x7  }
0x359: {  	[tilespmem:v1+s14+$0x0] =	vst.idx.add.f32.msk $0xffff, v0  }
0x35a: {  	v1 =	vld [tilespmem:s18+$0x810];
	_ =	sdelay $0x7  }
0x35b: {  	[tilespmem:v1+s14+$0x0] =	vst.idx.add.f32.msk $0xffff, v0  }
0x35c: {  	v1 =	vld [tilespmem:s18+$0x820];
	_ =	sdelay $0x7  }
0x35d: {  	[tilespmem:v1+s14+$0x0] =	vst.idx.add.f32.msk $0xffff, v0  }
0x35e: {  	v1 =	vld [tilespmem:s18+$0x830];
	_ =	sdelay $0x7  }
0x35f: {  	[tilespmem:v1+s14+$0x0] =	vst.idx.add.f32.msk $0xffff, v0  }
0x360: {  	v1 =	vld [tilespmem:s18+$0x840];
	_ =	sdelay $0x7  }
0x361: {  	[tilespmem:v1+s14+$0x0] =	vst.idx.add.f32.msk $0xffff, v0  }
0x362: {  	v1 =	vld [tilespmem:s18+$0x850];
	_ =	sdelay $0x7  }
0x363: {  	[tilespmem:v1+s14+$0x0] =	vst.idx.add.f32.msk $0xffff, v0  }
0x364: {  	v1 =	vld [tilespmem:s18+$0x860];
	_ =	sdelay $0x7  }
0x365: {  	[tilespmem:v1+s14+$0x0] =	vst.idx.add.f32.msk $0xffff, v0  }
0x366: {  	v1 =	vld [tilespmem:s18+$0x870];
	_ =	sdelay $0x7  }
0x367: {  	[tilespmem:v1+s14+$0x0] =	vst.idx.add.f32.msk $0xffff, v0  }
0x368: {  	_ =	swait.ge [sflag:s15], $0x4000  }
0x369: {  	[sflag:s15] =	ssyncset.done $0x0  }
0x36a: {  	s30 =	sadd.s32 $0x880, s18;
	[sflag:s15] =	ssyncadd.s32 $0xFFFFC000  }
0x36b: {  	[spmem:s4] =	stream.indirect.scatter.add.f32 [tilespmem:s16], [sflag:$0x3], $0x80, s30, s11, $0xb8;
	[tilespmem:$0x1F380] =	vst v63  }
0x36c: {  	_ =	swait.ge [sflag:s13], $0x4000  }
0x36d: {  	[sflag:s13] =	ssyncset.done $0x0  }
0x36e: {  	s31 =	sadd.s32 $0x180, s18;
	[sflag:s13] =	ssyncadd.s32 $0xFFFFC000  }
0x36f: {  	[tilespmem:s16], [sflag:$0x2] =	stream.indirect.gather [hbm4b:s6+s11], $0x80, s31, s11, $0xb8;
	[tilespmem:$0x1F380] =	vst v63  }
0x370: {  	v1 =	vld [tilespmem:s18+$0x880];
	_ =	sdelay $0x7  }
0x371: {  	[tilespmem:v1+s14+$0x0] =	vst.idx.add.f32.msk $0xffff, v0  }
0x372: {  	v1 =	vld [tilespmem:s18+$0x890];
	_ =	sdelay $0x7  }
0x373: {  	[tilespmem:v1+s14+$0x0] =	vst.idx.add.f32.msk $0xffff, v0  }
0x374: {  	v1 =	vld [tilespmem:s18+$0x8A0];
	_ =	sdelay $0x7  }
0x375: {  	[tilespmem:v1+s14+$0x0] =	vst.idx.add.f32.msk $0xffff, v0  }
0x376: {  	v1 =	vld [tilespmem:s18+$0x8B0];
	_ =	sdelay $0x7  }
0x377: {  	[tilespmem:v1+s14+$0x0] =	vst.idx.add.f32.msk $0xffff, v0  }
0x378: {  	v1 =	vld [tilespmem:s18+$0x8C0];
	_ =	sdelay $0x7  }
0x379: {  	[tilespmem:v1+s14+$0x0] =	vst.idx.add.f32.msk $0xffff, v0  }
0x37a: {  	v1 =	vld [tilespmem:s18+$0x8D0];
	_ =	sdelay $0x7  }
0x37b: {  	[tilespmem:v1+s14+$0x0] =	vst.idx.add.f32.msk $0xffff, v0  }
0x37c: {  	v1 =	vld [tilespmem:s18+$0x8E0];
	_ =	sdelay $0x7  }
0x37d: {  	[tilespmem:v1+s14+$0x0] =	vst.idx.add.f32.msk $0xffff, v0  }
0x37e: {  	v1 =	vld [tilespmem:s18+$0x8F0];
	_ =	sdelay $0x2  }
0x37f: {  	p0 =	sne.s32 s17, $0x1800  }
.Ltmp9:
0x380: {  	_ = 	snop;
	(pc) =	sbr.rel @p0 .LBB2_19-.Ltmp9, $2  }
0x381: {  	_ =	sdelay $0x2  }
0x382: {  	s17 =	sadd.s32 $0x400, s17;
	[tilespmem:v1+s14+$0x0] =	vst.idx.add.f32.msk $0xffff, v0  }
0x383: {  	s10 =	simm.s32 $0x1  }
0x384: {  	_ =	swait.ge [sflag:s10], $0x4000  }
0x385: {  	s11 =	simm.s32 $0x80;
	[sflag:s10] =	ssyncset.done $0x0  }
0x386: {  	s13 =	simm.s32 $0xF00;
	s12 =	simm.s32 $0x1000;
	[sflag:s10] =	ssyncadd.s32 $0xFFFFC000  }
0x387: {  	[spmem:s4] =	stream.indirect.scatter.add.f32 [tilespmem:s12], [sflag:$0x3], $0x80, s13, s11, $0xb8;
	[tilespmem:$0x1F380] =	vst v63  }
0x388: {  	s13 =	simm.s32 $0x3  }
0x389: {  	_ =	swait.ge [sflag:s13], $0x4000  }
0x38a: {  	[sflag:s13] =	ssyncset.done $0x0  }
0x38b: {  	[sflag:s13] =	ssyncadd.s32 $0xFFFFC000  }
0x38c: {  	v1 =	vld [tilespmem:$0xF00];
	_ =	sdelay $0x6  }
0x38d: {  	v0 =	vimm.f32 $1.000000000e+00;
	s14 =	simm.s32 $0x9000  }
0x38e: {  	[tilespmem:v1+s14+$0x0] =	vst.idx.add.f32.msk $0xffff, v0  }
0x38f: {  	v1 =	vld [tilespmem:$0xF10];
	_ =	sdelay $0x7  }
0x390: {  	[tilespmem:v1+s14+$0x0] =	vst.idx.add.f32.msk $0xffff, v0  }
0x391: {  	v1 =	vld [tilespmem:$0xF20];
	_ =	sdelay $0x7  }
0x392: {  	[tilespmem:v1+s14+$0x0] =	vst.idx.add.f32.msk $0xffff, v0  }
0x393: {  	v1 =	vld [tilespmem:$0xF30];
	_ =	sdelay $0x7  }
0x394: {  	[tilespmem:v1+s14+$0x0] =	vst.idx.add.f32.msk $0xffff, v0  }
0x395: {  	v1 =	vld [tilespmem:$0xF40];
	_ =	sdelay $0x7  }
0x396: {  	[tilespmem:v1+s14+$0x0] =	vst.idx.add.f32.msk $0xffff, v0  }
0x397: {  	v1 =	vld [tilespmem:$0xF50];
	_ =	sdelay $0x7  }
0x398: {  	[tilespmem:v1+s14+$0x0] =	vst.idx.add.f32.msk $0xffff, v0  }
0x399: {  	v1 =	vld [tilespmem:$0xF60];
	_ =	sdelay $0x7  }
0x39a: {  	[tilespmem:v1+s14+$0x0] =	vst.idx.add.f32.msk $0xffff, v0  }
0x39b: {  	v1 =	vld [tilespmem:$0xF70];
	_ =	sdelay $0x7  }
0x39c: {  	s15 =	simm.s32 $0x2;
	[tilespmem:v1+s14+$0x0] =	vst.idx.add.f32.msk $0xffff, v0  }
0x39d: {  	_ =	swait.ge [sflag:s15], $0x4000  }
0x39e: {  	[sflag:s15] =	ssyncset.done $0x0  }
0x39f: {  	s17 =	simm.s32 $0xF80;
	s16 =	simm.s32 $0x5000;
	[sflag:s15] =	ssyncadd.s32 $0xFFFFC000  }
0x3a0: {  	[spmem:s4] =	stream.indirect.scatter.add.f32 [tilespmem:s16], [sflag:$0x3], $0x80, s17, s11, $0xb8;
	[tilespmem:$0x1F380] =	vst v63  }
0x3a1: {  	_ =	swait.ge [sflag:s13], $0x4000  }
0x3a2: {  	[sflag:s13] =	ssyncset.done $0x0  }
0x3a3: {  	[sflag:s13] =	ssyncadd.s32 $0xFFFFC000  }
0x3a4: {  	v1 =	vld [tilespmem:$0xF80];
	_ =	sdelay $0x7  }
0x3a5: {  	[tilespmem:v1+s14+$0x0] =	vst.idx.add.f32.msk $0xffff, v0  }
0x3a6: {  	v1 =	vld [tilespmem:$0xF90];
	_ =	sdelay $0x7  }
0x3a7: {  	[tilespmem:v1+s14+$0x0] =	vst.idx.add.f32.msk $0xffff, v0  }
0x3a8: {  	v1 =	vld [tilespmem:$0xFA0];
	_ =	sdelay $0x7  }
0x3a9: {  	[tilespmem:v1+s14+$0x0] =	vst.idx.add.f32.msk $0xffff, v0  }
0x3aa: {  	v1 =	vld [tilespmem:$0xFB0];
	_ =	sdelay $0x7  }
0x3ab: {  	[tilespmem:v1+s14+$0x0] =	vst.idx.add.f32.msk $0xffff, v0  }
0x3ac: {  	v1 =	vld [tilespmem:$0xFC0];
	_ =	sdelay $0x7  }
0x3ad: {  	[tilespmem:v1+s14+$0x0] =	vst.idx.add.f32.msk $0xffff, v0  }
0x3ae: {  	v1 =	vld [tilespmem:$0xFD0];
	_ =	sdelay $0x7  }
0x3af: {  	[tilespmem:v1+s14+$0x0] =	vst.idx.add.f32.msk $0xffff, v0  }
0x3b0: {  	v1 =	vld [tilespmem:$0xFE0];
	_ =	sdelay $0x7  }
0x3b1: {  	[tilespmem:v1+s14+$0x0] =	vst.idx.add.f32.msk $0xffff, v0  }
0x3b2: {  	v1 =	vld [tilespmem:$0xFF0];
	_ =	sdelay $0x6  }
0x3b3: {  	s18 =	sadd.s32 $0x800, s9  }
0x3b4: {  	s19 =	sadd.s32 s7, s18;
	s17 =	simm.s32 $0x0;
	[tilespmem:v1+s14+$0x0] =	vst.idx.add.f32.msk $0xffff, v0  }
0x3b5: {  	[tilespmem:s17], [sflag:$0x3] =	stream.linear.gather [hbm4b:s19+s17], $0x800, $0x38;
	[tilespmem:$0x1F380] =	vst v63  }
0x3b6: {  	_ =	swait.ge [sflag:s13], $0x800  }
0x3b7: {  	[sflag:s13] =	ssyncset.done $0x0  }
0x3b8: {  	s31 =	simm.s32 $0x800;
	s18 =	sadd.s32 s8, s18;
	[sflag:s13] =	ssyncadd.s32 $0xFFFFF800  }
0x3b9: {  	[tilespmem:s31], [sflag:$0x3] =	stream.linear.gather [hbm4b:s18+s17], $0x800, $0x38;
	[tilespmem:$0x1F380] =	vst v63  }
0x3ba: {  	_ =	swait.ge [sflag:s13], $0x800  }
0x3bb: {  	[sflag:s13] =	ssyncset.done $0x0  }
0x3bc: {  	[sflag:s13] =	ssyncadd.s32 $0xFFFFF800  }
0x3bd: {  	[tilespmem:s12], [sflag:$0x1] =	stream.indirect.gather [hbm4b:s6+s11], $0x80, s17, s11, $0xb8;
	[tilespmem:$0x1F380] =	vst v63  }
0x3be: {  	_ = 	snop  }
0x3bf: {  	[tilespmem:s16], [sflag:$0x2] =	stream.indirect.gather [hbm4b:s6+s11], $0x80, s11, s11, $0xb8;
	[tilespmem:$0x1F380] =	vst v63  }
.LBB2_21:
0x3c0: {  	_ =	swait.ge [sflag:s10], $0x4000  }
0x3c1: {  	s18 =	sshra.s32 s17, $0x2;
	[sflag:s10] =	ssyncset.done $0x0  }
0x3c2: {  	s19 =	sadd.s32 $0x800, s18;
	[sflag:s10] =	ssyncadd.s32 $0xFFFFC000  }
0x3c3: {  	[spmem:s4] =	stream.indirect.scatter.add.f32 [tilespmem:s12], [sflag:$0x3], $0x80, s19, s11, $0xb8;
	[tilespmem:$0x1F380] =	vst v63  }
0x3c4: {  	_ =	swait.ge [sflag:s13], $0x4000  }
0x3c5: {  	[sflag:s13] =	ssyncset.done $0x0  }
0x3c6: {  	s29 =	sadd.s32 $0x100, s18;
	[sflag:s13] =	ssyncadd.s32 $0xFFFFC000  }
0x3c7: {  	[tilespmem:s12], [sflag:$0x1] =	stream.indirect.gather [hbm4b:s6+s11], $0x80, s29, s11, $0xb8;
	[tilespmem:$0x1F380] =	vst v63  }
0x3c8: {  	v1 =	vld [tilespmem:s18+$0x800];
	_ =	sdelay $0x7  }
0x3c9: {  	[tilespmem:v1+s14+$0x0] =	vst.idx.add.f32.msk $0xffff, v0  }
0x3ca: {  	v1 =	vld [tilespmem:s18+$0x810];
	_ =	sdelay $0x7  }
0x3cb: {  	[tilespmem:v1+s14+$0x0] =	vst.idx.add.f32.msk $0xffff, v0  }
0x3cc: {  	v1 =	vld [tilespmem:s18+$0x820];
	_ =	sdelay $0x7  }
0x3cd: {  	[tilespmem:v1+s14+$0x0] =	vst.idx.add.f32.msk $0xffff, v0  }
0x3ce: {  	v1 =	vld [tilespmem:s18+$0x830];
	_ =	sdelay $0x7  }
0x3cf: {  	[tilespmem:v1+s14+$0x0] =	vst.idx.add.f32.msk $0xffff, v0  }
0x3d0: {  	v1 =	vld [tilespmem:s18+$0x840];
	_ =	sdelay $0x7  }
0x3d1: {  	[tilespmem:v1+s14+$0x0] =	vst.idx.add.f32.msk $0xffff, v0  }
0x3d2: {  	v1 =	vld [tilespmem:s18+$0x850];
	_ =	sdelay $0x7  }
0x3d3: {  	[tilespmem:v1+s14+$0x0] =	vst.idx.add.f32.msk $0xffff, v0  }
0x3d4: {  	v1 =	vld [tilespmem:s18+$0x860];
	_ =	sdelay $0x7  }
0x3d5: {  	[tilespmem:v1+s14+$0x0] =	vst.idx.add.f32.msk $0xffff, v0  }
0x3d6: {  	v1 =	vld [tilespmem:s18+$0x870];
	_ =	sdelay $0x7  }
0x3d7: {  	[tilespmem:v1+s14+$0x0] =	vst.idx.add.f32.msk $0xffff, v0  }
0x3d8: {  	_ =	swait.ge [sflag:s15], $0x4000  }
0x3d9: {  	[sflag:s15] =	ssyncset.done $0x0  }
0x3da: {  	s30 =	sadd.s32 $0x880, s18;
	[sflag:s15] =	ssyncadd.s32 $0xFFFFC000  }
0x3db: {  	[spmem:s4] =	stream.indirect.scatter.add.f32 [tilespmem:s16], [sflag:$0x3], $0x80, s30, s11, $0xb8;
	[tilespmem:$0x1F380] =	vst v63  }
0x3dc: {  	_ =	swait.ge [sflag:s13], $0x4000  }
0x3dd: {  	[sflag:s13] =	ssyncset.done $0x0  }
0x3de: {  	s31 =	sadd.s32 $0x180, s18;
	[sflag:s13] =	ssyncadd.s32 $0xFFFFC000  }
0x3df: {  	[tilespmem:s16], [sflag:$0x2] =	stream.indirect.gather [hbm4b:s6+s11], $0x80, s31, s11, $0xb8;
	[tilespmem:$0x1F380] =	vst v63  }
0x3e0: {  	v1 =	vld [tilespmem:s18+$0x880];
	_ =	sdelay $0x7  }
0x3e1: {  	[tilespmem:v1+s14+$0x0] =	vst.idx.add.f32.msk $0xffff, v0  }
0x3e2: {  	v1 =	vld [tilespmem:s18+$0x890];
	_ =	sdelay $0x7  }
0x3e3: {  	[tilespmem:v1+s14+$0x0] =	vst.idx.add.f32.msk $0xffff, v0  }
0x3e4: {  	v1 =	vld [tilespmem:s18+$0x8A0];
	_ =	sdelay $0x7  }
0x3e5: {  	[tilespmem:v1+s14+$0x0] =	vst.idx.add.f32.msk $0xffff, v0  }
0x3e6: {  	v1 =	vld [tilespmem:s18+$0x8B0];
	_ =	sdelay $0x7  }
0x3e7: {  	[tilespmem:v1+s14+$0x0] =	vst.idx.add.f32.msk $0xffff, v0  }
0x3e8: {  	v1 =	vld [tilespmem:s18+$0x8C0];
	_ =	sdelay $0x7  }
0x3e9: {  	[tilespmem:v1+s14+$0x0] =	vst.idx.add.f32.msk $0xffff, v0  }
0x3ea: {  	v1 =	vld [tilespmem:s18+$0x8D0];
	_ =	sdelay $0x7  }
0x3eb: {  	[tilespmem:v1+s14+$0x0] =	vst.idx.add.f32.msk $0xffff, v0  }
0x3ec: {  	v1 =	vld [tilespmem:s18+$0x8E0];
	_ =	sdelay $0x7  }
0x3ed: {  	[tilespmem:v1+s14+$0x0] =	vst.idx.add.f32.msk $0xffff, v0  }
0x3ee: {  	v1 =	vld [tilespmem:s18+$0x8F0];
	_ =	sdelay $0x2  }
0x3ef: {  	p0 =	sne.s32 s17, $0x1800  }
.Ltmp10:
0x3f0: {  	_ = 	snop;
	(pc) =	sbr.rel @p0 .LBB2_21-.Ltmp10, $2  }
0x3f1: {  	_ =	sdelay $0x2  }
0x3f2: {  	s17 =	sadd.s32 $0x400, s17;
	[tilespmem:v1+s14+$0x0] =	vst.idx.add.f32.msk $0xffff, v0  }
0x3f3: {  	s10 =	simm.s32 $0x1  }
0x3f4: {  	_ =	swait.ge [sflag:s10], $0x4000  }
0x3f5: {  	s11 =	simm.s32 $0x80;
	[sflag:s10] =	ssyncset.done $0x0  }
0x3f6: {  	s13 =	simm.s32 $0xF00;
	s12 =	simm.s32 $0x1000;
	[sflag:s10] =	ssyncadd.s32 $0xFFFFC000  }
0x3f7: {  	[spmem:s4] =	stream.indirect.scatter.add.f32 [tilespmem:s12], [sflag:$0x3], $0x80, s13, s11, $0xb8;
	[tilespmem:$0x1F380] =	vst v63  }
0x3f8: {  	s13 =	simm.s32 $0x3  }
0x3f9: {  	_ =	swait.ge [sflag:s13], $0x4000  }
0x3fa: {  	[sflag:s13] =	ssyncset.done $0x0  }
0x3fb: {  	[sflag:s13] =	ssyncadd.s32 $0xFFFFC000  }
0x3fc: {  	v1 =	vld [tilespmem:$0xF00];
	_ =	sdelay $0x6  }
0x3fd: {  	v0 =	vimm.f32 $1.000000000e+00;
	s14 =	simm.s32 $0x9000  }
0x3fe: {  	[tilespmem:v1+s14+$0x0] =	vst.idx.add.f32.msk $0xffff, v0  }
0x3ff: {  	v1 =	vld [tilespmem:$0xF10];
	_ =	sdelay $0x7  }
0x400: {  	[tilespmem:v1+s14+$0x0] =	vst.idx.add.f32.msk $0xffff, v0  }
0x401: {  	v1 =	vld [tilespmem:$0xF20];
	_ =	sdelay $0x7  }
0x402: {  	[tilespmem:v1+s14+$0x0] =	vst.idx.add.f32.msk $0xffff, v0  }
0x403: {  	v1 =	vld [tilespmem:$0xF30];
	_ =	sdelay $0x7  }
0x404: {  	[tilespmem:v1+s14+$0x0] =	vst.idx.add.f32.msk $0xffff, v0  }
0x405: {  	v1 =	vld [tilespmem:$0xF40];
	_ =	sdelay $0x7  }
0x406: {  	[tilespmem:v1+s14+$0x0] =	vst.idx.add.f32.msk $0xffff, v0  }
0x407: {  	v1 =	vld [tilespmem:$0xF50];
	_ =	sdelay $0x7  }
0x408: {  	[tilespmem:v1+s14+$0x0] =	vst.idx.add.f32.msk $0xffff, v0  }
0x409: {  	v1 =	vld [tilespmem:$0xF60];
	_ =	sdelay $0x7  }
0x40a: {  	[tilespmem:v1+s14+$0x0] =	vst.idx.add.f32.msk $0xffff, v0  }
0x40b: {  	v1 =	vld [tilespmem:$0xF70];
	_ =	sdelay $0x7  }
0x40c: {  	s15 =	simm.s32 $0x2;
	[tilespmem:v1+s14+$0x0] =	vst.idx.add.f32.msk $0xffff, v0  }
0x40d: {  	_ =	swait.ge [sflag:s15], $0x4000  }
0x40e: {  	[sflag:s15] =	ssyncset.done $0x0  }
0x40f: {  	s17 =	simm.s32 $0xF80;
	s16 =	simm.s32 $0x5000;
	[sflag:s15] =	ssyncadd.s32 $0xFFFFC000  }
0x410: {  	[spmem:s4] =	stream.indirect.scatter.add.f32 [tilespmem:s16], [sflag:$0x3], $0x80, s17, s11, $0xb8;
	[tilespmem:$0x1F380] =	vst v63  }
0x411: {  	_ =	swait.ge [sflag:s13], $0x4000  }
0x412: {  	[sflag:s13] =	ssyncset.done $0x0  }
0x413: {  	[sflag:s13] =	ssyncadd.s32 $0xFFFFC000  }
0x414: {  	v1 =	vld [tilespmem:$0xF80];
	_ =	sdelay $0x7  }
0x415: {  	[tilespmem:v1+s14+$0x0] =	vst.idx.add.f32.msk $0xffff, v0  }
0x416: {  	v1 =	vld [tilespmem:$0xF90];
	_ =	sdelay $0x7  }
0x417: {  	[tilespmem:v1+s14+$0x0] =	vst.idx.add.f32.msk $0xffff, v0  }
0x418: {  	v1 =	vld [tilespmem:$0xFA0];
	_ =	sdelay $0x7  }
0x419: {  	[tilespmem:v1+s14+$0x0] =	vst.idx.add.f32.msk $0xffff, v0  }
0x41a: {  	v1 =	vld [tilespmem:$0xFB0];
	_ =	sdelay $0x7  }
0x41b: {  	[tilespmem:v1+s14+$0x0] =	vst.idx.add.f32.msk $0xffff, v0  }
0x41c: {  	v1 =	vld [tilespmem:$0xFC0];
	_ =	sdelay $0x7  }
0x41d: {  	[tilespmem:v1+s14+$0x0] =	vst.idx.add.f32.msk $0xffff, v0  }
0x41e: {  	v1 =	vld [tilespmem:$0xFD0];
	_ =	sdelay $0x7  }
0x41f: {  	[tilespmem:v1+s14+$0x0] =	vst.idx.add.f32.msk $0xffff, v0  }
0x420: {  	v1 =	vld [tilespmem:$0xFE0];
	_ =	sdelay $0x7  }
0x421: {  	[tilespmem:v1+s14+$0x0] =	vst.idx.add.f32.msk $0xffff, v0  }
0x422: {  	v1 =	vld [tilespmem:$0xFF0];
	_ =	sdelay $0x6  }
0x423: {  	s9 =	sadd.s32 $0x900, s9  }
0x424: {  	s30 =	sadd.s32 s7, s9;
	s7 =	simm.s32 $0x0;
	[tilespmem:v1+s14+$0x0] =	vst.idx.add.f32.msk $0xffff, v0  }
0x425: {  	[tilespmem:s7], [sflag:$0x3] =	stream.linear.gather [hbm4b:s30+s7], $0x800, $0x38;
	[tilespmem:$0x1F380] =	vst v63  }
0x426: {  	_ =	swait.ge [sflag:s13], $0x800  }
0x427: {  	[sflag:s13] =	ssyncset.done $0x0  }
0x428: {  	s31 =	simm.s32 $0x800;
	s8 =	sadd.s32 s8, s9;
	[sflag:s13] =	ssyncadd.s32 $0xFFFFF800  }
0x429: {  	[tilespmem:s31], [sflag:$0x3] =	stream.linear.gather [hbm4b:s8+s7], $0x800, $0x38;
	[tilespmem:$0x1F380] =	vst v63  }
0x42a: {  	_ =	swait.ge [sflag:s13], $0x800  }
0x42b: {  	[sflag:s13] =	ssyncset.done $0x0  }
0x42c: {  	[sflag:s13] =	ssyncadd.s32 $0xFFFFF800  }
0x42d: {  	[tilespmem:s12], [sflag:$0x1] =	stream.indirect.gather [hbm4b:s6+s11], $0x80, s7, s11, $0xb8;
	[tilespmem:$0x1F380] =	vst v63  }
0x42e: {  	_ = 	snop  }
0x42f: {  	[tilespmem:s16], [sflag:$0x2] =	stream.indirect.gather [hbm4b:s6+s11], $0x80, s11, s11, $0xb8;
	[tilespmem:$0x1F380] =	vst v63  }
.LBB2_23:
0x430: {  	_ =	swait.ge [sflag:s10], $0x4000  }
0x431: {  	s8 =	sshra.s32 s7, $0x2;
	[sflag:s10] =	ssyncset.done $0x0  }
0x432: {  	s9 =	sadd.s32 $0x800, s8;
	[sflag:s10] =	ssyncadd.s32 $0xFFFFC000  }
0x433: {  	[spmem:s4] =	stream.indirect.scatter.add.f32 [tilespmem:s12], [sflag:$0x3], $0x80, s9, s11, $0xb8;
	[tilespmem:$0x1F380] =	vst v63  }
0x434: {  	_ =	swait.ge [sflag:s13], $0x4000  }
0x435: {  	[sflag:s13] =	ssyncset.done $0x0  }
0x436: {  	s29 =	sadd.s32 $0x100, s8;
	[sflag:s13] =	ssyncadd.s32 $0xFFFFC000  }
0x437: {  	[tilespmem:s12], [sflag:$0x1] =	stream.indirect.gather [hbm4b:s6+s11], $0x80, s29, s11, $0xb8;
	[tilespmem:$0x1F380] =	vst v63  }
0x438: {  	v1 =	vld [tilespmem:s8+$0x800];
	_ =	sdelay $0x7  }
0x439: {  	[tilespmem:v1+s14+$0x0] =	vst.idx.add.f32.msk $0xffff, v0  }
0x43a: {  	v1 =	vld [tilespmem:s8+$0x810];
	_ =	sdelay $0x7  }
0x43b: {  	[tilespmem:v1+s14+$0x0] =	vst.idx.add.f32.msk $0xffff, v0  }
0x43c: {  	v1 =	vld [tilespmem:s8+$0x820];
	_ =	sdelay $0x7  }
0x43d: {  	[tilespmem:v1+s14+$0x0] =	vst.idx.add.f32.msk $0xffff, v0  }
0x43e: {  	v1 =	vld [tilespmem:s8+$0x830];
	_ =	sdelay $0x7  }
0x43f: {  	[tilespmem:v1+s14+$0x0] =	vst.idx.add.f32.msk $0xffff, v0  }
0x440: {  	v1 =	vld [tilespmem:s8+$0x840];
	_ =	sdelay $0x7  }
0x441: {  	[tilespmem:v1+s14+$0x0] =	vst.idx.add.f32.msk $0xffff, v0  }
0x442: {  	v1 =	vld [tilespmem:s8+$0x850];
	_ =	sdelay $0x7  }
0x443: {  	[tilespmem:v1+s14+$0x0] =	vst.idx.add.f32.msk $0xffff, v0  }
0x444: {  	v1 =	vld [tilespmem:s8+$0x860];
	_ =	sdelay $0x7  }
0x445: {  	[tilespmem:v1+s14+$0x0] =	vst.idx.add.f32.msk $0xffff, v0  }
0x446: {  	v1 =	vld [tilespmem:s8+$0x870];
	_ =	sdelay $0x7  }
0x447: {  	[tilespmem:v1+s14+$0x0] =	vst.idx.add.f32.msk $0xffff, v0  }
0x448: {  	_ =	swait.ge [sflag:s15], $0x4000  }
0x449: {  	[sflag:s15] =	ssyncset.done $0x0  }
0x44a: {  	s30 =	sadd.s32 $0x880, s8;
	[sflag:s15] =	ssyncadd.s32 $0xFFFFC000  }
0x44b: {  	[spmem:s4] =	stream.indirect.scatter.add.f32 [tilespmem:s16], [sflag:$0x3], $0x80, s30, s11, $0xb8;
	[tilespmem:$0x1F380] =	vst v63  }
0x44c: {  	_ =	swait.ge [sflag:s13], $0x4000  }
0x44d: {  	[sflag:s13] =	ssyncset.done $0x0  }
0x44e: {  	s31 =	sadd.s32 $0x180, s8;
	[sflag:s13] =	ssyncadd.s32 $0xFFFFC000  }
0x44f: {  	[tilespmem:s16], [sflag:$0x2] =	stream.indirect.gather [hbm4b:s6+s11], $0x80, s31, s11, $0xb8;
	[tilespmem:$0x1F380] =	vst v63  }
0x450: {  	v1 =	vld [tilespmem:s8+$0x880];
	_ =	sdelay $0x7  }
0x451: {  	[tilespmem:v1+s14+$0x0] =	vst.idx.add.f32.msk $0xffff, v0  }
0x452: {  	v1 =	vld [tilespmem:s8+$0x890];
	_ =	sdelay $0x7  }
0x453: {  	[tilespmem:v1+s14+$0x0] =	vst.idx.add.f32.msk $0xffff, v0  }
0x454: {  	v1 =	vld [tilespmem:s8+$0x8A0];
	_ =	sdelay $0x7  }
0x455: {  	[tilespmem:v1+s14+$0x0] =	vst.idx.add.f32.msk $0xffff, v0  }
0x456: {  	v1 =	vld [tilespmem:s8+$0x8B0];
	_ =	sdelay $0x7  }
0x457: {  	[tilespmem:v1+s14+$0x0] =	vst.idx.add.f32.msk $0xffff, v0  }
0x458: {  	v1 =	vld [tilespmem:s8+$0x8C0];
	_ =	sdelay $0x7  }
0x459: {  	[tilespmem:v1+s14+$0x0] =	vst.idx.add.f32.msk $0xffff, v0  }
0x45a: {  	v1 =	vld [tilespmem:s8+$0x8D0];
	_ =	sdelay $0x7  }
0x45b: {  	[tilespmem:v1+s14+$0x0] =	vst.idx.add.f32.msk $0xffff, v0  }
0x45c: {  	v1 =	vld [tilespmem:s8+$0x8E0];
	_ =	sdelay $0x7  }
0x45d: {  	[tilespmem:v1+s14+$0x0] =	vst.idx.add.f32.msk $0xffff, v0  }
0x45e: {  	v1 =	vld [tilespmem:s8+$0x8F0];
	_ =	sdelay $0x2  }
0x45f: {  	p0 =	sne.s32 s7, $0x1800  }
.Ltmp11:
0x460: {  	_ = 	snop;
	(pc) =	sbr.rel @p0 .LBB2_23-.Ltmp11, $2  }
0x461: {  	_ =	sdelay $0x2  }
0x462: {  	s7 =	sadd.s32 $0x400, s7;
	[tilespmem:v1+s14+$0x0] =	vst.idx.add.f32.msk $0xffff, v0  }
0x463: {  	s6 =	simm.s32 $0x1  }
0x464: {  	_ =	swait.ge [sflag:s6], $0x4000  }
0x465: {  	s21 =	simm.s32 $0x80;
	s7 =	simm.s32 $0xF00;
	[sflag:s6] =	ssyncset.done $0x0  }
0x466: {  	s8 =	simm.s32 $0x1000;
	s22 =	simm.s32 $0x3;
	[sflag:s6] =	ssyncadd.s32 $0xFFFFC000  }
0x467: {  	[spmem:s4] =	stream.indirect.scatter.add.f32 [tilespmem:s8], [sflag:$0x3], $0x80, s7, s21, $0xb8;
	[tilespmem:$0x1F380] =	vst v63  }
0x468: {  	_ =	swait.ge [sflag:s22], $0x4000  }
0x469: {  	[sflag:s22] =	ssyncset.done $0x0  }
0x46a: {  	[sflag:s22] =	ssyncadd.s32 $0xFFFFC000  }
0x46b: {  	v0 =	vld [tilespmem:$0xF00];
	_ =	sdelay $0x6  }
0x46c: {  	v1 =	vimm.f32 $1.000000000e+00;
	s23 =	simm.s32 $0x9000  }
0x46d: {  	[tilespmem:v0+s23+$0x0] =	vst.idx.add.f32.msk $0xffff, v1  }
0x46e: {  	v0 =	vld [tilespmem:$0xF10];
	_ =	sdelay $0x7  }
0x46f: {  	[tilespmem:v0+s23+$0x0] =	vst.idx.add.f32.msk $0xffff, v1  }
0x470: {  	v0 =	vld [tilespmem:$0xF20];
	_ =	sdelay $0x7  }
0x471: {  	[tilespmem:v0+s23+$0x0] =	vst.idx.add.f32.msk $0xffff, v1  }
0x472: {  	v0 =	vld [tilespmem:$0xF30];
	_ =	sdelay $0x7  }
0x473: {  	[tilespmem:v0+s23+$0x0] =	vst.idx.add.f32.msk $0xffff, v1  }
0x474: {  	v0 =	vld [tilespmem:$0xF40];
	_ =	sdelay $0x7  }
0x475: {  	[tilespmem:v0+s23+$0x0] =	vst.idx.add.f32.msk $0xffff, v1  }
0x476: {  	v0 =	vld [tilespmem:$0xF50];
	_ =	sdelay $0x7  }
0x477: {  	[tilespmem:v0+s23+$0x0] =	vst.idx.add.f32.msk $0xffff, v1  }
0x478: {  	v0 =	vld [tilespmem:$0xF60];
	_ =	sdelay $0x7  }
0x479: {  	[tilespmem:v0+s23+$0x0] =	vst.idx.add.f32.msk $0xffff, v1  }
0x47a: {  	v0 =	vld [tilespmem:$0xF70];
	_ =	sdelay $0x7  }
0x47b: {  	s9 =	simm.s32 $0x2;
	[tilespmem:v0+s23+$0x0] =	vst.idx.add.f32.msk $0xffff, v1  }
0x47c: {  	_ =	swait.ge [sflag:s9], $0x4000  }
0x47d: {  	[sflag:s9] =	ssyncset.done $0x0  }
0x47e: {  	s24 =	simm.s32 $0xF80;
	s10 =	simm.s32 $0x5000;
	[sflag:s9] =	ssyncadd.s32 $0xFFFFC000  }
0x47f: {  	[spmem:s4] =	stream.indirect.scatter.add.f32 [tilespmem:s10], [sflag:$0x3], $0x80, s24, s21, $0xb8;
	[tilespmem:$0x1F380] =	vst v63  }
0x480: {  	_ =	swait.ge [sflag:s22], $0x4000  }
0x481: {  	[sflag:s22] =	ssyncset.done $0x0  }
0x482: {  	[sflag:s22] =	ssyncadd.s32 $0xFFFFC000  }
0x483: {  	v63 =	vld [tilespmem:$0xF80];
	_ =	sdelay $0x7  }
0x484: {  	[tilespmem:v63+s23+$0x0] =	vst.idx.add.f32.msk $0xffff, v1  }
0x485: {  	v0 =	vld [tilespmem:$0xF90];
	_ =	sdelay $0x7  }
0x486: {  	[tilespmem:v0+s23+$0x0] =	vst.idx.add.f32.msk $0xffff, v1  }
0x487: {  	v0 =	vld [tilespmem:$0xFA0];
	_ =	sdelay $0x7  }
0x488: {  	[tilespmem:v0+s23+$0x0] =	vst.idx.add.f32.msk $0xffff, v1  }
0x489: {  	v0 =	vld [tilespmem:$0xFB0];
	_ =	sdelay $0x7  }
0x48a: {  	[tilespmem:v0+s23+$0x0] =	vst.idx.add.f32.msk $0xffff, v1  }
0x48b: {  	v0 =	vld [tilespmem:$0xFC0];
	_ =	sdelay $0x7  }
0x48c: {  	[tilespmem:v0+s23+$0x0] =	vst.idx.add.f32.msk $0xffff, v1  }
0x48d: {  	v0 =	vld [tilespmem:$0xFD0];
	_ =	sdelay $0x7  }
0x48e: {  	[tilespmem:v0+s23+$0x0] =	vst.idx.add.f32.msk $0xffff, v1  }
0x48f: {  	v0 =	vld [tilespmem:$0xFE0];
	_ =	sdelay $0x7  }
0x490: {  	[tilespmem:v0+s23+$0x0] =	vst.idx.add.f32.msk $0xffff, v1  }
0x491: {  	v0 =	vld [tilespmem:$0xFF0];
	_ =	sdelay $0x5  }
0x492: {  	s25 =	smul.u32 $0x2780, s1  }
0x493: {  	s26 =	sshrl.u32 s1, $0x3;
	s28 =	sshll.u32 s1, $0x7;
	s29 =	sshll.u32 s1, $0x6  }
0x494: {  	s5 =	sshrl.u32 s5, $0x3;
	s3 =	sadd.s32 s3, s25;
	s9 =	sand.u32 $0x380, s28;
	[tilespmem:v0+s23+$0x0] =	vst.idx.add.f32.msk $0xffff, v1  }
0x495: {  	s4 =	smul.u32 $0x13C00, s26;
	s10 =	sor.u32 $0x1C03, s29;
	[bflag:$0x0] =	sbarrier.arrive $0xFFFF  }
0x496: {  	[hbm:s3], [sflag:s10] =	dma.local [spmem:s5], $0x2780  }
0x497: {  	s30 =	sor.u32 s9, s4;
	_ =	swait.ge [sflag:s22], $0x2780  }
0x498: {  	s3 =	sshrl.u32 s30, $0x3;
	[sflag:s22] =	ssyncset.done $0x0  }
0x499: {  	s31 =	simm.s32 $0x400;
	s2 =	sadd.s32 s2, s3;
	[sflag:s22] =	ssyncadd.s32 $0xFFFFD880  }
0x49a: {  	[hbm4b:s2+s21] =	stream.strided.scatter [tilespmem:s23], [sflag:$0x3], $0x2780, s31, s21, $0x38;
	[tilespmem:$0x1F380] =	vst v63  }
0x49b: {  	_ =	swait.ge [sflag:s22], $0x2780  }
0x49c: {  	[sflag:s22] =	ssyncset.done $0x0  }
0x49d: {  	[sflag:s22] =	ssyncadd.s32 $0xFFFFD880  }
0x49e: {  	_ =	sfence.sel $0x180000  }
0x49f: {  	[bflag:$0x0] =	sbarrier.arrive $0xFFFF  }
0x4a0: {  	p0 =	sne.s32 s1, $0x0;
	_ =	strace $0x90000047  }
0x4a1: {  	s0 =	sadd.s32 @!p0 $0x100000, s0;
	[bflag:$0x2] =	sbarrier.arrive $0xFFFF  }
0x4a2: {  	[sflag:s0] =	ssyncadd.tile.s32 @!p0 $0x1;
	_ =	shalt  }
.Lfunc_end2:
_tile_overlayer_lowered:
.L_overlay_start_2:
0x4a3: {  	(tag) =	ssettag $0x2  }
0x4a4: {  	s0 =	rddreg [dreg:$0x0];
	s2 =	stileid.u32  }
0x4a5: {  	s1 =	rddreg [dreg:$0x1];
	p0 =	sne.s32 s2, $0x0  }
0x4a6: {  	s3 =	rddreg [dreg:$0x2];
	[bflag:$0x3] =	sbarrier.arrive $0xFFFF;
	s2 =	simm.s32 @!p0 $0x1C03  }
0x4a7: {  	[timem:s3], [sflag:s2] =	dma.local @!p0 [hbm:s0], s1  }
0x4a8: {  	s0 =	simm.s32 @!p0 $0x3  }
0x4a9: {  	_ =	swait.ge @!p0 [sflag:s0], s1  }
0x4aa: {  	s1 =	ssub.s32 @!p0 $0x0, s1;
	[sflag:s0] =	ssyncset.done @!p0 $0x0  }
0x4ab: {  	[sflag:s0] =	ssyncadd.s32 @!p0 s1  }
0x4ac: {  	[bflag:$0x3] =	sbarrier.arrive $0xFFFF  }
0x4ad: {  	_ =	shalt  }

</sc_bundles>
